<compile_context>
chip_gen: v7x
topology: tpu7x:2x2x1
jax: 0.10.2.dev20260603
libtpu: 0.0.44.dev20260713+nightly
codegen_flags: <defaults>
</compile_context>

<pallas_src>
import functools

import jax
import jax.numpy as jnp
from jax import lax
from jax.experimental import pallas as pl
from jax.experimental.pallas import tpu as pltpu
from jax.experimental.pallas import tpu_sc as plsc

_NC = 2
_NS = 16


def _sc_mesh():
    return plsc.VectorSubcoreMesh(
        core_axis_name="c", subcore_axis_name="s",
        num_cores=_NC, num_subcores=_NS)


def _pad(n):
    rps = -(-n // _NS)
    rps = -(-rps // 128) * 128
    return rps, rps * _NS


def _sc_degree(dst, n):
    e = dst.shape[0]
    per_w = e // (_NC * _NS)
    blk = 40
    steps = per_w // blk
    rps, n_pad = _pad(n)

    @functools.partial(
        pl.kernel,
        out_type=jax.ShapeDtypeStruct((_NC, n_pad, 16), jnp.float32),
        mesh=_sc_mesh(),
        scratch_types=[
            pltpu.VMEM((blk,), jnp.int32),
            pltpu.VMEM((blk,), jnp.int32),
            pltpu.VMEM((blk, 16), jnp.float32),
            pltpu.VMEM((128, 16), jnp.float32),
            pltpu.VMEM_SHARED((n_pad, 16), jnp.float32),
            pltpu.SemaphoreType.DMA,
            pltpu.SemaphoreType.DMA,
        ],
    )
    def kern(dst_hbm, out_hbm, idx_a, idx_b, ones_v, zero_v, acc, sem_a, sem_b):
        c = lax.axis_index("c")
        s = lax.axis_index("s")
        w = s * _NC + c

        @pl.loop(0, blk)
        def _(r):
            ones_v[r, :] = jnp.ones((16,), jnp.float32)

        @pl.loop(0, 128)
        def _(r):
            zero_v[r, :] = jnp.zeros((16,), jnp.float32)

        @pl.loop(0, rps // 128)
        def _(k2):
            pltpu.sync_copy(zero_v, acc.at[pl.ds(s * rps + k2 * 128, 128)])

        plsc.subcore_barrier()

        base = w * per_w

        @pl.loop(0, steps // 2)
        def _(j):
            i = 2 * j
            pltpu.sync_copy(dst_hbm.at[pl.ds(base + i * blk, blk)], idx_a)
            pltpu.sync_copy(ones_v, acc.at[idx_a], add=True)
            pltpu.sync_copy(dst_hbm.at[pl.ds(base + (i + 1) * blk, blk)], idx_b)
            pltpu.sync_copy(ones_v, acc.at[idx_b], add=True)

        pltpu.sync_copy(dst_hbm.at[pl.ds(base + (steps - 1) * blk, blk)], idx_a)
        pltpu.sync_copy(ones_v, acc.at[idx_a], add=True)

        plsc.subcore_barrier()
        pltpu.sync_copy(acc.at[pl.ds(s * rps, rps)],
                        out_hbm.at[c, pl.ds(s * rps, rps)])

    return kern(dst)


def _sc_agg_colsplit(hsplit, src, dst, n):
    e = src.shape[0]
    dh = hsplit.shape[1]
    per_s = e // _NS
    blk = 80
    steps = per_s // blk
    rps, n_pad = _pad(n)
    zr = 128

    @functools.partial(
        pl.kernel,
        out_type=jax.ShapeDtypeStruct((_NC, n_pad, dh), jnp.float32),
        mesh=_sc_mesh(),
        scratch_types=[
            pltpu.VMEM((blk,), jnp.int32),
            pltpu.VMEM((blk,), jnp.int32),
            pltpu.VMEM((blk,), jnp.int32),
            pltpu.VMEM((blk,), jnp.int32),
            pltpu.VMEM((blk,), jnp.int32),
            pltpu.VMEM((blk,), jnp.int32),
            pltpu.VMEM((blk,), jnp.int32),
            pltpu.VMEM((blk,), jnp.int32),
            pltpu.VMEM((blk,), jnp.int32),
            pltpu.VMEM((blk, dh), jnp.float32),
            pltpu.VMEM((blk, dh), jnp.float32),
            pltpu.VMEM((blk, dh), jnp.float32),
            pltpu.VMEM((zr, dh), jnp.float32),
            pltpu.VMEM_SHARED((n_pad, dh), jnp.float32),
            pltpu.SemaphoreType.DMA,
            pltpu.SemaphoreType.DMA,
            pltpu.SemaphoreType.DMA,
            pltpu.SemaphoreType.DMA,
            pltpu.SemaphoreType.DMA,
            pltpu.SemaphoreType.DMA,
        ],
    )
    def kern(h_hbm, src_hbm, dst_hbm, out_hbm,
             s0, s1, s2, q0, q1, q2, d0, d1, d2, r0, r1, r2, zero_v, acc,
             g0, g1, g2, i0, i1, i2):
        c = lax.axis_index("c")
        s = lax.axis_index("s")
        coff = c * n

        @pl.loop(0, zr)
        def _(r):
            @pl.loop(0, dh // 16)
            def _(g):
                zero_v[r, pl.ds(g * 16, 16)] = jnp.zeros((16,), jnp.float32)

        @pl.loop(0, rps // zr)
        def _(k2):
            pltpu.sync_copy(zero_v, acc.at[pl.ds(s * rps + k2 * zr, zr)])

        plsc.subcore_barrier()

        base = s * per_s
        sbufs, qbufs = (s0, s1, s2), (q0, q1, q2)
        dbufs, rbufs = (d0, d1, d2), (r0, r1, r2)
        gsems, isems = (g0, g1, g2), (i0, i1, i2)

        def issue_idx(k, slot):
            kc = jnp.minimum(k, steps - 1)
            pltpu.async_copy(src_hbm.at[pl.ds(base + kc * blk, blk)],
                             sbufs[slot], isems[slot])
            pltpu.async_copy(dst_hbm.at[pl.ds(base + kc * blk, blk)],
                             dbufs[slot], isems[slot])

        def wait_idx(k, slot):
            kc = jnp.minimum(k, steps - 1)
            pltpu.make_async_copy(src_hbm.at[pl.ds(base + kc * blk, blk)],
                                  sbufs[slot], isems[slot]).wait()
            pltpu.make_async_copy(dst_hbm.at[pl.ds(base + kc * blk, blk)],
                                  dbufs[slot], isems[slot]).wait()

        def adjust(slot):
            sb, qb = sbufs[slot], qbufs[slot]

            @pl.loop(0, blk // 16)
            def _(g):
                qb[pl.ds(g * 16, 16)] = sb[pl.ds(g * 16, 16)] + coff

        def start_gather(slot):
            pltpu.async_copy(h_hbm.at[qbufs[slot]], rbufs[slot], gsems[slot])

        def finish(slot):
            pltpu.make_async_copy(h_hbm.at[qbufs[slot]], rbufs[slot],
                                  gsems[slot]).wait()
            pltpu.sync_copy(rbufs[slot], acc.at[dbufs[slot]], add=True)

        issue_idx(0, 0)
        wait_idx(0, 0)
        adjust(0)
        start_gather(0)
        issue_idx(1, 1)
        wait_idx(1, 1)
        adjust(1)
        start_gather(1)
        issue_idx(2, 2)

        @pl.loop(0, (steps - 2) // 3)
        def _(j):
            k0 = 3 * j
            for kk in range(3):
                k = k0 + kk
                gslot = (kk + 2) % 3
                wait_idx(k + 2, gslot)
                adjust(gslot)
                start_gather(gslot)
                finish(kk)
                issue_idx(k + 3, kk)

        finish((steps - 2) % 3)
        finish((steps - 1) % 3)
        wait_idx(steps - 1, (steps - 3) % 3)

        plsc.subcore_barrier()
        pltpu.sync_copy(acc.at[pl.ds(s * rps, rps)],
                        out_hbm.at[c, pl.ds(s * rps, rps)])

    return kern(hsplit, src, dst)


def _sc_agg_edgesplit(h, src, dst, n):
    e = src.shape[0]
    dh = h.shape[1]
    per_w = e // (_NC * _NS)
    blk = 40
    steps = per_w // blk
    rps, n_pad = _pad(n)
    zr = 128

    @functools.partial(
        pl.kernel,
        out_type=jax.ShapeDtypeStruct((_NC, n_pad, dh), jnp.float32),
        mesh=_sc_mesh(),
        scratch_types=[
            pltpu.VMEM((blk,), jnp.int32),
            pltpu.VMEM((blk,), jnp.int32),
            pltpu.VMEM((blk,), jnp.int32),
            pltpu.VMEM((blk,), jnp.int32),
            pltpu.VMEM((blk,), jnp.int32),
            pltpu.VMEM((blk,), jnp.int32),
            pltpu.VMEM((blk, dh), jnp.float32),
            pltpu.VMEM((blk, dh), jnp.float32),
            pltpu.VMEM((blk, dh), jnp.float32),
            pltpu.VMEM((zr, dh), jnp.float32),
            pltpu.VMEM_SHARED((n_pad, dh), jnp.float32),
            pltpu.SemaphoreType.DMA,
            pltpu.SemaphoreType.DMA,
            pltpu.SemaphoreType.DMA,
            pltpu.SemaphoreType.DMA,
            pltpu.SemaphoreType.DMA,
            pltpu.SemaphoreType.DMA,
        ],
    )
    def kern(h_hbm, src_hbm, dst_hbm, out_hbm,
             s0, s1, s2, d0, d1, d2, r0, r1, r2, zero_v, acc,
             g0, g1, g2, i0, i1, i2):
        c = lax.axis_index("c")
        s = lax.axis_index("s")
        w = s * _NC + c

        @pl.loop(0, zr)
        def _(r):
            @pl.loop(0, dh // 16)
            def _(g):
                zero_v[r, pl.ds(g * 16, 16)] = jnp.zeros((16,), jnp.float32)

        @pl.loop(0, rps // zr)
        def _(k2):
            pltpu.sync_copy(zero_v, acc.at[pl.ds(s * rps + k2 * zr, zr)])

        plsc.subcore_barrier()

        base = w * per_w
        sbufs, dbufs, rbufs = (s0, s1, s2), (d0, d1, d2), (r0, r1, r2)
        gsems, isems = (g0, g1, g2), (i0, i1, i2)

        def issue_idx(k, slot):
            kc = jnp.minimum(k, steps - 1)
            pltpu.async_copy(src_hbm.at[pl.ds(base + kc * blk, blk)],
                             sbufs[slot], isems[slot])
            pltpu.async_copy(dst_hbm.at[pl.ds(base + kc * blk, blk)],
                             dbufs[slot], isems[slot])

        def wait_idx(k, slot):
            kc = jnp.minimum(k, steps - 1)
            pltpu.make_async_copy(src_hbm.at[pl.ds(base + kc * blk, blk)],
                                  sbufs[slot], isems[slot]).wait()
            pltpu.make_async_copy(dst_hbm.at[pl.ds(base + kc * blk, blk)],
                                  dbufs[slot], isems[slot]).wait()

        def start_gather(slot):
            pltpu.async_copy(h_hbm.at[sbufs[slot]], rbufs[slot], gsems[slot])

        def finish(slot):
            pltpu.make_async_copy(h_hbm.at[sbufs[slot]], rbufs[slot],
                                  gsems[slot]).wait()
            pltpu.sync_copy(rbufs[slot], acc.at[dbufs[slot]], add=True)

        issue_idx(0, 0)
        wait_idx(0, 0)
        start_gather(0)
        issue_idx(1, 1)
        wait_idx(1, 1)
        start_gather(1)
        issue_idx(2, 2)

        @pl.loop(0, (steps - 2) // 3)
        def _(j):
            k0 = 3 * j
            for kk in range(3):
                k = k0 + kk
                gslot = (kk + 2) % 3
                wait_idx(k + 2, gslot)
                start_gather(gslot)
                finish(kk)
                issue_idx(k + 3, kk)

        finish((steps - 2) % 3)
        finish((steps - 1) % 3)
        wait_idx(steps - 1, (steps - 3) % 3)

        plsc.subcore_barrier()
        pltpu.sync_copy(acc.at[pl.ds(s * rps, rps)],
                        out_hbm.at[c, pl.ds(s * rps, rps)])

    return kern(h, src, dst)


_BM = 1000


def _tc_first(x, W1, degp):
    n, d_in = x.shape
    d_out = W1.shape[1]
    dh = d_out // 2

    def body(x_ref, w_ref, d_ref, dis_ref, o_ref):
        deg = 1.0 + d_ref[0][:, 0:1] + d_ref[1][:, 0:1]
        dis = lax.rsqrt(deg)
        h = jnp.dot(x_ref[...], w_ref[...], preferred_element_type=jnp.float32)
        hp = h * dis
        dis_ref[...] = dis
        o_ref[0] = hp[:, :dh]
        o_ref[1] = hp[:, dh:]

    return pl.pallas_call(
        body,
        grid=(n // _BM,),
        in_specs=[
            pl.BlockSpec((_BM, d_in), lambda i: (i, 0)),
            pl.BlockSpec((d_in, d_out), lambda i: (0, 0)),
            pl.BlockSpec((2, _BM, 16), lambda i: (0, i, 0)),
        ],
        out_specs=[
            pl.BlockSpec((_BM, 1), lambda i: (i, 0)),
            pl.BlockSpec((2, _BM, dh), lambda i: (0, i, 0)),
        ],
        out_shape=[
            jax.ShapeDtypeStruct((n, 1), jnp.float32),
            jax.ShapeDtypeStruct((2, n, dh), jnp.float32),
        ],
    )(x, W1, degp)


def _tc_mid(aggp, hp, dis, b, W, split_out):
    n = hp.shape[1]
    dh = hp.shape[2]
    d_out = W.shape[1]
    wsplit = W.reshape(2, dh, d_out)
    b2 = b.reshape(2, 1, dh)

    def body(a_ref, h_ref, dis_ref, b_ref, w_ref, o_ref):
        dis = dis_ref[...]
        t = (a_ref[...] + h_ref[...]) * dis[None, :, :] + b_ref[...]
        t = jnp.maximum(t, 0.0)
        h = (jnp.dot(t[0], w_ref[0], preferred_element_type=jnp.float32)
             + jnp.dot(t[1], w_ref[1], preferred_element_type=jnp.float32))
        h = h * dis
        if split_out:
            o_ref[0] = h[:, :d_out // 2]
            o_ref[1] = h[:, d_out // 2:]
        else:
            o_ref[:, :d_out] = h
            o_ref[:, d_out:] = jnp.zeros((h.shape[0], 128 - d_out), jnp.float32)

    if split_out:
        out_spec = pl.BlockSpec((2, _BM, d_out // 2), lambda i: (0, i, 0))
        out_shape = jax.ShapeDtypeStruct((2, n, d_out // 2), jnp.float32)
    else:
        out_spec = pl.BlockSpec((_BM, 128), lambda i: (i, 0))
        out_shape = jax.ShapeDtypeStruct((n, 128), jnp.float32)

    return pl.pallas_call(
        body,
        grid=(n // _BM,),
        in_specs=[
            pl.BlockSpec((2, _BM, dh), lambda i: (0, i, 0)),
            pl.BlockSpec((2, _BM, dh), lambda i: (0, i, 0)),
            pl.BlockSpec((_BM, 1), lambda i: (i, 0)),
            pl.BlockSpec((2, 1, dh), lambda i: (0, 0, 0)),
            pl.BlockSpec((2, dh, d_out), lambda i: (0, 0, 0)),
        ],
        out_specs=out_spec,
        out_shape=out_shape,
    )(aggp, hp, dis, b2, wsplit)


def _tc_final(aggp, h3p, dis, b, d):
    n = h3p.shape[0]
    b2 = b.reshape(1, d)

    def body(a_ref, h_ref, dis_ref, b_ref, o_ref):
        t = a_ref[0] + a_ref[1] + h_ref[...]
        t = t[:, :d] * dis_ref[...] + b_ref[...]
        m = jnp.max(t, axis=1, keepdims=True)
        ex = jnp.exp(t - m)
        lse = jnp.log(jnp.sum(ex, axis=1, keepdims=True))
        o_ref[...] = t - m - lse

    return pl.pallas_call(
        body,
        grid=(n // _BM,),
        in_specs=[
            pl.BlockSpec((2, _BM, 128), lambda i: (0, i, 0)),
            pl.BlockSpec((_BM, 128), lambda i: (i, 0)),
            pl.BlockSpec((_BM, 1), lambda i: (i, 0)),
            pl.BlockSpec((1, d), lambda i: (0, 0)),
        ],
        out_specs=pl.BlockSpec((_BM, d), lambda i: (i, 0)),
        out_shape=jax.ShapeDtypeStruct((n, d), jnp.float32),
    )(aggp, h3p, dis, b2)


def kernel(x, adj_t, W1, b1, W2, b2, W3, b3):
    n = x.shape[0]
    src = adj_t[0]
    dst = adj_t[1]

    degp = _sc_degree(dst, n)
    dis, h1p = _tc_first(x, W1, degp)
    agg1 = _sc_agg_colsplit(h1p.reshape(2 * n, -1), src, dst, n)
    h2p = _tc_mid(agg1, h1p, dis, b1, W2, split_out=True)
    agg2 = _sc_agg_colsplit(h2p.reshape(2 * n, -1), src, dst, n)
    h3p = _tc_mid(agg2, h2p, dis, b2, W3, split_out=False)
    agg3 = _sc_agg_edgesplit(h3p, src, dst, n)
    return _tc_final(agg3, h3p, dis, b3, W3.shape[1])

# --- scband reference (transcript-rebuilt; emitter-appended) ---
"""Pipeline reference for scband-gcn-73778948211057 (READ-ONLY COPY).

The authoritative reference and input builder live on the scoring server;
editing this copy changes nothing except your own understanding.
"""

import jax, jax.numpy as jnp
import numpy as np

N = 10000


def gcn_conv(x, edge_index, W, b):
    n = x.shape[0]
    loop = jnp.arange(n, dtype=edge_index.dtype)
    src = jnp.concatenate([edge_index[0], loop])
    dst = jnp.concatenate([edge_index[1], loop])
    # symmetric normalization (PyG gcn_norm: deg computed on col/dst)
    deg = jnp.zeros(n, dtype=x.dtype).at[dst].add(1.0)
    deg_inv_sqrt = jnp.where(deg > 0, deg ** -0.5, 0.0)
    norm = deg_inv_sqrt[src] * deg_inv_sqrt[dst]
    h = x @ W
    msg = h[src] * norm[:, None]
    out = jnp.zeros((n, h.shape[1]), dtype=x.dtype).at[dst].add(msg)
    return out + b


def setup_inputs(seed: int = 0) -> dict:
    key = jax.random.key(seed)
    ks = jax.random.split(key, 8)
    x = jax.random.normal(ks[0], (N, 256), dtype=jnp.float32)
    edge_index = jax.random.randint(ks[1], (2, 160000), 0, N, dtype=jnp.int64 if jax.config.jax_enable_x64 else jnp.int32).astype(jnp.int32)
    def glorot(k, fan_in, fan_out):
        lim = jnp.sqrt(6.0 / (fan_in + fan_out))
        return jax.random.uniform(k, (fan_in, fan_out), jnp.float32, -lim, lim)
    W1 = glorot(ks[2], 256, 256)
    b1 = jnp.zeros((256,), jnp.float32)
    W2 = glorot(ks[3], 256, 256)
    b2 = jnp.zeros((256,), jnp.float32)
    W3 = glorot(ks[4], 256, 64)
    b3 = jnp.zeros((64,), jnp.float32)
    return {"x": x, "adj_t": edge_index, "W1": W1, "b1": b1, "W2": W2, "b2": b2, "W3": W3, "b3": b3}


def reference(x, adj_t, W1, b1, W2, b2, W3, b3):
    # GCN.forward with layer_norm_first=False, use_ln=False, eval mode (dropout no-op)
    h = gcn_conv(x, adj_t, W1, b1)
    h = jax.nn.relu(h)
    h = gcn_conv(h, adj_t, W2, b2)
    h = jax.nn.relu(h)
    h = gcn_conv(h, adj_t, W3, b3)
    return jax.nn.log_softmax(h, axis=-1)

if __name__ == "__main__":
    import jax
    _d = setup_inputs()
    print(jax.jit(kernel)(*tuple(_d.values())))

</pallas_src>

<mosaic_0001>
#map = affine_map<(d0, d1) -> (0)>
#map1 = affine_map<(d0, d1) -> (0, 0, 0)>
module attributes {stable_mosaic.version = 14 : i64} {
  func.func @kern(%arg0: i32, %arg1: i32, %arg2: memref<160000xi32, #tpu.memory_space<hbm>>, %arg3: memref<2x10240x16xf32, #tpu.memory_space<hbm>>, %arg4: memref<40xi32, #tpu.memory_space<vmem>>, %arg5: memref<40xi32, #tpu.memory_space<vmem>>, %arg6: memref<40x16xf32, #tpu.memory_space<vmem>>, %arg7: memref<128x16xf32, #tpu.memory_space<vmem>>, %arg8: memref<10240x16xf32, #tpu.memory_space<vmem_shared>>, %arg9: memref<!tpu.dma_semaphore, #tpu.memory_space<semaphore_mem>>, %arg10: memref<!tpu.dma_semaphore, #tpu.memory_space<semaphore_mem>>) attributes {dimension_semantics = [#tpu.dimension_semantics<core_parallel>, #tpu.dimension_semantics<subcore_parallel>], iteration_bounds = array<i64: 2, 16>, scalar_prefetch = 0 : i64, scratch_operands = 7 : i64, tpu.core_type = #tpu.core_type<sc_vector_subcore>, window_params = [{transform_indices = #map}, {transform_indices = #map1}]} {
    %mul3A = arith.constant 2 : i32
    %mul3A_0 = arith.muli %arg1, %mul3A : i32
    %add3A = arith.addi %mul3A_0, %arg0 : i32
    %scan3A = arith.constant 0 : i32
    %scan3A_1 = arith.constant 40 : i32
    %scan3A_2 = arith.addi %scan3A, %scan3A_1 : i32
    %scan3A_3 = arith.constant 1 : i32
    scf.for %scan3A_29 = %scan3A to %scan3A_2 step %scan3A_3  : i32 {
      %mul3A_30 = arith.constant 1 : i32
      %mul3A_31 = arith.muli %scan3A_29, %mul3A_30 : i32
      %add3A_32 = arith.constant 0 : i32
      %add3A_33 = arith.addi %add3A_32, %mul3A_31 : i32
      %broadcast_in_dim3A = arith.constant 1.000000e+00 : f32
      %broadcast_in_dim3A_34 = vector.broadcast %broadcast_in_dim3A : f32 to vector<16xf32>
      %swap3A = arith.index_cast %add3A_33 : i32 to index
      %swap3A_35 = arith.constant 0 : index
      %swap3A_36 = tpu.vector_load %arg6[%swap3A, %swap3A_35] {strides = array<i32>} : memref<40x16xf32, #tpu.memory_space<vmem>>, vector<1x16xf32>,
      %swap3A_37 = vector.shape_cast %swap3A_36 : vector<1x16xf32> to vector<16xf32>
      %swap3A_38 = vector.shape_cast %broadcast_in_dim3A_34 : vector<16xf32> to vector<1x16xf32>
      tpu.vector_store %arg6[%swap3A, %swap3A_35], %swap3A_38 {strides = array<i32>} : memref<40x16xf32, #tpu.memory_space<vmem>>, vector<1x16xf32>,
    }
    %scan3A_4 = arith.constant 40 : i32
    %scan3A_5 = arith.constant 0 : i32
    %scan3A_6 = arith.constant 128 : i32
    %scan3A_7 = arith.addi %scan3A_5, %scan3A_6 : i32
    %scan3A_8 = arith.constant 1 : i32
    scf.for %scan3A_29 = %scan3A_5 to %scan3A_7 step %scan3A_8  : i32 {
      %mul3A_30 = arith.constant 1 : i32
      %mul3A_31 = arith.muli %scan3A_29, %mul3A_30 : i32
      %add3A_32 = arith.constant 0 : i32
      %add3A_33 = arith.addi %add3A_32, %mul3A_31 : i32
      %broadcast_in_dim3A = arith.constant 0.000000e+00 : f32
      %broadcast_in_dim3A_34 = vector.broadcast %broadcast_in_dim3A : f32 to vector<16xf32>
      %swap3A = arith.index_cast %add3A_33 : i32 to index
      %swap3A_35 = arith.constant 0 : index
      %swap3A_36 = tpu.vector_load %arg7[%swap3A, %swap3A_35] {strides = array<i32>} : memref<128x16xf32, #tpu.memory_space<vmem>>, vector<1x16xf32>,
      %swap3A_37 = vector.shape_cast %swap3A_36 : vector<1x16xf32> to vector<16xf32>
      %swap3A_38 = vector.shape_cast %broadcast_in_dim3A_34 : vector<16xf32> to vector<1x16xf32>
      tpu.vector_store %arg7[%swap3A, %swap3A_35], %swap3A_38 {strides = array<i32>} : memref<128x16xf32, #tpu.memory_space<vmem>>, vector<1x16xf32>,
    }
    %scan3A_9 = arith.constant 128 : i32
    %scan3A_10 = arith.constant 0 : i32
    %scan3A_11 = arith.constant 5 : i32
    %scan3A_12 = arith.addi %scan3A_10, %scan3A_11 : i32
    %scan3A_13 = arith.constant 1 : i32
    scf.for %scan3A_29 = %scan3A_10 to %scan3A_12 step %scan3A_13  : i32 {
      %mul3A_30 = arith.constant 1 : i32
      %mul3A_31 = arith.muli %scan3A_29, %mul3A_30 : i32
      %add3A_32 = arith.constant 0 : i32
      %add3A_33 = arith.addi %add3A_32, %mul3A_31 : i32
      %mul3A_34 = arith.constant 640 : i32
      %mul3A_35 = arith.muli %arg1, %mul3A_34 : i32
      %mul3A_36 = arith.constant 128 : i32
      %mul3A_37 = arith.muli %add3A_33, %mul3A_36 : i32
      %add3A_38 = arith.addi %mul3A_35, %mul3A_37 : i32
      "tpu.region"() ({
        %run_scoped3A = tpu.sem_alloc : memref<!tpu.dma_semaphore, #tpu.memory_space<semaphore_mem>>
        %dma_start3A = arith.constant 0 : i32
        %dma_start3A_39 = tpu.memref_slice %arg8[%add3A_38, %dma_start3A] : memref<10240x16xf32, #tpu.memory_space<vmem_shared>> -> memref<128x16xf32, #tpu.memory_space<vmem_shared>>
        %dma_start3A_40 = arith.constant 0 : i32
        %dma_start3A_41 = tpu.memref_slice %arg8[%add3A_38, %dma_start3A_40] : memref<10240x16xf32, #tpu.memory_space<vmem_shared>> -> memref<128x16xf32, #tpu.memory_space<vmem_shared>>
        tpu.enqueue_dma source(%arg7 : memref<128x16xf32, #tpu.memory_space<vmem>>) target(%dma_start3A_41 : memref<128x16xf32, #tpu.memory_space<vmem_shared>>) target_semaphore(%run_scoped3A : memref<!tpu.dma_semaphore, #tpu.memory_space<semaphore_mem>>)
        %dma_wait3A = arith.constant 0 : i32
        %dma_wait3A_42 = tpu.memref_slice %arg8[%add3A_38, %dma_wait3A] : memref<10240x16xf32, #tpu.memory_space<vmem_shared>> -> memref<128x16xf32, #tpu.memory_space<vmem_shared>>
        %dma_wait3A_43 = arith.constant 0 : i32
        %dma_wait3A_44 = tpu.memref_slice %arg8[%add3A_38, %dma_wait3A_43] : memref<10240x16xf32, #tpu.memory_space<vmem_shared>> -> memref<128x16xf32, #tpu.memory_space<vmem_shared>>
        tpu.wait_dma2 semaphore(%run_scoped3A : memref<!tpu.dma_semaphore, #tpu.memory_space<semaphore_mem>>) src(%arg7 : memref<128x16xf32, #tpu.memory_space<vmem>>) dst(%dma_wait3A_44 : memref<128x16xf32, #tpu.memory_space<vmem_shared>>)
        tpu.yield
      }) : () -> ()
    }
    %scan3A_14 = arith.constant 5 : i32
    %barrier3A = arith.constant 0 : index
    tpu.barrier barrier_id(%barrier3A)
    %mul3A_15 = arith.constant 5000 : i32
    %mul3A_16 = arith.muli %add3A, %mul3A_15 : i32
    %scan3A_17 = arith.constant 0 : i32
    %scan3A_18 = arith.constant 62 : i32
    %scan3A_19 = arith.addi %scan3A_17, %scan3A_18 : i32
    %scan3A_20 = arith.constant 1 : i32
    scf.for %scan3A_29 = %scan3A_17 to %scan3A_19 step %scan3A_20  : i32 {
      %mul3A_30 = arith.constant 1 : i32
      %mul3A_31 = arith.muli %scan3A_29, %mul3A_30 : i32
      %add3A_32 = arith.constant 0 : i32
      %add3A_33 = arith.addi %add3A_32, %mul3A_31 : i32
      %mul3A_34 = arith.constant 2 : i32
      %mul3A_35 = arith.muli %mul3A_34, %add3A_33 : i32
      %mul3A_36 = arith.constant 40 : i32
      %mul3A_37 = arith.muli %mul3A_35, %mul3A_36 : i32
      %add3A_38 = arith.addi %mul3A_16, %mul3A_37 : i32
      "tpu.region"() ({
        %run_scoped3A = tpu.sem_alloc : memref<!tpu.dma_semaphore, #tpu.memory_space<semaphore_mem>>
        %dma_start3A = tpu.memref_slice %arg2[%add3A_38] : memref<160000xi32, #tpu.memory_space<hbm>> -> memref<40xi32, #tpu.memory_space<hbm>>
        %dma_start3A_44 = tpu.memref_slice %arg2[%add3A_38] : memref<160000xi32, #tpu.memory_space<hbm>> -> memref<40xi32, #tpu.memory_space<hbm>>
        tpu.enqueue_dma source(%dma_start3A_44 : memref<40xi32, #tpu.memory_space<hbm>>) target(%arg4 : memref<40xi32, #tpu.memory_space<vmem>>) target_semaphore(%run_scoped3A : memref<!tpu.dma_semaphore, #tpu.memory_space<semaphore_mem>>)
        %dma_wait3A = tpu.memref_slice %arg2[%add3A_38] : memref<160000xi32, #tpu.memory_space<hbm>> -> memref<40xi32, #tpu.memory_space<hbm>>
        %dma_wait3A_45 = tpu.memref_slice %arg2[%add3A_38] : memref<160000xi32, #tpu.memory_space<hbm>> -> memref<40xi32, #tpu.memory_space<hbm>>
        tpu.wait_dma2 semaphore(%run_scoped3A : memref<!tpu.dma_semaphore, #tpu.memory_space<semaphore_mem>>) src(%dma_wait3A_45 : memref<40xi32, #tpu.memory_space<hbm>>) dst(%arg4 : memref<40xi32, #tpu.memory_space<vmem>>)
        tpu.yield
      }) : () -> ()
      "tpu.region"() ({
        %run_scoped3A = tpu.sem_alloc : memref<!tpu.dma_semaphore, #tpu.memory_space<semaphore_mem>>
        %dma_start3A = arith.constant 0 : i32
        %dma_start3A_44 = arith.constant 0 : i32
        %dma_start3A_45 = tpu.memref_slice %arg8[%dma_start3A, %dma_start3A_44] : memref<10240x16xf32, #tpu.memory_space<vmem_shared>> -> memref<10240x16xf32, #tpu.memory_space<vmem_shared>>
        tpu.enqueue_indirect_dma source(%arg6 : memref<40x16xf32, #tpu.memory_space<vmem>>) target(%dma_start3A_45 : memref<10240x16xf32, #tpu.memory_space<vmem_shared>>) offsets(%arg4 : memref<40xi32, #tpu.memory_space<vmem>>) semaphore(%run_scoped3A : memref<!tpu.dma_semaphore, #tpu.memory_space<semaphore_mem>>) {add = true}
        %dma_wait3A = arith.constant 0 : i32
        %dma_wait3A_46 = arith.constant 0 : i32
        %dma_wait3A_47 = tpu.memref_slice %arg8[%dma_wait3A, %dma_wait3A_46] : memref<10240x16xf32, #tpu.memory_space<vmem_shared>> -> memref<10240x16xf32, #tpu.memory_space<vmem_shared>>
        tpu.wait_indirect_dma semaphore(%run_scoped3A : memref<!tpu.dma_semaphore, #tpu.memory_space<semaphore_mem>>) src(%arg6 : memref<40x16xf32, #tpu.memory_space<vmem>>) dst(%dma_wait3A_47 : memref<10240x16xf32, #tpu.memory_space<vmem_shared>>)
        tpu.yield
      }) : () -> ()
      %add3A_39 = arith.constant 1 : i32
      %add3A_40 = arith.addi %mul3A_35, %add3A_39 : i32
      %mul3A_41 = arith.constant 40 : i32
      %mul3A_42 = arith.muli %add3A_40, %mul3A_41 : i32
      %add3A_43 = arith.addi %mul3A_16, %mul3A_42 : i32
      "tpu.region"() ({
        %run_scoped3A = tpu.sem_alloc : memref<!tpu.dma_semaphore, #tpu.memory_space<semaphore_mem>>
        %dma_start3A = tpu.memref_slice %arg2[%add3A_43] : memref<160000xi32, #tpu.memory_space<hbm>> -> memref<40xi32, #tpu.memory_space<hbm>>
        %dma_start3A_44 = tpu.memref_slice %arg2[%add3A_43] : memref<160000xi32, #tpu.memory_space<hbm>> -> memref<40xi32, #tpu.memory_space<hbm>>
        tpu.enqueue_dma source(%dma_start3A_44 : memref<40xi32, #tpu.memory_space<hbm>>) target(%arg5 : memref<40xi32, #tpu.memory_space<vmem>>) target_semaphore(%run_scoped3A : memref<!tpu.dma_semaphore, #tpu.memory_space<semaphore_mem>>)
        %dma_wait3A = tpu.memref_slice %arg2[%add3A_43] : memref<160000xi32, #tpu.memory_space<hbm>> -> memref<40xi32, #tpu.memory_space<hbm>>
        %dma_wait3A_45 = tpu.memref_slice %arg2[%add3A_43] : memref<160000xi32, #tpu.memory_space<hbm>> -> memref<40xi32, #tpu.memory_space<hbm>>
        tpu.wait_dma2 semaphore(%run_scoped3A : memref<!tpu.dma_semaphore, #tpu.memory_space<semaphore_mem>>) src(%dma_wait3A_45 : memref<40xi32, #tpu.memory_space<hbm>>) dst(%arg5 : memref<40xi32, #tpu.memory_space<vmem>>)
        tpu.yield
      }) : () -> ()
      "tpu.region"() ({
        %run_scoped3A = tpu.sem_alloc : memref<!tpu.dma_semaphore, #tpu.memory_space<semaphore_mem>>
        %dma_start3A = arith.constant 0 : i32
        %dma_start3A_44 = arith.constant 0 : i32
        %dma_start3A_45 = tpu.memref_slice %arg8[%dma_start3A, %dma_start3A_44] : memref<10240x16xf32, #tpu.memory_space<vmem_shared>> -> memref<10240x16xf32, #tpu.memory_space<vmem_shared>>
        tpu.enqueue_indirect_dma source(%arg6 : memref<40x16xf32, #tpu.memory_space<vmem>>) target(%dma_start3A_45 : memref<10240x16xf32, #tpu.memory_space<vmem_shared>>) offsets(%arg5 : memref<40xi32, #tpu.memory_space<vmem>>) semaphore(%run_scoped3A : memref<!tpu.dma_semaphore, #tpu.memory_space<semaphore_mem>>) {add = true}
        %dma_wait3A = arith.constant 0 : i32
        %dma_wait3A_46 = arith.constant 0 : i32
        %dma_wait3A_47 = tpu.memref_slice %arg8[%dma_wait3A, %dma_wait3A_46] : memref<10240x16xf32, #tpu.memory_space<vmem_shared>> -> memref<10240x16xf32, #tpu.memory_space<vmem_shared>>
        tpu.wait_indirect_dma semaphore(%run_scoped3A : memref<!tpu.dma_semaphore, #tpu.memory_space<semaphore_mem>>) src(%arg6 : memref<40x16xf32, #tpu.memory_space<vmem>>) dst(%dma_wait3A_47 : memref<10240x16xf32, #tpu.memory_space<vmem_shared>>)
        tpu.yield
      }) : () -> ()
    }
    %scan3A_21 = arith.constant 62 : i32
    %add3A_22 = arith.constant 4960 : i32
    %add3A_23 = arith.addi %mul3A_16, %add3A_22 : i32
    "tpu.region"() ({
      %run_scoped3A = tpu.sem_alloc : memref<!tpu.dma_semaphore, #tpu.memory_space<semaphore_mem>>
      %dma_start3A = tpu.memref_slice %arg2[%add3A_23] : memref<160000xi32, #tpu.memory_space<hbm>> -> memref<40xi32, #tpu.memory_space<hbm>>
      %dma_start3A_29 = tpu.memref_slice %arg2[%add3A_23] : memref<160000xi32, #tpu.memory_space<hbm>> -> memref<40xi32, #tpu.memory_space<hbm>>
      tpu.enqueue_dma source(%dma_start3A_29 : memref<40xi32, #tpu.memory_space<hbm>>) target(%arg4 : memref<40xi32, #tpu.memory_space<vmem>>) target_semaphore(%run_scoped3A : memref<!tpu.dma_semaphore, #tpu.memory_space<semaphore_mem>>)
      %dma_wait3A = tpu.memref_slice %arg2[%add3A_23] : memref<160000xi32, #tpu.memory_space<hbm>> -> memref<40xi32, #tpu.memory_space<hbm>>
      %dma_wait3A_30 = tpu.memref_slice %arg2[%add3A_23] : memref<160000xi32, #tpu.memory_space<hbm>> -> memref<40xi32, #tpu.memory_space<hbm>>
      tpu.wait_dma2 semaphore(%run_scoped3A : memref<!tpu.dma_semaphore, #tpu.memory_space<semaphore_mem>>) src(%dma_wait3A_30 : memref<40xi32, #tpu.memory_space<hbm>>) dst(%arg4 : memref<40xi32, #tpu.memory_space<vmem>>)
      tpu.yield
    }) : () -> ()
    "tpu.region"() ({
      %run_scoped3A = tpu.sem_alloc : memref<!tpu.dma_semaphore, #tpu.memory_space<semaphore_mem>>
      %dma_start3A = arith.constant 0 : i32
      %dma_start3A_29 = arith.constant 0 : i32
      %dma_start3A_30 = tpu.memref_slice %arg8[%dma_start3A, %dma_start3A_29] : memref<10240x16xf32, #tpu.memory_space<vmem_shared>> -> memref<10240x16xf32, #tpu.memory_space<vmem_shared>>
      tpu.enqueue_indirect_dma source(%arg6 : memref<40x16xf32, #tpu.memory_space<vmem>>) target(%dma_start3A_30 : memref<10240x16xf32, #tpu.memory_space<vmem_shared>>) offsets(%arg4 : memref<40xi32, #tpu.memory_space<vmem>>) semaphore(%run_scoped3A : memref<!tpu.dma_semaphore, #tpu.memory_space<semaphore_mem>>) {add = true}
      %dma_wait3A = arith.constant 0 : i32
      %dma_wait3A_31 = arith.constant 0 : i32
      %dma_wait3A_32 = tpu.memref_slice %arg8[%dma_wait3A, %dma_wait3A_31] : memref<10240x16xf32, #tpu.memory_space<vmem_shared>> -> memref<10240x16xf32, #tpu.memory_space<vmem_shared>>
      tpu.wait_indirect_dma semaphore(%run_scoped3A : memref<!tpu.dma_semaphore, #tpu.memory_space<semaphore_mem>>) src(%arg6 : memref<40x16xf32, #tpu.memory_space<vmem>>) dst(%dma_wait3A_32 : memref<10240x16xf32, #tpu.memory_space<vmem_shared>>)
      tpu.yield
    }) : () -> ()
    %barrier3A_24 = arith.constant 0 : index
    tpu.barrier barrier_id(%barrier3A_24)
    %mul3A_25 = arith.constant 640 : i32
    %mul3A_26 = arith.muli %arg1, %mul3A_25 : i32
    %mul3A_27 = arith.constant 640 : i32
    %mul3A_28 = arith.muli %arg1, %mul3A_27 : i32
    "tpu.region"() ({
      %run_scoped3A = tpu.sem_alloc : memref<!tpu.dma_semaphore, #tpu.memory_space<semaphore_mem>>
      %dma_start3A = arith.constant 0 : i32
      %dma_start3A_29 = tpu.memref_slice %arg3[%arg0, %mul3A_28, %dma_start3A] : memref<2x10240x16xf32, #tpu.memory_space<hbm>> -> memref<1x640x16xf32, #tpu.memory_space<hbm>>
      %dma_start3A_30 = tpu.memref_squeeze %dma_start3A_29 : memref<1x640x16xf32, #tpu.memory_space<hbm>> -> memref<640x16xf32, #tpu.memory_space<hbm>>
      %dma_start3A_31 = arith.constant 0 : i32
      %dma_start3A_32 = tpu.memref_slice %arg8[%mul3A_26, %dma_start3A_31] : memref<10240x16xf32, #tpu.memory_space<vmem_shared>> -> memref<640x16xf32, #tpu.memory_space<vmem_shared>>
      tpu.enqueue_dma source(%dma_start3A_32 : memref<640x16xf32, #tpu.memory_space<vmem_shared>>) target(%dma_start3A_30 : memref<640x16xf32, #tpu.memory_space<hbm>>) target_semaphore(%run_scoped3A : memref<!tpu.dma_semaphore, #tpu.memory_space<semaphore_mem>>)
      %dma_wait3A = arith.constant 0 : i32
      %dma_wait3A_33 = tpu.memref_slice %arg3[%arg0, %mul3A_28, %dma_wait3A] : memref<2x10240x16xf32, #tpu.memory_space<hbm>> -> memref<1x640x16xf32, #tpu.memory_space<hbm>>
      %dma_wait3A_34 = tpu.memref_squeeze %dma_wait3A_33 : memref<1x640x16xf32, #tpu.memory_space<hbm>> -> memref<640x16xf32, #tpu.memory_space<hbm>>
      %dma_wait3A_35 = arith.constant 0 : i32
      %dma_wait3A_36 = tpu.memref_slice %arg8[%mul3A_26, %dma_wait3A_35] : memref<10240x16xf32, #tpu.memory_space<vmem_shared>> -> memref<640x16xf32, #tpu.memory_space<vmem_shared>>
      tpu.wait_dma2 semaphore(%run_scoped3A : memref<!tpu.dma_semaphore, #tpu.memory_space<semaphore_mem>>) src(%dma_wait3A_36 : memref<640x16xf32, #tpu.memory_space<vmem_shared>>) dst(%dma_wait3A_34 : memref<640x16xf32, #tpu.memory_space<hbm>>)
      tpu.yield
    }) : () -> ()
    return
  }
}

#map = affine_map<(d0, d1) -> (0, 0)>
#map1 = affine_map<(d0, d1) -> (0)>
#map2 = affine_map<(d0, d1) -> (0, 0, 0)>
module attributes {stable_mosaic.version = 14 : i64} {
  func.func @kern(%arg0: i32, %arg1: i32, %arg2: memref<20000x128xf32, #tpu.memory_space<hbm>>, %arg3: memref<160000xi32, #tpu.memory_space<hbm>>, %arg4: memref<160000xi32, #tpu.memory_space<hbm>>, %arg5: memref<2x10240x128xf32, #tpu.memory_space<hbm>>, %arg6: memref<80xi32, #tpu.memory_space<vmem>>, %arg7: memref<80xi32, #tpu.memory_space<vmem>>, %arg8: memref<80xi32, #tpu.memory_space<vmem>>, %arg9: memref<80xi32, #tpu.memory_space<vmem>>, %arg10: memref<80xi32, #tpu.memory_space<vmem>>, %arg11: memref<80xi32, #tpu.memory_space<vmem>>, %arg12: memref<80xi32, #tpu.memory_space<vmem>>, %arg13: memref<80xi32, #tpu.memory_space<vmem>>, %arg14: memref<80xi32, #tpu.memory_space<vmem>>, %arg15: memref<80x128xf32, #tpu.memory_space<vmem>>, %arg16: memref<80x128xf32, #tpu.memory_space<vmem>>, %arg17: memref<80x128xf32, #tpu.memory_space<vmem>>, %arg18: memref<128x128xf32, #tpu.memory_space<vmem>>, %arg19: memref<10240x128xf32, #tpu.memory_space<vmem_shared>>, %arg20: memref<!tpu.dma_semaphore, #tpu.memory_space<semaphore_mem>>, %arg21: memref<!tpu.dma_semaphore, #tpu.memory_space<semaphore_mem>>, %arg22: memref<!tpu.dma_semaphore, #tpu.memory_space<semaphore_mem>>, %arg23: memref<!tpu.dma_semaphore, #tpu.memory_space<semaphore_mem>>, %arg24: memref<!tpu.dma_semaphore, #tpu.memory_space<semaphore_mem>>, %arg25: memref<!tpu.dma_semaphore, #tpu.memory_space<semaphore_mem>>) attributes {dimension_semantics = [#tpu.dimension_semantics<core_parallel>, #tpu.dimension_semantics<subcore_parallel>], iteration_bounds = array<i64: 2, 16>, scalar_prefetch = 0 : i64, scratch_operands = 20 : i64, tpu.core_type = #tpu.core_type<sc_vector_subcore>, window_params = [{transform_indices = #map}, {transform_indices = #map1}, {transform_indices = #map1}, {transform_indices = #map2}]} {
    %mul3A = arith.constant 10000 : i32
    %mul3A_0 = arith.muli %arg0, %mul3A : i32
    %scan3A = arith.constant 0 : i32
    %scan3A_1 = arith.constant 128 : i32
    %scan3A_2 = arith.addi %scan3A, %scan3A_1 : i32
    %scan3A_3 = arith.constant 1 : i32
    scf.for %scan3A_118 = %scan3A to %scan3A_2 step %scan3A_3  : i32 {
      %mul3A_119 = arith.constant 1 : i32
      %mul3A_120 = arith.muli %scan3A_118, %mul3A_119 : i32
      %add3A_121 = arith.constant 0 : i32
      %add3A_122 = arith.addi %add3A_121, %mul3A_120 : i32
      %scan3A_123 = arith.constant 0 : i32
      %scan3A_124 = arith.constant 8 : i32
      %scan3A_125 = arith.addi %scan3A_123, %scan3A_124 : i32
      %scan3A_126 = arith.constant 1 : i32
      scf.for %scan3A_128 = %scan3A_123 to %scan3A_125 step %scan3A_126  : i32 {
        %mul3A_129 = arith.constant 1 : i32
        %mul3A_130 = arith.muli %scan3A_128, %mul3A_129 : i32
        %add3A_131 = arith.constant 0 : i32
        %add3A_132 = arith.addi %add3A_131, %mul3A_130 : i32
        %broadcast_in_dim3A = arith.constant 0.000000e+00 : f32
        %broadcast_in_dim3A_133 = vector.broadcast %broadcast_in_dim3A : f32 to vector<16xf32>
        %mul3A_134 = arith.constant 16 : i32
        %mul3A_135 = arith.muli %add3A_132, %mul3A_134 : i32
        %swap3A = arith.index_cast %add3A_122 : i32 to index
        %swap3A_136 = arith.index_cast %mul3A_135 : i32 to index
        %swap3A_137 = tpu.vector_load %arg18[%swap3A, %swap3A_136] {strides = array<i32>} : memref<128x128xf32, #tpu.memory_space<vmem>>, vector<1x16xf32>,
        %swap3A_138 = vector.shape_cast %swap3A_137 : vector<1x16xf32> to vector<16xf32>
        %swap3A_139 = vector.shape_cast %broadcast_in_dim3A_133 : vector<16xf32> to vector<1x16xf32>
        tpu.vector_store %arg18[%swap3A, %swap3A_136], %swap3A_139 {strides = array<i32>} : memref<128x128xf32, #tpu.memory_space<vmem>>, vector<1x16xf32>,
      }
      %scan3A_127 = arith.constant 8 : i32
    }
    %scan3A_4 = arith.constant 128 : i32
    %scan3A_5 = arith.constant 0 : i32
    %scan3A_6 = arith.constant 5 : i32
    %scan3A_7 = arith.addi %scan3A_5, %scan3A_6 : i32
    %scan3A_8 = arith.constant 1 : i32
    scf.for %scan3A_118 = %scan3A_5 to %scan3A_7 step %scan3A_8  : i32 {
      %mul3A_119 = arith.constant 1 : i32
      %mul3A_120 = arith.muli %scan3A_118, %mul3A_119 : i32
      %add3A_121 = arith.constant 0 : i32
      %add3A_122 = arith.addi %add3A_121, %mul3A_120 : i32
      %mul3A_123 = arith.constant 640 : i32
      %mul3A_124 = arith.muli %arg1, %mul3A_123 : i32
      %mul3A_125 = arith.constant 128 : i32
      %mul3A_126 = arith.muli %add3A_122, %mul3A_125 : i32
      %add3A_127 = arith.addi %mul3A_124, %mul3A_126 : i32
      "tpu.region"() ({
        %run_scoped3A = tpu.sem_alloc : memref<!tpu.dma_semaphore, #tpu.memory_space<semaphore_mem>>
        %dma_start3A_128 = arith.constant 0 : i32
        %dma_start3A_129 = tpu.memref_slice %arg19[%add3A_127, %dma_start3A_128] : memref<10240x128xf32, #tpu.memory_space<vmem_shared>> -> memref<128x128xf32, #tpu.memory_space<vmem_shared>>
        %dma_start3A_130 = arith.constant 0 : i32
        %dma_start3A_131 = tpu.memref_slice %arg19[%add3A_127, %dma_start3A_130] : memref<10240x128xf32, #tpu.memory_space<vmem_shared>> -> memref<128x128xf32, #tpu.memory_space<vmem_shared>>
        tpu.enqueue_dma source(%arg18 : memref<128x128xf32, #tpu.memory_space<vmem>>) target(%dma_start3A_131 : memref<128x128xf32, #tpu.memory_space<vmem_shared>>) target_semaphore(%run_scoped3A : memref<!tpu.dma_semaphore, #tpu.memory_space<semaphore_mem>>)
        %dma_wait3A_132 = arith.constant 0 : i32
        %dma_wait3A_133 = tpu.memref_slice %arg19[%add3A_127, %dma_wait3A_132] : memref<10240x128xf32, #tpu.memory_space<vmem_shared>> -> memref<128x128xf32, #tpu.memory_space<vmem_shared>>
        %dma_wait3A_134 = arith.constant 0 : i32
        %dma_wait3A_135 = tpu.memref_slice %arg19[%add3A_127, %dma_wait3A_134] : memref<10240x128xf32, #tpu.memory_space<vmem_shared>> -> memref<128x128xf32, #tpu.memory_space<vmem_shared>>
        tpu.wait_dma2 semaphore(%run_scoped3A : memref<!tpu.dma_semaphore, #tpu.memory_space<semaphore_mem>>) src(%arg18 : memref<128x128xf32, #tpu.memory_space<vmem>>) dst(%dma_wait3A_135 : memref<128x128xf32, #tpu.memory_space<vmem_shared>>)
        tpu.yield
      }) : () -> ()
    }
    %scan3A_9 = arith.constant 5 : i32
    %barrier3A = arith.constant 0 : index
    tpu.barrier barrier_id(%barrier3A)
    %mul3A_10 = arith.constant 10000 : i32
    %mul3A_11 = arith.muli %arg1, %mul3A_10 : i32
    %min3A = arith.constant 0 : i32
    %min3A_12 = arith.constant 124 : i32
    %min3A_13 = arith.minsi %min3A, %min3A_12 : i32
    %mul3A_14 = arith.constant 80 : i32
    %mul3A_15 = arith.muli %min3A_13, %mul3A_14 : i32
    %add3A = arith.addi %mul3A_11, %mul3A_15 : i32
    %dma_start3A = tpu.memref_slice %arg3[%add3A] : memref<160000xi32, #tpu.memory_space<hbm>> -> memref<80xi32, #tpu.memory_space<hbm>>
    %dma_start3A_16 = tpu.memref_slice %arg3[%add3A] : memref<160000xi32, #tpu.memory_space<hbm>> -> memref<80xi32, #tpu.memory_space<hbm>>
    tpu.enqueue_dma source(%dma_start3A_16 : memref<80xi32, #tpu.memory_space<hbm>>) target(%arg6 : memref<80xi32, #tpu.memory_space<vmem>>) target_semaphore(%arg23 : memref<!tpu.dma_semaphore, #tpu.memory_space<semaphore_mem>>)
    %mul3A_17 = arith.constant 80 : i32
    %mul3A_18 = arith.muli %min3A_13, %mul3A_17 : i32
    %add3A_19 = arith.addi %mul3A_11, %mul3A_18 : i32
    %dma_start3A_20 = tpu.memref_slice %arg4[%add3A_19] : memref<160000xi32, #tpu.memory_space<hbm>> -> memref<80xi32, #tpu.memory_space<hbm>>
    %dma_start3A_21 = tpu.memref_slice %arg4[%add3A_19] : memref<160000xi32, #tpu.memory_space<hbm>> -> memref<80xi32, #tpu.memory_space<hbm>>
    tpu.enqueue_dma source(%dma_start3A_21 : memref<80xi32, #tpu.memory_space<hbm>>) target(%arg12 : memref<80xi32, #tpu.memory_space<vmem>>) target_semaphore(%arg23 : memref<!tpu.dma_semaphore, #tpu.memory_space<semaphore_mem>>)
    %min3A_22 = arith.constant 0 : i32
    %min3A_23 = arith.constant 124 : i32
    %min3A_24 = arith.minsi %min3A_22, %min3A_23 : i32
    %mul3A_25 = arith.constant 80 : i32
    %mul3A_26 = arith.muli %min3A_24, %mul3A_25 : i32
    %add3A_27 = arith.addi %mul3A_11, %mul3A_26 : i32
    %dma_wait3A = tpu.memref_slice %arg3[%add3A_27] : memref<160000xi32, #tpu.memory_space<hbm>> -> memref<80xi32, #tpu.memory_space<hbm>>
    %dma_wait3A_28 = tpu.memref_slice %arg3[%add3A_27] : memref<160000xi32, #tpu.memory_space<hbm>> -> memref<80xi32, #tpu.memory_space<hbm>>
    tpu.wait_dma2 semaphore(%arg23 : memref<!tpu.dma_semaphore, #tpu.memory_space<semaphore_mem>>) src(%dma_wait3A_28 : memref<80xi32, #tpu.memory_space<hbm>>) dst(%arg6 : memref<80xi32, #tpu.memory_space<vmem>>)
    %mul3A_29 = arith.constant 80 : i32
    %mul3A_30 = arith.muli %min3A_24, %mul3A_29 : i32
    %add3A_31 = arith.addi %mul3A_11, %mul3A_30 : i32
    %dma_wait3A_32 = tpu.memref_slice %arg4[%add3A_31] : memref<160000xi32, #tpu.memory_space<hbm>> -> memref<80xi32, #tpu.memory_space<hbm>>
    %dma_wait3A_33 = tpu.memref_slice %arg4[%add3A_31] : memref<160000xi32, #tpu.memory_space<hbm>> -> memref<80xi32, #tpu.memory_space<hbm>>
    tpu.wait_dma2 semaphore(%arg23 : memref<!tpu.dma_semaphore, #tpu.memory_space<semaphore_mem>>) src(%dma_wait3A_33 : memref<80xi32, #tpu.memory_space<hbm>>) dst(%arg12 : memref<80xi32, #tpu.memory_space<vmem>>)
    %scan3A_34 = arith.constant 0 : i32
    %scan3A_35 = arith.constant 5 : i32
    %scan3A_36 = arith.addi %scan3A_34, %scan3A_35 : i32
    %scan3A_37 = arith.constant 1 : i32
    scf.for %scan3A_118 = %scan3A_34 to %scan3A_36 step %scan3A_37  : i32 {
      %mul3A_119 = arith.constant 1 : i32
      %mul3A_120 = arith.muli %scan3A_118, %mul3A_119 : i32
      %add3A_121 = arith.constant 0 : i32
      %add3A_122 = arith.addi %add3A_121, %mul3A_120 : i32
      %mul3A_123 = arith.constant 16 : i32
      %mul3A_124 = arith.muli %add3A_122, %mul3A_123 : i32
      %get3A = arith.index_cast %mul3A_124 : i32 to index
      %get3A_125 = tpu.vector_load %arg6[%get3A] {strides = array<i32>} : memref<80xi32, #tpu.memory_space<vmem>>, vector<16xi32>,
      %get3A_126 = vector.shape_cast %get3A_125 : vector<16xi32> to vector<16xi32>
      %add3A_127 = vector.broadcast %mul3A_0 : i32 to vector<16xi32>
      %add3A_128 = arith.addi %get3A_126, %add3A_127 : vector<16xi32>
      %mul3A_129 = arith.constant 16 : i32
      %mul3A_130 = arith.muli %add3A_122, %mul3A_129 : i32
      %swap3A = arith.index_cast %mul3A_130 : i32 to index
      %swap3A_131 = tpu.vector_load %arg9[%swap3A] {strides = array<i32>} : memref<80xi32, #tpu.memory_space<vmem>>, vector<16xi32>,
      %swap3A_132 = vector.shape_cast %swap3A_131 : vector<16xi32> to vector<16xi32>
      %swap3A_133 = vector.shape_cast %add3A_128 : vector<16xi32> to vector<16xi32>
      tpu.vector_store %arg9[%swap3A], %swap3A_133 {strides = array<i32>} : memref<80xi32, #tpu.memory_space<vmem>>, vector<16xi32>,
    }
    %scan3A_38 = arith.constant 5 : i32
    %dma_start3A_39 = arith.constant 0 : i32
    %dma_start3A_40 = arith.constant 0 : i32
    %dma_start3A_41 = tpu.memref_slice %arg2[%dma_start3A_39, %dma_start3A_40] : memref<20000x128xf32, #tpu.memory_space<hbm>> -> memref<20000x128xf32, #tpu.memory_space<hbm>>
    tpu.enqueue_indirect_dma source(%dma_start3A_41 : memref<20000x128xf32, #tpu.memory_space<hbm>>) target(%arg15 : memref<80x128xf32, #tpu.memory_space<vmem>>) offsets(%arg9 : memref<80xi32, #tpu.memory_space<vmem>>) semaphore(%arg20 : memref<!tpu.dma_semaphore, #tpu.memory_space<semaphore_mem>>)
    %min3A_42 = arith.constant 1 : i32
    %min3A_43 = arith.constant 124 : i32
    %min3A_44 = arith.minsi %min3A_42, %min3A_43 : i32
    %mul3A_45 = arith.constant 80 : i32
    %mul3A_46 = arith.muli %min3A_44, %mul3A_45 : i32
    %add3A_47 = arith.addi %mul3A_11, %mul3A_46 : i32
    %dma_start3A_48 = tpu.memref_slice %arg3[%add3A_47] : memref<160000xi32, #tpu.memory_space<hbm>> -> memref<80xi32, #tpu.memory_space<hbm>>
    %dma_start3A_49 = tpu.memref_slice %arg3[%add3A_47] : memref<160000xi32, #tpu.memory_space<hbm>> -> memref<80xi32, #tpu.memory_space<hbm>>
    tpu.enqueue_dma source(%dma_start3A_49 : memref<80xi32, #tpu.memory_space<hbm>>) target(%arg7 : memref<80xi32, #tpu.memory_space<vmem>>) target_semaphore(%arg24 : memref<!tpu.dma_semaphore, #tpu.memory_space<semaphore_mem>>)
    %mul3A_50 = arith.constant 80 : i32
    %mul3A_51 = arith.muli %min3A_44, %mul3A_50 : i32
    %add3A_52 = arith.addi %mul3A_11, %mul3A_51 : i32
    %dma_start3A_53 = tpu.memref_slice %arg4[%add3A_52] : memref<160000xi32, #tpu.memory_space<hbm>> -> memref<80xi32, #tpu.memory_space<hbm>>
    %dma_start3A_54 = tpu.memref_slice %arg4[%add3A_52] : memref<160000xi32, #tpu.memory_space<hbm>> -> memref<80xi32, #tpu.memory_space<hbm>>
    tpu.enqueue_dma source(%dma_start3A_54 : memref<80xi32, #tpu.memory_space<hbm>>) target(%arg13 : memref<80xi32, #tpu.memory_space<vmem>>) target_semaphore(%arg24 : memref<!tpu.dma_semaphore, #tpu.memory_space<semaphore_mem>>)
    %min3A_55 = arith.constant 1 : i32
    %min3A_56 = arith.constant 124 : i32
    %min3A_57 = arith.minsi %min3A_55, %min3A_56 : i32
    %mul3A_58 = arith.constant 80 : i32
    %mul3A_59 = arith.muli %min3A_57, %mul3A_58 : i32
    %add3A_60 = arith.addi %mul3A_11, %mul3A_59 : i32
    %dma_wait3A_61 = tpu.memref_slice %arg3[%add3A_60] : memref<160000xi32, #tpu.memory_space<hbm>> -> memref<80xi32, #tpu.memory_space<hbm>>
    %dma_wait3A_62 = tpu.memref_slice %arg3[%add3A_60] : memref<160000xi32, #tpu.memory_space<hbm>> -> memref<80xi32, #tpu.memory_space<hbm>>
    tpu.wait_dma2 semaphore(%arg24 : memref<!tpu.dma_semaphore, #tpu.memory_space<semaphore_mem>>) src(%dma_wait3A_62 : memref<80xi32, #tpu.memory_space<hbm>>) dst(%arg7 : memref<80xi32, #tpu.memory_space<vmem>>)
    %mul3A_63 = arith.constant 80 : i32
    %mul3A_64 = arith.muli %min3A_57, %mul3A_63 : i32
    %add3A_65 = arith.addi %mul3A_11, %mul3A_64 : i32
    %dma_wait3A_66 = tpu.memref_slice %arg4[%add3A_65] : memref<160000xi32, #tpu.memory_space<hbm>> -> memref<80xi32, #tpu.memory_space<hbm>>
    %dma_wait3A_67 = tpu.memref_slice %arg4[%add3A_65] : memref<160000xi32, #tpu.memory_space<hbm>> -> memref<80xi32, #tpu.memory_space<hbm>>
    tpu.wait_dma2 semaphore(%arg24 : memref<!tpu.dma_semaphore, #tpu.memory_space<semaphore_mem>>) src(%dma_wait3A_67 : memref<80xi32, #tpu.memory_space<hbm>>) dst(%arg13 : memref<80xi32, #tpu.memory_space<vmem>>)
    %scan3A_68 = arith.constant 0 : i32
    %scan3A_69 = arith.constant 5 : i32
    %scan3A_70 = arith.addi %scan3A_68, %scan3A_69 : i32
    %scan3A_71 = arith.constant 1 : i32
    scf.for %scan3A_118 = %scan3A_68 to %scan3A_70 step %scan3A_71  : i32 {
      %mul3A_119 = arith.constant 1 : i32
      %mul3A_120 = arith.muli %scan3A_118, %mul3A_119 : i32
      %add3A_121 = arith.constant 0 : i32
      %add3A_122 = arith.addi %add3A_121, %mul3A_120 : i32
      %mul3A_123 = arith.constant 16 : i32
      %mul3A_124 = arith.muli %add3A_122, %mul3A_123 : i32
      %get3A = arith.index_cast %mul3A_124 : i32 to index
      %get3A_125 = tpu.vector_load %arg7[%get3A] {strides = array<i32>} : memref<80xi32, #tpu.memory_space<vmem>>, vector<16xi32>,
      %get3A_126 = vector.shape_cast %get3A_125 : vector<16xi32> to vector<16xi32>
      %add3A_127 = vector.broadcast %mul3A_0 : i32 to vector<16xi32>
      %add3A_128 = arith.addi %get3A_126, %add3A_127 : vector<16xi32>
      %mul3A_129 = arith.constant 16 : i32
      %mul3A_130 = arith.muli %add3A_122, %mul3A_129 : i32
      %swap3A = arith.index_cast %mul3A_130 : i32 to index
      %swap3A_131 = tpu.vector_load %arg10[%swap3A] {strides = array<i32>} : memref<80xi32, #tpu.memory_space<vmem>>, vector<16xi32>,
      %swap3A_132 = vector.shape_cast %swap3A_131 : vector<16xi32> to vector<16xi32>
      %swap3A_133 = vector.shape_cast %add3A_128 : vector<16xi32> to vector<16xi32>
      tpu.vector_store %arg10[%swap3A], %swap3A_133 {strides = array<i32>} : memref<80xi32, #tpu.memory_space<vmem>>, vector<16xi32>,
    }
    %scan3A_72 = arith.constant 5 : i32
    %dma_start3A_73 = arith.constant 0 : i32
    %dma_start3A_74 = arith.constant 0 : i32
    %dma_start3A_75 = tpu.memref_slice %arg2[%dma_start3A_73, %dma_start3A_74] : memref<20000x128xf32, #tpu.memory_space<hbm>> -> memref<20000x128xf32, #tpu.memory_space<hbm>>
    tpu.enqueue_indirect_dma source(%dma_start3A_75 : memref<20000x128xf32, #tpu.memory_space<hbm>>) target(%arg16 : memref<80x128xf32, #tpu.memory_space<vmem>>) offsets(%arg10 : memref<80xi32, #tpu.memory_space<vmem>>) semaphore(%arg21 : memref<!tpu.dma_semaphore, #tpu.memory_space<semaphore_mem>>)
    %min3A_76 = arith.constant 2 : i32
    %min3A_77 = arith.constant 124 : i32
    %min3A_78 = arith.minsi %min3A_76, %min3A_77 : i32
    %mul3A_79 = arith.constant 80 : i32
    %mul3A_80 = arith.muli %min3A_78, %mul3A_79 : i32
    %add3A_81 = arith.addi %mul3A_11, %mul3A_80 : i32
    %dma_start3A_82 = tpu.memref_slice %arg3[%add3A_81] : memref<160000xi32, #tpu.memory_space<hbm>> -> memref<80xi32, #tpu.memory_space<hbm>>
    %dma_start3A_83 = tpu.memref_slice %arg3[%add3A_81] : memref<160000xi32, #tpu.memory_space<hbm>> -> memref<80xi32, #tpu.memory_space<hbm>>
    tpu.enqueue_dma source(%dma_start3A_83 : memref<80xi32, #tpu.memory_space<hbm>>) target(%arg8 : memref<80xi32, #tpu.memory_space<vmem>>) target_semaphore(%arg25 : memref<!tpu.dma_semaphore, #tpu.memory_space<semaphore_mem>>)
    %mul3A_84 = arith.constant 80 : i32
    %mul3A_85 = arith.muli %min3A_78, %mul3A_84 : i32
    %add3A_86 = arith.addi %mul3A_11, %mul3A_85 : i32
    %dma_start3A_87 = tpu.memref_slice %arg4[%add3A_86] : memref<160000xi32, #tpu.memory_space<hbm>> -> memref<80xi32, #tpu.memory_space<hbm>>
    %dma_start3A_88 = tpu.memref_slice %arg4[%add3A_86] : memref<160000xi32, #tpu.memory_space<hbm>> -> memref<80xi32, #tpu.memory_space<hbm>>
    tpu.enqueue_dma source(%dma_start3A_88 : memref<80xi32, #tpu.memory_space<hbm>>) target(%arg14 : memref<80xi32, #tpu.memory_space<vmem>>) target_semaphore(%arg25 : memref<!tpu.dma_semaphore, #tpu.memory_space<semaphore_mem>>)
    %scan3A_89 = arith.constant 0 : i32
    %scan3A_90 = arith.constant 41 : i32
    %scan3A_91 = arith.addi %scan3A_89, %scan3A_90 : i32
    %scan3A_92 = arith.constant 1 : i32
    scf.for %scan3A_118 = %scan3A_89 to %scan3A_91 step %scan3A_92  : i32 {
      %mul3A_119 = arith.constant 1 : i32
      %mul3A_120 = arith.muli %scan3A_118, %mul3A_119 : i32
      %add3A_121 = arith.constant 0 : i32
      %add3A_122 = arith.addi %add3A_121, %mul3A_120 : i32
      %mul3A_123 = arith.constant 3 : i32
      %mul3A_124 = arith.muli %mul3A_123, %add3A_122 : i32
      %add3A_125 = arith.constant 0 : i32
      %add3A_126 = arith.addi %mul3A_124, %add3A_125 : i32
      %add3A_127 = arith.constant 2 : i32
      %add3A_128 = arith.addi %add3A_126, %add3A_127 : i32
      %min3A_129 = arith.constant 124 : i32
      %min3A_130 = arith.minsi %add3A_128, %min3A_129 : i32
      %mul3A_131 = arith.constant 80 : i32
      %mul3A_132 = arith.muli %min3A_130, %mul3A_131 : i32
      %add3A_133 = arith.addi %mul3A_11, %mul3A_132 : i32
      %dma_wait3A_134 = tpu.memref_slice %arg3[%add3A_133] : memref<160000xi32, #tpu.memory_space<hbm>> -> memref<80xi32, #tpu.memory_space<hbm>>
      %dma_wait3A_135 = tpu.memref_slice %arg3[%add3A_133] : memref<160000xi32, #tpu.memory_space<hbm>> -> memref<80xi32, #tpu.memory_space<hbm>>
      tpu.wait_dma2 semaphore(%arg25 : memref<!tpu.dma_semaphore, #tpu.memory_space<semaphore_mem>>) src(%dma_wait3A_135 : memref<80xi32, #tpu.memory_space<hbm>>) dst(%arg8 : memref<80xi32, #tpu.memory_space<vmem>>)
      %mul3A_136 = arith.constant 80 : i32
      %mul3A_137 = arith.muli %min3A_130, %mul3A_136 : i32
      %add3A_138 = arith.addi %mul3A_11, %mul3A_137 : i32
      %dma_wait3A_139 = tpu.memref_slice %arg4[%add3A_138] : memref<160000xi32, #tpu.memory_space<hbm>> -> memref<80xi32, #tpu.memory_space<hbm>>
      %dma_wait3A_140 = tpu.memref_slice %arg4[%add3A_138] : memref<160000xi32, #tpu.memory_space<hbm>> -> memref<80xi32, #tpu.memory_space<hbm>>
      tpu.wait_dma2 semaphore(%arg25 : memref<!tpu.dma_semaphore, #tpu.memory_space<semaphore_mem>>) src(%dma_wait3A_140 : memref<80xi32, #tpu.memory_space<hbm>>) dst(%arg14 : memref<80xi32, #tpu.memory_space<vmem>>)
      %scan3A_141 = arith.constant 0 : i32
      %scan3A_142 = arith.constant 5 : i32
      %scan3A_143 = arith.addi %scan3A_141, %scan3A_142 : i32
      %scan3A_144 = arith.constant 1 : i32
      scf.for %scan3A_248 = %scan3A_141 to %scan3A_143 step %scan3A_144  : i32 {
        %mul3A_249 = arith.constant 1 : i32
        %mul3A_250 = arith.muli %scan3A_248, %mul3A_249 : i32
        %add3A_251 = arith.constant 0 : i32
        %add3A_252 = arith.addi %add3A_251, %mul3A_250 : i32
        %mul3A_253 = arith.constant 16 : i32
        %mul3A_254 = arith.muli %add3A_252, %mul3A_253 : i32
        %get3A = arith.index_cast %mul3A_254 : i32 to index
        %get3A_255 = tpu.vector_load %arg8[%get3A] {strides = array<i32>} : memref<80xi32, #tpu.memory_space<vmem>>, vector<16xi32>,
        %get3A_256 = vector.shape_cast %get3A_255 : vector<16xi32> to vector<16xi32>
        %add3A_257 = vector.broadcast %mul3A_0 : i32 to vector<16xi32>
        %add3A_258 = arith.addi %get3A_256, %add3A_257 : vector<16xi32>
        %mul3A_259 = arith.constant 16 : i32
        %mul3A_260 = arith.muli %add3A_252, %mul3A_259 : i32
        %swap3A = arith.index_cast %mul3A_260 : i32 to index
        %swap3A_261 = tpu.vector_load %arg11[%swap3A] {strides = array<i32>} : memref<80xi32, #tpu.memory_space<vmem>>, vector<16xi32>,
        %swap3A_262 = vector.shape_cast %swap3A_261 : vector<16xi32> to vector<16xi32>
        %swap3A_263 = vector.shape_cast %add3A_258 : vector<16xi32> to vector<16xi32>
        tpu.vector_store %arg11[%swap3A], %swap3A_263 {strides = array<i32>} : memref<80xi32, #tpu.memory_space<vmem>>, vector<16xi32>,
      }
      %scan3A_145 = arith.constant 5 : i32
      %dma_start3A_146 = arith.constant 0 : i32
      %dma_start3A_147 = arith.constant 0 : i32
      %dma_start3A_148 = tpu.memref_slice %arg2[%dma_start3A_146, %dma_start3A_147] : memref<20000x128xf32, #tpu.memory_space<hbm>> -> memref<20000x128xf32, #tpu.memory_space<hbm>>
      tpu.enqueue_indirect_dma source(%dma_start3A_148 : memref<20000x128xf32, #tpu.memory_space<hbm>>) target(%arg17 : memref<80x128xf32, #tpu.memory_space<vmem>>) offsets(%arg11 : memref<80xi32, #tpu.memory_space<vmem>>) semaphore(%arg22 : memref<!tpu.dma_semaphore, #tpu.memory_space<semaphore_mem>>)
      %dma_wait3A_149 = arith.constant 0 : i32
      %dma_wait3A_150 = arith.constant 0 : i32
      %dma_wait3A_151 = tpu.memref_slice %arg2[%dma_wait3A_149, %dma_wait3A_150] : memref<20000x128xf32, #tpu.memory_space<hbm>> -> memref<20000x128xf32, #tpu.memory_space<hbm>>
      tpu.wait_indirect_dma semaphore(%arg20 : memref<!tpu.dma_semaphore, #tpu.memory_space<semaphore_mem>>) src(%dma_wait3A_151 : memref<20000x128xf32, #tpu.memory_space<hbm>>) dst(%arg15 : memref<80x128xf32, #tpu.memory_space<vmem>>)
      "tpu.region"() ({
        %run_scoped3A = tpu.sem_alloc : memref<!tpu.dma_semaphore, #tpu.memory_space<semaphore_mem>>
        %dma_start3A_248 = arith.constant 0 : i32
        %dma_start3A_249 = arith.constant 0 : i32
        %dma_start3A_250 = tpu.memref_slice %arg19[%dma_start3A_248, %dma_start3A_249] : memref<10240x128xf32, #tpu.memory_space<vmem_shared>> -> memref<10240x128xf32, #tpu.memory_space<vmem_shared>>
        tpu.enqueue_indirect_dma source(%arg15 : memref<80x128xf32, #tpu.memory_space<vmem>>) target(%dma_start3A_250 : memref<10240x128xf32, #tpu.memory_space<vmem_shared>>) offsets(%arg12 : memref<80xi32, #tpu.memory_space<vmem>>) semaphore(%run_scoped3A : memref<!tpu.dma_semaphore, #tpu.memory_space<semaphore_mem>>) {add = true}
        %dma_wait3A_251 = arith.constant 0 : i32
        %dma_wait3A_252 = arith.constant 0 : i32
        %dma_wait3A_253 = tpu.memref_slice %arg19[%dma_wait3A_251, %dma_wait3A_252] : memref<10240x128xf32, #tpu.memory_space<vmem_shared>> -> memref<10240x128xf32, #tpu.memory_space<vmem_shared>>
        tpu.wait_indirect_dma semaphore(%run_scoped3A : memref<!tpu.dma_semaphore, #tpu.memory_space<semaphore_mem>>) src(%arg15 : memref<80x128xf32, #tpu.memory_space<vmem>>) dst(%dma_wait3A_253 : memref<10240x128xf32, #tpu.memory_space<vmem_shared>>)
        tpu.yield
      }) : () -> ()
      %add3A_152 = arith.constant 3 : i32
      %add3A_153 = arith.addi %add3A_126, %add3A_152 : i32
      %min3A_154 = arith.constant 124 : i32
      %min3A_155 = arith.minsi %add3A_153, %min3A_154 : i32
      %mul3A_156 = arith.constant 80 : i32
      %mul3A_157 = arith.muli %min3A_155, %mul3A_156 : i32
      %add3A_158 = arith.addi %mul3A_11, %mul3A_157 : i32
      %dma_start3A_159 = tpu.memref_slice %arg3[%add3A_158] : memref<160000xi32, #tpu.memory_space<hbm>> -> memref<80xi32, #tpu.memory_space<hbm>>
      %dma_start3A_160 = tpu.memref_slice %arg3[%add3A_158] : memref<160000xi32, #tpu.memory_space<hbm>> -> memref<80xi32, #tpu.memory_space<hbm>>
      tpu.enqueue_dma source(%dma_start3A_160 : memref<80xi32, #tpu.memory_space<hbm>>) target(%arg6 : memref<80xi32, #tpu.memory_space<vmem>>) target_semaphore(%arg23 : memref<!tpu.dma_semaphore, #tpu.memory_space<semaphore_mem>>)
      %mul3A_161 = arith.constant 80 : i32
      %mul3A_162 = arith.muli %min3A_155, %mul3A_161 : i32
      %add3A_163 = arith.addi %mul3A_11, %mul3A_162 : i32
      %dma_start3A_164 = tpu.memref_slice %arg4[%add3A_163] : memref<160000xi32, #tpu.memory_space<hbm>> -> memref<80xi32, #tpu.memory_space<hbm>>
      %dma_start3A_165 = tpu.memref_slice %arg4[%add3A_163] : memref<160000xi32, #tpu.memory_space<hbm>> -> memref<80xi32, #tpu.memory_space<hbm>>
      tpu.enqueue_dma source(%dma_start3A_165 : memref<80xi32, #tpu.memory_space<hbm>>) target(%arg12 : memref<80xi32, #tpu.memory_space<vmem>>) target_semaphore(%arg23 : memref<!tpu.dma_semaphore, #tpu.memory_space<semaphore_mem>>)
      %add3A_166 = arith.constant 1 : i32
      %add3A_167 = arith.addi %mul3A_124, %add3A_166 : i32
      %add3A_168 = arith.constant 2 : i32
      %add3A_169 = arith.addi %add3A_167, %add3A_168 : i32
      %min3A_170 = arith.constant 124 : i32
      %min3A_171 = arith.minsi %add3A_169, %min3A_170 : i32
      %mul3A_172 = arith.constant 80 : i32
      %mul3A_173 = arith.muli %min3A_171, %mul3A_172 : i32
      %add3A_174 = arith.addi %mul3A_11, %mul3A_173 : i32
      %dma_wait3A_175 = tpu.memref_slice %arg3[%add3A_174] : memref<160000xi32, #tpu.memory_space<hbm>> -> memref<80xi32, #tpu.memory_space<hbm>>
      %dma_wait3A_176 = tpu.memref_slice %arg3[%add3A_174] : memref<160000xi32, #tpu.memory_space<hbm>> -> memref<80xi32, #tpu.memory_space<hbm>>
      tpu.wait_dma2 semaphore(%arg23 : memref<!tpu.dma_semaphore, #tpu.memory_space<semaphore_mem>>) src(%dma_wait3A_176 : memref<80xi32, #tpu.memory_space<hbm>>) dst(%arg6 : memref<80xi32, #tpu.memory_space<vmem>>)
      %mul3A_177 = arith.constant 80 : i32
      %mul3A_178 = arith.muli %min3A_171, %mul3A_177 : i32
      %add3A_179 = arith.addi %mul3A_11, %mul3A_178 : i32
      %dma_wait3A_180 = tpu.memref_slice %arg4[%add3A_179] : memref<160000xi32, #tpu.memory_space<hbm>> -> memref<80xi32, #tpu.memory_space<hbm>>
      %dma_wait3A_181 = tpu.memref_slice %arg4[%add3A_179] : memref<160000xi32, #tpu.memory_space<hbm>> -> memref<80xi32, #tpu.memory_space<hbm>>
      tpu.wait_dma2 semaphore(%arg23 : memref<!tpu.dma_semaphore, #tpu.memory_space<semaphore_mem>>) src(%dma_wait3A_181 : memref<80xi32, #tpu.memory_space<hbm>>) dst(%arg12 : memref<80xi32, #tpu.memory_space<vmem>>)
      %scan3A_182 = arith.constant 0 : i32
      %scan3A_183 = arith.constant 5 : i32
      %scan3A_184 = arith.addi %scan3A_182, %scan3A_183 : i32
      %scan3A_185 = arith.constant 1 : i32
      scf.for %scan3A_248 = %scan3A_182 to %scan3A_184 step %scan3A_185  : i32 {
        %mul3A_249 = arith.constant 1 : i32
        %mul3A_250 = arith.muli %scan3A_248, %mul3A_249 : i32
        %add3A_251 = arith.constant 0 : i32
        %add3A_252 = arith.addi %add3A_251, %mul3A_250 : i32
        %mul3A_253 = arith.constant 16 : i32
        %mul3A_254 = arith.muli %add3A_252, %mul3A_253 : i32
        %get3A = arith.index_cast %mul3A_254 : i32 to index
        %get3A_255 = tpu.vector_load %arg6[%get3A] {strides = array<i32>} : memref<80xi32, #tpu.memory_space<vmem>>, vector<16xi32>,
        %get3A_256 = vector.shape_cast %get3A_255 : vector<16xi32> to vector<16xi32>
        %add3A_257 = vector.broadcast %mul3A_0 : i32 to vector<16xi32>
        %add3A_258 = arith.addi %get3A_256, %add3A_257 : vector<16xi32>
        %mul3A_259 = arith.constant 16 : i32
        %mul3A_260 = arith.muli %add3A_252, %mul3A_259 : i32
        %swap3A = arith.index_cast %mul3A_260 : i32 to index
        %swap3A_261 = tpu.vector_load %arg9[%swap3A] {strides = array<i32>} : memref<80xi32, #tpu.memory_space<vmem>>, vector<16xi32>,
        %swap3A_262 = vector.shape_cast %swap3A_261 : vector<16xi32> to vector<16xi32>
        %swap3A_263 = vector.shape_cast %add3A_258 : vector<16xi32> to vector<16xi32>
        tpu.vector_store %arg9[%swap3A], %swap3A_263 {strides = array<i32>} : memref<80xi32, #tpu.memory_space<vmem>>, vector<16xi32>,
      }
      %scan3A_186 = arith.constant 5 : i32
      %dma_start3A_187 = arith.constant 0 : i32
      %dma_start3A_188 = arith.constant 0 : i32
      %dma_start3A_189 = tpu.memref_slice %arg2[%dma_start3A_187, %dma_start3A_188] : memref<20000x128xf32, #tpu.memory_space<hbm>> -> memref<20000x128xf32, #tpu.memory_space<hbm>>
      tpu.enqueue_indirect_dma source(%dma_start3A_189 : memref<20000x128xf32, #tpu.memory_space<hbm>>) target(%arg15 : memref<80x128xf32, #tpu.memory_space<vmem>>) offsets(%arg9 : memref<80xi32, #tpu.memory_space<vmem>>) semaphore(%arg20 : memref<!tpu.dma_semaphore, #tpu.memory_space<semaphore_mem>>)
      %dma_wait3A_190 = arith.constant 0 : i32
      %dma_wait3A_191 = arith.constant 0 : i32
      %dma_wait3A_192 = tpu.memref_slice %arg2[%dma_wait3A_190, %dma_wait3A_191] : memref<20000x128xf32, #tpu.memory_space<hbm>> -> memref<20000x128xf32, #tpu.memory_space<hbm>>
      tpu.wait_indirect_dma semaphore(%arg21 : memref<!tpu.dma_semaphore, #tpu.memory_space<semaphore_mem>>) src(%dma_wait3A_192 : memref<20000x128xf32, #tpu.memory_space<hbm>>) dst(%arg16 : memref<80x128xf32, #tpu.memory_space<vmem>>)
      "tpu.region"() ({
        %run_scoped3A = tpu.sem_alloc : memref<!tpu.dma_semaphore, #tpu.memory_space<semaphore_mem>>
        %dma_start3A_248 = arith.constant 0 : i32
        %dma_start3A_249 = arith.constant 0 : i32
        %dma_start3A_250 = tpu.memref_slice %arg19[%dma_start3A_248, %dma_start3A_249] : memref<10240x128xf32, #tpu.memory_space<vmem_shared>> -> memref<10240x128xf32, #tpu.memory_space<vmem_shared>>
        tpu.enqueue_indirect_dma source(%arg16 : memref<80x128xf32, #tpu.memory_space<vmem>>) target(%dma_start3A_250 : memref<10240x128xf32, #tpu.memory_space<vmem_shared>>) offsets(%arg13 : memref<80xi32, #tpu.memory_space<vmem>>) semaphore(%run_scoped3A : memref<!tpu.dma_semaphore, #tpu.memory_space<semaphore_mem>>) {add = true}
        %dma_wait3A_251 = arith.constant 0 : i32
        %dma_wait3A_252 = arith.constant 0 : i32
        %dma_wait3A_253 = tpu.memref_slice %arg19[%dma_wait3A_251, %dma_wait3A_252] : memref<10240x128xf32, #tpu.memory_space<vmem_shared>> -> memref<10240x128xf32, #tpu.memory_space<vmem_shared>>
        tpu.wait_indirect_dma semaphore(%run_scoped3A : memref<!tpu.dma_semaphore, #tpu.memory_space<semaphore_mem>>) src(%arg16 : memref<80x128xf32, #tpu.memory_space<vmem>>) dst(%dma_wait3A_253 : memref<10240x128xf32, #tpu.memory_space<vmem_shared>>)
        tpu.yield
      }) : () -> ()
      %add3A_193 = arith.constant 3 : i32
      %add3A_194 = arith.addi %add3A_167, %add3A_193 : i32
      %min3A_195 = arith.constant 124 : i32
      %min3A_196 = arith.minsi %add3A_194, %min3A_195 : i32
      %mul3A_197 = arith.constant 80 : i32
      %mul3A_198 = arith.muli %min3A_196, %mul3A_197 : i32
      %add3A_199 = arith.addi %mul3A_11, %mul3A_198 : i32
      %dma_start3A_200 = tpu.memref_slice %arg3[%add3A_199] : memref<160000xi32, #tpu.memory_space<hbm>> -> memref<80xi32, #tpu.memory_space<hbm>>
      %dma_start3A_201 = tpu.memref_slice %arg3[%add3A_199] : memref<160000xi32, #tpu.memory_space<hbm>> -> memref<80xi32, #tpu.memory_space<hbm>>
      tpu.enqueue_dma source(%dma_start3A_201 : memref<80xi32, #tpu.memory_space<hbm>>) target(%arg7 : memref<80xi32, #tpu.memory_space<vmem>>) target_semaphore(%arg24 : memref<!tpu.dma_semaphore, #tpu.memory_space<semaphore_mem>>)
      %mul3A_202 = arith.constant 80 : i32
      %mul3A_203 = arith.muli %min3A_196, %mul3A_202 : i32
      %add3A_204 = arith.addi %mul3A_11, %mul3A_203 : i32
      %dma_start3A_205 = tpu.memref_slice %arg4[%add3A_204] : memref<160000xi32, #tpu.memory_space<hbm>> -> memref<80xi32, #tpu.memory_space<hbm>>
      %dma_start3A_206 = tpu.memref_slice %arg4[%add3A_204] : memref<160000xi32, #tpu.memory_space<hbm>> -> memref<80xi32, #tpu.memory_space<hbm>>
      tpu.enqueue_dma source(%dma_start3A_206 : memref<80xi32, #tpu.memory_space<hbm>>) target(%arg13 : memref<80xi32, #tpu.memory_space<vmem>>) target_semaphore(%arg24 : memref<!tpu.dma_semaphore, #tpu.memory_space<semaphore_mem>>)
      %add3A_207 = arith.constant 2 : i32
      %add3A_208 = arith.addi %mul3A_124, %add3A_207 : i32
      %add3A_209 = arith.constant 2 : i32
      %add3A_210 = arith.addi %add3A_208, %add3A_209 : i32
      %min3A_211 = arith.constant 124 : i32
      %min3A_212 = arith.minsi %add3A_210, %min3A_211 : i32
      %mul3A_213 = arith.constant 80 : i32
      %mul3A_214 = arith.muli %min3A_212, %mul3A_213 : i32
      %add3A_215 = arith.addi %mul3A_11, %mul3A_214 : i32
      %dma_wait3A_216 = tpu.memref_slice %arg3[%add3A_215] : memref<160000xi32, #tpu.memory_space<hbm>> -> memref<80xi32, #tpu.memory_space<hbm>>
      %dma_wait3A_217 = tpu.memref_slice %arg3[%add3A_215] : memref<160000xi32, #tpu.memory_space<hbm>> -> memref<80xi32, #tpu.memory_space<hbm>>
      tpu.wait_dma2 semaphore(%arg24 : memref<!tpu.dma_semaphore, #tpu.memory_space<semaphore_mem>>) src(%dma_wait3A_217 : memref<80xi32, #tpu.memory_space<hbm>>) dst(%arg7 : memref<80xi32, #tpu.memory_space<vmem>>)
      %mul3A_218 = arith.constant 80 : i32
      %mul3A_219 = arith.muli %min3A_212, %mul3A_218 : i32
      %add3A_220 = arith.addi %mul3A_11, %mul3A_219 : i32
      %dma_wait3A_221 = tpu.memref_slice %arg4[%add3A_220] : memref<160000xi32, #tpu.memory_space<hbm>> -> memref<80xi32, #tpu.memory_space<hbm>>
      %dma_wait3A_222 = tpu.memref_slice %arg4[%add3A_220] : memref<160000xi32, #tpu.memory_space<hbm>> -> memref<80xi32, #tpu.memory_space<hbm>>
      tpu.wait_dma2 semaphore(%arg24 : memref<!tpu.dma_semaphore, #tpu.memory_space<semaphore_mem>>) src(%dma_wait3A_222 : memref<80xi32, #tpu.memory_space<hbm>>) dst(%arg13 : memref<80xi32, #tpu.memory_space<vmem>>)
      %scan3A_223 = arith.constant 0 : i32
      %scan3A_224 = arith.constant 5 : i32
      %scan3A_225 = arith.addi %scan3A_223, %scan3A_224 : i32
      %scan3A_226 = arith.constant 1 : i32
      scf.for %scan3A_248 = %scan3A_223 to %scan3A_225 step %scan3A_226  : i32 {
        %mul3A_249 = arith.constant 1 : i32
        %mul3A_250 = arith.muli %scan3A_248, %mul3A_249 : i32
        %add3A_251 = arith.constant 0 : i32
        %add3A_252 = arith.addi %add3A_251, %mul3A_250 : i32
        %mul3A_253 = arith.constant 16 : i32
        %mul3A_254 = arith.muli %add3A_252, %mul3A_253 : i32
        %get3A = arith.index_cast %mul3A_254 : i32 to index
        %get3A_255 = tpu.vector_load %arg7[%get3A] {strides = array<i32>} : memref<80xi32, #tpu.memory_space<vmem>>, vector<16xi32>,
        %get3A_256 = vector.shape_cast %get3A_255 : vector<16xi32> to vector<16xi32>
        %add3A_257 = vector.broadcast %mul3A_0 : i32 to vector<16xi32>
        %add3A_258 = arith.addi %get3A_256, %add3A_257 : vector<16xi32>
        %mul3A_259 = arith.constant 16 : i32
        %mul3A_260 = arith.muli %add3A_252, %mul3A_259 : i32
        %swap3A = arith.index_cast %mul3A_260 : i32 to index
        %swap3A_261 = tpu.vector_load %arg10[%swap3A] {strides = array<i32>} : memref<80xi32, #tpu.memory_space<vmem>>, vector<16xi32>,
        %swap3A_262 = vector.shape_cast %swap3A_261 : vector<16xi32> to vector<16xi32>
        %swap3A_263 = vector.shape_cast %add3A_258 : vector<16xi32> to vector<16xi32>
        tpu.vector_store %arg10[%swap3A], %swap3A_263 {strides = array<i32>} : memref<80xi32, #tpu.memory_space<vmem>>, vector<16xi32>,
      }
      %scan3A_227 = arith.constant 5 : i32
      %dma_start3A_228 = arith.constant 0 : i32
      %dma_start3A_229 = arith.constant 0 : i32
      %dma_start3A_230 = tpu.memref_slice %arg2[%dma_start3A_228, %dma_start3A_229] : memref<20000x128xf32, #tpu.memory_space<hbm>> -> memref<20000x128xf32, #tpu.memory_space<hbm>>
      tpu.enqueue_indirect_dma source(%dma_start3A_230 : memref<20000x128xf32, #tpu.memory_space<hbm>>) target(%arg16 : memref<80x128xf32, #tpu.memory_space<vmem>>) offsets(%arg10 : memref<80xi32, #tpu.memory_space<vmem>>) semaphore(%arg21 : memref<!tpu.dma_semaphore, #tpu.memory_space<semaphore_mem>>)
      %dma_wait3A_231 = arith.constant 0 : i32
      %dma_wait3A_232 = arith.constant 0 : i32
      %dma_wait3A_233 = tpu.memref_slice %arg2[%dma_wait3A_231, %dma_wait3A_232] : memref<20000x128xf32, #tpu.memory_space<hbm>> -> memref<20000x128xf32, #tpu.memory_space<hbm>>
      tpu.wait_indirect_dma semaphore(%arg22 : memref<!tpu.dma_semaphore, #tpu.memory_space<semaphore_mem>>) src(%dma_wait3A_233 : memref<20000x128xf32, #tpu.memory_space<hbm>>) dst(%arg17 : memref<80x128xf32, #tpu.memory_space<vmem>>)
      "tpu.region"() ({
        %run_scoped3A = tpu.sem_alloc : memref<!tpu.dma_semaphore, #tpu.memory_space<semaphore_mem>>
        %dma_start3A_248 = arith.constant 0 : i32
        %dma_start3A_249 = arith.constant 0 : i32
        %dma_start3A_250 = tpu.memref_slice %arg19[%dma_start3A_248, %dma_start3A_249] : memref<10240x128xf32, #tpu.memory_space<vmem_shared>> -> memref<10240x128xf32, #tpu.memory_space<vmem_shared>>
        tpu.enqueue_indirect_dma source(%arg17 : memref<80x128xf32, #tpu.memory_space<vmem>>) target(%dma_start3A_250 : memref<10240x128xf32, #tpu.memory_space<vmem_shared>>) offsets(%arg14 : memref<80xi32, #tpu.memory_space<vmem>>) semaphore(%run_scoped3A : memref<!tpu.dma_semaphore, #tpu.memory_space<semaphore_mem>>) {add = true}
        %dma_wait3A_251 = arith.constant 0 : i32
        %dma_wait3A_252 = arith.constant 0 : i32
        %dma_wait3A_253 = tpu.memref_slice %arg19[%dma_wait3A_251, %dma_wait3A_252] : memref<10240x128xf32, #tpu.memory_space<vmem_shared>> -> memref<10240x128xf32, #tpu.memory_space<vmem_shared>>
        tpu.wait_indirect_dma semaphore(%run_scoped3A : memref<!tpu.dma_semaphore, #tpu.memory_space<semaphore_mem>>) src(%arg17 : memref<80x128xf32, #tpu.memory_space<vmem>>) dst(%dma_wait3A_253 : memref<10240x128xf32, #tpu.memory_space<vmem_shared>>)
        tpu.yield
      }) : () -> ()
      %add3A_234 = arith.constant 3 : i32
      %add3A_235 = arith.addi %add3A_208, %add3A_234 : i32
      %min3A_236 = arith.constant 124 : i32
      %min3A_237 = arith.minsi %add3A_235, %min3A_236 : i32
      %mul3A_238 = arith.constant 80 : i32
      %mul3A_239 = arith.muli %min3A_237, %mul3A_238 : i32
      %add3A_240 = arith.addi %mul3A_11, %mul3A_239 : i32
      %dma_start3A_241 = tpu.memref_slice %arg3[%add3A_240] : memref<160000xi32, #tpu.memory_space<hbm>> -> memref<80xi32, #tpu.memory_space<hbm>>
      %dma_start3A_242 = tpu.memref_slice %arg3[%add3A_240] : memref<160000xi32, #tpu.memory_space<hbm>> -> memref<80xi32, #tpu.memory_space<hbm>>
      tpu.enqueue_dma source(%dma_start3A_242 : memref<80xi32, #tpu.memory_space<hbm>>) target(%arg8 : memref<80xi32, #tpu.memory_space<vmem>>) target_semaphore(%arg25 : memref<!tpu.dma_semaphore, #tpu.memory_space<semaphore_mem>>)
      %mul3A_243 = arith.constant 80 : i32
      %mul3A_244 = arith.muli %min3A_237, %mul3A_243 : i32
      %add3A_245 = arith.addi %mul3A_11, %mul3A_244 : i32
      %dma_start3A_246 = tpu.memref_slice %arg4[%add3A_245] : memref<160000xi32, #tpu.memory_space<hbm>> -> memref<80xi32, #tpu.memory_space<hbm>>
      %dma_start3A_247 = tpu.memref_slice %arg4[%add3A_245] : memref<160000xi32, #tpu.memory_space<hbm>> -> memref<80xi32, #tpu.memory_space<hbm>>
      tpu.enqueue_dma source(%dma_start3A_247 : memref<80xi32, #tpu.memory_space<hbm>>) target(%arg14 : memref<80xi32, #tpu.memory_space<vmem>>) target_semaphore(%arg25 : memref<!tpu.dma_semaphore, #tpu.memory_space<semaphore_mem>>)
    }
    %scan3A_93 = arith.constant 41 : i32
    %dma_wait3A_94 = arith.constant 0 : i32
    %dma_wait3A_95 = arith.constant 0 : i32
    %dma_wait3A_96 = tpu.memref_slice %arg2[%dma_wait3A_94, %dma_wait3A_95] : memref<20000x128xf32, #tpu.memory_space<hbm>> -> memref<20000x128xf32, #tpu.memory_space<hbm>>
    tpu.wait_indirect_dma semaphore(%arg20 : memref<!tpu.dma_semaphore, #tpu.memory_space<semaphore_mem>>) src(%dma_wait3A_96 : memref<20000x128xf32, #tpu.memory_space<hbm>>) dst(%arg15 : memref<80x128xf32, #tpu.memory_space<vmem>>)
    "tpu.region"() ({
      %run_scoped3A = tpu.sem_alloc : memref<!tpu.dma_semaphore, #tpu.memory_space<semaphore_mem>>
      %dma_start3A_118 = arith.constant 0 : i32
      %dma_start3A_119 = arith.constant 0 : i32
      %dma_start3A_120 = tpu.memref_slice %arg19[%dma_start3A_118, %dma_start3A_119] : memref<10240x128xf32, #tpu.memory_space<vmem_shared>> -> memref<10240x128xf32, #tpu.memory_space<vmem_shared>>
      tpu.enqueue_indirect_dma source(%arg15 : memref<80x128xf32, #tpu.memory_space<vmem>>) target(%dma_start3A_120 : memref<10240x128xf32, #tpu.memory_space<vmem_shared>>) offsets(%arg12 : memref<80xi32, #tpu.memory_space<vmem>>) semaphore(%run_scoped3A : memref<!tpu.dma_semaphore, #tpu.memory_space<semaphore_mem>>) {add = true}
      %dma_wait3A_121 = arith.constant 0 : i32
      %dma_wait3A_122 = arith.constant 0 : i32
      %dma_wait3A_123 = tpu.memref_slice %arg19[%dma_wait3A_121, %dma_wait3A_122] : memref<10240x128xf32, #tpu.memory_space<vmem_shared>> -> memref<10240x128xf32, #tpu.memory_space<vmem_shared>>
      tpu.wait_indirect_dma semaphore(%run_scoped3A : memref<!tpu.dma_semaphore, #tpu.memory_space<semaphore_mem>>) src(%arg15 : memref<80x128xf32, #tpu.memory_space<vmem>>) dst(%dma_wait3A_123 : memref<10240x128xf32, #tpu.memory_space<vmem_shared>>)
      tpu.yield
    }) : () -> ()
    %dma_wait3A_97 = arith.constant 0 : i32
    %dma_wait3A_98 = arith.constant 0 : i32
    %dma_wait3A_99 = tpu.memref_slice %arg2[%dma_wait3A_97, %dma_wait3A_98] : memref<20000x128xf32, #tpu.memory_space<hbm>> -> memref<20000x128xf32, #tpu.memory_space<hbm>>
    tpu.wait_indirect_dma semaphore(%arg21 : memref<!tpu.dma_semaphore, #tpu.memory_space<semaphore_mem>>) src(%dma_wait3A_99 : memref<20000x128xf32, #tpu.memory_space<hbm>>) dst(%arg16 : memref<80x128xf32, #tpu.memory_space<vmem>>)
    "tpu.region"() ({
      %run_scoped3A = tpu.sem_alloc : memref<!tpu.dma_semaphore, #tpu.memory_space<semaphore_mem>>
      %dma_start3A_118 = arith.constant 0 : i32
      %dma_start3A_119 = arith.constant 0 : i32
      %dma_start3A_120 = tpu.memref_slice %arg19[%dma_start3A_118, %dma_start3A_119] : memref<10240x128xf32, #tpu.memory_space<vmem_shared>> -> memref<10240x128xf32, #tpu.memory_space<vmem_shared>>
      tpu.enqueue_indirect_dma source(%arg16 : memref<80x128xf32, #tpu.memory_space<vmem>>) target(%dma_start3A_120 : memref<10240x128xf32, #tpu.memory_space<vmem_shared>>) offsets(%arg13 : memref<80xi32, #tpu.memory_space<vmem>>) semaphore(%run_scoped3A : memref<!tpu.dma_semaphore, #tpu.memory_space<semaphore_mem>>) {add = true}
      %dma_wait3A_121 = arith.constant 0 : i32
      %dma_wait3A_122 = arith.constant 0 : i32
      %dma_wait3A_123 = tpu.memref_slice %arg19[%dma_wait3A_121, %dma_wait3A_122] : memref<10240x128xf32, #tpu.memory_space<vmem_shared>> -> memref<10240x128xf32, #tpu.memory_space<vmem_shared>>
      tpu.wait_indirect_dma semaphore(%run_scoped3A : memref<!tpu.dma_semaphore, #tpu.memory_space<semaphore_mem>>) src(%arg16 : memref<80x128xf32, #tpu.memory_space<vmem>>) dst(%dma_wait3A_123 : memref<10240x128xf32, #tpu.memory_space<vmem_shared>>)
      tpu.yield
    }) : () -> ()
    %min3A_100 = arith.constant 124 : i32
    %min3A_101 = arith.constant 124 : i32
    %min3A_102 = arith.minsi %min3A_100, %min3A_101 : i32
    %mul3A_103 = arith.constant 80 : i32
    %mul3A_104 = arith.muli %min3A_102, %mul3A_103 : i32
    %add3A_105 = arith.addi %mul3A_11, %mul3A_104 : i32
    %dma_wait3A_106 = tpu.memref_slice %arg3[%add3A_105] : memref<160000xi32, #tpu.memory_space<hbm>> -> memref<80xi32, #tpu.memory_space<hbm>>
    %dma_wait3A_107 = tpu.memref_slice %arg3[%add3A_105] : memref<160000xi32, #tpu.memory_space<hbm>> -> memref<80xi32, #tpu.memory_space<hbm>>
    tpu.wait_dma2 semaphore(%arg25 : memref<!tpu.dma_semaphore, #tpu.memory_space<semaphore_mem>>) src(%dma_wait3A_107 : memref<80xi32, #tpu.memory_space<hbm>>) dst(%arg8 : memref<80xi32, #tpu.memory_space<vmem>>)
    %mul3A_108 = arith.constant 80 : i32
    %mul3A_109 = arith.muli %min3A_102, %mul3A_108 : i32
    %add3A_110 = arith.addi %mul3A_11, %mul3A_109 : i32
    %dma_wait3A_111 = tpu.memref_slice %arg4[%add3A_110] : memref<160000xi32, #tpu.memory_space<hbm>> -> memref<80xi32, #tpu.memory_space<hbm>>
    %dma_wait3A_112 = tpu.memref_slice %arg4[%add3A_110] : memref<160000xi32, #tpu.memory_space<hbm>> -> memref<80xi32, #tpu.memory_space<hbm>>
    tpu.wait_dma2 semaphore(%arg25 : memref<!tpu.dma_semaphore, #tpu.memory_space<semaphore_mem>>) src(%dma_wait3A_112 : memref<80xi32, #tpu.memory_space<hbm>>) dst(%arg14 : memref<80xi32, #tpu.memory_space<vmem>>)
    %barrier3A_113 = arith.constant 0 : index
    tpu.barrier barrier_id(%barrier3A_113)
    %mul3A_114 = arith.constant 640 : i32
    %mul3A_115 = arith.muli %arg1, %mul3A_114 : i32
    %mul3A_116 = arith.constant 640 : i32
    %mul3A_117 = arith.muli %arg1, %mul3A_116 : i32
    "tpu.region"() ({
      %run_scoped3A = tpu.sem_alloc : memref<!tpu.dma_semaphore, #tpu.memory_space<semaphore_mem>>
      %dma_start3A_118 = arith.constant 0 : i32
      %dma_start3A_119 = tpu.memref_slice %arg5[%arg0, %mul3A_117, %dma_start3A_118] : memref<2x10240x128xf32, #tpu.memory_space<hbm>> -> memref<1x640x128xf32, #tpu.memory_space<hbm>>
      %dma_start3A_120 = tpu.memref_squeeze %dma_start3A_119 : memref<1x640x128xf32, #tpu.memory_space<hbm>> -> memref<640x128xf32, #tpu.memory_space<hbm>>
      %dma_start3A_121 = arith.constant 0 : i32
      %dma_start3A_122 = tpu.memref_slice %arg19[%mul3A_115, %dma_start3A_121] : memref<10240x128xf32, #tpu.memory_space<vmem_shared>> -> memref<640x128xf32, #tpu.memory_space<vmem_shared>>
      tpu.enqueue_dma source(%dma_start3A_122 : memref<640x128xf32, #tpu.memory_space<vmem_shared>>) target(%dma_start3A_120 : memref<640x128xf32, #tpu.memory_space<hbm>>) target_semaphore(%run_scoped3A : memref<!tpu.dma_semaphore, #tpu.memory_space<semaphore_mem>>)
      %dma_wait3A_123 = arith.constant 0 : i32
      %dma_wait3A_124 = tpu.memref_slice %arg5[%arg0, %mul3A_117, %dma_wait3A_123] : memref<2x10240x128xf32, #tpu.memory_space<hbm>> -> memref<1x640x128xf32, #tpu.memory_space<hbm>>
      %dma_wait3A_125 = tpu.memref_squeeze %dma_wait3A_124 : memref<1x640x128xf32, #tpu.memory_space<hbm>> -> memref<640x128xf32, #tpu.memory_space<hbm>>
      %dma_wait3A_126 = arith.constant 0 : i32
      %dma_wait3A_127 = tpu.memref_slice %arg19[%mul3A_115, %dma_wait3A_126] : memref<10240x128xf32, #tpu.memory_space<vmem_shared>> -> memref<640x128xf32, #tpu.memory_space<vmem_shared>>
      tpu.wait_dma2 semaphore(%run_scoped3A : memref<!tpu.dma_semaphore, #tpu.memory_space<semaphore_mem>>) src(%dma_wait3A_127 : memref<640x128xf32, #tpu.memory_space<vmem_shared>>) dst(%dma_wait3A_125 : memref<640x128xf32, #tpu.memory_space<hbm>>)
      tpu.yield
    }) : () -> ()
    return
  }
}

#map = affine_map<(d0, d1) -> (0, 0)>
#map1 = affine_map<(d0, d1) -> (0)>
#map2 = affine_map<(d0, d1) -> (0, 0, 0)>
module attributes {stable_mosaic.version = 14 : i64} {
  func.func @kern(%arg0: i32, %arg1: i32, %arg2: memref<20000x128xf32, #tpu.memory_space<hbm>>, %arg3: memref<160000xi32, #tpu.memory_space<hbm>>, %arg4: memref<160000xi32, #tpu.memory_space<hbm>>, %arg5: memref<2x10240x128xf32, #tpu.memory_space<hbm>>, %arg6: memref<80xi32, #tpu.memory_space<vmem>>, %arg7: memref<80xi32, #tpu.memory_space<vmem>>, %arg8: memref<80xi32, #tpu.memory_space<vmem>>, %arg9: memref<80xi32, #tpu.memory_space<vmem>>, %arg10: memref<80xi32, #tpu.memory_space<vmem>>, %arg11: memref<80xi32, #tpu.memory_space<vmem>>, %arg12: memref<80xi32, #tpu.memory_space<vmem>>, %arg13: memref<80xi32, #tpu.memory_space<vmem>>, %arg14: memref<80xi32, #tpu.memory_space<vmem>>, %arg15: memref<80x128xf32, #tpu.memory_space<vmem>>, %arg16: memref<80x128xf32, #tpu.memory_space<vmem>>, %arg17: memref<80x128xf32, #tpu.memory_space<vmem>>, %arg18: memref<128x128xf32, #tpu.memory_space<vmem>>, %arg19: memref<10240x128xf32, #tpu.memory_space<vmem_shared>>, %arg20: memref<!tpu.dma_semaphore, #tpu.memory_space<semaphore_mem>>, %arg21: memref<!tpu.dma_semaphore, #tpu.memory_space<semaphore_mem>>, %arg22: memref<!tpu.dma_semaphore, #tpu.memory_space<semaphore_mem>>, %arg23: memref<!tpu.dma_semaphore, #tpu.memory_space<semaphore_mem>>, %arg24: memref<!tpu.dma_semaphore, #tpu.memory_space<semaphore_mem>>, %arg25: memref<!tpu.dma_semaphore, #tpu.memory_space<semaphore_mem>>) attributes {dimension_semantics = [#tpu.dimension_semantics<core_parallel>, #tpu.dimension_semantics<subcore_parallel>], iteration_bounds = array<i64: 2, 16>, scalar_prefetch = 0 : i64, scratch_operands = 20 : i64, tpu.core_type = #tpu.core_type<sc_vector_subcore>, window_params = [{transform_indices = #map}, {transform_indices = #map1}, {transform_indices = #map1}, {transform_indices = #map2}]} {
    %mul3A = arith.constant 10000 : i32
    %mul3A_0 = arith.muli %arg0, %mul3A : i32
    %scan3A = arith.constant 0 : i32
    %scan3A_1 = arith.constant 128 : i32
    %scan3A_2 = arith.addi %scan3A, %scan3A_1 : i32
    %scan3A_3 = arith.constant 1 : i32
    scf.for %scan3A_118 = %scan3A to %scan3A_2 step %scan3A_3  : i32 {
      %mul3A_119 = arith.constant 1 : i32
      %mul3A_120 = arith.muli %scan3A_118, %mul3A_119 : i32
      %add3A_121 = arith.constant 0 : i32
      %add3A_122 = arith.addi %add3A_121, %mul3A_120 : i32
      %scan3A_123 = arith.constant 0 : i32
      %scan3A_124 = arith.constant 8 : i32
      %scan3A_125 = arith.addi %scan3A_123, %scan3A_124 : i32
      %scan3A_126 = arith.constant 1 : i32
      scf.for %scan3A_128 = %scan3A_123 to %scan3A_125 step %scan3A_126  : i32 {
        %mul3A_129 = arith.constant 1 : i32
        %mul3A_130 = arith.muli %scan3A_128, %mul3A_129 : i32
        %add3A_131 = arith.constant 0 : i32
        %add3A_132 = arith.addi %add3A_131, %mul3A_130 : i32
        %broadcast_in_dim3A = arith.constant 0.000000e+00 : f32
        %broadcast_in_dim3A_133 = vector.broadcast %broadcast_in_dim3A : f32 to vector<16xf32>
        %mul3A_134 = arith.constant 16 : i32
        %mul3A_135 = arith.muli %add3A_132, %mul3A_134 : i32
        %swap3A = arith.index_cast %add3A_122 : i32 to index
        %swap3A_136 = arith.index_cast %mul3A_135 : i32 to index
        %swap3A_137 = tpu.vector_load %arg18[%swap3A, %swap3A_136] {strides = array<i32>} : memref<128x128xf32, #tpu.memory_space<vmem>>, vector<1x16xf32>,
        %swap3A_138 = vector.shape_cast %swap3A_137 : vector<1x16xf32> to vector<16xf32>
        %swap3A_139 = vector.shape_cast %broadcast_in_dim3A_133 : vector<16xf32> to vector<1x16xf32>
        tpu.vector_store %arg18[%swap3A, %swap3A_136], %swap3A_139 {strides = array<i32>} : memref<128x128xf32, #tpu.memory_space<vmem>>, vector<1x16xf32>,
      }
      %scan3A_127 = arith.constant 8 : i32
    }
    %scan3A_4 = arith.constant 128 : i32
    %scan3A_5 = arith.constant 0 : i32
    %scan3A_6 = arith.constant 5 : i32
    %scan3A_7 = arith.addi %scan3A_5, %scan3A_6 : i32
    %scan3A_8 = arith.constant 1 : i32
    scf.for %scan3A_118 = %scan3A_5 to %scan3A_7 step %scan3A_8  : i32 {
      %mul3A_119 = arith.constant 1 : i32
      %mul3A_120 = arith.muli %scan3A_118, %mul3A_119 : i32
      %add3A_121 = arith.constant 0 : i32
      %add3A_122 = arith.addi %add3A_121, %mul3A_120 : i32
      %mul3A_123 = arith.constant 640 : i32
      %mul3A_124 = arith.muli %arg1, %mul3A_123 : i32
      %mul3A_125 = arith.constant 128 : i32
      %mul3A_126 = arith.muli %add3A_122, %mul3A_125 : i32
      %add3A_127 = arith.addi %mul3A_124, %mul3A_126 : i32
      "tpu.region"() ({
        %run_scoped3A = tpu.sem_alloc : memref<!tpu.dma_semaphore, #tpu.memory_space<semaphore_mem>>
        %dma_start3A_128 = arith.constant 0 : i32
        %dma_start3A_129 = tpu.memref_slice %arg19[%add3A_127, %dma_start3A_128] : memref<10240x128xf32, #tpu.memory_space<vmem_shared>> -> memref<128x128xf32, #tpu.memory_space<vmem_shared>>
        %dma_start3A_130 = arith.constant 0 : i32
        %dma_start3A_131 = tpu.memref_slice %arg19[%add3A_127, %dma_start3A_130] : memref<10240x128xf32, #tpu.memory_space<vmem_shared>> -> memref<128x128xf32, #tpu.memory_space<vmem_shared>>
        tpu.enqueue_dma source(%arg18 : memref<128x128xf32, #tpu.memory_space<vmem>>) target(%dma_start3A_131 : memref<128x128xf32, #tpu.memory_space<vmem_shared>>) target_semaphore(%run_scoped3A : memref<!tpu.dma_semaphore, #tpu.memory_space<semaphore_mem>>)
        %dma_wait3A_132 = arith.constant 0 : i32
        %dma_wait3A_133 = tpu.memref_slice %arg19[%add3A_127, %dma_wait3A_132] : memref<10240x128xf32, #tpu.memory_space<vmem_shared>> -> memref<128x128xf32, #tpu.memory_space<vmem_shared>>
        %dma_wait3A_134 = arith.constant 0 : i32
        %dma_wait3A_135 = tpu.memref_slice %arg19[%add3A_127, %dma_wait3A_134] : memref<10240x128xf32, #tpu.memory_space<vmem_shared>> -> memref<128x128xf32, #tpu.memory_space<vmem_shared>>
        tpu.wait_dma2 semaphore(%run_scoped3A : memref<!tpu.dma_semaphore, #tpu.memory_space<semaphore_mem>>) src(%arg18 : memref<128x128xf32, #tpu.memory_space<vmem>>) dst(%dma_wait3A_135 : memref<128x128xf32, #tpu.memory_space<vmem_shared>>)
        tpu.yield
      }) : () -> ()
    }
    %scan3A_9 = arith.constant 5 : i32
    %barrier3A = arith.constant 0 : index
    tpu.barrier barrier_id(%barrier3A)
    %mul3A_10 = arith.constant 10000 : i32
    %mul3A_11 = arith.muli %arg1, %mul3A_10 : i32
    %min3A = arith.constant 0 : i32
    %min3A_12 = arith.constant 124 : i32
    %min3A_13 = arith.minsi %min3A, %min3A_12 : i32
    %mul3A_14 = arith.constant 80 : i32
    %mul3A_15 = arith.muli %min3A_13, %mul3A_14 : i32
    %add3A = arith.addi %mul3A_11, %mul3A_15 : i32
    %dma_start3A = tpu.memref_slice %arg3[%add3A] : memref<160000xi32, #tpu.memory_space<hbm>> -> memref<80xi32, #tpu.memory_space<hbm>>
    %dma_start3A_16 = tpu.memref_slice %arg3[%add3A] : memref<160000xi32, #tpu.memory_space<hbm>> -> memref<80xi32, #tpu.memory_space<hbm>>
    tpu.enqueue_dma source(%dma_start3A_16 : memref<80xi32, #tpu.memory_space<hbm>>) target(%arg6 : memref<80xi32, #tpu.memory_space<vmem>>) target_semaphore(%arg23 : memref<!tpu.dma_semaphore, #tpu.memory_space<semaphore_mem>>)
    %mul3A_17 = arith.constant 80 : i32
    %mul3A_18 = arith.muli %min3A_13, %mul3A_17 : i32
    %add3A_19 = arith.addi %mul3A_11, %mul3A_18 : i32
    %dma_start3A_20 = tpu.memref_slice %arg4[%add3A_19] : memref<160000xi32, #tpu.memory_space<hbm>> -> memref<80xi32, #tpu.memory_space<hbm>>
    %dma_start3A_21 = tpu.memref_slice %arg4[%add3A_19] : memref<160000xi32, #tpu.memory_space<hbm>> -> memref<80xi32, #tpu.memory_space<hbm>>
    tpu.enqueue_dma source(%dma_start3A_21 : memref<80xi32, #tpu.memory_space<hbm>>) target(%arg12 : memref<80xi32, #tpu.memory_space<vmem>>) target_semaphore(%arg23 : memref<!tpu.dma_semaphore, #tpu.memory_space<semaphore_mem>>)
    %min3A_22 = arith.constant 0 : i32
    %min3A_23 = arith.constant 124 : i32
    %min3A_24 = arith.minsi %min3A_22, %min3A_23 : i32
    %mul3A_25 = arith.constant 80 : i32
    %mul3A_26 = arith.muli %min3A_24, %mul3A_25 : i32
    %add3A_27 = arith.addi %mul3A_11, %mul3A_26 : i32
    %dma_wait3A = tpu.memref_slice %arg3[%add3A_27] : memref<160000xi32, #tpu.memory_space<hbm>> -> memref<80xi32, #tpu.memory_space<hbm>>
    %dma_wait3A_28 = tpu.memref_slice %arg3[%add3A_27] : memref<160000xi32, #tpu.memory_space<hbm>> -> memref<80xi32, #tpu.memory_space<hbm>>
    tpu.wait_dma2 semaphore(%arg23 : memref<!tpu.dma_semaphore, #tpu.memory_space<semaphore_mem>>) src(%dma_wait3A_28 : memref<80xi32, #tpu.memory_space<hbm>>) dst(%arg6 : memref<80xi32, #tpu.memory_space<vmem>>)
    %mul3A_29 = arith.constant 80 : i32
    %mul3A_30 = arith.muli %min3A_24, %mul3A_29 : i32
    %add3A_31 = arith.addi %mul3A_11, %mul3A_30 : i32
    %dma_wait3A_32 = tpu.memref_slice %arg4[%add3A_31] : memref<160000xi32, #tpu.memory_space<hbm>> -> memref<80xi32, #tpu.memory_space<hbm>>
    %dma_wait3A_33 = tpu.memref_slice %arg4[%add3A_31] : memref<160000xi32, #tpu.memory_space<hbm>> -> memref<80xi32, #tpu.memory_space<hbm>>
    tpu.wait_dma2 semaphore(%arg23 : memref<!tpu.dma_semaphore, #tpu.memory_space<semaphore_mem>>) src(%dma_wait3A_33 : memref<80xi32, #tpu.memory_space<hbm>>) dst(%arg12 : memref<80xi32, #tpu.memory_space<vmem>>)
    %scan3A_34 = arith.constant 0 : i32
    %scan3A_35 = arith.constant 5 : i32
    %scan3A_36 = arith.addi %scan3A_34, %scan3A_35 : i32
    %scan3A_37 = arith.constant 1 : i32
    scf.for %scan3A_118 = %scan3A_34 to %scan3A_36 step %scan3A_37  : i32 {
      %mul3A_119 = arith.constant 1 : i32
      %mul3A_120 = arith.muli %scan3A_118, %mul3A_119 : i32
      %add3A_121 = arith.constant 0 : i32
      %add3A_122 = arith.addi %add3A_121, %mul3A_120 : i32
      %mul3A_123 = arith.constant 16 : i32
      %mul3A_124 = arith.muli %add3A_122, %mul3A_123 : i32
      %get3A = arith.index_cast %mul3A_124 : i32 to index
      %get3A_125 = tpu.vector_load %arg6[%get3A] {strides = array<i32>} : memref<80xi32, #tpu.memory_space<vmem>>, vector<16xi32>,
      %get3A_126 = vector.shape_cast %get3A_125 : vector<16xi32> to vector<16xi32>
      %add3A_127 = vector.broadcast %mul3A_0 : i32 to vector<16xi32>
      %add3A_128 = arith.addi %get3A_126, %add3A_127 : vector<16xi32>
      %mul3A_129 = arith.constant 16 : i32
      %mul3A_130 = arith.muli %add3A_122, %mul3A_129 : i32
      %swap3A = arith.index_cast %mul3A_130 : i32 to index
      %swap3A_131 = tpu.vector_load %arg9[%swap3A] {strides = array<i32>} : memref<80xi32, #tpu.memory_space<vmem>>, vector<16xi32>,
      %swap3A_132 = vector.shape_cast %swap3A_131 : vector<16xi32> to vector<16xi32>
      %swap3A_133 = vector.shape_cast %add3A_128 : vector<16xi32> to vector<16xi32>
      tpu.vector_store %arg9[%swap3A], %swap3A_133 {strides = array<i32>} : memref<80xi32, #tpu.memory_space<vmem>>, vector<16xi32>,
    }
    %scan3A_38 = arith.constant 5 : i32
    %dma_start3A_39 = arith.constant 0 : i32
    %dma_start3A_40 = arith.constant 0 : i32
    %dma_start3A_41 = tpu.memref_slice %arg2[%dma_start3A_39, %dma_start3A_40] : memref<20000x128xf32, #tpu.memory_space<hbm>> -> memref<20000x128xf32, #tpu.memory_space<hbm>>
    tpu.enqueue_indirect_dma source(%dma_start3A_41 : memref<20000x128xf32, #tpu.memory_space<hbm>>) target(%arg15 : memref<80x128xf32, #tpu.memory_space<vmem>>) offsets(%arg9 : memref<80xi32, #tpu.memory_space<vmem>>) semaphore(%arg20 : memref<!tpu.dma_semaphore, #tpu.memory_space<semaphore_mem>>)
    %min3A_42 = arith.constant 1 : i32
    %min3A_43 = arith.constant 124 : i32
    %min3A_44 = arith.minsi %min3A_42, %min3A_43 : i32
    %mul3A_45 = arith.constant 80 : i32
    %mul3A_46 = arith.muli %min3A_44, %mul3A_45 : i32
    %add3A_47 = arith.addi %mul3A_11, %mul3A_46 : i32
    %dma_start3A_48 = tpu.memref_slice %arg3[%add3A_47] : memref<160000xi32, #tpu.memory_space<hbm>> -> memref<80xi32, #tpu.memory_space<hbm>>
    %dma_start3A_49 = tpu.memref_slice %arg3[%add3A_47] : memref<160000xi32, #tpu.memory_space<hbm>> -> memref<80xi32, #tpu.memory_space<hbm>>
    tpu.enqueue_dma source(%dma_start3A_49 : memref<80xi32, #tpu.memory_space<hbm>>) target(%arg7 : memref<80xi32, #tpu.memory_space<vmem>>) target_semaphore(%arg24 : memref<!tpu.dma_semaphore, #tpu.memory_space<semaphore_mem>>)
    %mul3A_50 = arith.constant 80 : i32
    %mul3A_51 = arith.muli %min3A_44, %mul3A_50 : i32
    %add3A_52 = arith.addi %mul3A_11, %mul3A_51 : i32
    %dma_start3A_53 = tpu.memref_slice %arg4[%add3A_52] : memref<160000xi32, #tpu.memory_space<hbm>> -> memref<80xi32, #tpu.memory_space<hbm>>
    %dma_start3A_54 = tpu.memref_slice %arg4[%add3A_52] : memref<160000xi32, #tpu.memory_space<hbm>> -> memref<80xi32, #tpu.memory_space<hbm>>
    tpu.enqueue_dma source(%dma_start3A_54 : memref<80xi32, #tpu.memory_space<hbm>>) target(%arg13 : memref<80xi32, #tpu.memory_space<vmem>>) target_semaphore(%arg24 : memref<!tpu.dma_semaphore, #tpu.memory_space<semaphore_mem>>)
    %min3A_55 = arith.constant 1 : i32
    %min3A_56 = arith.constant 124 : i32
    %min3A_57 = arith.minsi %min3A_55, %min3A_56 : i32
    %mul3A_58 = arith.constant 80 : i32
    %mul3A_59 = arith.muli %min3A_57, %mul3A_58 : i32
    %add3A_60 = arith.addi %mul3A_11, %mul3A_59 : i32
    %dma_wait3A_61 = tpu.memref_slice %arg3[%add3A_60] : memref<160000xi32, #tpu.memory_space<hbm>> -> memref<80xi32, #tpu.memory_space<hbm>>
    %dma_wait3A_62 = tpu.memref_slice %arg3[%add3A_60] : memref<160000xi32, #tpu.memory_space<hbm>> -> memref<80xi32, #tpu.memory_space<hbm>>
    tpu.wait_dma2 semaphore(%arg24 : memref<!tpu.dma_semaphore, #tpu.memory_space<semaphore_mem>>) src(%dma_wait3A_62 : memref<80xi32, #tpu.memory_space<hbm>>) dst(%arg7 : memref<80xi32, #tpu.memory_space<vmem>>)
    %mul3A_63 = arith.constant 80 : i32
    %mul3A_64 = arith.muli %min3A_57, %mul3A_63 : i32
    %add3A_65 = arith.addi %mul3A_11, %mul3A_64 : i32
    %dma_wait3A_66 = tpu.memref_slice %arg4[%add3A_65] : memref<160000xi32, #tpu.memory_space<hbm>> -> memref<80xi32, #tpu.memory_space<hbm>>
    %dma_wait3A_67 = tpu.memref_slice %arg4[%add3A_65] : memref<160000xi32, #tpu.memory_space<hbm>> -> memref<80xi32, #tpu.memory_space<hbm>>
    tpu.wait_dma2 semaphore(%arg24 : memref<!tpu.dma_semaphore, #tpu.memory_space<semaphore_mem>>) src(%dma_wait3A_67 : memref<80xi32, #tpu.memory_space<hbm>>) dst(%arg13 : memref<80xi32, #tpu.memory_space<vmem>>)
    %scan3A_68 = arith.constant 0 : i32
    %scan3A_69 = arith.constant 5 : i32
    %scan3A_70 = arith.addi %scan3A_68, %scan3A_69 : i32
    %scan3A_71 = arith.constant 1 : i32
    scf.for %scan3A_118 = %scan3A_68 to %scan3A_70 step %scan3A_71  : i32 {
      %mul3A_119 = arith.constant 1 : i32
      %mul3A_120 = arith.muli %scan3A_118, %mul3A_119 : i32
      %add3A_121 = arith.constant 0 : i32
      %add3A_122 = arith.addi %add3A_121, %mul3A_120 : i32
      %mul3A_123 = arith.constant 16 : i32
      %mul3A_124 = arith.muli %add3A_122, %mul3A_123 : i32
      %get3A = arith.index_cast %mul3A_124 : i32 to index
      %get3A_125 = tpu.vector_load %arg7[%get3A] {strides = array<i32>} : memref<80xi32, #tpu.memory_space<vmem>>, vector<16xi32>,
      %get3A_126 = vector.shape_cast %get3A_125 : vector<16xi32> to vector<16xi32>
      %add3A_127 = vector.broadcast %mul3A_0 : i32 to vector<16xi32>
      %add3A_128 = arith.addi %get3A_126, %add3A_127 : vector<16xi32>
      %mul3A_129 = arith.constant 16 : i32
      %mul3A_130 = arith.muli %add3A_122, %mul3A_129 : i32
      %swap3A = arith.index_cast %mul3A_130 : i32 to index
      %swap3A_131 = tpu.vector_load %arg10[%swap3A] {strides = array<i32>} : memref<80xi32, #tpu.memory_space<vmem>>, vector<16xi32>,
      %swap3A_132 = vector.shape_cast %swap3A_131 : vector<16xi32> to vector<16xi32>
      %swap3A_133 = vector.shape_cast %add3A_128 : vector<16xi32> to vector<16xi32>
      tpu.vector_store %arg10[%swap3A], %swap3A_133 {strides = array<i32>} : memref<80xi32, #tpu.memory_space<vmem>>, vector<16xi32>,
    }
    %scan3A_72 = arith.constant 5 : i32
    %dma_start3A_73 = arith.constant 0 : i32
    %dma_start3A_74 = arith.constant 0 : i32
    %dma_start3A_75 = tpu.memref_slice %arg2[%dma_start3A_73, %dma_start3A_74] : memref<20000x128xf32, #tpu.memory_space<hbm>> -> memref<20000x128xf32, #tpu.memory_space<hbm>>
    tpu.enqueue_indirect_dma source(%dma_start3A_75 : memref<20000x128xf32, #tpu.memory_space<hbm>>) target(%arg16 : memref<80x128xf32, #tpu.memory_space<vmem>>) offsets(%arg10 : memref<80xi32, #tpu.memory_space<vmem>>) semaphore(%arg21 : memref<!tpu.dma_semaphore, #tpu.memory_space<semaphore_mem>>)
    %min3A_76 = arith.constant 2 : i32
    %min3A_77 = arith.constant 124 : i32
    %min3A_78 = arith.minsi %min3A_76, %min3A_77 : i32
    %mul3A_79 = arith.constant 80 : i32
    %mul3A_80 = arith.muli %min3A_78, %mul3A_79 : i32
    %add3A_81 = arith.addi %mul3A_11, %mul3A_80 : i32
    %dma_start3A_82 = tpu.memref_slice %arg3[%add3A_81] : memref<160000xi32, #tpu.memory_space<hbm>> -> memref<80xi32, #tpu.memory_space<hbm>>
    %dma_start3A_83 = tpu.memref_slice %arg3[%add3A_81] : memref<160000xi32, #tpu.memory_space<hbm>> -> memref<80xi32, #tpu.memory_space<hbm>>
    tpu.enqueue_dma source(%dma_start3A_83 : memref<80xi32, #tpu.memory_space<hbm>>) target(%arg8 : memref<80xi32, #tpu.memory_space<vmem>>) target_semaphore(%arg25 : memref<!tpu.dma_semaphore, #tpu.memory_space<semaphore_mem>>)
    %mul3A_84 = arith.constant 80 : i32
    %mul3A_85 = arith.muli %min3A_78, %mul3A_84 : i32
    %add3A_86 = arith.addi %mul3A_11, %mul3A_85 : i32
    %dma_start3A_87 = tpu.memref_slice %arg4[%add3A_86] : memref<160000xi32, #tpu.memory_space<hbm>> -> memref<80xi32, #tpu.memory_space<hbm>>
    %dma_start3A_88 = tpu.memref_slice %arg4[%add3A_86] : memref<160000xi32, #tpu.memory_space<hbm>> -> memref<80xi32, #tpu.memory_space<hbm>>
    tpu.enqueue_dma source(%dma_start3A_88 : memref<80xi32, #tpu.memory_space<hbm>>) target(%arg14 : memref<80xi32, #tpu.memory_space<vmem>>) target_semaphore(%arg25 : memref<!tpu.dma_semaphore, #tpu.memory_space<semaphore_mem>>)
    %scan3A_89 = arith.constant 0 : i32
    %scan3A_90 = arith.constant 41 : i32
    %scan3A_91 = arith.addi %scan3A_89, %scan3A_90 : i32
    %scan3A_92 = arith.constant 1 : i32
    scf.for %scan3A_118 = %scan3A_89 to %scan3A_91 step %scan3A_92  : i32 {
      %mul3A_119 = arith.constant 1 : i32
      %mul3A_120 = arith.muli %scan3A_118, %mul3A_119 : i32
      %add3A_121 = arith.constant 0 : i32
      %add3A_122 = arith.addi %add3A_121, %mul3A_120 : i32
      %mul3A_123 = arith.constant 3 : i32
      %mul3A_124 = arith.muli %mul3A_123, %add3A_122 : i32
      %add3A_125 = arith.constant 0 : i32
      %add3A_126 = arith.addi %mul3A_124, %add3A_125 : i32
      %add3A_127 = arith.constant 2 : i32
      %add3A_128 = arith.addi %add3A_126, %add3A_127 : i32
      %min3A_129 = arith.constant 124 : i32
      %min3A_130 = arith.minsi %add3A_128, %min3A_129 : i32
      %mul3A_131 = arith.constant 80 : i32
      %mul3A_132 = arith.muli %min3A_130, %mul3A_131 : i32
      %add3A_133 = arith.addi %mul3A_11, %mul3A_132 : i32
      %dma_wait3A_134 = tpu.memref_slice %arg3[%add3A_133] : memref<160000xi32, #tpu.memory_space<hbm>> -> memref<80xi32, #tpu.memory_space<hbm>>
      %dma_wait3A_135 = tpu.memref_slice %arg3[%add3A_133] : memref<160000xi32, #tpu.memory_space<hbm>> -> memref<80xi32, #tpu.memory_space<hbm>>
      tpu.wait_dma2 semaphore(%arg25 : memref<!tpu.dma_semaphore, #tpu.memory_space<semaphore_mem>>) src(%dma_wait3A_135 : memref<80xi32, #tpu.memory_space<hbm>>) dst(%arg8 : memref<80xi32, #tpu.memory_space<vmem>>)
      %mul3A_136 = arith.constant 80 : i32
      %mul3A_137 = arith.muli %min3A_130, %mul3A_136 : i32
      %add3A_138 = arith.addi %mul3A_11, %mul3A_137 : i32
      %dma_wait3A_139 = tpu.memref_slice %arg4[%add3A_138] : memref<160000xi32, #tpu.memory_space<hbm>> -> memref<80xi32, #tpu.memory_space<hbm>>
      %dma_wait3A_140 = tpu.memref_slice %arg4[%add3A_138] : memref<160000xi32, #tpu.memory_space<hbm>> -> memref<80xi32, #tpu.memory_space<hbm>>
      tpu.wait_dma2 semaphore(%arg25 : memref<!tpu.dma_semaphore, #tpu.memory_space<semaphore_mem>>) src(%dma_wait3A_140 : memref<80xi32, #tpu.memory_space<hbm>>) dst(%arg14 : memref<80xi32, #tpu.memory_space<vmem>>)
      %scan3A_141 = arith.constant 0 : i32
      %scan3A_142 = arith.constant 5 : i32
      %scan3A_143 = arith.addi %scan3A_141, %scan3A_142 : i32
      %scan3A_144 = arith.constant 1 : i32
      scf.for %scan3A_248 = %scan3A_141 to %scan3A_143 step %scan3A_144  : i32 {
        %mul3A_249 = arith.constant 1 : i32
        %mul3A_250 = arith.muli %scan3A_248, %mul3A_249 : i32
        %add3A_251 = arith.constant 0 : i32
        %add3A_252 = arith.addi %add3A_251, %mul3A_250 : i32
        %mul3A_253 = arith.constant 16 : i32
        %mul3A_254 = arith.muli %add3A_252, %mul3A_253 : i32
        %get3A = arith.index_cast %mul3A_254 : i32 to index
        %get3A_255 = tpu.vector_load %arg8[%get3A] {strides = array<i32>} : memref<80xi32, #tpu.memory_space<vmem>>, vector<16xi32>,
        %get3A_256 = vector.shape_cast %get3A_255 : vector<16xi32> to vector<16xi32>
        %add3A_257 = vector.broadcast %mul3A_0 : i32 to vector<16xi32>
        %add3A_258 = arith.addi %get3A_256, %add3A_257 : vector<16xi32>
        %mul3A_259 = arith.constant 16 : i32
        %mul3A_260 = arith.muli %add3A_252, %mul3A_259 : i32
        %swap3A = arith.index_cast %mul3A_260 : i32 to index
        %swap3A_261 = tpu.vector_load %arg11[%swap3A] {strides = array<i32>} : memref<80xi32, #tpu.memory_space<vmem>>, vector<16xi32>,
        %swap3A_262 = vector.shape_cast %swap3A_261 : vector<16xi32> to vector<16xi32>
        %swap3A_263 = vector.shape_cast %add3A_258 : vector<16xi32> to vector<16xi32>
        tpu.vector_store %arg11[%swap3A], %swap3A_263 {strides = array<i32>} : memref<80xi32, #tpu.memory_space<vmem>>, vector<16xi32>,
      }
      %scan3A_145 = arith.constant 5 : i32
      %dma_start3A_146 = arith.constant 0 : i32
      %dma_start3A_147 = arith.constant 0 : i32
      %dma_start3A_148 = tpu.memref_slice %arg2[%dma_start3A_146, %dma_start3A_147] : memref<20000x128xf32, #tpu.memory_space<hbm>> -> memref<20000x128xf32, #tpu.memory_space<hbm>>
      tpu.enqueue_indirect_dma source(%dma_start3A_148 : memref<20000x128xf32, #tpu.memory_space<hbm>>) target(%arg17 : memref<80x128xf32, #tpu.memory_space<vmem>>) offsets(%arg11 : memref<80xi32, #tpu.memory_space<vmem>>) semaphore(%arg22 : memref<!tpu.dma_semaphore, #tpu.memory_space<semaphore_mem>>)
      %dma_wait3A_149 = arith.constant 0 : i32
      %dma_wait3A_150 = arith.constant 0 : i32
      %dma_wait3A_151 = tpu.memref_slice %arg2[%dma_wait3A_149, %dma_wait3A_150] : memref<20000x128xf32, #tpu.memory_space<hbm>> -> memref<20000x128xf32, #tpu.memory_space<hbm>>
      tpu.wait_indirect_dma semaphore(%arg20 : memref<!tpu.dma_semaphore, #tpu.memory_space<semaphore_mem>>) src(%dma_wait3A_151 : memref<20000x128xf32, #tpu.memory_space<hbm>>) dst(%arg15 : memref<80x128xf32, #tpu.memory_space<vmem>>)
      "tpu.region"() ({
        %run_scoped3A = tpu.sem_alloc : memref<!tpu.dma_semaphore, #tpu.memory_space<semaphore_mem>>
        %dma_start3A_248 = arith.constant 0 : i32
        %dma_start3A_249 = arith.constant 0 : i32
        %dma_start3A_250 = tpu.memref_slice %arg19[%dma_start3A_248, %dma_start3A_249] : memref<10240x128xf32, #tpu.memory_space<vmem_shared>> -> memref<10240x128xf32, #tpu.memory_space<vmem_shared>>
        tpu.enqueue_indirect_dma source(%arg15 : memref<80x128xf32, #tpu.memory_space<vmem>>) target(%dma_start3A_250 : memref<10240x128xf32, #tpu.memory_space<vmem_shared>>) offsets(%arg12 : memref<80xi32, #tpu.memory_space<vmem>>) semaphore(%run_scoped3A : memref<!tpu.dma_semaphore, #tpu.memory_space<semaphore_mem>>) {add = true}
        %dma_wait3A_251 = arith.constant 0 : i32
        %dma_wait3A_252 = arith.constant 0 : i32
        %dma_wait3A_253 = tpu.memref_slice %arg19[%dma_wait3A_251, %dma_wait3A_252] : memref<10240x128xf32, #tpu.memory_space<vmem_shared>> -> memref<10240x128xf32, #tpu.memory_space<vmem_shared>>
        tpu.wait_indirect_dma semaphore(%run_scoped3A : memref<!tpu.dma_semaphore, #tpu.memory_space<semaphore_mem>>) src(%arg15 : memref<80x128xf32, #tpu.memory_space<vmem>>) dst(%dma_wait3A_253 : memref<10240x128xf32, #tpu.memory_space<vmem_shared>>)
        tpu.yield
      }) : () -> ()
      %add3A_152 = arith.constant 3 : i32
      %add3A_153 = arith.addi %add3A_126, %add3A_152 : i32
      %min3A_154 = arith.constant 124 : i32
      %min3A_155 = arith.minsi %add3A_153, %min3A_154 : i32
      %mul3A_156 = arith.constant 80 : i32
      %mul3A_157 = arith.muli %min3A_155, %mul3A_156 : i32
      %add3A_158 = arith.addi %mul3A_11, %mul3A_157 : i32
      %dma_start3A_159 = tpu.memref_slice %arg3[%add3A_158] : memref<160000xi32, #tpu.memory_space<hbm>> -> memref<80xi32, #tpu.memory_space<hbm>>
      %dma_start3A_160 = tpu.memref_slice %arg3[%add3A_158] : memref<160000xi32, #tpu.memory_space<hbm>> -> memref<80xi32, #tpu.memory_space<hbm>>
      tpu.enqueue_dma source(%dma_start3A_160 : memref<80xi32, #tpu.memory_space<hbm>>) target(%arg6 : memref<80xi32, #tpu.memory_space<vmem>>) target_semaphore(%arg23 : memref<!tpu.dma_semaphore, #tpu.memory_space<semaphore_mem>>)
      %mul3A_161 = arith.constant 80 : i32
      %mul3A_162 = arith.muli %min3A_155, %mul3A_161 : i32
      %add3A_163 = arith.addi %mul3A_11, %mul3A_162 : i32
      %dma_start3A_164 = tpu.memref_slice %arg4[%add3A_163] : memref<160000xi32, #tpu.memory_space<hbm>> -> memref<80xi32, #tpu.memory_space<hbm>>
      %dma_start3A_165 = tpu.memref_slice %arg4[%add3A_163] : memref<160000xi32, #tpu.memory_space<hbm>> -> memref<80xi32, #tpu.memory_space<hbm>>
      tpu.enqueue_dma source(%dma_start3A_165 : memref<80xi32, #tpu.memory_space<hbm>>) target(%arg12 : memref<80xi32, #tpu.memory_space<vmem>>) target_semaphore(%arg23 : memref<!tpu.dma_semaphore, #tpu.memory_space<semaphore_mem>>)
      %add3A_166 = arith.constant 1 : i32
      %add3A_167 = arith.addi %mul3A_124, %add3A_166 : i32
      %add3A_168 = arith.constant 2 : i32
      %add3A_169 = arith.addi %add3A_167, %add3A_168 : i32
      %min3A_170 = arith.constant 124 : i32
      %min3A_171 = arith.minsi %add3A_169, %min3A_170 : i32
      %mul3A_172 = arith.constant 80 : i32
      %mul3A_173 = arith.muli %min3A_171, %mul3A_172 : i32
      %add3A_174 = arith.addi %mul3A_11, %mul3A_173 : i32
      %dma_wait3A_175 = tpu.memref_slice %arg3[%add3A_174] : memref<160000xi32, #tpu.memory_space<hbm>> -> memref<80xi32, #tpu.memory_space<hbm>>
      %dma_wait3A_176 = tpu.memref_slice %arg3[%add3A_174] : memref<160000xi32, #tpu.memory_space<hbm>> -> memref<80xi32, #tpu.memory_space<hbm>>
      tpu.wait_dma2 semaphore(%arg23 : memref<!tpu.dma_semaphore, #tpu.memory_space<semaphore_mem>>) src(%dma_wait3A_176 : memref<80xi32, #tpu.memory_space<hbm>>) dst(%arg6 : memref<80xi32, #tpu.memory_space<vmem>>)
      %mul3A_177 = arith.constant 80 : i32
      %mul3A_178 = arith.muli %min3A_171, %mul3A_177 : i32
      %add3A_179 = arith.addi %mul3A_11, %mul3A_178 : i32
      %dma_wait3A_180 = tpu.memref_slice %arg4[%add3A_179] : memref<160000xi32, #tpu.memory_space<hbm>> -> memref<80xi32, #tpu.memory_space<hbm>>
      %dma_wait3A_181 = tpu.memref_slice %arg4[%add3A_179] : memref<160000xi32, #tpu.memory_space<hbm>> -> memref<80xi32, #tpu.memory_space<hbm>>
      tpu.wait_dma2 semaphore(%arg23 : memref<!tpu.dma_semaphore, #tpu.memory_space<semaphore_mem>>) src(%dma_wait3A_181 : memref<80xi32, #tpu.memory_space<hbm>>) dst(%arg12 : memref<80xi32, #tpu.memory_space<vmem>>)
      %scan3A_182 = arith.constant 0 : i32
      %scan3A_183 = arith.constant 5 : i32
      %scan3A_184 = arith.addi %scan3A_182, %scan3A_183 : i32
      %scan3A_185 = arith.constant 1 : i32
      scf.for %scan3A_248 = %scan3A_182 to %scan3A_184 step %scan3A_185  : i32 {
        %mul3A_249 = arith.constant 1 : i32
        %mul3A_250 = arith.muli %scan3A_248, %mul3A_249 : i32
        %add3A_251 = arith.constant 0 : i32
        %add3A_252 = arith.addi %add3A_251, %mul3A_250 : i32
        %mul3A_253 = arith.constant 16 : i32
        %mul3A_254 = arith.muli %add3A_252, %mul3A_253 : i32
        %get3A = arith.index_cast %mul3A_254 : i32 to index
        %get3A_255 = tpu.vector_load %arg6[%get3A] {strides = array<i32>} : memref<80xi32, #tpu.memory_space<vmem>>, vector<16xi32>,
        %get3A_256 = vector.shape_cast %get3A_255 : vector<16xi32> to vector<16xi32>
        %add3A_257 = vector.broadcast %mul3A_0 : i32 to vector<16xi32>
        %add3A_258 = arith.addi %get3A_256, %add3A_257 : vector<16xi32>
        %mul3A_259 = arith.constant 16 : i32
        %mul3A_260 = arith.muli %add3A_252, %mul3A_259 : i32
        %swap3A = arith.index_cast %mul3A_260 : i32 to index
        %swap3A_261 = tpu.vector_load %arg9[%swap3A] {strides = array<i32>} : memref<80xi32, #tpu.memory_space<vmem>>, vector<16xi32>,
        %swap3A_262 = vector.shape_cast %swap3A_261 : vector<16xi32> to vector<16xi32>
        %swap3A_263 = vector.shape_cast %add3A_258 : vector<16xi32> to vector<16xi32>
        tpu.vector_store %arg9[%swap3A], %swap3A_263 {strides = array<i32>} : memref<80xi32, #tpu.memory_space<vmem>>, vector<16xi32>,
      }
      %scan3A_186 = arith.constant 5 : i32
      %dma_start3A_187 = arith.constant 0 : i32
      %dma_start3A_188 = arith.constant 0 : i32
      %dma_start3A_189 = tpu.memref_slice %arg2[%dma_start3A_187, %dma_start3A_188] : memref<20000x128xf32, #tpu.memory_space<hbm>> -> memref<20000x128xf32, #tpu.memory_space<hbm>>
      tpu.enqueue_indirect_dma source(%dma_start3A_189 : memref<20000x128xf32, #tpu.memory_space<hbm>>) target(%arg15 : memref<80x128xf32, #tpu.memory_space<vmem>>) offsets(%arg9 : memref<80xi32, #tpu.memory_space<vmem>>) semaphore(%arg20 : memref<!tpu.dma_semaphore, #tpu.memory_space<semaphore_mem>>)
      %dma_wait3A_190 = arith.constant 0 : i32
      %dma_wait3A_191 = arith.constant 0 : i32
      %dma_wait3A_192 = tpu.memref_slice %arg2[%dma_wait3A_190, %dma_wait3A_191] : memref<20000x128xf32, #tpu.memory_space<hbm>> -> memref<20000x128xf32, #tpu.memory_space<hbm>>
      tpu.wait_indirect_dma semaphore(%arg21 : memref<!tpu.dma_semaphore, #tpu.memory_space<semaphore_mem>>) src(%dma_wait3A_192 : memref<20000x128xf32, #tpu.memory_space<hbm>>) dst(%arg16 : memref<80x128xf32, #tpu.memory_space<vmem>>)
      "tpu.region"() ({
        %run_scoped3A = tpu.sem_alloc : memref<!tpu.dma_semaphore, #tpu.memory_space<semaphore_mem>>
        %dma_start3A_248 = arith.constant 0 : i32
        %dma_start3A_249 = arith.constant 0 : i32
        %dma_start3A_250 = tpu.memref_slice %arg19[%dma_start3A_248, %dma_start3A_249] : memref<10240x128xf32, #tpu.memory_space<vmem_shared>> -> memref<10240x128xf32, #tpu.memory_space<vmem_shared>>
        tpu.enqueue_indirect_dma source(%arg16 : memref<80x128xf32, #tpu.memory_space<vmem>>) target(%dma_start3A_250 : memref<10240x128xf32, #tpu.memory_space<vmem_shared>>) offsets(%arg13 : memref<80xi32, #tpu.memory_space<vmem>>) semaphore(%run_scoped3A : memref<!tpu.dma_semaphore, #tpu.memory_space<semaphore_mem>>) {add = true}
        %dma_wait3A_251 = arith.constant 0 : i32
        %dma_wait3A_252 = arith.constant 0 : i32
        %dma_wait3A_253 = tpu.memref_slice %arg19[%dma_wait3A_251, %dma_wait3A_252] : memref<10240x128xf32, #tpu.memory_space<vmem_shared>> -> memref<10240x128xf32, #tpu.memory_space<vmem_shared>>
        tpu.wait_indirect_dma semaphore(%run_scoped3A : memref<!tpu.dma_semaphore, #tpu.memory_space<semaphore_mem>>) src(%arg16 : memref<80x128xf32, #tpu.memory_space<vmem>>) dst(%dma_wait3A_253 : memref<10240x128xf32, #tpu.memory_space<vmem_shared>>)
        tpu.yield
      }) : () -> ()
      %add3A_193 = arith.constant 3 : i32
      %add3A_194 = arith.addi %add3A_167, %add3A_193 : i32
      %min3A_195 = arith.constant 124 : i32
      %min3A_196 = arith.minsi %add3A_194, %min3A_195 : i32
      %mul3A_197 = arith.constant 80 : i32
      %mul3A_198 = arith.muli %min3A_196, %mul3A_197 : i32
      %add3A_199 = arith.addi %mul3A_11, %mul3A_198 : i32
      %dma_start3A_200 = tpu.memref_slice %arg3[%add3A_199] : memref<160000xi32, #tpu.memory_space<hbm>> -> memref<80xi32, #tpu.memory_space<hbm>>
      %dma_start3A_201 = tpu.memref_slice %arg3[%add3A_199] : memref<160000xi32, #tpu.memory_space<hbm>> -> memref<80xi32, #tpu.memory_space<hbm>>
      tpu.enqueue_dma source(%dma_start3A_201 : memref<80xi32, #tpu.memory_space<hbm>>) target(%arg7 : memref<80xi32, #tpu.memory_space<vmem>>) target_semaphore(%arg24 : memref<!tpu.dma_semaphore, #tpu.memory_space<semaphore_mem>>)
      %mul3A_202 = arith.constant 80 : i32
      %mul3A_203 = arith.muli %min3A_196, %mul3A_202 : i32
      %add3A_204 = arith.addi %mul3A_11, %mul3A_203 : i32
      %dma_start3A_205 = tpu.memref_slice %arg4[%add3A_204] : memref<160000xi32, #tpu.memory_space<hbm>> -> memref<80xi32, #tpu.memory_space<hbm>>
      %dma_start3A_206 = tpu.memref_slice %arg4[%add3A_204] : memref<160000xi32, #tpu.memory_space<hbm>> -> memref<80xi32, #tpu.memory_space<hbm>>
      tpu.enqueue_dma source(%dma_start3A_206 : memref<80xi32, #tpu.memory_space<hbm>>) target(%arg13 : memref<80xi32, #tpu.memory_space<vmem>>) target_semaphore(%arg24 : memref<!tpu.dma_semaphore, #tpu.memory_space<semaphore_mem>>)
      %add3A_207 = arith.constant 2 : i32
      %add3A_208 = arith.addi %mul3A_124, %add3A_207 : i32
      %add3A_209 = arith.constant 2 : i32
      %add3A_210 = arith.addi %add3A_208, %add3A_209 : i32
      %min3A_211 = arith.constant 124 : i32
      %min3A_212 = arith.minsi %add3A_210, %min3A_211 : i32
      %mul3A_213 = arith.constant 80 : i32
      %mul3A_214 = arith.muli %min3A_212, %mul3A_213 : i32
      %add3A_215 = arith.addi %mul3A_11, %mul3A_214 : i32
      %dma_wait3A_216 = tpu.memref_slice %arg3[%add3A_215] : memref<160000xi32, #tpu.memory_space<hbm>> -> memref<80xi32, #tpu.memory_space<hbm>>
      %dma_wait3A_217 = tpu.memref_slice %arg3[%add3A_215] : memref<160000xi32, #tpu.memory_space<hbm>> -> memref<80xi32, #tpu.memory_space<hbm>>
      tpu.wait_dma2 semaphore(%arg24 : memref<!tpu.dma_semaphore, #tpu.memory_space<semaphore_mem>>) src(%dma_wait3A_217 : memref<80xi32, #tpu.memory_space<hbm>>) dst(%arg7 : memref<80xi32, #tpu.memory_space<vmem>>)
      %mul3A_218 = arith.constant 80 : i32
      %mul3A_219 = arith.muli %min3A_212, %mul3A_218 : i32
      %add3A_220 = arith.addi %mul3A_11, %mul3A_219 : i32
      %dma_wait3A_221 = tpu.memref_slice %arg4[%add3A_220] : memref<160000xi32, #tpu.memory_space<hbm>> -> memref<80xi32, #tpu.memory_space<hbm>>
      %dma_wait3A_222 = tpu.memref_slice %arg4[%add3A_220] : memref<160000xi32, #tpu.memory_space<hbm>> -> memref<80xi32, #tpu.memory_space<hbm>>
      tpu.wait_dma2 semaphore(%arg24 : memref<!tpu.dma_semaphore, #tpu.memory_space<semaphore_mem>>) src(%dma_wait3A_222 : memref<80xi32, #tpu.memory_space<hbm>>) dst(%arg13 : memref<80xi32, #tpu.memory_space<vmem>>)
      %scan3A_223 = arith.constant 0 : i32
      %scan3A_224 = arith.constant 5 : i32
      %scan3A_225 = arith.addi %scan3A_223, %scan3A_224 : i32
      %scan3A_226 = arith.constant 1 : i32
      scf.for %scan3A_248 = %scan3A_223 to %scan3A_225 step %scan3A_226  : i32 {
        %mul3A_249 = arith.constant 1 : i32
        %mul3A_250 = arith.muli %scan3A_248, %mul3A_249 : i32
        %add3A_251 = arith.constant 0 : i32
        %add3A_252 = arith.addi %add3A_251, %mul3A_250 : i32
        %mul3A_253 = arith.constant 16 : i32
        %mul3A_254 = arith.muli %add3A_252, %mul3A_253 : i32
        %get3A = arith.index_cast %mul3A_254 : i32 to index
        %get3A_255 = tpu.vector_load %arg7[%get3A] {strides = array<i32>} : memref<80xi32, #tpu.memory_space<vmem>>, vector<16xi32>,
        %get3A_256 = vector.shape_cast %get3A_255 : vector<16xi32> to vector<16xi32>
        %add3A_257 = vector.broadcast %mul3A_0 : i32 to vector<16xi32>
        %add3A_258 = arith.addi %get3A_256, %add3A_257 : vector<16xi32>
        %mul3A_259 = arith.constant 16 : i32
        %mul3A_260 = arith.muli %add3A_252, %mul3A_259 : i32
        %swap3A = arith.index_cast %mul3A_260 : i32 to index
        %swap3A_261 = tpu.vector_load %arg10[%swap3A] {strides = array<i32>} : memref<80xi32, #tpu.memory_space<vmem>>, vector<16xi32>,
        %swap3A_262 = vector.shape_cast %swap3A_261 : vector<16xi32> to vector<16xi32>
        %swap3A_263 = vector.shape_cast %add3A_258 : vector<16xi32> to vector<16xi32>
        tpu.vector_store %arg10[%swap3A], %swap3A_263 {strides = array<i32>} : memref<80xi32, #tpu.memory_space<vmem>>, vector<16xi32>,
      }
      %scan3A_227 = arith.constant 5 : i32
      %dma_start3A_228 = arith.constant 0 : i32
      %dma_start3A_229 = arith.constant 0 : i32
      %dma_start3A_230 = tpu.memref_slice %arg2[%dma_start3A_228, %dma_start3A_229] : memref<20000x128xf32, #tpu.memory_space<hbm>> -> memref<20000x128xf32, #tpu.memory_space<hbm>>
      tpu.enqueue_indirect_dma source(%dma_start3A_230 : memref<20000x128xf32, #tpu.memory_space<hbm>>) target(%arg16 : memref<80x128xf32, #tpu.memory_space<vmem>>) offsets(%arg10 : memref<80xi32, #tpu.memory_space<vmem>>) semaphore(%arg21 : memref<!tpu.dma_semaphore, #tpu.memory_space<semaphore_mem>>)
      %dma_wait3A_231 = arith.constant 0 : i32
      %dma_wait3A_232 = arith.constant 0 : i32
      %dma_wait3A_233 = tpu.memref_slice %arg2[%dma_wait3A_231, %dma_wait3A_232] : memref<20000x128xf32, #tpu.memory_space<hbm>> -> memref<20000x128xf32, #tpu.memory_space<hbm>>
      tpu.wait_indirect_dma semaphore(%arg22 : memref<!tpu.dma_semaphore, #tpu.memory_space<semaphore_mem>>) src(%dma_wait3A_233 : memref<20000x128xf32, #tpu.memory_space<hbm>>) dst(%arg17 : memref<80x128xf32, #tpu.memory_space<vmem>>)
      "tpu.region"() ({
        %run_scoped3A = tpu.sem_alloc : memref<!tpu.dma_semaphore, #tpu.memory_space<semaphore_mem>>
        %dma_start3A_248 = arith.constant 0 : i32
        %dma_start3A_249 = arith.constant 0 : i32
        %dma_start3A_250 = tpu.memref_slice %arg19[%dma_start3A_248, %dma_start3A_249] : memref<10240x128xf32, #tpu.memory_space<vmem_shared>> -> memref<10240x128xf32, #tpu.memory_space<vmem_shared>>
        tpu.enqueue_indirect_dma source(%arg17 : memref<80x128xf32, #tpu.memory_space<vmem>>) target(%dma_start3A_250 : memref<10240x128xf32, #tpu.memory_space<vmem_shared>>) offsets(%arg14 : memref<80xi32, #tpu.memory_space<vmem>>) semaphore(%run_scoped3A : memref<!tpu.dma_semaphore, #tpu.memory_space<semaphore_mem>>) {add = true}
        %dma_wait3A_251 = arith.constant 0 : i32
        %dma_wait3A_252 = arith.constant 0 : i32
        %dma_wait3A_253 = tpu.memref_slice %arg19[%dma_wait3A_251, %dma_wait3A_252] : memref<10240x128xf32, #tpu.memory_space<vmem_shared>> -> memref<10240x128xf32, #tpu.memory_space<vmem_shared>>
        tpu.wait_indirect_dma semaphore(%run_scoped3A : memref<!tpu.dma_semaphore, #tpu.memory_space<semaphore_mem>>) src(%arg17 : memref<80x128xf32, #tpu.memory_space<vmem>>) dst(%dma_wait3A_253 : memref<10240x128xf32, #tpu.memory_space<vmem_shared>>)
        tpu.yield
      }) : () -> ()
      %add3A_234 = arith.constant 3 : i32
      %add3A_235 = arith.addi %add3A_208, %add3A_234 : i32
      %min3A_236 = arith.constant 124 : i32
      %min3A_237 = arith.minsi %add3A_235, %min3A_236 : i32
      %mul3A_238 = arith.constant 80 : i32
      %mul3A_239 = arith.muli %min3A_237, %mul3A_238 : i32
      %add3A_240 = arith.addi %mul3A_11, %mul3A_239 : i32
      %dma_start3A_241 = tpu.memref_slice %arg3[%add3A_240] : memref<160000xi32, #tpu.memory_space<hbm>> -> memref<80xi32, #tpu.memory_space<hbm>>
      %dma_start3A_242 = tpu.memref_slice %arg3[%add3A_240] : memref<160000xi32, #tpu.memory_space<hbm>> -> memref<80xi32, #tpu.memory_space<hbm>>
      tpu.enqueue_dma source(%dma_start3A_242 : memref<80xi32, #tpu.memory_space<hbm>>) target(%arg8 : memref<80xi32, #tpu.memory_space<vmem>>) target_semaphore(%arg25 : memref<!tpu.dma_semaphore, #tpu.memory_space<semaphore_mem>>)
      %mul3A_243 = arith.constant 80 : i32
      %mul3A_244 = arith.muli %min3A_237, %mul3A_243 : i32
      %add3A_245 = arith.addi %mul3A_11, %mul3A_244 : i32
      %dma_start3A_246 = tpu.memref_slice %arg4[%add3A_245] : memref<160000xi32, #tpu.memory_space<hbm>> -> memref<80xi32, #tpu.memory_space<hbm>>
      %dma_start3A_247 = tpu.memref_slice %arg4[%add3A_245] : memref<160000xi32, #tpu.memory_space<hbm>> -> memref<80xi32, #tpu.memory_space<hbm>>
      tpu.enqueue_dma source(%dma_start3A_247 : memref<80xi32, #tpu.memory_space<hbm>>) target(%arg14 : memref<80xi32, #tpu.memory_space<vmem>>) target_semaphore(%arg25 : memref<!tpu.dma_semaphore, #tpu.memory_space<semaphore_mem>>)
    }
    %scan3A_93 = arith.constant 41 : i32
    %dma_wait3A_94 = arith.constant 0 : i32
    %dma_wait3A_95 = arith.constant 0 : i32
    %dma_wait3A_96 = tpu.memref_slice %arg2[%dma_wait3A_94, %dma_wait3A_95] : memref<20000x128xf32, #tpu.memory_space<hbm>> -> memref<20000x128xf32, #tpu.memory_space<hbm>>
    tpu.wait_indirect_dma semaphore(%arg20 : memref<!tpu.dma_semaphore, #tpu.memory_space<semaphore_mem>>) src(%dma_wait3A_96 : memref<20000x128xf32, #tpu.memory_space<hbm>>) dst(%arg15 : memref<80x128xf32, #tpu.memory_space<vmem>>)
    "tpu.region"() ({
      %run_scoped3A = tpu.sem_alloc : memref<!tpu.dma_semaphore, #tpu.memory_space<semaphore_mem>>
      %dma_start3A_118 = arith.constant 0 : i32
      %dma_start3A_119 = arith.constant 0 : i32
      %dma_start3A_120 = tpu.memref_slice %arg19[%dma_start3A_118, %dma_start3A_119] : memref<10240x128xf32, #tpu.memory_space<vmem_shared>> -> memref<10240x128xf32, #tpu.memory_space<vmem_shared>>
      tpu.enqueue_indirect_dma source(%arg15 : memref<80x128xf32, #tpu.memory_space<vmem>>) target(%dma_start3A_120 : memref<10240x128xf32, #tpu.memory_space<vmem_shared>>) offsets(%arg12 : memref<80xi32, #tpu.memory_space<vmem>>) semaphore(%run_scoped3A : memref<!tpu.dma_semaphore, #tpu.memory_space<semaphore_mem>>) {add = true}
      %dma_wait3A_121 = arith.constant 0 : i32
      %dma_wait3A_122 = arith.constant 0 : i32
      %dma_wait3A_123 = tpu.memref_slice %arg19[%dma_wait3A_121, %dma_wait3A_122] : memref<10240x128xf32, #tpu.memory_space<vmem_shared>> -> memref<10240x128xf32, #tpu.memory_space<vmem_shared>>
      tpu.wait_indirect_dma semaphore(%run_scoped3A : memref<!tpu.dma_semaphore, #tpu.memory_space<semaphore_mem>>) src(%arg15 : memref<80x128xf32, #tpu.memory_space<vmem>>) dst(%dma_wait3A_123 : memref<10240x128xf32, #tpu.memory_space<vmem_shared>>)
      tpu.yield
    }) : () -> ()
    %dma_wait3A_97 = arith.constant 0 : i32
    %dma_wait3A_98 = arith.constant 0 : i32
    %dma_wait3A_99 = tpu.memref_slice %arg2[%dma_wait3A_97, %dma_wait3A_98] : memref<20000x128xf32, #tpu.memory_space<hbm>> -> memref<20000x128xf32, #tpu.memory_space<hbm>>
    tpu.wait_indirect_dma semaphore(%arg21 : memref<!tpu.dma_semaphore, #tpu.memory_space<semaphore_mem>>) src(%dma_wait3A_99 : memref<20000x128xf32, #tpu.memory_space<hbm>>) dst(%arg16 : memref<80x128xf32, #tpu.memory_space<vmem>>)
    "tpu.region"() ({
      %run_scoped3A = tpu.sem_alloc : memref<!tpu.dma_semaphore, #tpu.memory_space<semaphore_mem>>
      %dma_start3A_118 = arith.constant 0 : i32
      %dma_start3A_119 = arith.constant 0 : i32
      %dma_start3A_120 = tpu.memref_slice %arg19[%dma_start3A_118, %dma_start3A_119] : memref<10240x128xf32, #tpu.memory_space<vmem_shared>> -> memref<10240x128xf32, #tpu.memory_space<vmem_shared>>
      tpu.enqueue_indirect_dma source(%arg16 : memref<80x128xf32, #tpu.memory_space<vmem>>) target(%dma_start3A_120 : memref<10240x128xf32, #tpu.memory_space<vmem_shared>>) offsets(%arg13 : memref<80xi32, #tpu.memory_space<vmem>>) semaphore(%run_scoped3A : memref<!tpu.dma_semaphore, #tpu.memory_space<semaphore_mem>>) {add = true}
      %dma_wait3A_121 = arith.constant 0 : i32
      %dma_wait3A_122 = arith.constant 0 : i32
      %dma_wait3A_123 = tpu.memref_slice %arg19[%dma_wait3A_121, %dma_wait3A_122] : memref<10240x128xf32, #tpu.memory_space<vmem_shared>> -> memref<10240x128xf32, #tpu.memory_space<vmem_shared>>
      tpu.wait_indirect_dma semaphore(%run_scoped3A : memref<!tpu.dma_semaphore, #tpu.memory_space<semaphore_mem>>) src(%arg16 : memref<80x128xf32, #tpu.memory_space<vmem>>) dst(%dma_wait3A_123 : memref<10240x128xf32, #tpu.memory_space<vmem_shared>>)
      tpu.yield
    }) : () -> ()
    %min3A_100 = arith.constant 124 : i32
    %min3A_101 = arith.constant 124 : i32
    %min3A_102 = arith.minsi %min3A_100, %min3A_101 : i32
    %mul3A_103 = arith.constant 80 : i32
    %mul3A_104 = arith.muli %min3A_102, %mul3A_103 : i32
    %add3A_105 = arith.addi %mul3A_11, %mul3A_104 : i32
    %dma_wait3A_106 = tpu.memref_slice %arg3[%add3A_105] : memref<160000xi32, #tpu.memory_space<hbm>> -> memref<80xi32, #tpu.memory_space<hbm>>
    %dma_wait3A_107 = tpu.memref_slice %arg3[%add3A_105] : memref<160000xi32, #tpu.memory_space<hbm>> -> memref<80xi32, #tpu.memory_space<hbm>>
    tpu.wait_dma2 semaphore(%arg25 : memref<!tpu.dma_semaphore, #tpu.memory_space<semaphore_mem>>) src(%dma_wait3A_107 : memref<80xi32, #tpu.memory_space<hbm>>) dst(%arg8 : memref<80xi32, #tpu.memory_space<vmem>>)
    %mul3A_108 = arith.constant 80 : i32
    %mul3A_109 = arith.muli %min3A_102, %mul3A_108 : i32
    %add3A_110 = arith.addi %mul3A_11, %mul3A_109 : i32
    %dma_wait3A_111 = tpu.memref_slice %arg4[%add3A_110] : memref<160000xi32, #tpu.memory_space<hbm>> -> memref<80xi32, #tpu.memory_space<hbm>>
    %dma_wait3A_112 = tpu.memref_slice %arg4[%add3A_110] : memref<160000xi32, #tpu.memory_space<hbm>> -> memref<80xi32, #tpu.memory_space<hbm>>
    tpu.wait_dma2 semaphore(%arg25 : memref<!tpu.dma_semaphore, #tpu.memory_space<semaphore_mem>>) src(%dma_wait3A_112 : memref<80xi32, #tpu.memory_space<hbm>>) dst(%arg14 : memref<80xi32, #tpu.memory_space<vmem>>)
    %barrier3A_113 = arith.constant 0 : index
    tpu.barrier barrier_id(%barrier3A_113)
    %mul3A_114 = arith.constant 640 : i32
    %mul3A_115 = arith.muli %arg1, %mul3A_114 : i32
    %mul3A_116 = arith.constant 640 : i32
    %mul3A_117 = arith.muli %arg1, %mul3A_116 : i32
    "tpu.region"() ({
      %run_scoped3A = tpu.sem_alloc : memref<!tpu.dma_semaphore, #tpu.memory_space<semaphore_mem>>
      %dma_start3A_118 = arith.constant 0 : i32
      %dma_start3A_119 = tpu.memref_slice %arg5[%arg0, %mul3A_117, %dma_start3A_118] : memref<2x10240x128xf32, #tpu.memory_space<hbm>> -> memref<1x640x128xf32, #tpu.memory_space<hbm>>
      %dma_start3A_120 = tpu.memref_squeeze %dma_start3A_119 : memref<1x640x128xf32, #tpu.memory_space<hbm>> -> memref<640x128xf32, #tpu.memory_space<hbm>>
      %dma_start3A_121 = arith.constant 0 : i32
      %dma_start3A_122 = tpu.memref_slice %arg19[%mul3A_115, %dma_start3A_121] : memref<10240x128xf32, #tpu.memory_space<vmem_shared>> -> memref<640x128xf32, #tpu.memory_space<vmem_shared>>
      tpu.enqueue_dma source(%dma_start3A_122 : memref<640x128xf32, #tpu.memory_space<vmem_shared>>) target(%dma_start3A_120 : memref<640x128xf32, #tpu.memory_space<hbm>>) target_semaphore(%run_scoped3A : memref<!tpu.dma_semaphore, #tpu.memory_space<semaphore_mem>>)
      %dma_wait3A_123 = arith.constant 0 : i32
      %dma_wait3A_124 = tpu.memref_slice %arg5[%arg0, %mul3A_117, %dma_wait3A_123] : memref<2x10240x128xf32, #tpu.memory_space<hbm>> -> memref<1x640x128xf32, #tpu.memory_space<hbm>>
      %dma_wait3A_125 = tpu.memref_squeeze %dma_wait3A_124 : memref<1x640x128xf32, #tpu.memory_space<hbm>> -> memref<640x128xf32, #tpu.memory_space<hbm>>
      %dma_wait3A_126 = arith.constant 0 : i32
      %dma_wait3A_127 = tpu.memref_slice %arg19[%mul3A_115, %dma_wait3A_126] : memref<10240x128xf32, #tpu.memory_space<vmem_shared>> -> memref<640x128xf32, #tpu.memory_space<vmem_shared>>
      tpu.wait_dma2 semaphore(%run_scoped3A : memref<!tpu.dma_semaphore, #tpu.memory_space<semaphore_mem>>) src(%dma_wait3A_127 : memref<640x128xf32, #tpu.memory_space<vmem_shared>>) dst(%dma_wait3A_125 : memref<640x128xf32, #tpu.memory_space<hbm>>)
      tpu.yield
    }) : () -> ()
    return
  }
}

#map = affine_map<(d0, d1) -> (0, 0)>
#map1 = affine_map<(d0, d1) -> (0)>
#map2 = affine_map<(d0, d1) -> (0, 0, 0)>
module attributes {stable_mosaic.version = 14 : i64} {
  func.func @kern(%arg0: i32, %arg1: i32, %arg2: memref<10000x128xf32, #tpu.memory_space<hbm>>, %arg3: memref<160000xi32, #tpu.memory_space<hbm>>, %arg4: memref<160000xi32, #tpu.memory_space<hbm>>, %arg5: memref<2x10240x128xf32, #tpu.memory_space<hbm>>, %arg6: memref<40xi32, #tpu.memory_space<vmem>>, %arg7: memref<40xi32, #tpu.memory_space<vmem>>, %arg8: memref<40xi32, #tpu.memory_space<vmem>>, %arg9: memref<40xi32, #tpu.memory_space<vmem>>, %arg10: memref<40xi32, #tpu.memory_space<vmem>>, %arg11: memref<40xi32, #tpu.memory_space<vmem>>, %arg12: memref<40x128xf32, #tpu.memory_space<vmem>>, %arg13: memref<40x128xf32, #tpu.memory_space<vmem>>, %arg14: memref<40x128xf32, #tpu.memory_space<vmem>>, %arg15: memref<128x128xf32, #tpu.memory_space<vmem>>, %arg16: memref<10240x128xf32, #tpu.memory_space<vmem_shared>>, %arg17: memref<!tpu.dma_semaphore, #tpu.memory_space<semaphore_mem>>, %arg18: memref<!tpu.dma_semaphore, #tpu.memory_space<semaphore_mem>>, %arg19: memref<!tpu.dma_semaphore, #tpu.memory_space<semaphore_mem>>, %arg20: memref<!tpu.dma_semaphore, #tpu.memory_space<semaphore_mem>>, %arg21: memref<!tpu.dma_semaphore, #tpu.memory_space<semaphore_mem>>, %arg22: memref<!tpu.dma_semaphore, #tpu.memory_space<semaphore_mem>>) attributes {dimension_semantics = [#tpu.dimension_semantics<core_parallel>, #tpu.dimension_semantics<subcore_parallel>], iteration_bounds = array<i64: 2, 16>, scalar_prefetch = 0 : i64, scratch_operands = 17 : i64, tpu.core_type = #tpu.core_type<sc_vector_subcore>, window_params = [{transform_indices = #map}, {transform_indices = #map1}, {transform_indices = #map1}, {transform_indices = #map2}]} {
    %mul3A = arith.constant 2 : i32
    %mul3A_0 = arith.muli %arg1, %mul3A : i32
    %add3A = arith.addi %mul3A_0, %arg0 : i32
    %scan3A = arith.constant 0 : i32
    %scan3A_1 = arith.constant 128 : i32
    %scan3A_2 = arith.addi %scan3A, %scan3A_1 : i32
    %scan3A_3 = arith.constant 1 : i32
    scf.for %scan3A_109 = %scan3A to %scan3A_2 step %scan3A_3  : i32 {
      %mul3A_110 = arith.constant 1 : i32
      %mul3A_111 = arith.muli %scan3A_109, %mul3A_110 : i32
      %add3A_112 = arith.constant 0 : i32
      %add3A_113 = arith.addi %add3A_112, %mul3A_111 : i32
      %scan3A_114 = arith.constant 0 : i32
      %scan3A_115 = arith.constant 8 : i32
      %scan3A_116 = arith.addi %scan3A_114, %scan3A_115 : i32
      %scan3A_117 = arith.constant 1 : i32
      scf.for %scan3A_119 = %scan3A_114 to %scan3A_116 step %scan3A_117  : i32 {
        %mul3A_120 = arith.constant 1 : i32
        %mul3A_121 = arith.muli %scan3A_119, %mul3A_120 : i32
        %add3A_122 = arith.constant 0 : i32
        %add3A_123 = arith.addi %add3A_122, %mul3A_121 : i32
        %broadcast_in_dim3A = arith.constant 0.000000e+00 : f32
        %broadcast_in_dim3A_124 = vector.broadcast %broadcast_in_dim3A : f32 to vector<16xf32>
        %mul3A_125 = arith.constant 16 : i32
        %mul3A_126 = arith.muli %add3A_123, %mul3A_125 : i32
        %swap3A = arith.index_cast %add3A_113 : i32 to index
        %swap3A_127 = arith.index_cast %mul3A_126 : i32 to index
        %swap3A_128 = tpu.vector_load %arg15[%swap3A, %swap3A_127] {strides = array<i32>} : memref<128x128xf32, #tpu.memory_space<vmem>>, vector<1x16xf32>,
        %swap3A_129 = vector.shape_cast %swap3A_128 : vector<1x16xf32> to vector<16xf32>
        %swap3A_130 = vector.shape_cast %broadcast_in_dim3A_124 : vector<16xf32> to vector<1x16xf32>
        tpu.vector_store %arg15[%swap3A, %swap3A_127], %swap3A_130 {strides = array<i32>} : memref<128x128xf32, #tpu.memory_space<vmem>>, vector<1x16xf32>,
      }
      %scan3A_118 = arith.constant 8 : i32
    }
    %scan3A_4 = arith.constant 128 : i32
    %scan3A_5 = arith.constant 0 : i32
    %scan3A_6 = arith.constant 5 : i32
    %scan3A_7 = arith.addi %scan3A_5, %scan3A_6 : i32
    %scan3A_8 = arith.constant 1 : i32
    scf.for %scan3A_109 = %scan3A_5 to %scan3A_7 step %scan3A_8  : i32 {
      %mul3A_110 = arith.constant 1 : i32
      %mul3A_111 = arith.muli %scan3A_109, %mul3A_110 : i32
      %add3A_112 = arith.constant 0 : i32
      %add3A_113 = arith.addi %add3A_112, %mul3A_111 : i32
      %mul3A_114 = arith.constant 640 : i32
      %mul3A_115 = arith.muli %arg1, %mul3A_114 : i32
      %mul3A_116 = arith.constant 128 : i32
      %mul3A_117 = arith.muli %add3A_113, %mul3A_116 : i32
      %add3A_118 = arith.addi %mul3A_115, %mul3A_117 : i32
      "tpu.region"() ({
        %run_scoped3A = tpu.sem_alloc : memref<!tpu.dma_semaphore, #tpu.memory_space<semaphore_mem>>
        %dma_start3A_119 = arith.constant 0 : i32
        %dma_start3A_120 = tpu.memref_slice %arg16[%add3A_118, %dma_start3A_119] : memref<10240x128xf32, #tpu.memory_space<vmem_shared>> -> memref<128x128xf32, #tpu.memory_space<vmem_shared>>
        %dma_start3A_121 = arith.constant 0 : i32
        %dma_start3A_122 = tpu.memref_slice %arg16[%add3A_118, %dma_start3A_121] : memref<10240x128xf32, #tpu.memory_space<vmem_shared>> -> memref<128x128xf32, #tpu.memory_space<vmem_shared>>
        tpu.enqueue_dma source(%arg15 : memref<128x128xf32, #tpu.memory_space<vmem>>) target(%dma_start3A_122 : memref<128x128xf32, #tpu.memory_space<vmem_shared>>) target_semaphore(%run_scoped3A : memref<!tpu.dma_semaphore, #tpu.memory_space<semaphore_mem>>)
        %dma_wait3A_123 = arith.constant 0 : i32
        %dma_wait3A_124 = tpu.memref_slice %arg16[%add3A_118, %dma_wait3A_123] : memref<10240x128xf32, #tpu.memory_space<vmem_shared>> -> memref<128x128xf32, #tpu.memory_space<vmem_shared>>
        %dma_wait3A_125 = arith.constant 0 : i32
        %dma_wait3A_126 = tpu.memref_slice %arg16[%add3A_118, %dma_wait3A_125] : memref<10240x128xf32, #tpu.memory_space<vmem_shared>> -> memref<128x128xf32, #tpu.memory_space<vmem_shared>>
        tpu.wait_dma2 semaphore(%run_scoped3A : memref<!tpu.dma_semaphore, #tpu.memory_space<semaphore_mem>>) src(%arg15 : memref<128x128xf32, #tpu.memory_space<vmem>>) dst(%dma_wait3A_126 : memref<128x128xf32, #tpu.memory_space<vmem_shared>>)
        tpu.yield
      }) : () -> ()
    }
    %scan3A_9 = arith.constant 5 : i32
    %barrier3A = arith.constant 0 : index
    tpu.barrier barrier_id(%barrier3A)
    %mul3A_10 = arith.constant 5000 : i32
    %mul3A_11 = arith.muli %add3A, %mul3A_10 : i32
    %min3A = arith.constant 0 : i32
    %min3A_12 = arith.constant 124 : i32
    %min3A_13 = arith.minsi %min3A, %min3A_12 : i32
    %mul3A_14 = arith.constant 40 : i32
    %mul3A_15 = arith.muli %min3A_13, %mul3A_14 : i32
    %add3A_16 = arith.addi %mul3A_11, %mul3A_15 : i32
    %dma_start3A = tpu.memref_slice %arg3[%add3A_16] : memref<160000xi32, #tpu.memory_space<hbm>> -> memref<40xi32, #tpu.memory_space<hbm>>
    %dma_start3A_17 = tpu.memref_slice %arg3[%add3A_16] : memref<160000xi32, #tpu.memory_space<hbm>> -> memref<40xi32, #tpu.memory_space<hbm>>
    tpu.enqueue_dma source(%dma_start3A_17 : memref<40xi32, #tpu.memory_space<hbm>>) target(%arg6 : memref<40xi32, #tpu.memory_space<vmem>>) target_semaphore(%arg20 : memref<!tpu.dma_semaphore, #tpu.memory_space<semaphore_mem>>)
    %mul3A_18 = arith.constant 40 : i32
    %mul3A_19 = arith.muli %min3A_13, %mul3A_18 : i32
    %add3A_20 = arith.addi %mul3A_11, %mul3A_19 : i32
    %dma_start3A_21 = tpu.memref_slice %arg4[%add3A_20] : memref<160000xi32, #tpu.memory_space<hbm>> -> memref<40xi32, #tpu.memory_space<hbm>>
    %dma_start3A_22 = tpu.memref_slice %arg4[%add3A_20] : memref<160000xi32, #tpu.memory_space<hbm>> -> memref<40xi32, #tpu.memory_space<hbm>>
    tpu.enqueue_dma source(%dma_start3A_22 : memref<40xi32, #tpu.memory_space<hbm>>) target(%arg9 : memref<40xi32, #tpu.memory_space<vmem>>) target_semaphore(%arg20 : memref<!tpu.dma_semaphore, #tpu.memory_space<semaphore_mem>>)
    %min3A_23 = arith.constant 0 : i32
    %min3A_24 = arith.constant 124 : i32
    %min3A_25 = arith.minsi %min3A_23, %min3A_24 : i32
    %mul3A_26 = arith.constant 40 : i32
    %mul3A_27 = arith.muli %min3A_25, %mul3A_26 : i32
    %add3A_28 = arith.addi %mul3A_11, %mul3A_27 : i32
    %dma_wait3A = tpu.memref_slice %arg3[%add3A_28] : memref<160000xi32, #tpu.memory_space<hbm>> -> memref<40xi32, #tpu.memory_space<hbm>>
    %dma_wait3A_29 = tpu.memref_slice %arg3[%add3A_28] : memref<160000xi32, #tpu.memory_space<hbm>> -> memref<40xi32, #tpu.memory_space<hbm>>
    tpu.wait_dma2 semaphore(%arg20 : memref<!tpu.dma_semaphore, #tpu.memory_space<semaphore_mem>>) src(%dma_wait3A_29 : memref<40xi32, #tpu.memory_space<hbm>>) dst(%arg6 : memref<40xi32, #tpu.memory_space<vmem>>)
    %mul3A_30 = arith.constant 40 : i32
    %mul3A_31 = arith.muli %min3A_25, %mul3A_30 : i32
    %add3A_32 = arith.addi %mul3A_11, %mul3A_31 : i32
    %dma_wait3A_33 = tpu.memref_slice %arg4[%add3A_32] : memref<160000xi32, #tpu.memory_space<hbm>> -> memref<40xi32, #tpu.memory_space<hbm>>
    %dma_wait3A_34 = tpu.memref_slice %arg4[%add3A_32] : memref<160000xi32, #tpu.memory_space<hbm>> -> memref<40xi32, #tpu.memory_space<hbm>>
    tpu.wait_dma2 semaphore(%arg20 : memref<!tpu.dma_semaphore, #tpu.memory_space<semaphore_mem>>) src(%dma_wait3A_34 : memref<40xi32, #tpu.memory_space<hbm>>) dst(%arg9 : memref<40xi32, #tpu.memory_space<vmem>>)
    %dma_start3A_35 = arith.constant 0 : i32
    %dma_start3A_36 = arith.constant 0 : i32
    %dma_start3A_37 = tpu.memref_slice %arg2[%dma_start3A_35, %dma_start3A_36] : memref<10000x128xf32, #tpu.memory_space<hbm>> -> memref<10000x128xf32, #tpu.memory_space<hbm>>
    tpu.enqueue_indirect_dma source(%dma_start3A_37 : memref<10000x128xf32, #tpu.memory_space<hbm>>) target(%arg12 : memref<40x128xf32, #tpu.memory_space<vmem>>) offsets(%arg6 : memref<40xi32, #tpu.memory_space<vmem>>) semaphore(%arg17 : memref<!tpu.dma_semaphore, #tpu.memory_space<semaphore_mem>>)
    %min3A_38 = arith.constant 1 : i32
    %min3A_39 = arith.constant 124 : i32
    %min3A_40 = arith.minsi %min3A_38, %min3A_39 : i32
    %mul3A_41 = arith.constant 40 : i32
    %mul3A_42 = arith.muli %min3A_40, %mul3A_41 : i32
    %add3A_43 = arith.addi %mul3A_11, %mul3A_42 : i32
    %dma_start3A_44 = tpu.memref_slice %arg3[%add3A_43] : memref<160000xi32, #tpu.memory_space<hbm>> -> memref<40xi32, #tpu.memory_space<hbm>>
    %dma_start3A_45 = tpu.memref_slice %arg3[%add3A_43] : memref<160000xi32, #tpu.memory_space<hbm>> -> memref<40xi32, #tpu.memory_space<hbm>>
    tpu.enqueue_dma source(%dma_start3A_45 : memref<40xi32, #tpu.memory_space<hbm>>) target(%arg7 : memref<40xi32, #tpu.memory_space<vmem>>) target_semaphore(%arg21 : memref<!tpu.dma_semaphore, #tpu.memory_space<semaphore_mem>>)
    %mul3A_46 = arith.constant 40 : i32
    %mul3A_47 = arith.muli %min3A_40, %mul3A_46 : i32
    %add3A_48 = arith.addi %mul3A_11, %mul3A_47 : i32
    %dma_start3A_49 = tpu.memref_slice %arg4[%add3A_48] : memref<160000xi32, #tpu.memory_space<hbm>> -> memref<40xi32, #tpu.memory_space<hbm>>
    %dma_start3A_50 = tpu.memref_slice %arg4[%add3A_48] : memref<160000xi32, #tpu.memory_space<hbm>> -> memref<40xi32, #tpu.memory_space<hbm>>
    tpu.enqueue_dma source(%dma_start3A_50 : memref<40xi32, #tpu.memory_space<hbm>>) target(%arg10 : memref<40xi32, #tpu.memory_space<vmem>>) target_semaphore(%arg21 : memref<!tpu.dma_semaphore, #tpu.memory_space<semaphore_mem>>)
    %min3A_51 = arith.constant 1 : i32
    %min3A_52 = arith.constant 124 : i32
    %min3A_53 = arith.minsi %min3A_51, %min3A_52 : i32
    %mul3A_54 = arith.constant 40 : i32
    %mul3A_55 = arith.muli %min3A_53, %mul3A_54 : i32
    %add3A_56 = arith.addi %mul3A_11, %mul3A_55 : i32
    %dma_wait3A_57 = tpu.memref_slice %arg3[%add3A_56] : memref<160000xi32, #tpu.memory_space<hbm>> -> memref<40xi32, #tpu.memory_space<hbm>>
    %dma_wait3A_58 = tpu.memref_slice %arg3[%add3A_56] : memref<160000xi32, #tpu.memory_space<hbm>> -> memref<40xi32, #tpu.memory_space<hbm>>
    tpu.wait_dma2 semaphore(%arg21 : memref<!tpu.dma_semaphore, #tpu.memory_space<semaphore_mem>>) src(%dma_wait3A_58 : memref<40xi32, #tpu.memory_space<hbm>>) dst(%arg7 : memref<40xi32, #tpu.memory_space<vmem>>)
    %mul3A_59 = arith.constant 40 : i32
    %mul3A_60 = arith.muli %min3A_53, %mul3A_59 : i32
    %add3A_61 = arith.addi %mul3A_11, %mul3A_60 : i32
    %dma_wait3A_62 = tpu.memref_slice %arg4[%add3A_61] : memref<160000xi32, #tpu.memory_space<hbm>> -> memref<40xi32, #tpu.memory_space<hbm>>
    %dma_wait3A_63 = tpu.memref_slice %arg4[%add3A_61] : memref<160000xi32, #tpu.memory_space<hbm>> -> memref<40xi32, #tpu.memory_space<hbm>>
    tpu.wait_dma2 semaphore(%arg21 : memref<!tpu.dma_semaphore, #tpu.memory_space<semaphore_mem>>) src(%dma_wait3A_63 : memref<40xi32, #tpu.memory_space<hbm>>) dst(%arg10 : memref<40xi32, #tpu.memory_space<vmem>>)
    %dma_start3A_64 = arith.constant 0 : i32
    %dma_start3A_65 = arith.constant 0 : i32
    %dma_start3A_66 = tpu.memref_slice %arg2[%dma_start3A_64, %dma_start3A_65] : memref<10000x128xf32, #tpu.memory_space<hbm>> -> memref<10000x128xf32, #tpu.memory_space<hbm>>
    tpu.enqueue_indirect_dma source(%dma_start3A_66 : memref<10000x128xf32, #tpu.memory_space<hbm>>) target(%arg13 : memref<40x128xf32, #tpu.memory_space<vmem>>) offsets(%arg7 : memref<40xi32, #tpu.memory_space<vmem>>) semaphore(%arg18 : memref<!tpu.dma_semaphore, #tpu.memory_space<semaphore_mem>>)
    %min3A_67 = arith.constant 2 : i32
    %min3A_68 = arith.constant 124 : i32
    %min3A_69 = arith.minsi %min3A_67, %min3A_68 : i32
    %mul3A_70 = arith.constant 40 : i32
    %mul3A_71 = arith.muli %min3A_69, %mul3A_70 : i32
    %add3A_72 = arith.addi %mul3A_11, %mul3A_71 : i32
    %dma_start3A_73 = tpu.memref_slice %arg3[%add3A_72] : memref<160000xi32, #tpu.memory_space<hbm>> -> memref<40xi32, #tpu.memory_space<hbm>>
    %dma_start3A_74 = tpu.memref_slice %arg3[%add3A_72] : memref<160000xi32, #tpu.memory_space<hbm>> -> memref<40xi32, #tpu.memory_space<hbm>>
    tpu.enqueue_dma source(%dma_start3A_74 : memref<40xi32, #tpu.memory_space<hbm>>) target(%arg8 : memref<40xi32, #tpu.memory_space<vmem>>) target_semaphore(%arg22 : memref<!tpu.dma_semaphore, #tpu.memory_space<semaphore_mem>>)
    %mul3A_75 = arith.constant 40 : i32
    %mul3A_76 = arith.muli %min3A_69, %mul3A_75 : i32
    %add3A_77 = arith.addi %mul3A_11, %mul3A_76 : i32
    %dma_start3A_78 = tpu.memref_slice %arg4[%add3A_77] : memref<160000xi32, #tpu.memory_space<hbm>> -> memref<40xi32, #tpu.memory_space<hbm>>
    %dma_start3A_79 = tpu.memref_slice %arg4[%add3A_77] : memref<160000xi32, #tpu.memory_space<hbm>> -> memref<40xi32, #tpu.memory_space<hbm>>
    tpu.enqueue_dma source(%dma_start3A_79 : memref<40xi32, #tpu.memory_space<hbm>>) target(%arg11 : memref<40xi32, #tpu.memory_space<vmem>>) target_semaphore(%arg22 : memref<!tpu.dma_semaphore, #tpu.memory_space<semaphore_mem>>)
    %scan3A_80 = arith.constant 0 : i32
    %scan3A_81 = arith.constant 41 : i32
    %scan3A_82 = arith.addi %scan3A_80, %scan3A_81 : i32
    %scan3A_83 = arith.constant 1 : i32
    scf.for %scan3A_109 = %scan3A_80 to %scan3A_82 step %scan3A_83  : i32 {
      %mul3A_110 = arith.constant 1 : i32
      %mul3A_111 = arith.muli %scan3A_109, %mul3A_110 : i32
      %add3A_112 = arith.constant 0 : i32
      %add3A_113 = arith.addi %add3A_112, %mul3A_111 : i32
      %mul3A_114 = arith.constant 3 : i32
      %mul3A_115 = arith.muli %mul3A_114, %add3A_113 : i32
      %add3A_116 = arith.constant 0 : i32
      %add3A_117 = arith.addi %mul3A_115, %add3A_116 : i32
      %add3A_118 = arith.constant 2 : i32
      %add3A_119 = arith.addi %add3A_117, %add3A_118 : i32
      %min3A_120 = arith.constant 124 : i32
      %min3A_121 = arith.minsi %add3A_119, %min3A_120 : i32
      %mul3A_122 = arith.constant 40 : i32
      %mul3A_123 = arith.muli %min3A_121, %mul3A_122 : i32
      %add3A_124 = arith.addi %mul3A_11, %mul3A_123 : i32
      %dma_wait3A_125 = tpu.memref_slice %arg3[%add3A_124] : memref<160000xi32, #tpu.memory_space<hbm>> -> memref<40xi32, #tpu.memory_space<hbm>>
      %dma_wait3A_126 = tpu.memref_slice %arg3[%add3A_124] : memref<160000xi32, #tpu.memory_space<hbm>> -> memref<40xi32, #tpu.memory_space<hbm>>
      tpu.wait_dma2 semaphore(%arg22 : memref<!tpu.dma_semaphore, #tpu.memory_space<semaphore_mem>>) src(%dma_wait3A_126 : memref<40xi32, #tpu.memory_space<hbm>>) dst(%arg8 : memref<40xi32, #tpu.memory_space<vmem>>)
      %mul3A_127 = arith.constant 40 : i32
      %mul3A_128 = arith.muli %min3A_121, %mul3A_127 : i32
      %add3A_129 = arith.addi %mul3A_11, %mul3A_128 : i32
      %dma_wait3A_130 = tpu.memref_slice %arg4[%add3A_129] : memref<160000xi32, #tpu.memory_space<hbm>> -> memref<40xi32, #tpu.memory_space<hbm>>
      %dma_wait3A_131 = tpu.memref_slice %arg4[%add3A_129] : memref<160000xi32, #tpu.memory_space<hbm>> -> memref<40xi32, #tpu.memory_space<hbm>>
      tpu.wait_dma2 semaphore(%arg22 : memref<!tpu.dma_semaphore, #tpu.memory_space<semaphore_mem>>) src(%dma_wait3A_131 : memref<40xi32, #tpu.memory_space<hbm>>) dst(%arg11 : memref<40xi32, #tpu.memory_space<vmem>>)
      %dma_start3A_132 = arith.constant 0 : i32
      %dma_start3A_133 = arith.constant 0 : i32
      %dma_start3A_134 = tpu.memref_slice %arg2[%dma_start3A_132, %dma_start3A_133] : memref<10000x128xf32, #tpu.memory_space<hbm>> -> memref<10000x128xf32, #tpu.memory_space<hbm>>
      tpu.enqueue_indirect_dma source(%dma_start3A_134 : memref<10000x128xf32, #tpu.memory_space<hbm>>) target(%arg14 : memref<40x128xf32, #tpu.memory_space<vmem>>) offsets(%arg8 : memref<40xi32, #tpu.memory_space<vmem>>) semaphore(%arg19 : memref<!tpu.dma_semaphore, #tpu.memory_space<semaphore_mem>>)
      %dma_wait3A_135 = arith.constant 0 : i32
      %dma_wait3A_136 = arith.constant 0 : i32
      %dma_wait3A_137 = tpu.memref_slice %arg2[%dma_wait3A_135, %dma_wait3A_136] : memref<10000x128xf32, #tpu.memory_space<hbm>> -> memref<10000x128xf32, #tpu.memory_space<hbm>>
      tpu.wait_indirect_dma semaphore(%arg17 : memref<!tpu.dma_semaphore, #tpu.memory_space<semaphore_mem>>) src(%dma_wait3A_137 : memref<10000x128xf32, #tpu.memory_space<hbm>>) dst(%arg12 : memref<40x128xf32, #tpu.memory_space<vmem>>)
      "tpu.region"() ({
        %run_scoped3A = tpu.sem_alloc : memref<!tpu.dma_semaphore, #tpu.memory_space<semaphore_mem>>
        %dma_start3A_224 = arith.constant 0 : i32
        %dma_start3A_225 = arith.constant 0 : i32
        %dma_start3A_226 = tpu.memref_slice %arg16[%dma_start3A_224, %dma_start3A_225] : memref<10240x128xf32, #tpu.memory_space<vmem_shared>> -> memref<10240x128xf32, #tpu.memory_space<vmem_shared>>
        tpu.enqueue_indirect_dma source(%arg12 : memref<40x128xf32, #tpu.memory_space<vmem>>) target(%dma_start3A_226 : memref<10240x128xf32, #tpu.memory_space<vmem_shared>>) offsets(%arg9 : memref<40xi32, #tpu.memory_space<vmem>>) semaphore(%run_scoped3A : memref<!tpu.dma_semaphore, #tpu.memory_space<semaphore_mem>>) {add = true}
        %dma_wait3A_227 = arith.constant 0 : i32
        %dma_wait3A_228 = arith.constant 0 : i32
        %dma_wait3A_229 = tpu.memref_slice %arg16[%dma_wait3A_227, %dma_wait3A_228] : memref<10240x128xf32, #tpu.memory_space<vmem_shared>> -> memref<10240x128xf32, #tpu.memory_space<vmem_shared>>
        tpu.wait_indirect_dma semaphore(%run_scoped3A : memref<!tpu.dma_semaphore, #tpu.memory_space<semaphore_mem>>) src(%arg12 : memref<40x128xf32, #tpu.memory_space<vmem>>) dst(%dma_wait3A_229 : memref<10240x128xf32, #tpu.memory_space<vmem_shared>>)
        tpu.yield
      }) : () -> ()
      %add3A_138 = arith.constant 3 : i32
      %add3A_139 = arith.addi %add3A_117, %add3A_138 : i32
      %min3A_140 = arith.constant 124 : i32
      %min3A_141 = arith.minsi %add3A_139, %min3A_140 : i32
      %mul3A_142 = arith.constant 40 : i32
      %mul3A_143 = arith.muli %min3A_141, %mul3A_142 : i32
      %add3A_144 = arith.addi %mul3A_11, %mul3A_143 : i32
      %dma_start3A_145 = tpu.memref_slice %arg3[%add3A_144] : memref<160000xi32, #tpu.memory_space<hbm>> -> memref<40xi32, #tpu.memory_space<hbm>>
      %dma_start3A_146 = tpu.memref_slice %arg3[%add3A_144] : memref<160000xi32, #tpu.memory_space<hbm>> -> memref<40xi32, #tpu.memory_space<hbm>>
      tpu.enqueue_dma source(%dma_start3A_146 : memref<40xi32, #tpu.memory_space<hbm>>) target(%arg6 : memref<40xi32, #tpu.memory_space<vmem>>) target_semaphore(%arg20 : memref<!tpu.dma_semaphore, #tpu.memory_space<semaphore_mem>>)
      %mul3A_147 = arith.constant 40 : i32
      %mul3A_148 = arith.muli %min3A_141, %mul3A_147 : i32
      %add3A_149 = arith.addi %mul3A_11, %mul3A_148 : i32
      %dma_start3A_150 = tpu.memref_slice %arg4[%add3A_149] : memref<160000xi32, #tpu.memory_space<hbm>> -> memref<40xi32, #tpu.memory_space<hbm>>
      %dma_start3A_151 = tpu.memref_slice %arg4[%add3A_149] : memref<160000xi32, #tpu.memory_space<hbm>> -> memref<40xi32, #tpu.memory_space<hbm>>
      tpu.enqueue_dma source(%dma_start3A_151 : memref<40xi32, #tpu.memory_space<hbm>>) target(%arg9 : memref<40xi32, #tpu.memory_space<vmem>>) target_semaphore(%arg20 : memref<!tpu.dma_semaphore, #tpu.memory_space<semaphore_mem>>)
      %add3A_152 = arith.constant 1 : i32
      %add3A_153 = arith.addi %mul3A_115, %add3A_152 : i32
      %add3A_154 = arith.constant 2 : i32
      %add3A_155 = arith.addi %add3A_153, %add3A_154 : i32
      %min3A_156 = arith.constant 124 : i32
      %min3A_157 = arith.minsi %add3A_155, %min3A_156 : i32
      %mul3A_158 = arith.constant 40 : i32
      %mul3A_159 = arith.muli %min3A_157, %mul3A_158 : i32
      %add3A_160 = arith.addi %mul3A_11, %mul3A_159 : i32
      %dma_wait3A_161 = tpu.memref_slice %arg3[%add3A_160] : memref<160000xi32, #tpu.memory_space<hbm>> -> memref<40xi32, #tpu.memory_space<hbm>>
      %dma_wait3A_162 = tpu.memref_slice %arg3[%add3A_160] : memref<160000xi32, #tpu.memory_space<hbm>> -> memref<40xi32, #tpu.memory_space<hbm>>
      tpu.wait_dma2 semaphore(%arg20 : memref<!tpu.dma_semaphore, #tpu.memory_space<semaphore_mem>>) src(%dma_wait3A_162 : memref<40xi32, #tpu.memory_space<hbm>>) dst(%arg6 : memref<40xi32, #tpu.memory_space<vmem>>)
      %mul3A_163 = arith.constant 40 : i32
      %mul3A_164 = arith.muli %min3A_157, %mul3A_163 : i32
      %add3A_165 = arith.addi %mul3A_11, %mul3A_164 : i32
      %dma_wait3A_166 = tpu.memref_slice %arg4[%add3A_165] : memref<160000xi32, #tpu.memory_space<hbm>> -> memref<40xi32, #tpu.memory_space<hbm>>
      %dma_wait3A_167 = tpu.memref_slice %arg4[%add3A_165] : memref<160000xi32, #tpu.memory_space<hbm>> -> memref<40xi32, #tpu.memory_space<hbm>>
      tpu.wait_dma2 semaphore(%arg20 : memref<!tpu.dma_semaphore, #tpu.memory_space<semaphore_mem>>) src(%dma_wait3A_167 : memref<40xi32, #tpu.memory_space<hbm>>) dst(%arg9 : memref<40xi32, #tpu.memory_space<vmem>>)
      %dma_start3A_168 = arith.constant 0 : i32
      %dma_start3A_169 = arith.constant 0 : i32
      %dma_start3A_170 = tpu.memref_slice %arg2[%dma_start3A_168, %dma_start3A_169] : memref<10000x128xf32, #tpu.memory_space<hbm>> -> memref<10000x128xf32, #tpu.memory_space<hbm>>
      tpu.enqueue_indirect_dma source(%dma_start3A_170 : memref<10000x128xf32, #tpu.memory_space<hbm>>) target(%arg12 : memref<40x128xf32, #tpu.memory_space<vmem>>) offsets(%arg6 : memref<40xi32, #tpu.memory_space<vmem>>) semaphore(%arg17 : memref<!tpu.dma_semaphore, #tpu.memory_space<semaphore_mem>>)
      %dma_wait3A_171 = arith.constant 0 : i32
      %dma_wait3A_172 = arith.constant 0 : i32
      %dma_wait3A_173 = tpu.memref_slice %arg2[%dma_wait3A_171, %dma_wait3A_172] : memref<10000x128xf32, #tpu.memory_space<hbm>> -> memref<10000x128xf32, #tpu.memory_space<hbm>>
      tpu.wait_indirect_dma semaphore(%arg18 : memref<!tpu.dma_semaphore, #tpu.memory_space<semaphore_mem>>) src(%dma_wait3A_173 : memref<10000x128xf32, #tpu.memory_space<hbm>>) dst(%arg13 : memref<40x128xf32, #tpu.memory_space<vmem>>)
      "tpu.region"() ({
        %run_scoped3A = tpu.sem_alloc : memref<!tpu.dma_semaphore, #tpu.memory_space<semaphore_mem>>
        %dma_start3A_224 = arith.constant 0 : i32
        %dma_start3A_225 = arith.constant 0 : i32
        %dma_start3A_226 = tpu.memref_slice %arg16[%dma_start3A_224, %dma_start3A_225] : memref<10240x128xf32, #tpu.memory_space<vmem_shared>> -> memref<10240x128xf32, #tpu.memory_space<vmem_shared>>
        tpu.enqueue_indirect_dma source(%arg13 : memref<40x128xf32, #tpu.memory_space<vmem>>) target(%dma_start3A_226 : memref<10240x128xf32, #tpu.memory_space<vmem_shared>>) offsets(%arg10 : memref<40xi32, #tpu.memory_space<vmem>>) semaphore(%run_scoped3A : memref<!tpu.dma_semaphore, #tpu.memory_space<semaphore_mem>>) {add = true}
        %dma_wait3A_227 = arith.constant 0 : i32
        %dma_wait3A_228 = arith.constant 0 : i32
        %dma_wait3A_229 = tpu.memref_slice %arg16[%dma_wait3A_227, %dma_wait3A_228] : memref<10240x128xf32, #tpu.memory_space<vmem_shared>> -> memref<10240x128xf32, #tpu.memory_space<vmem_shared>>
        tpu.wait_indirect_dma semaphore(%run_scoped3A : memref<!tpu.dma_semaphore, #tpu.memory_space<semaphore_mem>>) src(%arg13 : memref<40x128xf32, #tpu.memory_space<vmem>>) dst(%dma_wait3A_229 : memref<10240x128xf32, #tpu.memory_space<vmem_shared>>)
        tpu.yield
      }) : () -> ()
      %add3A_174 = arith.constant 3 : i32
      %add3A_175 = arith.addi %add3A_153, %add3A_174 : i32
      %min3A_176 = arith.constant 124 : i32
      %min3A_177 = arith.minsi %add3A_175, %min3A_176 : i32
      %mul3A_178 = arith.constant 40 : i32
      %mul3A_179 = arith.muli %min3A_177, %mul3A_178 : i32
      %add3A_180 = arith.addi %mul3A_11, %mul3A_179 : i32
      %dma_start3A_181 = tpu.memref_slice %arg3[%add3A_180] : memref<160000xi32, #tpu.memory_space<hbm>> -> memref<40xi32, #tpu.memory_space<hbm>>
      %dma_start3A_182 = tpu.memref_slice %arg3[%add3A_180] : memref<160000xi32, #tpu.memory_space<hbm>> -> memref<40xi32, #tpu.memory_space<hbm>>
      tpu.enqueue_dma source(%dma_start3A_182 : memref<40xi32, #tpu.memory_space<hbm>>) target(%arg7 : memref<40xi32, #tpu.memory_space<vmem>>) target_semaphore(%arg21 : memref<!tpu.dma_semaphore, #tpu.memory_space<semaphore_mem>>)
      %mul3A_183 = arith.constant 40 : i32
      %mul3A_184 = arith.muli %min3A_177, %mul3A_183 : i32
      %add3A_185 = arith.addi %mul3A_11, %mul3A_184 : i32
      %dma_start3A_186 = tpu.memref_slice %arg4[%add3A_185] : memref<160000xi32, #tpu.memory_space<hbm>> -> memref<40xi32, #tpu.memory_space<hbm>>
      %dma_start3A_187 = tpu.memref_slice %arg4[%add3A_185] : memref<160000xi32, #tpu.memory_space<hbm>> -> memref<40xi32, #tpu.memory_space<hbm>>
      tpu.enqueue_dma source(%dma_start3A_187 : memref<40xi32, #tpu.memory_space<hbm>>) target(%arg10 : memref<40xi32, #tpu.memory_space<vmem>>) target_semaphore(%arg21 : memref<!tpu.dma_semaphore, #tpu.memory_space<semaphore_mem>>)
      %add3A_188 = arith.constant 2 : i32
      %add3A_189 = arith.addi %mul3A_115, %add3A_188 : i32
      %add3A_190 = arith.constant 2 : i32
      %add3A_191 = arith.addi %add3A_189, %add3A_190 : i32
      %min3A_192 = arith.constant 124 : i32
      %min3A_193 = arith.minsi %add3A_191, %min3A_192 : i32
      %mul3A_194 = arith.constant 40 : i32
      %mul3A_195 = arith.muli %min3A_193, %mul3A_194 : i32
      %add3A_196 = arith.addi %mul3A_11, %mul3A_195 : i32
      %dma_wait3A_197 = tpu.memref_slice %arg3[%add3A_196] : memref<160000xi32, #tpu.memory_space<hbm>> -> memref<40xi32, #tpu.memory_space<hbm>>
      %dma_wait3A_198 = tpu.memref_slice %arg3[%add3A_196] : memref<160000xi32, #tpu.memory_space<hbm>> -> memref<40xi32, #tpu.memory_space<hbm>>
      tpu.wait_dma2 semaphore(%arg21 : memref<!tpu.dma_semaphore, #tpu.memory_space<semaphore_mem>>) src(%dma_wait3A_198 : memref<40xi32, #tpu.memory_space<hbm>>) dst(%arg7 : memref<40xi32, #tpu.memory_space<vmem>>)
      %mul3A_199 = arith.constant 40 : i32
      %mul3A_200 = arith.muli %min3A_193, %mul3A_199 : i32
      %add3A_201 = arith.addi %mul3A_11, %mul3A_200 : i32
      %dma_wait3A_202 = tpu.memref_slice %arg4[%add3A_201] : memref<160000xi32, #tpu.memory_space<hbm>> -> memref<40xi32, #tpu.memory_space<hbm>>
      %dma_wait3A_203 = tpu.memref_slice %arg4[%add3A_201] : memref<160000xi32, #tpu.memory_space<hbm>> -> memref<40xi32, #tpu.memory_space<hbm>>
      tpu.wait_dma2 semaphore(%arg21 : memref<!tpu.dma_semaphore, #tpu.memory_space<semaphore_mem>>) src(%dma_wait3A_203 : memref<40xi32, #tpu.memory_space<hbm>>) dst(%arg10 : memref<40xi32, #tpu.memory_space<vmem>>)
      %dma_start3A_204 = arith.constant 0 : i32
      %dma_start3A_205 = arith.constant 0 : i32
      %dma_start3A_206 = tpu.memref_slice %arg2[%dma_start3A_204, %dma_start3A_205] : memref<10000x128xf32, #tpu.memory_space<hbm>> -> memref<10000x128xf32, #tpu.memory_space<hbm>>
      tpu.enqueue_indirect_dma source(%dma_start3A_206 : memref<10000x128xf32, #tpu.memory_space<hbm>>) target(%arg13 : memref<40x128xf32, #tpu.memory_space<vmem>>) offsets(%arg7 : memref<40xi32, #tpu.memory_space<vmem>>) semaphore(%arg18 : memref<!tpu.dma_semaphore, #tpu.memory_space<semaphore_mem>>)
      %dma_wait3A_207 = arith.constant 0 : i32
      %dma_wait3A_208 = arith.constant 0 : i32
      %dma_wait3A_209 = tpu.memref_slice %arg2[%dma_wait3A_207, %dma_wait3A_208] : memref<10000x128xf32, #tpu.memory_space<hbm>> -> memref<10000x128xf32, #tpu.memory_space<hbm>>
      tpu.wait_indirect_dma semaphore(%arg19 : memref<!tpu.dma_semaphore, #tpu.memory_space<semaphore_mem>>) src(%dma_wait3A_209 : memref<10000x128xf32, #tpu.memory_space<hbm>>) dst(%arg14 : memref<40x128xf32, #tpu.memory_space<vmem>>)
      "tpu.region"() ({
        %run_scoped3A = tpu.sem_alloc : memref<!tpu.dma_semaphore, #tpu.memory_space<semaphore_mem>>
        %dma_start3A_224 = arith.constant 0 : i32
        %dma_start3A_225 = arith.constant 0 : i32
        %dma_start3A_226 = tpu.memref_slice %arg16[%dma_start3A_224, %dma_start3A_225] : memref<10240x128xf32, #tpu.memory_space<vmem_shared>> -> memref<10240x128xf32, #tpu.memory_space<vmem_shared>>
        tpu.enqueue_indirect_dma source(%arg14 : memref<40x128xf32, #tpu.memory_space<vmem>>) target(%dma_start3A_226 : memref<10240x128xf32, #tpu.memory_space<vmem_shared>>) offsets(%arg11 : memref<40xi32, #tpu.memory_space<vmem>>) semaphore(%run_scoped3A : memref<!tpu.dma_semaphore, #tpu.memory_space<semaphore_mem>>) {add = true}
        %dma_wait3A_227 = arith.constant 0 : i32
        %dma_wait3A_228 = arith.constant 0 : i32
        %dma_wait3A_229 = tpu.memref_slice %arg16[%dma_wait3A_227, %dma_wait3A_228] : memref<10240x128xf32, #tpu.memory_space<vmem_shared>> -> memref<10240x128xf32, #tpu.memory_space<vmem_shared>>
        tpu.wait_indirect_dma semaphore(%run_scoped3A : memref<!tpu.dma_semaphore, #tpu.memory_space<semaphore_mem>>) src(%arg14 : memref<40x128xf32, #tpu.memory_space<vmem>>) dst(%dma_wait3A_229 : memref<10240x128xf32, #tpu.memory_space<vmem_shared>>)
        tpu.yield
      }) : () -> ()
      %add3A_210 = arith.constant 3 : i32
      %add3A_211 = arith.addi %add3A_189, %add3A_210 : i32
      %min3A_212 = arith.constant 124 : i32
      %min3A_213 = arith.minsi %add3A_211, %min3A_212 : i32
      %mul3A_214 = arith.constant 40 : i32
      %mul3A_215 = arith.muli %min3A_213, %mul3A_214 : i32
      %add3A_216 = arith.addi %mul3A_11, %mul3A_215 : i32
      %dma_start3A_217 = tpu.memref_slice %arg3[%add3A_216] : memref<160000xi32, #tpu.memory_space<hbm>> -> memref<40xi32, #tpu.memory_space<hbm>>
      %dma_start3A_218 = tpu.memref_slice %arg3[%add3A_216] : memref<160000xi32, #tpu.memory_space<hbm>> -> memref<40xi32, #tpu.memory_space<hbm>>
      tpu.enqueue_dma source(%dma_start3A_218 : memref<40xi32, #tpu.memory_space<hbm>>) target(%arg8 : memref<40xi32, #tpu.memory_space<vmem>>) target_semaphore(%arg22 : memref<!tpu.dma_semaphore, #tpu.memory_space<semaphore_mem>>)
      %mul3A_219 = arith.constant 40 : i32
      %mul3A_220 = arith.muli %min3A_213, %mul3A_219 : i32
      %add3A_221 = arith.addi %mul3A_11, %mul3A_220 : i32
      %dma_start3A_222 = tpu.memref_slice %arg4[%add3A_221] : memref<160000xi32, #tpu.memory_space<hbm>> -> memref<40xi32, #tpu.memory_space<hbm>>
      %dma_start3A_223 = tpu.memref_slice %arg4[%add3A_221] : memref<160000xi32, #tpu.memory_space<hbm>> -> memref<40xi32, #tpu.memory_space<hbm>>
      tpu.enqueue_dma source(%dma_start3A_223 : memref<40xi32, #tpu.memory_space<hbm>>) target(%arg11 : memref<40xi32, #tpu.memory_space<vmem>>) target_semaphore(%arg22 : memref<!tpu.dma_semaphore, #tpu.memory_space<semaphore_mem>>)
    }
    %scan3A_84 = arith.constant 41 : i32
    %dma_wait3A_85 = arith.constant 0 : i32
    %dma_wait3A_86 = arith.constant 0 : i32
    %dma_wait3A_87 = tpu.memref_slice %arg2[%dma_wait3A_85, %dma_wait3A_86] : memref<10000x128xf32, #tpu.memory_space<hbm>> -> memref<10000x128xf32, #tpu.memory_space<hbm>>
    tpu.wait_indirect_dma semaphore(%arg17 : memref<!tpu.dma_semaphore, #tpu.memory_space<semaphore_mem>>) src(%dma_wait3A_87 : memref<10000x128xf32, #tpu.memory_space<hbm>>) dst(%arg12 : memref<40x128xf32, #tpu.memory_space<vmem>>)
    "tpu.region"() ({
      %run_scoped3A = tpu.sem_alloc : memref<!tpu.dma_semaphore, #tpu.memory_space<semaphore_mem>>
      %dma_start3A_109 = arith.constant 0 : i32
      %dma_start3A_110 = arith.constant 0 : i32
      %dma_start3A_111 = tpu.memref_slice %arg16[%dma_start3A_109, %dma_start3A_110] : memref<10240x128xf32, #tpu.memory_space<vmem_shared>> -> memref<10240x128xf32, #tpu.memory_space<vmem_shared>>
      tpu.enqueue_indirect_dma source(%arg12 : memref<40x128xf32, #tpu.memory_space<vmem>>) target(%dma_start3A_111 : memref<10240x128xf32, #tpu.memory_space<vmem_shared>>) offsets(%arg9 : memref<40xi32, #tpu.memory_space<vmem>>) semaphore(%run_scoped3A : memref<!tpu.dma_semaphore, #tpu.memory_space<semaphore_mem>>) {add = true}
      %dma_wait3A_112 = arith.constant 0 : i32
      %dma_wait3A_113 = arith.constant 0 : i32
      %dma_wait3A_114 = tpu.memref_slice %arg16[%dma_wait3A_112, %dma_wait3A_113] : memref<10240x128xf32, #tpu.memory_space<vmem_shared>> -> memref<10240x128xf32, #tpu.memory_space<vmem_shared>>
      tpu.wait_indirect_dma semaphore(%run_scoped3A : memref<!tpu.dma_semaphore, #tpu.memory_space<semaphore_mem>>) src(%arg12 : memref<40x128xf32, #tpu.memory_space<vmem>>) dst(%dma_wait3A_114 : memref<10240x128xf32, #tpu.memory_space<vmem_shared>>)
      tpu.yield
    }) : () -> ()
    %dma_wait3A_88 = arith.constant 0 : i32
    %dma_wait3A_89 = arith.constant 0 : i32
    %dma_wait3A_90 = tpu.memref_slice %arg2[%dma_wait3A_88, %dma_wait3A_89] : memref<10000x128xf32, #tpu.memory_space<hbm>> -> memref<10000x128xf32, #tpu.memory_space<hbm>>
    tpu.wait_indirect_dma semaphore(%arg18 : memref<!tpu.dma_semaphore, #tpu.memory_space<semaphore_mem>>) src(%dma_wait3A_90 : memref<10000x128xf32, #tpu.memory_space<hbm>>) dst(%arg13 : memref<40x128xf32, #tpu.memory_space<vmem>>)
    "tpu.region"() ({
      %run_scoped3A = tpu.sem_alloc : memref<!tpu.dma_semaphore, #tpu.memory_space<semaphore_mem>>
      %dma_start3A_109 = arith.constant 0 : i32
      %dma_start3A_110 = arith.constant 0 : i32
      %dma_start3A_111 = tpu.memref_slice %arg16[%dma_start3A_109, %dma_start3A_110] : memref<10240x128xf32, #tpu.memory_space<vmem_shared>> -> memref<10240x128xf32, #tpu.memory_space<vmem_shared>>
      tpu.enqueue_indirect_dma source(%arg13 : memref<40x128xf32, #tpu.memory_space<vmem>>) target(%dma_start3A_111 : memref<10240x128xf32, #tpu.memory_space<vmem_shared>>) offsets(%arg10 : memref<40xi32, #tpu.memory_space<vmem>>) semaphore(%run_scoped3A : memref<!tpu.dma_semaphore, #tpu.memory_space<semaphore_mem>>) {add = true}
      %dma_wait3A_112 = arith.constant 0 : i32
      %dma_wait3A_113 = arith.constant 0 : i32
      %dma_wait3A_114 = tpu.memref_slice %arg16[%dma_wait3A_112, %dma_wait3A_113] : memref<10240x128xf32, #tpu.memory_space<vmem_shared>> -> memref<10240x128xf32, #tpu.memory_space<vmem_shared>>
      tpu.wait_indirect_dma semaphore(%run_scoped3A : memref<!tpu.dma_semaphore, #tpu.memory_space<semaphore_mem>>) src(%arg13 : memref<40x128xf32, #tpu.memory_space<vmem>>) dst(%dma_wait3A_114 : memref<10240x128xf32, #tpu.memory_space<vmem_shared>>)
      tpu.yield
    }) : () -> ()
    %min3A_91 = arith.constant 124 : i32
    %min3A_92 = arith.constant 124 : i32
    %min3A_93 = arith.minsi %min3A_91, %min3A_92 : i32
    %mul3A_94 = arith.constant 40 : i32
    %mul3A_95 = arith.muli %min3A_93, %mul3A_94 : i32
    %add3A_96 = arith.addi %mul3A_11, %mul3A_95 : i32
    %dma_wait3A_97 = tpu.memref_slice %arg3[%add3A_96] : memref<160000xi32, #tpu.memory_space<hbm>> -> memref<40xi32, #tpu.memory_space<hbm>>
    %dma_wait3A_98 = tpu.memref_slice %arg3[%add3A_96] : memref<160000xi32, #tpu.memory_space<hbm>> -> memref<40xi32, #tpu.memory_space<hbm>>
    tpu.wait_dma2 semaphore(%arg22 : memref<!tpu.dma_semaphore, #tpu.memory_space<semaphore_mem>>) src(%dma_wait3A_98 : memref<40xi32, #tpu.memory_space<hbm>>) dst(%arg8 : memref<40xi32, #tpu.memory_space<vmem>>)
    %mul3A_99 = arith.constant 40 : i32
    %mul3A_100 = arith.muli %min3A_93, %mul3A_99 : i32
    %add3A_101 = arith.addi %mul3A_11, %mul3A_100 : i32
    %dma_wait3A_102 = tpu.memref_slice %arg4[%add3A_101] : memref<160000xi32, #tpu.memory_space<hbm>> -> memref<40xi32, #tpu.memory_space<hbm>>
    %dma_wait3A_103 = tpu.memref_slice %arg4[%add3A_101] : memref<160000xi32, #tpu.memory_space<hbm>> -> memref<40xi32, #tpu.memory_space<hbm>>
    tpu.wait_dma2 semaphore(%arg22 : memref<!tpu.dma_semaphore, #tpu.memory_space<semaphore_mem>>) src(%dma_wait3A_103 : memref<40xi32, #tpu.memory_space<hbm>>) dst(%arg11 : memref<40xi32, #tpu.memory_space<vmem>>)
    %barrier3A_104 = arith.constant 0 : index
    tpu.barrier barrier_id(%barrier3A_104)
    %mul3A_105 = arith.constant 640 : i32
    %mul3A_106 = arith.muli %arg1, %mul3A_105 : i32
    %mul3A_107 = arith.constant 640 : i32
    %mul3A_108 = arith.muli %arg1, %mul3A_107 : i32
    "tpu.region"() ({
      %run_scoped3A = tpu.sem_alloc : memref<!tpu.dma_semaphore, #tpu.memory_space<semaphore_mem>>
      %dma_start3A_109 = arith.constant 0 : i32
      %dma_start3A_110 = tpu.memref_slice %arg5[%arg0, %mul3A_108, %dma_start3A_109] : memref<2x10240x128xf32, #tpu.memory_space<hbm>> -> memref<1x640x128xf32, #tpu.memory_space<hbm>>
      %dma_start3A_111 = tpu.memref_squeeze %dma_start3A_110 : memref<1x640x128xf32, #tpu.memory_space<hbm>> -> memref<640x128xf32, #tpu.memory_space<hbm>>
      %dma_start3A_112 = arith.constant 0 : i32
      %dma_start3A_113 = tpu.memref_slice %arg16[%mul3A_106, %dma_start3A_112] : memref<10240x128xf32, #tpu.memory_space<vmem_shared>> -> memref<640x128xf32, #tpu.memory_space<vmem_shared>>
      tpu.enqueue_dma source(%dma_start3A_113 : memref<640x128xf32, #tpu.memory_space<vmem_shared>>) target(%dma_start3A_111 : memref<640x128xf32, #tpu.memory_space<hbm>>) target_semaphore(%run_scoped3A : memref<!tpu.dma_semaphore, #tpu.memory_space<semaphore_mem>>)
      %dma_wait3A_114 = arith.constant 0 : i32
      %dma_wait3A_115 = tpu.memref_slice %arg5[%arg0, %mul3A_108, %dma_wait3A_114] : memref<2x10240x128xf32, #tpu.memory_space<hbm>> -> memref<1x640x128xf32, #tpu.memory_space<hbm>>
      %dma_wait3A_116 = tpu.memref_squeeze %dma_wait3A_115 : memref<1x640x128xf32, #tpu.memory_space<hbm>> -> memref<640x128xf32, #tpu.memory_space<hbm>>
      %dma_wait3A_117 = arith.constant 0 : i32
      %dma_wait3A_118 = tpu.memref_slice %arg16[%mul3A_106, %dma_wait3A_117] : memref<10240x128xf32, #tpu.memory_space<vmem_shared>> -> memref<640x128xf32, #tpu.memory_space<vmem_shared>>
      tpu.wait_dma2 semaphore(%run_scoped3A : memref<!tpu.dma_semaphore, #tpu.memory_space<semaphore_mem>>) src(%dma_wait3A_118 : memref<640x128xf32, #tpu.memory_space<vmem_shared>>) dst(%dma_wait3A_116 : memref<640x128xf32, #tpu.memory_space<hbm>>)
      tpu.yield
    }) : () -> ()
    return
  }
}

module attributes {stable_mosaic.version = 14 : i64} {
  func.func @body(%arg0: i32, %arg1: memref<2x1000x128xf32, #tpu.memory_space<vmem>>, %arg2: memref<2x1000x128xf32, #tpu.memory_space<vmem>>, %arg3: memref<1000x1xf32, #tpu.memory_space<vmem>>, %arg4: memref<2x1x128xf32, #tpu.memory_space<vmem>>, %arg5: memref<2x128x64xf32, #tpu.memory_space<vmem>>, %arg6: memref<1000x128xf32, #tpu.memory_space<vmem>>) attributes {dimension_semantics = [#tpu.dimension_semantics<arbitrary>], iteration_bounds = array<i64: 10>, scalar_prefetch = 0 : i64, scratch_operands = 0 : i64, tpu.core_type = #tpu.core_type<tc>, window_params = [{transform_indices = @transform_0, window_bounds = array<i64: 2, 1000, 128>}, {transform_indices = @transform_1, window_bounds = array<i64: 2, 1000, 128>}, {transform_indices = @transform_2, window_bounds = array<i64: 1000, 1>}, {pipeline_mode = #tpu.pipeline_mode<synchronous>, transform_indices = @transform_3, window_bounds = array<i64: 2, 1, 128>}, {pipeline_mode = #tpu.pipeline_mode<synchronous>, transform_indices = @transform_4, window_bounds = array<i64: 2, 128, 64>}, {transform_indices = @transform_5, window_bounds = array<i64: 1000, 128>}]} {
    %get3A = arith.constant 0 : index
    %get3A_0 = arith.constant 0 : index
    %get3A_1 = vector.load %arg3[%get3A, %get3A_0] : memref<1000x1xf32, #tpu.memory_space<vmem>>, vector<1000x1xf32>
    %get3A_2 = arith.constant 0 : index
    %get3A_3 = arith.constant 0 : index
    %get3A_4 = arith.constant 0 : index
    %get3A_5 = vector.load %arg1[%get3A_2, %get3A_3, %get3A_4] : memref<2x1000x128xf32, #tpu.memory_space<vmem>>, vector<2x1000x128xf32>
    %get3A_6 = arith.constant 0 : index
    %get3A_7 = arith.constant 0 : index
    %get3A_8 = arith.constant 0 : index
    %get3A_9 = vector.load %arg2[%get3A_6, %get3A_7, %get3A_8] : memref<2x1000x128xf32, #tpu.memory_space<vmem>>, vector<2x1000x128xf32>
    %add3A = arith.addf %get3A_5, %get3A_9 : vector<2x1000x128xf32>
    %broadcast_in_dim3A = vector.shape_cast %get3A_1 : vector<1000x1xf32> to vector<1x1000x1xf32>
    %mul3A = vector.broadcast %broadcast_in_dim3A : vector<1x1000x1xf32> to vector<2x1000x128xf32>
    %mul3A_10 = arith.mulf %add3A, %mul3A : vector<2x1000x128xf32>
    %get3A_11 = arith.constant 0 : index
    %get3A_12 = arith.constant 0 : index
    %get3A_13 = arith.constant 0 : index
    %get3A_14 = vector.load %arg4[%get3A_11, %get3A_12, %get3A_13] : memref<2x1x128xf32, #tpu.memory_space<vmem>>, vector<2x1x128xf32>
    %add3A_15 = vector.broadcast %get3A_14 : vector<2x1x128xf32> to vector<2x1000x128xf32>
    %add3A_16 = arith.addf %mul3A_10, %add3A_15 : vector<2x1000x128xf32>
    %max3A = arith.constant 0.000000e+00 : f32
    %max3A_17 = vector.broadcast %max3A : f32 to vector<2x1000x128xf32>
    %max3A_18 = arith.maximumf %add3A_16, %max3A_17 : vector<2x1000x128xf32>
    %slice3A = vector.extract_strided_slice %max3A_18 {offsets = [0, 0, 0], sizes = [1, 1000, 128], strides = [1, 1, 1]} : vector<2x1000x128xf32> to vector<1x1000x128xf32>
    %squeeze3A = vector.shape_cast %slice3A : vector<1x1000x128xf32> to vector<1000x128xf32>
    %get3A_19 = arith.constant 0 : index
    %get3A_20 = arith.constant 0 : index
    %get3A_21 = arith.constant 0 : index
    %get3A_22 = vector.load %arg5[%get3A_19, %get3A_20, %get3A_21] : memref<2x128x64xf32, #tpu.memory_space<vmem>>, vector<1x128x64xf32>
    %get3A_23 = vector.shape_cast %get3A_22 : vector<1x128x64xf32> to vector<128x64xf32>
    %dot_general3A = arith.constant dense<0.000000e+00> : vector<1000x64xf32>
    %dot_general3A_24 = tpu.matmul %squeeze3A, %get3A_23, %dot_general3A {dimension_numbers = #tpu.dot_dimension_numbers<[1], [0], [0], [1], [0, 0, 1, 1], [], []>, transpose_lhs_hint = false} : vector<1000x128xf32>, vector<128x64xf32>, vector<1000x64xf32> -> vector<1000x64xf32>
    %slice3A_25 = vector.extract_strided_slice %max3A_18 {offsets = [1, 0, 0], sizes = [1, 1000, 128], strides = [1, 1, 1]} : vector<2x1000x128xf32> to vector<1x1000x128xf32>
    %squeeze3A_26 = vector.shape_cast %slice3A_25 : vector<1x1000x128xf32> to vector<1000x128xf32>
    %get3A_27 = arith.constant 1 : index
    %get3A_28 = arith.constant 0 : index
    %get3A_29 = arith.constant 0 : index
    %get3A_30 = vector.load %arg5[%get3A_27, %get3A_28, %get3A_29] : memref<2x128x64xf32, #tpu.memory_space<vmem>>, vector<1x128x64xf32>
    %get3A_31 = vector.shape_cast %get3A_30 : vector<1x128x64xf32> to vector<128x64xf32>
    %dot_general3A_32 = arith.constant dense<0.000000e+00> : vector<1000x64xf32>
    %dot_general3A_33 = tpu.matmul %squeeze3A_26, %get3A_31, %dot_general3A_32 {dimension_numbers = #tpu.dot_dimension_numbers<[1], [0], [0], [1], [0, 0, 1, 1], [], []>, transpose_lhs_hint = false} : vector<1000x128xf32>, vector<128x64xf32>, vector<1000x64xf32> -> vector<1000x64xf32>
    %add3A_34 = arith.addf %dot_general3A_24, %dot_general3A_33 : vector<1000x64xf32>
    %mul3A_35 = vector.broadcast %get3A_1 : vector<1000x1xf32> to vector<1000x64xf32>
    %mul3A_36 = arith.mulf %add3A_34, %mul3A_35 : vector<1000x64xf32>
    %swap3A = arith.constant 0 : index
    %swap3A_37 = arith.constant 0 : index
    %swap3A_38 = vector.load %arg6[%swap3A, %swap3A_37] : memref<1000x128xf32, #tpu.memory_space<vmem>>, vector<1000x64xf32>
    tpu.vector_store %arg6[%swap3A, %swap3A_37], %mul3A_36 {strides = array<i32>} : memref<1000x128xf32, #tpu.memory_space<vmem>>, vector<1000x64xf32>,
    %broadcast_in_dim3A_39 = arith.constant 0.000000e+00 : f32
    %broadcast_in_dim3A_40 = vector.broadcast %broadcast_in_dim3A_39 : f32 to vector<1000x64xf32>
    %swap3A_41 = arith.constant 0 : index
    %swap3A_42 = arith.constant 64 : index
    %swap3A_43 = vector.load %arg6[%swap3A_41, %swap3A_42] : memref<1000x128xf32, #tpu.memory_space<vmem>>, vector<1000x64xf32>
    tpu.vector_store %arg6[%swap3A_41, %swap3A_42], %broadcast_in_dim3A_40 {strides = array<i32>} : memref<1000x128xf32, #tpu.memory_space<vmem>>, vector<1000x64xf32>,
    return
  }
  func.func @transform_0(%arg0: i32) -> (i32, i32, i32) {
    %c0_i32 = arith.constant 0 : i32
    %c0_i32_0 = arith.constant 0 : i32
    %c0_i32_1 = arith.constant 0 : i32
    return %c0_i32, %arg0, %c0_i32_0 : i32, i32, i32
  }
  func.func @transform_1(%arg0: i32) -> (i32, i32, i32) {
    %c0_i32 = arith.constant 0 : i32
    %c0_i32_0 = arith.constant 0 : i32
    %c0_i32_1 = arith.constant 0 : i32
    return %c0_i32, %arg0, %c0_i32_0 : i32, i32, i32
  }
  func.func @transform_2(%arg0: i32) -> (i32, i32) {
    %c0_i32 = arith.constant 0 : i32
    %c0_i32_0 = arith.constant 0 : i32
    return %arg0, %c0_i32 : i32, i32
  }
  func.func @transform_3(%arg0: i32) -> (i32, i32, i32) {
    %c0_i32 = arith.constant 0 : i32
    %c0_i32_0 = arith.constant 0 : i32
    %c0_i32_1 = arith.constant 0 : i32
    %c0_i32_2 = arith.constant 0 : i32
    return %c0_i32, %c0_i32_0, %c0_i32_1 : i32, i32, i32
  }
  func.func @transform_4(%arg0: i32) -> (i32, i32, i32) {
    %c0_i32 = arith.constant 0 : i32
    %c0_i32_0 = arith.constant 0 : i32
    %c0_i32_1 = arith.constant 0 : i32
    %c0_i32_2 = arith.constant 0 : i32
    return %c0_i32, %c0_i32_0, %c0_i32_1 : i32, i32, i32
  }
  func.func @transform_5(%arg0: i32) -> (i32, i32) {
    %c0_i32 = arith.constant 0 : i32
    %c0_i32_0 = arith.constant 0 : i32
    return %arg0, %c0_i32 : i32, i32
  }
}

module attributes {stable_mosaic.version = 14 : i64} {
  func.func @body(%arg0: i32, %arg1: memref<1000x256xf32, #tpu.memory_space<vmem>>, %arg2: memref<256x256xf32, #tpu.memory_space<vmem>>, %arg3: memref<2x1000x16xf32, #tpu.memory_space<vmem>>, %arg4: memref<1000x1xf32, #tpu.memory_space<vmem>>, %arg5: memref<2x1000x128xf32, #tpu.memory_space<vmem>>) attributes {dimension_semantics = [#tpu.dimension_semantics<arbitrary>], iteration_bounds = array<i64: 10>, scalar_prefetch = 0 : i64, scratch_operands = 0 : i64, tpu.core_type = #tpu.core_type<tc>, window_params = [{transform_indices = @transform_0, window_bounds = array<i64: 1000, 256>}, {pipeline_mode = #tpu.pipeline_mode<synchronous>, transform_indices = @transform_1, window_bounds = array<i64: 256, 256>}, {transform_indices = @transform_2, window_bounds = array<i64: 2, 1000, 16>}, {transform_indices = @transform_3, window_bounds = array<i64: 1000, 1>}, {transform_indices = @transform_4, window_bounds = array<i64: 2, 1000, 128>}]} {
    %get3A = arith.constant 0 : index
    %get3A_0 = arith.constant 0 : index
    %get3A_1 = arith.constant 0 : index
    %get3A_2 = vector.load %arg3[%get3A, %get3A_0, %get3A_1] : memref<2x1000x16xf32, #tpu.memory_space<vmem>>, vector<1x1000x16xf32>
    %get3A_3 = vector.shape_cast %get3A_2 : vector<1x1000x16xf32> to vector<1000x16xf32>
    %slice3A = vector.extract_strided_slice %get3A_3 {offsets = [0, 0], sizes = [1000, 1], strides = [1, 1]} : vector<1000x16xf32> to vector<1000x1xf32>
    %add3A = arith.constant 1.000000e+00 : f32
    %add3A_4 = vector.broadcast %add3A : f32 to vector<1000x1xf32>
    %add3A_5 = arith.addf %add3A_4, %slice3A : vector<1000x1xf32>
    %get3A_6 = arith.constant 1 : index
    %get3A_7 = arith.constant 0 : index
    %get3A_8 = arith.constant 0 : index
    %get3A_9 = vector.load %arg3[%get3A_6, %get3A_7, %get3A_8] : memref<2x1000x16xf32, #tpu.memory_space<vmem>>, vector<1x1000x16xf32>
    %get3A_10 = vector.shape_cast %get3A_9 : vector<1x1000x16xf32> to vector<1000x16xf32>
    %slice3A_11 = vector.extract_strided_slice %get3A_10 {offsets = [0, 0], sizes = [1000, 1], strides = [1, 1]} : vector<1000x16xf32> to vector<1000x1xf32>
    %add3A_12 = arith.addf %add3A_5, %slice3A_11 : vector<1000x1xf32>
    %rsqrt3A = math.rsqrt %add3A_12 : vector<1000x1xf32>
    %get3A_13 = arith.constant 0 : index
    %get3A_14 = arith.constant 0 : index
    %get3A_15 = vector.load %arg1[%get3A_13, %get3A_14] : memref<1000x256xf32, #tpu.memory_space<vmem>>, vector<1000x256xf32>
    %get3A_16 = arith.constant 0 : index
    %get3A_17 = arith.constant 0 : index
    %get3A_18 = vector.load %arg2[%get3A_16, %get3A_17] : memref<256x256xf32, #tpu.memory_space<vmem>>, vector<256x256xf32>
    %dot_general3A = arith.constant dense<0.000000e+00> : vector<1000x256xf32>
    %dot_general3A_19 = tpu.matmul %get3A_15, %get3A_18, %dot_general3A {dimension_numbers = #tpu.dot_dimension_numbers<[1], [0], [0], [1], [0, 0, 1, 1], [], []>, transpose_lhs_hint = false} : vector<1000x256xf32>, vector<256x256xf32>, vector<1000x256xf32> -> vector<1000x256xf32>
    %mul3A = vector.broadcast %rsqrt3A : vector<1000x1xf32> to vector<1000x256xf32>
    %mul3A_20 = arith.mulf %dot_general3A_19, %mul3A : vector<1000x256xf32>
    %swap3A = arith.constant 0 : index
    %swap3A_21 = arith.constant 0 : index
    %swap3A_22 = vector.load %arg4[%swap3A, %swap3A_21] : memref<1000x1xf32, #tpu.memory_space<vmem>>, vector<1000x1xf32>
    tpu.vector_store %arg4[%swap3A, %swap3A_21], %rsqrt3A {strides = array<i32>} : memref<1000x1xf32, #tpu.memory_space<vmem>>, vector<1000x1xf32>,
    %slice3A_23 = vector.extract_strided_slice %mul3A_20 {offsets = [0, 0], sizes = [1000, 128], strides = [1, 1]} : vector<1000x256xf32> to vector<1000x128xf32>
    %swap3A_24 = arith.constant 0 : index
    %swap3A_25 = arith.constant 0 : index
    %swap3A_26 = arith.constant 0 : index
    %swap3A_27 = vector.load %arg5[%swap3A_24, %swap3A_25, %swap3A_26] : memref<2x1000x128xf32, #tpu.memory_space<vmem>>, vector<1x1000x128xf32>
    %swap3A_28 = vector.shape_cast %swap3A_27 : vector<1x1000x128xf32> to vector<1000x128xf32>
    %swap3A_29 = vector.shape_cast %slice3A_23 : vector<1000x128xf32> to vector<1x1000x128xf32>
    tpu.vector_store %arg5[%swap3A_24, %swap3A_25, %swap3A_26], %swap3A_29 {strides = array<i32>} : memref<2x1000x128xf32, #tpu.memory_space<vmem>>, vector<1x1000x128xf32>,
    %slice3A_30 = vector.extract_strided_slice %mul3A_20 {offsets = [0, 128], sizes = [1000, 128], strides = [1, 1]} : vector<1000x256xf32> to vector<1000x128xf32>
    %swap3A_31 = arith.constant 1 : index
    %swap3A_32 = arith.constant 0 : index
    %swap3A_33 = arith.constant 0 : index
    %swap3A_34 = vector.load %arg5[%swap3A_31, %swap3A_32, %swap3A_33] : memref<2x1000x128xf32, #tpu.memory_space<vmem>>, vector<1x1000x128xf32>
    %swap3A_35 = vector.shape_cast %swap3A_34 : vector<1x1000x128xf32> to vector<1000x128xf32>
    %swap3A_36 = vector.shape_cast %slice3A_30 : vector<1000x128xf32> to vector<1x1000x128xf32>
    tpu.vector_store %arg5[%swap3A_31, %swap3A_32, %swap3A_33], %swap3A_36 {strides = array<i32>} : memref<2x1000x128xf32, #tpu.memory_space<vmem>>, vector<1x1000x128xf32>,
    return
  }
  func.func @transform_0(%arg0: i32) -> (i32, i32) {
    %c0_i32 = arith.constant 0 : i32
    %c0_i32_0 = arith.constant 0 : i32
    return %arg0, %c0_i32 : i32, i32
  }
  func.func @transform_1(%arg0: i32) -> (i32, i32) {
    %c0_i32 = arith.constant 0 : i32
    %c0_i32_0 = arith.constant 0 : i32
    %c0_i32_1 = arith.constant 0 : i32
    return %c0_i32, %c0_i32_0 : i32, i32
  }
  func.func @transform_2(%arg0: i32) -> (i32, i32, i32) {
    %c0_i32 = arith.constant 0 : i32
    %c0_i32_0 = arith.constant 0 : i32
    %c0_i32_1 = arith.constant 0 : i32
    return %c0_i32, %arg0, %c0_i32_0 : i32, i32, i32
  }
  func.func @transform_3(%arg0: i32) -> (i32, i32) {
    %c0_i32 = arith.constant 0 : i32
    %c0_i32_0 = arith.constant 0 : i32
    return %arg0, %c0_i32 : i32, i32
  }
  func.func @transform_4(%arg0: i32) -> (i32, i32, i32) {
    %c0_i32 = arith.constant 0 : i32
    %c0_i32_0 = arith.constant 0 : i32
    %c0_i32_1 = arith.constant 0 : i32
    return %c0_i32, %arg0, %c0_i32_0 : i32, i32, i32
  }
}

module attributes {stable_mosaic.version = 14 : i64} {
  func.func @body(%arg0: i32, %arg1: memref<2x1000x128xf32, #tpu.memory_space<vmem>>, %arg2: memref<2x1000x128xf32, #tpu.memory_space<vmem>>, %arg3: memref<1000x1xf32, #tpu.memory_space<vmem>>, %arg4: memref<2x1x128xf32, #tpu.memory_space<vmem>>, %arg5: memref<2x128x256xf32, #tpu.memory_space<vmem>>, %arg6: memref<2x1000x128xf32, #tpu.memory_space<vmem>>) attributes {dimension_semantics = [#tpu.dimension_semantics<arbitrary>], iteration_bounds = array<i64: 10>, scalar_prefetch = 0 : i64, scratch_operands = 0 : i64, tpu.core_type = #tpu.core_type<tc>, window_params = [{transform_indices = @transform_0, window_bounds = array<i64: 2, 1000, 128>}, {transform_indices = @transform_1, window_bounds = array<i64: 2, 1000, 128>}, {transform_indices = @transform_2, window_bounds = array<i64: 1000, 1>}, {pipeline_mode = #tpu.pipeline_mode<synchronous>, transform_indices = @transform_3, window_bounds = array<i64: 2, 1, 128>}, {pipeline_mode = #tpu.pipeline_mode<synchronous>, transform_indices = @transform_4, window_bounds = array<i64: 2, 128, 256>}, {transform_indices = @transform_5, window_bounds = array<i64: 2, 1000, 128>}]} {
    %get3A = arith.constant 0 : index
    %get3A_0 = arith.constant 0 : index
    %get3A_1 = vector.load %arg3[%get3A, %get3A_0] : memref<1000x1xf32, #tpu.memory_space<vmem>>, vector<1000x1xf32>
    %get3A_2 = arith.constant 0 : index
    %get3A_3 = arith.constant 0 : index
    %get3A_4 = arith.constant 0 : index
    %get3A_5 = vector.load %arg1[%get3A_2, %get3A_3, %get3A_4] : memref<2x1000x128xf32, #tpu.memory_space<vmem>>, vector<2x1000x128xf32>
    %get3A_6 = arith.constant 0 : index
    %get3A_7 = arith.constant 0 : index
    %get3A_8 = arith.constant 0 : index
    %get3A_9 = vector.load %arg2[%get3A_6, %get3A_7, %get3A_8] : memref<2x1000x128xf32, #tpu.memory_space<vmem>>, vector<2x1000x128xf32>
    %add3A = arith.addf %get3A_5, %get3A_9 : vector<2x1000x128xf32>
    %broadcast_in_dim3A = vector.shape_cast %get3A_1 : vector<1000x1xf32> to vector<1x1000x1xf32>
    %mul3A = vector.broadcast %broadcast_in_dim3A : vector<1x1000x1xf32> to vector<2x1000x128xf32>
    %mul3A_10 = arith.mulf %add3A, %mul3A : vector<2x1000x128xf32>
    %get3A_11 = arith.constant 0 : index
    %get3A_12 = arith.constant 0 : index
    %get3A_13 = arith.constant 0 : index
    %get3A_14 = vector.load %arg4[%get3A_11, %get3A_12, %get3A_13] : memref<2x1x128xf32, #tpu.memory_space<vmem>>, vector<2x1x128xf32>
    %add3A_15 = vector.broadcast %get3A_14 : vector<2x1x128xf32> to vector<2x1000x128xf32>
    %add3A_16 = arith.addf %mul3A_10, %add3A_15 : vector<2x1000x128xf32>
    %max3A = arith.constant 0.000000e+00 : f32
    %max3A_17 = vector.broadcast %max3A : f32 to vector<2x1000x128xf32>
    %max3A_18 = arith.maximumf %add3A_16, %max3A_17 : vector<2x1000x128xf32>
    %slice3A = vector.extract_strided_slice %max3A_18 {offsets = [0, 0, 0], sizes = [1, 1000, 128], strides = [1, 1, 1]} : vector<2x1000x128xf32> to vector<1x1000x128xf32>
    %squeeze3A = vector.shape_cast %slice3A : vector<1x1000x128xf32> to vector<1000x128xf32>
    %get3A_19 = arith.constant 0 : index
    %get3A_20 = arith.constant 0 : index
    %get3A_21 = arith.constant 0 : index
    %get3A_22 = vector.load %arg5[%get3A_19, %get3A_20, %get3A_21] : memref<2x128x256xf32, #tpu.memory_space<vmem>>, vector<1x128x256xf32>
    %get3A_23 = vector.shape_cast %get3A_22 : vector<1x128x256xf32> to vector<128x256xf32>
    %dot_general3A = arith.constant dense<0.000000e+00> : vector<1000x256xf32>
    %dot_general3A_24 = tpu.matmul %squeeze3A, %get3A_23, %dot_general3A {dimension_numbers = #tpu.dot_dimension_numbers<[1], [0], [0], [1], [0, 0, 1, 1], [], []>, transpose_lhs_hint = false} : vector<1000x128xf32>, vector<128x256xf32>, vector<1000x256xf32> -> vector<1000x256xf32>
    %slice3A_25 = vector.extract_strided_slice %max3A_18 {offsets = [1, 0, 0], sizes = [1, 1000, 128], strides = [1, 1, 1]} : vector<2x1000x128xf32> to vector<1x1000x128xf32>
    %squeeze3A_26 = vector.shape_cast %slice3A_25 : vector<1x1000x128xf32> to vector<1000x128xf32>
    %get3A_27 = arith.constant 1 : index
    %get3A_28 = arith.constant 0 : index
    %get3A_29 = arith.constant 0 : index
    %get3A_30 = vector.load %arg5[%get3A_27, %get3A_28, %get3A_29] : memref<2x128x256xf32, #tpu.memory_space<vmem>>, vector<1x128x256xf32>
    %get3A_31 = vector.shape_cast %get3A_30 : vector<1x128x256xf32> to vector<128x256xf32>
    %dot_general3A_32 = arith.constant dense<0.000000e+00> : vector<1000x256xf32>
    %dot_general3A_33 = tpu.matmul %squeeze3A_26, %get3A_31, %dot_general3A_32 {dimension_numbers = #tpu.dot_dimension_numbers<[1], [0], [0], [1], [0, 0, 1, 1], [], []>, transpose_lhs_hint = false} : vector<1000x128xf32>, vector<128x256xf32>, vector<1000x256xf32> -> vector<1000x256xf32>
    %add3A_34 = arith.addf %dot_general3A_24, %dot_general3A_33 : vector<1000x256xf32>
    %mul3A_35 = vector.broadcast %get3A_1 : vector<1000x1xf32> to vector<1000x256xf32>
    %mul3A_36 = arith.mulf %add3A_34, %mul3A_35 : vector<1000x256xf32>
    %slice3A_37 = vector.extract_strided_slice %mul3A_36 {offsets = [0, 0], sizes = [1000, 128], strides = [1, 1]} : vector<1000x256xf32> to vector<1000x128xf32>
    %swap3A = arith.constant 0 : index
    %swap3A_38 = arith.constant 0 : index
    %swap3A_39 = arith.constant 0 : index
    %swap3A_40 = vector.load %arg6[%swap3A, %swap3A_38, %swap3A_39] : memref<2x1000x128xf32, #tpu.memory_space<vmem>>, vector<1x1000x128xf32>
    %swap3A_41 = vector.shape_cast %swap3A_40 : vector<1x1000x128xf32> to vector<1000x128xf32>
    %swap3A_42 = vector.shape_cast %slice3A_37 : vector<1000x128xf32> to vector<1x1000x128xf32>
    tpu.vector_store %arg6[%swap3A, %swap3A_38, %swap3A_39], %swap3A_42 {strides = array<i32>} : memref<2x1000x128xf32, #tpu.memory_space<vmem>>, vector<1x1000x128xf32>,
    %slice3A_43 = vector.extract_strided_slice %mul3A_36 {offsets = [0, 128], sizes = [1000, 128], strides = [1, 1]} : vector<1000x256xf32> to vector<1000x128xf32>
    %swap3A_44 = arith.constant 1 : index
    %swap3A_45 = arith.constant 0 : index
    %swap3A_46 = arith.constant 0 : index
    %swap3A_47 = vector.load %arg6[%swap3A_44, %swap3A_45, %swap3A_46] : memref<2x1000x128xf32, #tpu.memory_space<vmem>>, vector<1x1000x128xf32>
    %swap3A_48 = vector.shape_cast %swap3A_47 : vector<1x1000x128xf32> to vector<1000x128xf32>
    %swap3A_49 = vector.shape_cast %slice3A_43 : vector<1000x128xf32> to vector<1x1000x128xf32>
    tpu.vector_store %arg6[%swap3A_44, %swap3A_45, %swap3A_46], %swap3A_49 {strides = array<i32>} : memref<2x1000x128xf32, #tpu.memory_space<vmem>>, vector<1x1000x128xf32>,
    return
  }
  func.func @transform_0(%arg0: i32) -> (i32, i32, i32) {
    %c0_i32 = arith.constant 0 : i32
    %c0_i32_0 = arith.constant 0 : i32
    %c0_i32_1 = arith.constant 0 : i32
    return %c0_i32, %arg0, %c0_i32_0 : i32, i32, i32
  }
  func.func @transform_1(%arg0: i32) -> (i32, i32, i32) {
    %c0_i32 = arith.constant 0 : i32
    %c0_i32_0 = arith.constant 0 : i32
    %c0_i32_1 = arith.constant 0 : i32
    return %c0_i32, %arg0, %c0_i32_0 : i32, i32, i32
  }
  func.func @transform_2(%arg0: i32) -> (i32, i32) {
    %c0_i32 = arith.constant 0 : i32
    %c0_i32_0 = arith.constant 0 : i32
    return %arg0, %c0_i32 : i32, i32
  }
  func.func @transform_3(%arg0: i32) -> (i32, i32, i32) {
    %c0_i32 = arith.constant 0 : i32
    %c0_i32_0 = arith.constant 0 : i32
    %c0_i32_1 = arith.constant 0 : i32
    %c0_i32_2 = arith.constant 0 : i32
    return %c0_i32, %c0_i32_0, %c0_i32_1 : i32, i32, i32
  }
  func.func @transform_4(%arg0: i32) -> (i32, i32, i32) {
    %c0_i32 = arith.constant 0 : i32
    %c0_i32_0 = arith.constant 0 : i32
    %c0_i32_1 = arith.constant 0 : i32
    %c0_i32_2 = arith.constant 0 : i32
    return %c0_i32, %c0_i32_0, %c0_i32_1 : i32, i32, i32
  }
  func.func @transform_5(%arg0: i32) -> (i32, i32, i32) {
    %c0_i32 = arith.constant 0 : i32
    %c0_i32_0 = arith.constant 0 : i32
    %c0_i32_1 = arith.constant 0 : i32
    return %c0_i32, %arg0, %c0_i32_0 : i32, i32, i32
  }
}

module attributes {stable_mosaic.version = 14 : i64} {
  func.func @body(%arg0: i32, %arg1: memref<2x1000x128xf32, #tpu.memory_space<vmem>>, %arg2: memref<1000x128xf32, #tpu.memory_space<vmem>>, %arg3: memref<1000x1xf32, #tpu.memory_space<vmem>>, %arg4: memref<1x64xf32, #tpu.memory_space<vmem>>, %arg5: memref<1000x64xf32, #tpu.memory_space<vmem>>) attributes {dimension_semantics = [#tpu.dimension_semantics<arbitrary>], iteration_bounds = array<i64: 10>, scalar_prefetch = 0 : i64, scratch_operands = 0 : i64, tpu.core_type = #tpu.core_type<tc>, window_params = [{transform_indices = @transform_0, window_bounds = array<i64: 2, 1000, 128>}, {transform_indices = @transform_1, window_bounds = array<i64: 1000, 128>}, {transform_indices = @transform_2, window_bounds = array<i64: 1000, 1>}, {pipeline_mode = #tpu.pipeline_mode<synchronous>, transform_indices = @transform_3, window_bounds = array<i64: 1, 64>}, {transform_indices = @transform_4, window_bounds = array<i64: 1000, 64>}]} {
    %get3A = arith.constant 0 : index
    %get3A_0 = arith.constant 0 : index
    %get3A_1 = arith.constant 0 : index
    %get3A_2 = vector.load %arg1[%get3A, %get3A_0, %get3A_1] : memref<2x1000x128xf32, #tpu.memory_space<vmem>>, vector<1x1000x128xf32>
    %get3A_3 = vector.shape_cast %get3A_2 : vector<1x1000x128xf32> to vector<1000x128xf32>
    %get3A_4 = arith.constant 1 : index
    %get3A_5 = arith.constant 0 : index
    %get3A_6 = arith.constant 0 : index
    %get3A_7 = vector.load %arg1[%get3A_4, %get3A_5, %get3A_6] : memref<2x1000x128xf32, #tpu.memory_space<vmem>>, vector<1x1000x128xf32>
    %get3A_8 = vector.shape_cast %get3A_7 : vector<1x1000x128xf32> to vector<1000x128xf32>
    %add3A = arith.addf %get3A_3, %get3A_8 : vector<1000x128xf32>
    %get3A_9 = arith.constant 0 : index
    %get3A_10 = arith.constant 0 : index
    %get3A_11 = vector.load %arg2[%get3A_9, %get3A_10] : memref<1000x128xf32, #tpu.memory_space<vmem>>, vector<1000x128xf32>
    %add3A_12 = arith.addf %add3A, %get3A_11 : vector<1000x128xf32>
    %slice3A = vector.extract_strided_slice %add3A_12 {offsets = [0, 0], sizes = [1000, 64], strides = [1, 1]} : vector<1000x128xf32> to vector<1000x64xf32>
    %get3A_13 = arith.constant 0 : index
    %get3A_14 = arith.constant 0 : index
    %get3A_15 = vector.load %arg3[%get3A_13, %get3A_14] : memref<1000x1xf32, #tpu.memory_space<vmem>>, vector<1000x1xf32>
    %mul3A = vector.broadcast %get3A_15 : vector<1000x1xf32> to vector<1000x64xf32>
    %mul3A_16 = arith.mulf %slice3A, %mul3A : vector<1000x64xf32>
    %get3A_17 = arith.constant 0 : index
    %get3A_18 = arith.constant 0 : index
    %get3A_19 = vector.load %arg4[%get3A_17, %get3A_18] : memref<1x64xf32, #tpu.memory_space<vmem>>, vector<1x64xf32>
    %add3A_20 = vector.broadcast %get3A_19 : vector<1x64xf32> to vector<1000x64xf32>
    %add3A_21 = arith.addf %mul3A_16, %add3A_20 : vector<1000x64xf32>
    %reduce_max3A = arith.constant dense<0xFF800000> : vector<1000xf32>
    %reduce_max3A_22 = vector.multi_reduction <maximumf>, %add3A_21, %reduce_max3A [1] : vector<1000x64xf32> to vector<1000xf32>
    %broadcast_in_dim3A = vector.shape_cast %reduce_max3A_22 : vector<1000xf32> to vector<1000x1xf32>
    %sub3A = vector.broadcast %broadcast_in_dim3A : vector<1000x1xf32> to vector<1000x64xf32>
    %sub3A_23 = arith.subf %add3A_21, %sub3A : vector<1000x64xf32>
    %exp3A = math.exp %sub3A_23 : vector<1000x64xf32>
    %reduce_sum3A = arith.constant dense<0.000000e+00> : vector<1000xf32>
    %reduce_sum3A_24 = vector.multi_reduction <add>, %exp3A, %reduce_sum3A [1] : vector<1000x64xf32> to vector<1000xf32>
    %broadcast_in_dim3A_25 = vector.shape_cast %reduce_sum3A_24 : vector<1000xf32> to vector<1000x1xf32>
    %log3A = math.log %broadcast_in_dim3A_25 : vector<1000x1xf32>
    %sub3A_26 = vector.broadcast %broadcast_in_dim3A : vector<1000x1xf32> to vector<1000x64xf32>
    %sub3A_27 = arith.subf %add3A_21, %sub3A_26 : vector<1000x64xf32>
    %sub3A_28 = vector.broadcast %log3A : vector<1000x1xf32> to vector<1000x64xf32>
    %sub3A_29 = arith.subf %sub3A_27, %sub3A_28 : vector<1000x64xf32>
    %swap3A = arith.constant 0 : index
    %swap3A_30 = arith.constant 0 : index
    %swap3A_31 = vector.load %arg5[%swap3A, %swap3A_30] : memref<1000x64xf32, #tpu.memory_space<vmem>>, vector<1000x64xf32>
    tpu.vector_store %arg5[%swap3A, %swap3A_30], %sub3A_29 {strides = array<i32>} : memref<1000x64xf32, #tpu.memory_space<vmem>>, vector<1000x64xf32>,
    return
  }
  func.func @transform_0(%arg0: i32) -> (i32, i32, i32) {
    %c0_i32 = arith.constant 0 : i32
    %c0_i32_0 = arith.constant 0 : i32
    %c0_i32_1 = arith.constant 0 : i32
    return %c0_i32, %arg0, %c0_i32_0 : i32, i32, i32
  }
  func.func @transform_1(%arg0: i32) -> (i32, i32) {
    %c0_i32 = arith.constant 0 : i32
    %c0_i32_0 = arith.constant 0 : i32
    return %arg0, %c0_i32 : i32, i32
  }
  func.func @transform_2(%arg0: i32) -> (i32, i32) {
    %c0_i32 = arith.constant 0 : i32
    %c0_i32_0 = arith.constant 0 : i32
    return %arg0, %c0_i32 : i32, i32
  }
  func.func @transform_3(%arg0: i32) -> (i32, i32) {
    %c0_i32 = arith.constant 0 : i32
    %c0_i32_0 = arith.constant 0 : i32
    %c0_i32_1 = arith.constant 0 : i32
    return %c0_i32, %c0_i32_0 : i32, i32
  }
  func.func @transform_4(%arg0: i32) -> (i32, i32) {
    %c0_i32 = arith.constant 0 : i32
    %c0_i32_0 = arith.constant 0 : i32
    return %arg0, %c0_i32 : i32, i32
  }
}

</mosaic_0001>

<sc_bundles>
// kernel: kernel.10.cloned.1.call-start
scs
__scs_entry_jumppad:
0x0: {  	(pc) =	sbr.rel $0x88, $3  }
0x1: {  	(tag) =	ssettag $0x0;
	lr =	simm.s32 $0x1  }
0x2: {  	[smem:$0x3F99] =	sst lr;
	_ =	strace $0xD0000000  }
0x3: {  	_ = 	snop  }
0x4: {  	_ = 	snop  }
0x5: {  	_ = 	snop  }
0x6: {  	_ = 	snop  }
0x7: {  	_ = 	snop  }
__scs_overlays_trampoline_lowered:
0x8: {  	[smem:$0x3FA8] =	sst s0  }
0x9: {  	[smem:$0x3FA9] =	sst s1  }
0xa: {  	[smem:$0x3FAA] =	sst s2  }
0xb: {  	[smem:$0x3FAB] =	sst s3  }
0xc: {  	[smem:$0x3FAC] =	sst s4  }
0xd: {  	[smem:$0x3FAD] =	sst s5  }
0xe: {  	[smem:$0x3FAE] =	sst s6  }
0xf: {  	[smem:$0x3FAF] =	sst s7  }
0x10: {  	[smem:$0x3FB0] =	sst s8  }
0x11: {  	[smem:$0x3FB1] =	sst s9;
	s0 =	simm.s32 @!p0 $0x0  }
0x12: {  	s1 =	sld [smem:$0x3F97];
	s0 =	simm.s32 @p0 $0x1  }
0x13: {  	[smem:$0x3FB2] =	sst s0;
	s0 =	simm.s32 @!p1 $0x0  }
0x14: {  	s2 =	sld [smem:$0x3F96];
	s0 =	simm.s32 @p1 $0x1  }
0x15: {  	[smem:$0x3FB3] =	sst s0;
	s0 =	simm.s32 @!p2 $0x0  }
0x16: {  	s3 =	sld [smem:$0x3FDB];
	s0 =	simm.s32 @p2 $0x1  }
0x17: {  	s4 =	simm.s32 $0x1BF5;
	[smem:$0x3FB5] =	sst s0  }
0x18: {  	s0 =	sld [smem:$0x3F98];
	_ =	swait.ge [sflag:s4], $0x0  }
0x19: {  	s7 =	sld [smem:$0x3F99]  }
0x1a: {  	s8 =	sadd.s32 $0xFFFFE003, lr  }
0x1b: {  	s9 =	sadd.s32 $0xFFFFFEF7, lr;
	s5 =	simm.s32 $0xFFFFFFFF;
	p2 =	slt.u32 s8, $0xFFFFF086  }
0x1c: {  	p1 =	slt.u32 s9, $0xF7A;
	s5 =	simm.s32 @!p2 $0x0  }
0x1d: {  	s5 =	simm.s32 @p1 $0x1;
	p0 =	seq.s32 s7, s2  }
0x1e: {  	s7 =	smul.u32 @!p0 $0xF7A, s2;
	p2 =	seq.s32 @!p0 s5, $0x0  }
0x1f: {  	s9 =	smul.u32 $0xF7A, s1;
	s8 =	simm.s32 @!p0 $0x1BF5;
	p2 =	por !p2, p0  }
0x20: {  	[sflag:s8] =	ssyncset.s32 @!p0 $0xFFFFF086;
	s6 =	sadd.s32 @!p0 s3, s7;
	s7 =	simm.s32 @!p0 $0x108  }
0x21: {  	s3 =	sadd.s32 s3, s9;
	s6 =	sadd.s32 @!p0 $0x88, s6;
	s7 =	simm.s32 @p2 $0x1082  }
0x22: {  	[simem:s7], [sflag:s8] =	dma.local @!p0 [hbm:s6], $0xF7A  }
0x23: {  	s9 =	sor.u32 $0xD0000000, s2;
	s6 =	simm.s32 $0x108;
	_ =	swait.ge @!p0 [sflag:s8], $0x0  }
0x24: {  	s3 =	sadd.s32 $0x88, s3;
	s6 =	simm.s32 @!p1 $0x1082;
	[sflag:s4] =	ssyncset.s32 $0xFFFFF086  }
0x25: {  	[simem:s6], [sflag:s4] =	dma.local [hbm:s3], $0xF7A  }
0x26: {  	[smem:$0x3F99] =	sst s1;
	(tag) =	ssettag s2;
	_ =	strace s9  }
0x27: {  	s1 =	sld [smem:$0x3FA9]  }
0x28: {  	s2 =	sld [smem:$0x3FAA]  }
0x29: {  	s4 =	sld [smem:$0x3FAC]  }
0x2a: {  	p0 =	seq.s32 s5, $0x0;
	s5 =	sld [smem:$0x3FAD]  }
0x2b: {  	s6 =	sld [smem:$0x3FAE]  }
0x2c: {  	s7 =	sld [smem:$0x3FAF]  }
0x2d: {  	s3 =	simm.s32 $0x108;
	s8 =	sld [smem:$0x3FB0]  }
0x2e: {  	s3 =	simm.s32 @!p0 $0x1082;
	s9 =	sld [smem:$0x3FB1]  }
0x2f: {  	lr =	sadd.s32 s0, s3;
	s0 =	sld [smem:$0x3FA8]  }
0x30: {  	s3 =	sld [smem:$0x3FAB]  }
0x31: {  	[smem:$0x3FB4] =	sst s10  }
0x32: {  	s10 =	sld [smem:$0x3FB2];
	_ =	sdelay $0x3  }
0x33: {  	p0 =	seq.s32 s10, $0x1;
	s10 =	sld [smem:$0x3FB4];
	_ =	sdelay $0x3  }
0x34: {  	[smem:$0x3FB4] =	sst s10  }
0x35: {  	s10 =	sld [smem:$0x3FB3];
	_ =	sdelay $0x3  }
0x36: {  	p1 =	seq.s32 s10, $0x1;
	s10 =	sld [smem:$0x3FB4];
	_ =	sdelay $0x3  }
0x37: {  	[smem:$0x3FB4] =	sst s10  }
0x38: {  	s10 =	sld [smem:$0x3FB5]  }
0x39: {  	_ = 	snop;
	(pc) =	sbr.ind lr, $3  }
0x3a: {  	_ = 	snop  }
0x3b: {  	_ = 	snop  }
0x3c: {  	p2 =	seq.s32 s10, $0x1;
	s10 =	sld [smem:$0x3FB4]  }
0x3d: {  	_ =	shalt  }
0x3e: {  	_ =	shalt  }
0x3f: {  	_ =	shalt  }
0x40: {  	_ =	shalt  }
0x41: {  	_ =	shalt  }
0x42: {  	_ =	shalt  }
0x43: {  	_ =	shalt  }
0x44: {  	_ =	shalt  }
0x45: {  	_ =	shalt  }
0x46: {  	_ =	shalt  }
0x47: {  	_ =	shalt  }
0x48: {  	_ =	shalt  }
0x49: {  	_ =	shalt  }
0x4a: {  	_ =	shalt  }
0x4b: {  	_ =	shalt  }
0x4c: {  	_ =	shalt  }
0x4d: {  	_ =	shalt  }
0x4e: {  	_ =	shalt  }
0x4f: {  	_ =	shalt  }
0x50: {  	_ =	shalt  }
0x51: {  	_ =	shalt  }
0x52: {  	_ =	shalt  }
0x53: {  	_ =	shalt  }
0x54: {  	_ =	shalt  }
0x55: {  	_ =	shalt  }
0x56: {  	_ =	shalt  }
0x57: {  	_ =	shalt  }
0x58: {  	_ =	shalt  }
0x59: {  	_ =	shalt  }
0x5a: {  	_ =	shalt  }
0x5b: {  	_ =	shalt  }
0x5c: {  	_ =	shalt  }
0x5d: {  	_ =	shalt  }
0x5e: {  	_ =	shalt  }
0x5f: {  	_ =	shalt  }
0x60: {  	_ =	shalt  }
0x61: {  	_ =	shalt  }
0x62: {  	_ =	shalt  }
0x63: {  	_ =	shalt  }
0x64: {  	_ =	shalt  }
0x65: {  	_ =	shalt  }
0x66: {  	_ =	shalt  }
0x67: {  	_ =	shalt  }
0x68: {  	_ =	shalt  }
0x69: {  	_ =	shalt  }
0x6a: {  	_ =	shalt  }
0x6b: {  	_ =	shalt  }
0x6c: {  	_ =	shalt  }
0x6d: {  	_ =	shalt  }
0x6e: {  	_ =	shalt  }
0x6f: {  	_ =	shalt  }
0x70: {  	_ =	shalt  }
0x71: {  	_ =	shalt  }
0x72: {  	_ =	shalt  }
0x73: {  	_ =	shalt  }
0x74: {  	_ =	shalt  }
0x75: {  	_ =	shalt  }
0x76: {  	_ =	shalt  }
0x77: {  	_ =	shalt  }
0x78: {  	_ =	shalt  }
0x79: {  	_ =	shalt  }
0x7a: {  	_ =	shalt  }
0x7b: {  	_ =	shalt  }
0x7c: {  	_ =	shalt  }
0x7d: {  	_ =	shalt  }
0x7e: {  	_ =	shalt  }
0x7f: {  	_ =	shalt  }
0x80: {  	_ =	shalt  }
0x81: {  	_ =	shalt  }
0x82: {  	_ =	shalt  }
0x83: {  	_ =	shalt  }
0x84: {  	_ =	shalt  }
0x85: {  	_ =	shalt  }
0x86: {  	_ =	shalt  }
0x87: {  	_ =	shalt  }
.Lfunc_end0:
.L_simem_size_0:
called_computation_lowered:
.L_overlay_start_0:
0x88: {  	s2 =	sld [smem:$0x3FD9]  }
0x89: {  	s3 =	sld [smem:$0x3FFE];
	_ =	sdelay $0x1  }
0x8a: {  	s1 =	srdreg.scid  }
0x8b: {  	s0 =	sand.u32 $0x1, s1  }
0x8c: {  	s16 =	sshll.u32 s0, $0xA;
	s2 =	sadd.s32 s3, s2  }
0x8d: {  	s2 =	sadd.s32 s2, s16  }
0x8e: {  	[smem:$0x3FC0] =	sst s2  }
0x8f: {  	_ = 	snop  }
0x90: {  	(tm) =	ssettm $0x1  }
0x91: {  	s17 =	sld [smem:$0x3FFB];
	_ =	sdelay $0x3  }
0x92: {  	_ =	strace s17  }
0x93: {  	s2 =	sld [smem:$0x3FFC];
	_ =	sdelay $0x3  }
0x94: {  	_ =	strace s2  }
0x95: {  	s2 =	sld [smem:$0x3FFD];
	_ =	sdelay $0x3  }
0x96: {  	_ =	strace s2  }
0x97: {  	_ =	strace $0x8FFFFFFF  }
0x98: {  	s18 =	sld [smem:$0x3FDB];
	_ =	sdelay $0x1  }
0x99: {  	s19 =	simm.s32 $_scs_section_size  }
0x9a: {  	s4 =	simm.s32 $_size__tile_overlayer_lowered;
	s5 =	simm.s32 $_tile_overlayer_lowered  }
0x9b: {  	s22 =	simm.s32 $0x1BFF;
	s21 =	sshll.u32 s5, $0x1;
	s2 =	sadd.s32 s19, s18  }
0x9c: {  	s6 =	simm.s32 $0x0;
	s20 =	sshll.u32 s4, $0x1;
	s4 =	sadd.s32 s21, s2  }
0x9d: {  	[timem:s6], [sflag:s22] =	dma.local [hbm:s4], s20  }
0x9e: {  	_ =	swait.ge [sflag:s22], s20  }
0x9f: {  	s3 =	ssub.s32 $0x0, s20;
	[sflag:s22] =	ssyncset.done $0x0  }
0xa0: {  	[sflag:s22] =	ssyncadd.s32 s3;
	_ =	sdelay $0x1  }
0xa1: {  	s23 =	simm.s32 $0x1B8B  }
0xa2: {  	_ =	swait.ge [sflag:s23], $0x1  }
0xa3: {  	[sflag:s23] =	ssyncset.done $0x0  }
0xa4: {  	s25 =	simm.s32 $0x1B8E;
	s24 =	sld [smem:$0x3FFE];
	[sflag:s23] =	ssyncadd.s32 $0xFFFFFFFF  }
0xa5: {  	s26 =	simm.s32 $execute0_lowered;
	[smem:$0x3FD2] =	sst s25  }
0xa6: {  	s4 =	sshll.u32 s26, $0x1;
	_ =	strace $0x80000046;
	[dreg:$0x1] =	wrdreg $0xFFFFFFFF  }
0xa7: {  	s28 =	simm.s32 $_size_execute0_lowered;
	s2 =	sadd.s32 s2, s4;
	[dreg:$0x0] =	wrdreg $0x0  }
0xa8: {  	s4 =	sshll.u32 s28, $0x1;
	[dreg:$0x2] =	wrdreg s2  }
0xa9: {  	[dreg:$0x3] =	wrdreg s4  }
0xaa: {  	[dreg:$0x4] =	wrdreg $0xC0  }
0xab: {  	_ =	task [dreg:s6], $0x5FFFF  }
0xac: {  	[dreg:$0x1] =	wrdreg $0xFFFFFFFF  }
0xad: {  	[dreg:$0x0] =	wrdreg $0x60  }
0xae: {  	[dreg:$0x2] =	wrdreg s24  }
0xaf: {  	[dreg:$0x3] =	wrdreg $0x55000  }
0xb0: {  	[dreg:$0x4] =	wrdreg $0x9  }
0xb1: {  	_ =	task.clear_ibuf [dreg:s6], $0x5FFFF;
	_ =	strace $0x90000046  }
0xb2: {  	s29 =	simm.s32 $0x9;
	_ =	strace $0x80000048  }
0xb3: {  	_ =	swait.ge [sflag:s29], $0x1  }
0xb4: {  	[sflag:s29] =	ssyncadd.s32 $0xFFFFFFFF  }
0xb5: {  	_ =	strace $0x90000048  }
0xb6: {  	_ =	sfence  }
0xb7: {  	s30 =	sld [smem:$0x0];
	_ =	sdelay $0x2  }
0xb8: {  	s31 =	sshll.u32 s1, $0xD;
	s1 =	sshrl.u32 s1, $0x2  }
0xb9: {  	s3 =	sand.u32 $0x4000, s31;
	s1 =	sadd.s32 s1, s30  }
0xba: {  	s0 =	sor.u32 s3, s0;
	s1 =	sshll.u32 s1, $0x11  }
0xbb: {  	s0 =	sor.u32 s1, s0  }
0xbc: {  	s0 =	sadd.s32 $0x8F2B, s0  }
0xbd: {  	[sflag:s0] =	ssyncadd.remote.s32 $0x1  }
0xbe: {  	_ =	sfence.sel $0xFFFF  }
0xbf: {  	[dreg:$0x0] =	wrdreg $0xFFFFFFFF;
	(pc) =	sbr.abs _section_cstart, $3  }
0xc0: {  	[dreg:$0x1] =	wrdreg $0xFFFFFFFF  }
0xc1: {  	_ =	task.clear_ibuf [dreg:s6], $0x2FFFF;
	_ =	strace $0x9FFFFFFF  }
0xc2: {  	(tm) =	ssettm $0x7FFFFFFF  }
0xc3: {  	_ =	shalt  }
tec
execute0_lowered:
.L_overlay_start_1:
0x0: {  	(tag) =	ssettag $0x1  }
0x1: {  	s4 =	rddreg [dreg:$0x0];
	s0 =	srdreg.scid  }
0x2: {  	s2 =	rddreg [dreg:$0x1];
	s1 =	stileid.u32;
	s3 =	simm.s32 $0x0  }
0x3: {  	s15 =	simm.s32 $0x1;
	s16 =	simm.s32 $0x28;
	s17 =	simm.s32 $0x100  }
0x4: {  	s18 =	simm.s32 $0x80;
	s21 =	simm.s32 $0x0;
	s7 =	smul.u32 $0x14000, s1  }
0x5: {  	s5 =	sand.u32 $0x1, s0;
	s0 =	rddreg [dreg:$0x2];
	s31 =	smul.u32 $0x50000, s1  }
0x6: {  	[smem:$0x7FF] =	sst s3;
	s8 =	sshll.u32 s1, $0x1;
	s10 =	smul.u32 $0x2710, s1  }
0x7: {  	s13 =	sadd.s32 $0x2000, s4;
	s19 =	sshll.u32 s1, $0x6;
	s6 =	smul.u32 $0x140000, s5  }
0x8: {  	_ =	strace $0x80000047;
	s29 =	sor.u32 s5, s8;
	s30 =	ssub.s32 $0x2, s5  }
0x9: {  	s11 =	smul.u32 $0x1388, s5;
	s19 =	sor.u32 $0x1C01, s19;
	s9 =	sshrl.u32 s30, $0x1  }
0xa: {  	s8 =	sshrl.u32 s31, $0x2;
	s6 =	sadd.s32 s7, s6;
	s7 =	smul.u32 $0x1388, s29  }
0xb: {  	s9 =	ssub.s32 s30, s9;
	s11 =	sadd.s32 s11, s10;
	s6 =	sshrl.u32 s6, $0x3  }
0xc: {  	s12 =	sadd.s32 $0x28, s11;
	s14 =	sshrl.u32 s11, $0x3;
	s6 =	sadd.s32 s6, s4  }
0xd: {  	s7 =	sshrl.u32 s7, $0x3;
	s4 =	sadd.s32 s8, s2;
	s12 =	sshrl.u32 s12, $0x3  }
0xe: {  	s7 =	sadd.s32 s13, s7;
	s6 =	sadd.s32 $0x7000, s6;
	s8 =	sadd.s32 $0x4000, s4  }
0xf: {  	s10 =	sadd.s32 $0xC000, s4;
	s11 =	sadd.s32 $0x10000, s4;
	s12 =	sadd.s32 s12, s13  }
0x10: {  	s13 =	sadd.s32 s14, s13;
	s14 =	simm.s32 $0x1500;
	s20 =	sshrl.u32 s4, $0x3  }
0x11: {  	v0 =	vimm.f32 $1.000000000e+00;
	v1 =	vimm.f32 $0.0e+00;
	s5 =	sadd.s32 $0x26C, s7;
	s7 =	smax.u32 s9, $0x1;
	s9 =	sadd.s32 $0x8000, s4  }
.LBB2_1:
0x12: {  	[tilespmem:$0x100] =	vst v0  }
0x13: {  	[tilespmem:$0x180] =	vst v0  }
0x14: {  	[tilespmem:$0x200] =	vst v0  }
0x15: {  	[tilespmem:$0x280] =	vst v0  }
0x16: {  	[tilespmem:$0x300] =	vst v0  }
0x17: {  	[tilespmem:$0x380] =	vst v0  }
0x18: {  	[tilespmem:$0x400] =	vst v0  }
0x19: {  	[tilespmem:$0x480] =	vst v0  }
0x1a: {  	[tilespmem:$0x500] =	vst v0  }
0x1b: {  	[tilespmem:$0x580] =	vst v0  }
0x1c: {  	[tilespmem:$0x600] =	vst v0  }
0x1d: {  	[tilespmem:$0x680] =	vst v0  }
0x1e: {  	[tilespmem:$0x700] =	vst v0  }
0x1f: {  	[tilespmem:$0x780] =	vst v0  }
0x20: {  	[tilespmem:$0x800] =	vst v0  }
0x21: {  	[tilespmem:$0x880] =	vst v0  }
0x22: {  	[tilespmem:$0x900] =	vst v0  }
0x23: {  	[tilespmem:$0x980] =	vst v0  }
0x24: {  	[tilespmem:$0xA00] =	vst v0  }
0x25: {  	[tilespmem:$0xA80] =	vst v0  }
0x26: {  	[tilespmem:$0xB00] =	vst v0  }
0x27: {  	[tilespmem:$0xB80] =	vst v0  }
0x28: {  	[tilespmem:$0xC00] =	vst v0  }
0x29: {  	[tilespmem:$0xC80] =	vst v0  }
0x2a: {  	[tilespmem:$0xD00] =	vst v0  }
0x2b: {  	[tilespmem:$0xD80] =	vst v0  }
0x2c: {  	[tilespmem:$0xE00] =	vst v0  }
0x2d: {  	[tilespmem:$0xE80] =	vst v0  }
0x2e: {  	[tilespmem:$0xF00] =	vst v0  }
0x2f: {  	[tilespmem:$0xF80] =	vst v0  }
0x30: {  	[tilespmem:$0x1000] =	vst v0  }
0x31: {  	[tilespmem:$0x1080] =	vst v0  }
0x32: {  	[tilespmem:$0x1100] =	vst v0  }
0x33: {  	[tilespmem:$0x1180] =	vst v0  }
0x34: {  	[tilespmem:$0x1200] =	vst v0  }
0x35: {  	[tilespmem:$0x1280] =	vst v0  }
0x36: {  	[tilespmem:$0x1300] =	vst v0  }
0x37: {  	[tilespmem:$0x1380] =	vst v0  }
0x38: {  	[tilespmem:$0x1400] =	vst v0  }
0x39: {  	[tilespmem:$0x1480] =	vst v0;
	s22 =	simm.s32 $0x200;
	s23 =	simm.s32 $0x0  }
.LBB2_2:
0x3a: {  	p0 =	sne.s32 s22, $0xFE00;
	[tilespmem:s23+$0x1500] =	vst v1;
	s23 =	smov.u32 s22;
	s22 =	sadd.s32 $0x200, s22  }
.Ltmp0:
0x3b: {  	(pc) =	sbr.rel @p0 .LBB2_2-.Ltmp0, $2  }
0x3c: {  	_ =	sdelay $0x2  }
0x3d: {  	s23 =	sshra.s32 s23, $0x2  }
0x3e: {  	[tilespmem:s23+$0x1500] =	vst v1  }
0x3f: {  	[spmem:s4] =	stream.linear.scatter [tilespmem:s14], [sflag:$0x1], $0x4000, $0x38;
	[tilespmem:$0x7D00] =	vst v63  }
0x40: {  	_ =	swait.ge [sflag:s15], $0x4000  }
0x41: {  	[sflag:s15] =	ssyncset.done $0x0  }
0x42: {  	[sflag:s15] =	ssyncadd.s32 $0xFFFFC000  }
0x43: {  	[spmem:s8] =	stream.linear.scatter [tilespmem:s14], [sflag:$0x1], $0x4000, $0x38;
	[tilespmem:$0x7D00] =	vst v63  }
0x44: {  	_ =	swait.ge [sflag:s15], $0x4000  }
0x45: {  	[sflag:s15] =	ssyncset.done $0x0  }
0x46: {  	[sflag:s15] =	ssyncadd.s32 $0xFFFFC000  }
0x47: {  	[spmem:s9] =	stream.linear.scatter [tilespmem:s14], [sflag:$0x1], $0x4000, $0x38;
	[tilespmem:$0x7D00] =	vst v63  }
0x48: {  	_ =	swait.ge [sflag:s15], $0x4000  }
0x49: {  	[sflag:s15] =	ssyncset.done $0x0  }
0x4a: {  	[sflag:s15] =	ssyncadd.s32 $0xFFFFC000  }
0x4b: {  	[spmem:s10] =	stream.linear.scatter [tilespmem:s14], [sflag:$0x1], $0x4000, $0x38;
	[tilespmem:$0x7D00] =	vst v63  }
0x4c: {  	_ =	swait.ge [sflag:s15], $0x4000  }
0x4d: {  	[sflag:s15] =	ssyncset.done $0x0  }
0x4e: {  	[sflag:s15] =	ssyncadd.s32 $0xFFFFC000  }
0x4f: {  	[spmem:s11] =	stream.linear.scatter [tilespmem:s14], [sflag:$0x1], $0x4000, $0x38;
	[tilespmem:$0x7D00] =	vst v63  }
0x50: {  	_ =	swait.ge [sflag:s15], $0x4000  }
0x51: {  	[sflag:s15] =	ssyncset.done $0x0  }
0x52: {  	[sflag:s15] =	ssyncadd.s32 $0xFFFFC000  }
0x53: {  	s22 =	sadd.s32 $0x0, s13;
	[bflag:$0x0] =	sbarrier.arrive $0xFFFF  }
0x54: {  	[tilespmem:s3], [sflag:$0x1] =	stream.linear.gather [hbm4b:s22+s3], $0x28, $0x38;
	[tilespmem:$0x7D00] =	vst v63  }
0x55: {  	_ =	swait.ge [sflag:s15], $0x28  }
0x56: {  	[sflag:s15] =	ssyncset.done $0x0  }
0x57: {  	[sflag:s15] =	ssyncadd.s32 $0xFFFFFFD8  }
0x58: {  	[spmem:s2] =	stream.indirect.scatter.add.f32 [tilespmem:s17], [sflag:$0x1], $0x10, s3, s16, $0xb8;
	[tilespmem:$0x7D00] =	vst v63  }
0x59: {  	_ =	swait.ge [sflag:s15], $0x280  }
0x5a: {  	[sflag:s15] =	ssyncset.done $0x0  }
0x5b: {  	s31 =	sadd.s32 $0x0, s12;
	[sflag:s15] =	ssyncadd.s32 $0xFFFFFD80  }
0x5c: {  	[tilespmem:s18], [sflag:$0x1] =	stream.linear.gather [hbm4b:s31+s3], $0x28, $0x38;
	[tilespmem:$0x7D00] =	vst v63  }
0x5d: {  	_ =	swait.ge [sflag:s15], $0x28  }
0x5e: {  	[sflag:s15] =	ssyncset.done $0x0  }
0x5f: {  	[sflag:s15] =	ssyncadd.s32 $0xFFFFFFD8  }
0x60: {  	[spmem:s2] =	stream.indirect.scatter.add.f32 [tilespmem:s17], [sflag:$0x1], $0x10, s18, s16, $0xb8;
	[tilespmem:$0x7D00] =	vst v63  }
0x61: {  	_ =	swait.ge [sflag:s15], $0x280  }
0x62: {  	s23 =	simm.s32 $0x14;
	s22 =	simm.s32 $0xA;
	[sflag:s15] =	ssyncset.done $0x0  }
.LBB2_4:
0x63: {  	s24 =	sadd.s32 s22, s13  }
0x64: {  	[sflag:s15] =	ssyncadd.s32 $0xFFFFFD80;
	s25 =	smov.u32 s23;
	s26 =	sadd.s32 $0xA, s23  }
0x65: {  	[tilespmem:s3], [sflag:$0x1] =	stream.linear.gather [hbm4b:s24+s3], $0x28, $0x38;
	[tilespmem:$0x7D00] =	vst v63  }
0x66: {  	p0 =	sne.s32 s23, $0x262;
	_ =	swait.ge [sflag:s15], $0x28  }
0x67: {  	[sflag:s15] =	ssyncset.done $0x0  }
0x68: {  	[sflag:s15] =	ssyncadd.s32 $0xFFFFFFD8  }
0x69: {  	[spmem:s2] =	stream.indirect.scatter.add.f32 [tilespmem:s17], [sflag:$0x1], $0x10, s3, s16, $0xb8;
	[tilespmem:$0x7D00] =	vst v63  }
0x6a: {  	_ =	swait.ge [sflag:s15], $0x280  }
0x6b: {  	[sflag:s15] =	ssyncset.done $0x0  }
0x6c: {  	s23 =	sadd.s32 s22, s12;
	s22 =	smov.u32 s25;
	[sflag:s15] =	ssyncadd.s32 $0xFFFFFD80  }
0x6d: {  	[tilespmem:s18], [sflag:$0x1] =	stream.linear.gather [hbm4b:s23+s3], $0x28, $0x38;
	[tilespmem:$0x7D00] =	vst v63  }
0x6e: {  	_ =	swait.ge [sflag:s15], $0x28  }
.Ltmp1:
0x6f: {  	[sflag:s15] =	ssyncset.done $0x0;
	(pc) =	sbr.rel @p0 .LBB2_4-.Ltmp1, $4  }
0x70: {  	[sflag:s15] =	ssyncadd.s32 $0xFFFFFFD8  }
0x71: {  	[spmem:s2] =	stream.indirect.scatter.add.f32 [tilespmem:s17], [sflag:$0x1], $0x10, s18, s16, $0xb8;
	[tilespmem:$0x7D00] =	vst v63  }
0x72: {  	_ =	swait.ge [sflag:s15], $0x280  }
0x73: {  	s23 =	smov.u32 s26;
	[sflag:s15] =	ssyncset.done $0x0  }
0x74: {  	s23 =	sadd.s32 s22, s13;
	[sflag:s15] =	ssyncadd.s32 $0xFFFFFD80  }
0x75: {  	[tilespmem:s3], [sflag:$0x1] =	stream.linear.gather [hbm4b:s23+s3], $0x28, $0x38;
	[tilespmem:$0x7D00] =	vst v63  }
0x76: {  	_ =	swait.ge [sflag:s15], $0x28  }
0x77: {  	[sflag:s15] =	ssyncset.done $0x0  }
0x78: {  	[sflag:s15] =	ssyncadd.s32 $0xFFFFFFD8  }
0x79: {  	[spmem:s2] =	stream.indirect.scatter.add.f32 [tilespmem:s17], [sflag:$0x1], $0x10, s3, s16, $0xb8;
	[tilespmem:$0x7D00] =	vst v63  }
0x7a: {  	_ =	swait.ge [sflag:s15], $0x280  }
0x7b: {  	[sflag:s15] =	ssyncset.done $0x0  }
0x7c: {  	s31 =	sadd.s32 s22, s12;
	[sflag:s15] =	ssyncadd.s32 $0xFFFFFD80  }
0x7d: {  	[tilespmem:s18], [sflag:$0x1] =	stream.linear.gather [hbm4b:s31+s3], $0x28, $0x38;
	[tilespmem:$0x7D00] =	vst v63  }
0x7e: {  	_ =	swait.ge [sflag:s15], $0x28  }
0x7f: {  	[sflag:s15] =	ssyncset.done $0x0  }
0x80: {  	[sflag:s15] =	ssyncadd.s32 $0xFFFFFFD8  }
0x81: {  	[spmem:s2] =	stream.indirect.scatter.add.f32 [tilespmem:s17], [sflag:$0x1], $0x10, s18, s16, $0xb8;
	[tilespmem:$0x7D00] =	vst v63  }
0x82: {  	_ =	swait.ge [sflag:s15], $0x280  }
0x83: {  	[sflag:s15] =	ssyncset.done $0x0  }
0x84: {  	[sflag:s15] =	ssyncadd.s32 $0xFFFFFD80  }
0x85: {  	[tilespmem:s3], [sflag:$0x1] =	stream.linear.gather [hbm4b:s5+s3], $0x28, $0x38;
	[tilespmem:$0x7D00] =	vst v63  }
0x86: {  	_ =	swait.ge [sflag:s15], $0x28  }
0x87: {  	[sflag:s15] =	ssyncset.done $0x0  }
0x88: {  	[sflag:s15] =	ssyncadd.s32 $0xFFFFFFD8  }
0x89: {  	[spmem:s2] =	stream.indirect.scatter.add.f32 [tilespmem:s17], [sflag:$0x1], $0x10, s3, s16, $0xb8;
	[tilespmem:$0x7D00] =	vst v63  }
0x8a: {  	_ =	swait.ge [sflag:s15], $0x280  }
0x8b: {  	s21 =	sadd.s32 $0x1, s21;
	[sflag:s15] =	ssyncset.done $0x0  }
0x8c: {  	p0 =	sne.s32 s21, s7;
	[sflag:s15] =	ssyncadd.s32 $0xFFFFFD80  }
.Ltmp2:
0x8d: {  	[bflag:$0x0] =	sbarrier.arrive $0xFFFF;
	(pc) =	sbr.rel @p0 .LBB2_1-.Ltmp2, $4  }
0x8e: {  	[hbm:s6], [sflag:s19] =	dma.local [spmem:s20], $0x2800  }
0x8f: {  	_ =	swait.ge [sflag:s15], $0x2800  }
0x90: {  	[sflag:s15] =	ssyncset.done $0x0  }
0x91: {  	[sflag:s15] =	ssyncadd.s32 $0xFFFFD800  }
0x92: {  	_ =	sfence.sel $0x180000  }
0x93: {  	[bflag:$0x0] =	sbarrier.arrive $0xFFFF  }
0x94: {  	p0 =	sne.s32 s1, $0x0;
	_ =	strace $0x90000047  }
0x95: {  	s0 =	sadd.s32 @!p0 $0x100000, s0;
	[bflag:$0x2] =	sbarrier.arrive $0xFFFF  }
0x96: {  	[sflag:s0] =	ssyncadd.tile.s32 @!p0 $0x1;
	_ =	shalt  }
.Lfunc_end2:
_tile_overlayer_lowered:
.L_overlay_start_2:
0x97: {  	(tag) =	ssettag $0x2  }
0x98: {  	s0 =	rddreg [dreg:$0x0];
	s2 =	stileid.u32  }
0x99: {  	s1 =	rddreg [dreg:$0x1];
	p0 =	sne.s32 s2, $0x0  }
0x9a: {  	s3 =	rddreg [dreg:$0x2];
	[bflag:$0x3] =	sbarrier.arrive $0xFFFF;
	s2 =	simm.s32 @!p0 $0x1C01  }
0x9b: {  	[timem:s3], [sflag:s2] =	dma.local @!p0 [hbm:s0], s1  }
0x9c: {  	s0 =	simm.s32 @!p0 $0x1  }
0x9d: {  	_ =	swait.ge @!p0 [sflag:s0], s1  }
0x9e: {  	s1 =	ssub.s32 @!p0 $0x0, s1;
	[sflag:s0] =	ssyncset.done @!p0 $0x0  }
0x9f: {  	[sflag:s0] =	ssyncadd.s32 @!p0 s1  }
0xa0: {  	[bflag:$0x3] =	sbarrier.arrive $0xFFFF  }
0xa1: {  	_ =	shalt  }

// kernel: kernel.13.cloned.1.call-start
scs
__scs_entry_jumppad:
0x0: {  	(pc) =	sbr.rel $0x88, $3  }
0x1: {  	(tag) =	ssettag $0x0;
	lr =	simm.s32 $0x1  }
0x2: {  	[smem:$0x3F99] =	sst lr;
	_ =	strace $0xD0000000  }
0x3: {  	_ = 	snop  }
0x4: {  	_ = 	snop  }
0x5: {  	_ = 	snop  }
0x6: {  	_ = 	snop  }
0x7: {  	_ = 	snop  }
__scs_overlays_trampoline_lowered:
0x8: {  	[smem:$0x3FA8] =	sst s0  }
0x9: {  	[smem:$0x3FA9] =	sst s1  }
0xa: {  	[smem:$0x3FAA] =	sst s2  }
0xb: {  	[smem:$0x3FAB] =	sst s3  }
0xc: {  	[smem:$0x3FAC] =	sst s4  }
0xd: {  	[smem:$0x3FAD] =	sst s5  }
0xe: {  	[smem:$0x3FAE] =	sst s6  }
0xf: {  	[smem:$0x3FAF] =	sst s7  }
0x10: {  	[smem:$0x3FB0] =	sst s8  }
0x11: {  	[smem:$0x3FB1] =	sst s9;
	s0 =	simm.s32 @!p0 $0x0  }
0x12: {  	s1 =	sld [smem:$0x3F97];
	s0 =	simm.s32 @p0 $0x1  }
0x13: {  	[smem:$0x3FB2] =	sst s0;
	s0 =	simm.s32 @!p1 $0x0  }
0x14: {  	s2 =	sld [smem:$0x3F96];
	s0 =	simm.s32 @p1 $0x1  }
0x15: {  	[smem:$0x3FB3] =	sst s0;
	s0 =	simm.s32 @!p2 $0x0  }
0x16: {  	s3 =	sld [smem:$0x3FDB];
	s0 =	simm.s32 @p2 $0x1  }
0x17: {  	s4 =	simm.s32 $0x1BF5;
	[smem:$0x3FB5] =	sst s0  }
0x18: {  	s0 =	sld [smem:$0x3F98];
	_ =	swait.ge [sflag:s4], $0x0  }
0x19: {  	s7 =	sld [smem:$0x3F99]  }
0x1a: {  	s8 =	sadd.s32 $0xFFFFE003, lr  }
0x1b: {  	s9 =	sadd.s32 $0xFFFFFEF7, lr;
	s5 =	simm.s32 $0xFFFFFFFF;
	p2 =	slt.u32 s8, $0xFFFFF086  }
0x1c: {  	p1 =	slt.u32 s9, $0xF7A;
	s5 =	simm.s32 @!p2 $0x0  }
0x1d: {  	s5 =	simm.s32 @p1 $0x1;
	p0 =	seq.s32 s7, s2  }
0x1e: {  	s7 =	smul.u32 @!p0 $0xF7A, s2;
	p2 =	seq.s32 @!p0 s5, $0x0  }
0x1f: {  	s9 =	smul.u32 $0xF7A, s1;
	s8 =	simm.s32 @!p0 $0x1BF5;
	p2 =	por !p2, p0  }
0x20: {  	[sflag:s8] =	ssyncset.s32 @!p0 $0xFFFFF086;
	s6 =	sadd.s32 @!p0 s3, s7;
	s7 =	simm.s32 @!p0 $0x108  }
0x21: {  	s3 =	sadd.s32 s3, s9;
	s6 =	sadd.s32 @!p0 $0x88, s6;
	s7 =	simm.s32 @p2 $0x1082  }
0x22: {  	[simem:s7], [sflag:s8] =	dma.local @!p0 [hbm:s6], $0xF7A  }
0x23: {  	s9 =	sor.u32 $0xD0000000, s2;
	s6 =	simm.s32 $0x108;
	_ =	swait.ge @!p0 [sflag:s8], $0x0  }
0x24: {  	s3 =	sadd.s32 $0x88, s3;
	s6 =	simm.s32 @!p1 $0x1082;
	[sflag:s4] =	ssyncset.s32 $0xFFFFF086  }
0x25: {  	[simem:s6], [sflag:s4] =	dma.local [hbm:s3], $0xF7A  }
0x26: {  	[smem:$0x3F99] =	sst s1;
	(tag) =	ssettag s2;
	_ =	strace s9  }
0x27: {  	s1 =	sld [smem:$0x3FA9]  }
0x28: {  	s2 =	sld [smem:$0x3FAA]  }
0x29: {  	s4 =	sld [smem:$0x3FAC]  }
0x2a: {  	p0 =	seq.s32 s5, $0x0;
	s5 =	sld [smem:$0x3FAD]  }
0x2b: {  	s6 =	sld [smem:$0x3FAE]  }
0x2c: {  	s7 =	sld [smem:$0x3FAF]  }
0x2d: {  	s3 =	simm.s32 $0x108;
	s8 =	sld [smem:$0x3FB0]  }
0x2e: {  	s3 =	simm.s32 @!p0 $0x1082;
	s9 =	sld [smem:$0x3FB1]  }
0x2f: {  	lr =	sadd.s32 s0, s3;
	s0 =	sld [smem:$0x3FA8]  }
0x30: {  	s3 =	sld [smem:$0x3FAB]  }
0x31: {  	[smem:$0x3FB4] =	sst s10  }
0x32: {  	s10 =	sld [smem:$0x3FB2];
	_ =	sdelay $0x3  }
0x33: {  	p0 =	seq.s32 s10, $0x1;
	s10 =	sld [smem:$0x3FB4];
	_ =	sdelay $0x3  }
0x34: {  	[smem:$0x3FB4] =	sst s10  }
0x35: {  	s10 =	sld [smem:$0x3FB3];
	_ =	sdelay $0x3  }
0x36: {  	p1 =	seq.s32 s10, $0x1;
	s10 =	sld [smem:$0x3FB4];
	_ =	sdelay $0x3  }
0x37: {  	[smem:$0x3FB4] =	sst s10  }
0x38: {  	s10 =	sld [smem:$0x3FB5]  }
0x39: {  	_ = 	snop;
	(pc) =	sbr.ind lr, $3  }
0x3a: {  	_ = 	snop  }
0x3b: {  	_ = 	snop  }
0x3c: {  	p2 =	seq.s32 s10, $0x1;
	s10 =	sld [smem:$0x3FB4]  }
0x3d: {  	_ =	shalt  }
0x3e: {  	_ =	shalt  }
0x3f: {  	_ =	shalt  }
0x40: {  	_ =	shalt  }
0x41: {  	_ =	shalt  }
0x42: {  	_ =	shalt  }
0x43: {  	_ =	shalt  }
0x44: {  	_ =	shalt  }
0x45: {  	_ =	shalt  }
0x46: {  	_ =	shalt  }
0x47: {  	_ =	shalt  }
0x48: {  	_ =	shalt  }
0x49: {  	_ =	shalt  }
0x4a: {  	_ =	shalt  }
0x4b: {  	_ =	shalt  }
0x4c: {  	_ =	shalt  }
0x4d: {  	_ =	shalt  }
0x4e: {  	_ =	shalt  }
0x4f: {  	_ =	shalt  }
0x50: {  	_ =	shalt  }
0x51: {  	_ =	shalt  }
0x52: {  	_ =	shalt  }
0x53: {  	_ =	shalt  }
0x54: {  	_ =	shalt  }
0x55: {  	_ =	shalt  }
0x56: {  	_ =	shalt  }
0x57: {  	_ =	shalt  }
0x58: {  	_ =	shalt  }
0x59: {  	_ =	shalt  }
0x5a: {  	_ =	shalt  }
0x5b: {  	_ =	shalt  }
0x5c: {  	_ =	shalt  }
0x5d: {  	_ =	shalt  }
0x5e: {  	_ =	shalt  }
0x5f: {  	_ =	shalt  }
0x60: {  	_ =	shalt  }
0x61: {  	_ =	shalt  }
0x62: {  	_ =	shalt  }
0x63: {  	_ =	shalt  }
0x64: {  	_ =	shalt  }
0x65: {  	_ =	shalt  }
0x66: {  	_ =	shalt  }
0x67: {  	_ =	shalt  }
0x68: {  	_ =	shalt  }
0x69: {  	_ =	shalt  }
0x6a: {  	_ =	shalt  }
0x6b: {  	_ =	shalt  }
0x6c: {  	_ =	shalt  }
0x6d: {  	_ =	shalt  }
0x6e: {  	_ =	shalt  }
0x6f: {  	_ =	shalt  }
0x70: {  	_ =	shalt  }
0x71: {  	_ =	shalt  }
0x72: {  	_ =	shalt  }
0x73: {  	_ =	shalt  }
0x74: {  	_ =	shalt  }
0x75: {  	_ =	shalt  }
0x76: {  	_ =	shalt  }
0x77: {  	_ =	shalt  }
0x78: {  	_ =	shalt  }
0x79: {  	_ =	shalt  }
0x7a: {  	_ =	shalt  }
0x7b: {  	_ =	shalt  }
0x7c: {  	_ =	shalt  }
0x7d: {  	_ =	shalt  }
0x7e: {  	_ =	shalt  }
0x7f: {  	_ =	shalt  }
0x80: {  	_ =	shalt  }
0x81: {  	_ =	shalt  }
0x82: {  	_ =	shalt  }
0x83: {  	_ =	shalt  }
0x84: {  	_ =	shalt  }
0x85: {  	_ =	shalt  }
0x86: {  	_ =	shalt  }
0x87: {  	_ =	shalt  }
.Lfunc_end0:
.L_simem_size_0:
called_computation.1_lowered:
.L_overlay_start_0:
0x88: {  	s2 =	sld [smem:$0x3FD9]  }
0x89: {  	s3 =	sld [smem:$0x3FFE];
	_ =	sdelay $0x1  }
0x8a: {  	s1 =	srdreg.scid  }
0x8b: {  	s0 =	sand.u32 $0x1, s1  }
0x8c: {  	s17 =	sshll.u32 s0, $0xA;
	s2 =	sadd.s32 s3, s2  }
0x8d: {  	s2 =	sadd.s32 s2, s17  }
0x8e: {  	[smem:$0x3FC0] =	sst s2  }
0x8f: {  	_ = 	snop  }
0x90: {  	s2 =	sld [smem:$0x3FD0];
	(tm) =	ssettm $0x1  }
0x91: {  	s18 =	sld [smem:$0x3FFB];
	_ =	sdelay $0x3  }
0x92: {  	_ =	strace s18  }
0x93: {  	s3 =	sld [smem:$0x3FFC];
	_ =	sdelay $0x3  }
0x94: {  	_ =	strace s3  }
0x95: {  	s3 =	sld [smem:$0x3FFD];
	_ =	sdelay $0x3  }
0x96: {  	_ =	strace s3  }
0x97: {  	_ =	strace $0x8FFFFFFF  }
0x98: {  	s19 =	sld [smem:$0x3FDB];
	_ =	sdelay $0x1  }
0x99: {  	s4 =	simm.s32 $_scs_section_size  }
0x9a: {  	s5 =	simm.s32 $_size__tile_overlayer_lowered;
	s6 =	simm.s32 $_tile_overlayer_lowered  }
0x9b: {  	s22 =	simm.s32 $0x1BFF;
	s21 =	sshll.u32 s6, $0x1;
	s3 =	sadd.s32 s4, s19  }
0x9c: {  	s7 =	simm.s32 $0x0;
	s20 =	sshll.u32 s5, $0x1;
	s5 =	sadd.s32 s21, s3  }
0x9d: {  	[timem:s7], [sflag:s22] =	dma.local [hbm:s5], s20  }
0x9e: {  	_ =	swait.ge [sflag:s22], s20  }
0x9f: {  	s4 =	ssub.s32 $0x0, s20;
	[sflag:s22] =	ssyncset.done $0x0  }
0xa0: {  	[sflag:s22] =	ssyncadd.s32 s4;
	_ =	sdelay $0x1  }
0xa1: {  	s23 =	simm.s32 $0x1B8B  }
0xa2: {  	_ =	swait.ge [sflag:s23], $0x1  }
0xa3: {  	[sflag:s23] =	ssyncset.done $0x0  }
0xa4: {  	s25 =	simm.s32 $0x1B8E;
	s24 =	sld [smem:$0x3FFE];
	[sflag:s23] =	ssyncadd.s32 $0xFFFFFFFF  }
0xa5: {  	s26 =	simm.s32 $execute0_lowered;
	[smem:$0x3FD2] =	sst s25  }
0xa6: {  	s5 =	sshll.u32 s26, $0x1;
	_ =	strace $0x80000049;
	[dreg:$0x1] =	wrdreg $0xFFFFFFFF  }
0xa7: {  	s28 =	simm.s32 $_size_execute0_lowered;
	s3 =	sadd.s32 s3, s5;
	[dreg:$0x0] =	wrdreg $0x0  }
0xa8: {  	s5 =	sshll.u32 s28, $0x1;
	[dreg:$0x2] =	wrdreg s3  }
0xa9: {  	[dreg:$0x3] =	wrdreg s5  }
0xaa: {  	[dreg:$0x4] =	wrdreg $0xC0  }
0xab: {  	_ =	task [dreg:s7], $0x5FFFF  }
0xac: {  	[dreg:$0x1] =	wrdreg $0xFFFFFFFF  }
0xad: {  	[dreg:$0x0] =	wrdreg $0x60  }
0xae: {  	[dreg:$0x2] =	wrdreg s24  }
0xaf: {  	[dreg:$0x3] =	wrdreg s2  }
0xb0: {  	[dreg:$0x4] =	wrdreg $0xBC800  }
0xb1: {  	[dreg:$0x5] =	wrdreg $0x9  }
0xb2: {  	_ =	task.clear_ibuf [dreg:s7], $0x6FFFF;
	_ =	strace $0x90000049  }
0xb3: {  	s29 =	simm.s32 $0x9;
	_ =	strace $0x8000004B  }
0xb4: {  	_ =	swait.ge [sflag:s29], $0x1  }
0xb5: {  	[sflag:s29] =	ssyncadd.s32 $0xFFFFFFFF  }
0xb6: {  	_ =	strace $0x9000004B  }
0xb7: {  	_ =	sfence  }
0xb8: {  	s30 =	sld [smem:$0x0];
	_ =	sdelay $0x2  }
0xb9: {  	s31 =	sshll.u32 s1, $0xD;
	s1 =	sshrl.u32 s1, $0x2  }
0xba: {  	s3 =	sand.u32 $0x4000, s31;
	s1 =	sadd.s32 s1, s30  }
0xbb: {  	s0 =	sor.u32 s3, s0;
	s1 =	sshll.u32 s1, $0x11  }
0xbc: {  	s0 =	sor.u32 s1, s0  }
0xbd: {  	s0 =	sadd.s32 $0x8F2B, s0  }
0xbe: {  	[sflag:s0] =	ssyncadd.remote.s32 $0x1  }
0xbf: {  	_ =	sfence.sel $0xFFFF  }
0xc0: {  	[dreg:$0x0] =	wrdreg $0xFFFFFFFF;
	(pc) =	sbr.abs _section_cstart, $3  }
0xc1: {  	[dreg:$0x1] =	wrdreg $0xFFFFFFFF  }
0xc2: {  	_ =	task.clear_ibuf [dreg:s7], $0x2FFFF;
	_ =	strace $0x9FFFFFFF  }
0xc3: {  	(tm) =	ssettm $0x7FFFFFFF  }
tec
execute0_lowered:
.L_overlay_start_1:
0x0: {  	(tag) =	ssettag $0x1  }
0x1: {  	s0 =	rddreg [dreg:$0x0]  }
0x2: {  	s1 =	rddreg [dreg:$0x1]  }
0x3: {  	s2 =	rddreg [dreg:$0x2]  }
0x4: {  	s3 =	srdreg.scid;
	s11 =	stileid.u32  }
0x5: {  	s4 =	simm.s32 $0x0;
	s28 =	simm.s32 $0x80;
	s7 =	smul.u32 $0x14000, s11  }
0x6: {  	s29 =	simm.s32 $0x380;
	s30 =	simm.s32 $0x5;
	s21 =	smul.u32 $0x50000, s11  }
0x7: {  	s31 =	simm.s32 $0x200;
	s3 =	sand.u32 $0x1, s3;
	s10 =	smul.u32 $0x2710, s11  }
0x8: {  	[smem:$0x7FF] =	sst s4;
	s5 =	sadd.s32 $0x7000, s0;
	s18 =	smul.u32 $0x4E2, s11  }
0x9: {  	s11 =	simm.s32 $0x1;
	s6 =	smul.u32 $0x140000, s3;
	s9 =	ssub.s32 $0x2, s3  }
0xa: {  	_ =	strace $0x8000004A;
	s12 =	smul.u32 $0x2710, s3;
	s22 =	sshrl.u32 s9, $0x1  }
0xb: {  	s23 =	sshrl.u32 s10, $0x3;
	s16 =	sadd.s32 $0x190, s10;
	s6 =	sadd.s32 s7, s6  }
0xc: {  	s24 =	sadd.s32 s1, s23;
	s26 =	sadd.s32 $0xA, s23;
	[dreg:$0x4] =	wrdreg s16  }
0xd: {  	s7 =	sshrl.u32 s21, $0x2;
	[dreg:$0x9] =	wrdreg s24;
	s13 =	sadd.s32 s1, s26  }
0xe: {  	s8 =	sshrl.u32 s6, $0x3;
	s24 =	sadd.s32 s18, s1;
	[dreg:$0xb] =	wrdreg s13  }
0xf: {  	s6 =	sadd.s32 $0x2000, s0;
	s17 =	sadd.s32 s7, s2;
	[dreg:$0x6] =	wrdreg s24  }
0x10: {  	s10 =	simm.s32 $0x5480;
	s25 =	sadd.s32 s6, s23;
	[dreg:$0x8] =	wrdreg s17  }
0x11: {  	v0 =	vmov s12;
	s12 =	simm.s32 $0x2;
	s3 =	sadd.s32 s6, s26;
	[dreg:$0xa] =	wrdreg s25  }
0x12: {  	s0 =	sadd.s32 s8, s0;
	s20 =	sadd.s32 $0x4000, s17;
	[dreg:$0xc] =	wrdreg s3  }
0x13: {  	s8 =	ssub.s32 s9, s22;
	s21 =	sadd.s32 $0x8000, s17;
	[dreg:$0x11] =	wrdreg s20  }
0x14: {  	s9 =	sadd.s32 $0x14, s23;
	s23 =	sadd.s32 $0xC000, s17;
	[dreg:$0x12] =	wrdreg s21  }
0x15: {  	s22 =	sadd.s32 s18, s6;
	s26 =	simm.s32 $0x280;
	[dreg:$0x13] =	wrdreg s23  }
0x16: {  	s24 =	simm.s32 $0x50;
	s13 =	simm.s32 $0x3;
	[dreg:$0x5] =	wrdreg s22  }
0x17: {  	s14 =	sadd.s32 s1, s9;
	s15 =	sadd.s32 s6, s9;
	[dreg:$0x7] =	wrdreg s26  }
0x18: {  	s0 =	sadd.s32 $0x55200, s0;
	s19 =	smax.u32 s8, $0x1;
	[dreg:$0xd] =	wrdreg s14  }
0x19: {  	s25 =	sadd.s32 $0x10000, s17;
	s21 =	simm.s32 $0x7;
	[dreg:$0xe] =	wrdreg s15  }
0x1a: {  	s22 =	simm.s32 $0x300;
	s23 =	simm.s32 $0x4;
	[dreg:$0xf] =	wrdreg s0  }
0x1b: {  	s26 =	simm.s32 $0x480;
	s3 =	simm.s32 $0x100;
	[dreg:$0x10] =	wrdreg s19  }
0x1c: {  	s8 =	simm.s32 $0x400;
	s9 =	simm.s32 $0x6;
	[dreg:$0x14] =	wrdreg s25  }
0x1d: {  	v1 =	vimm.f32 $0.0e+00;
	s25 =	simm.s32 $0x180;
	s0 =	simm.s32 $0x2C80;
	s14 =	simm.s32 $0x0  }
.LBB2_1:
0x1e: {  	s15 =	simm.s32 $0x0;
	s16 =	simm.s32 $0x200  }
.LBB2_2:
0x1f: {  	p0 =	sne.s32 s16, $0xFE00;
	[tilespmem:s15+$0x7CF0] =	vst v1  }
0x20: {  	[tilespmem:s15+$0x7C80] =	vst v1  }
0x21: {  	[tilespmem:s15+$0x7C90] =	vst v1  }
.Ltmp0:
0x22: {  	[tilespmem:s15+$0x7CA0] =	vst v1;
	(pc) =	sbr.rel @p0 .LBB2_2-.Ltmp0, $4  }
0x23: {  	[tilespmem:s15+$0x7CB0] =	vst v1  }
0x24: {  	[tilespmem:s15+$0x7CC0] =	vst v1  }
0x25: {  	[tilespmem:s15+$0x7CD0] =	vst v1  }
0x26: {  	[tilespmem:s15+$0x7CE0] =	vst v1;
	s15 =	sshra.s32 s16, $0x2;
	s16 =	sadd.s32 $0x200, s16  }
0x27: {  	[tilespmem:s15+$0x7CF0] =	vst v1  }
0x28: {  	[tilespmem:s15+$0x7C80] =	vst v1  }
0x29: {  	[tilespmem:s15+$0x7C90] =	vst v1  }
0x2a: {  	[tilespmem:s15+$0x7CA0] =	vst v1  }
0x2b: {  	[tilespmem:s15+$0x7CB0] =	vst v1  }
0x2c: {  	[tilespmem:s15+$0x7CC0] =	vst v1  }
0x2d: {  	[tilespmem:s15+$0x7CD0] =	vst v1  }
0x2e: {  	[tilespmem:s15+$0x7CE0] =	vst v1;
	s20 =	simm.s32 $0x7C80  }
0x2f: {  	[spmem:s17] =	stream.linear.scatter [tilespmem:s20], [sflag:$0x7], $0x4000, $0x38;
	[tilespmem:$0x1FC80] =	vst v63  }
0x30: {  	_ =	swait.ge [sflag:s21], $0x4000  }
0x31: {  	[sflag:s21] =	ssyncset.done $0x0  }
0x32: {  	s7 =	rddreg [dreg:$0x11];
	[sflag:s21] =	ssyncadd.s32 $0xFFFFC000  }
0x33: {  	[spmem:s7] =	stream.linear.scatter [tilespmem:s20], [sflag:$0x7], $0x4000, $0x38;
	[tilespmem:$0x1FC80] =	vst v63  }
0x34: {  	_ =	swait.ge [sflag:s21], $0x4000  }
0x35: {  	[sflag:s21] =	ssyncset.done $0x0  }
0x36: {  	s16 =	rddreg [dreg:$0x12];
	[sflag:s21] =	ssyncadd.s32 $0xFFFFC000  }
0x37: {  	[spmem:s16] =	stream.linear.scatter [tilespmem:s20], [sflag:$0x7], $0x4000, $0x38;
	[tilespmem:$0x1FC80] =	vst v63  }
0x38: {  	_ =	swait.ge [sflag:s21], $0x4000  }
0x39: {  	[sflag:s21] =	ssyncset.done $0x0  }
0x3a: {  	s17 =	rddreg [dreg:$0x13];
	[sflag:s21] =	ssyncadd.s32 $0xFFFFC000  }
0x3b: {  	[spmem:s17] =	stream.linear.scatter [tilespmem:s20], [sflag:$0x7], $0x4000, $0x38;
	[tilespmem:$0x1FC80] =	vst v63  }
0x3c: {  	_ =	swait.ge [sflag:s21], $0x4000  }
0x3d: {  	[sflag:s21] =	ssyncset.done $0x0  }
0x3e: {  	s18 =	rddreg [dreg:$0x14];
	[sflag:s21] =	ssyncadd.s32 $0xFFFFC000  }
0x3f: {  	[spmem:s18] =	stream.linear.scatter [tilespmem:s20], [sflag:$0x7], $0x4000, $0x38;
	[tilespmem:$0x1FC80] =	vst v63  }
0x40: {  	_ =	swait.ge [sflag:s21], $0x4000  }
0x41: {  	[sflag:s21] =	ssyncset.done $0x0  }
0x42: {  	[sflag:s21] =	ssyncadd.s32 $0xFFFFC000  }
0x43: {  	[bflag:$0x0] =	sbarrier.arrive $0xFFFF  }
0x44: {  	s15 =	simm.s32 $0x0;
	s19 =	rddreg [dreg:$0x9]  }
0x45: {  	[tilespmem:s15], [sflag:$0x4] =	stream.linear.gather [hbm4b:s19+s15], $0x50, $0x38;
	[tilespmem:$0x1FC80] =	vst v63  }
0x46: {  	s20 =	rddreg [dreg:$0xa]  }
0x47: {  	[tilespmem:s22], [sflag:$0x4] =	stream.linear.gather [hbm4b:s20+s15], $0x50, $0x38;
	[tilespmem:$0x1FC80] =	vst v63  }
0x48: {  	_ =	swait.ge [sflag:s23], $0x50  }
0x49: {  	[sflag:s23] =	ssyncset.done $0x0  }
0x4a: {  	[sflag:s23] =	ssyncadd.s32 $0xFFFFFFB0  }
0x4b: {  	_ =	swait.ge [sflag:s23], $0x50  }
0x4c: {  	[sflag:s23] =	ssyncset.done $0x0  }
0x4d: {  	[sflag:s23] =	ssyncadd.s32 $0xFFFFFFB0  }
0x4e: {  	v2 =	vld [tilespmem:$0x0]  }
0x4f: {  	v3 =	vld [tilespmem:$0x10]  }
0x50: {  	v4 =	vld [tilespmem:$0x20]  }
0x51: {  	v5 =	vld [tilespmem:$0x30]  }
0x52: {  	v6 =	vld [tilespmem:$0x40]  }
0x53: {  	v2 =	vadd.s32 v0, v2  }
0x54: {  	[tilespmem:$0x180] =	vst v2;
	v2 =	vadd.s32 v0, v3  }
0x55: {  	[tilespmem:$0x190] =	vst v2;
	v2 =	vadd.s32 v0, v4  }
0x56: {  	[tilespmem:$0x1A0] =	vst v2;
	v2 =	vadd.s32 v0, v5  }
0x57: {  	[tilespmem:$0x1B0] =	vst v2;
	v2 =	vadd.s32 v0, v6  }
0x58: {  	[tilespmem:$0x1C0] =	vst v2  }
0x59: {  	[tilespmem:s26], [sflag:$0x1] =	stream.indirect.gather [hbm4b:s5+s24], $0x80, s25, s24, $0xb8;
	[tilespmem:$0x1FC80] =	vst v63  }
0x5a: {  	s16 =	rddreg [dreg:$0xb]  }
0x5b: {  	[tilespmem:s28], [sflag:$0x5] =	stream.linear.gather [hbm4b:s16+s15], $0x50, $0x38;
	[tilespmem:$0x1FC80] =	vst v63  }
0x5c: {  	s17 =	rddreg [dreg:$0xc]  }
0x5d: {  	[tilespmem:s29], [sflag:$0x5] =	stream.linear.gather [hbm4b:s17+s15], $0x50, $0x38;
	[tilespmem:$0x1FC80] =	vst v63  }
0x5e: {  	_ =	swait.ge [sflag:s30], $0x50  }
0x5f: {  	[sflag:s30] =	ssyncset.done $0x0  }
0x60: {  	[sflag:s30] =	ssyncadd.s32 $0xFFFFFFB0  }
0x61: {  	_ =	swait.ge [sflag:s30], $0x50  }
0x62: {  	[sflag:s30] =	ssyncset.done $0x0  }
0x63: {  	[sflag:s30] =	ssyncadd.s32 $0xFFFFFFB0  }
0x64: {  	v2 =	vld [tilespmem:$0x80]  }
0x65: {  	v3 =	vld [tilespmem:$0x90]  }
0x66: {  	v52 =	vld [tilespmem:$0xA0]  }
0x67: {  	v53 =	vld [tilespmem:$0xB0]  }
0x68: {  	v54 =	vld [tilespmem:$0xC0]  }
0x69: {  	v2 =	vadd.s32 v0, v2  }
0x6a: {  	[tilespmem:$0x200] =	vst v2;
	v2 =	vadd.s32 v0, v3  }
0x6b: {  	[tilespmem:$0x210] =	vst v2;
	v2 =	vadd.s32 v0, v52  }
0x6c: {  	[tilespmem:$0x220] =	vst v2;
	v2 =	vadd.s32 v0, v53  }
0x6d: {  	[tilespmem:$0x230] =	vst v2;
	v2 =	vadd.s32 v0, v54  }
0x6e: {  	[tilespmem:$0x240] =	vst v2  }
0x6f: {  	[tilespmem:s0], [sflag:$0x2] =	stream.indirect.gather [hbm4b:s5+s24], $0x80, s31, s24, $0xb8;
	[tilespmem:$0x1FC80] =	vst v63  }
0x70: {  	s18 =	rddreg [dreg:$0xd]  }
0x71: {  	[tilespmem:s3], [sflag:$0x6] =	stream.linear.gather [hbm4b:s18+s15], $0x50, $0x38;
	[tilespmem:$0x1FC80] =	vst v63  }
0x72: {  	s19 =	rddreg [dreg:$0xe]  }
0x73: {  	[tilespmem:s8], [sflag:$0x6] =	stream.linear.gather [hbm4b:s19+s15], $0x50, $0x38;
	[tilespmem:$0x1FC80] =	vst v63  }
0x74: {  	_ =	swait.ge [sflag:s9], $0x50  }
0x75: {  	[sflag:s9] =	ssyncset.done $0x0  }
0x76: {  	[sflag:s9] =	ssyncadd.s32 $0xFFFFFFB0  }
0x77: {  	_ =	swait.ge [sflag:s9], $0x50  }
0x78: {  	[sflag:s9] =	ssyncset.done $0x0  }
0x79: {  	[sflag:s9] =	ssyncadd.s32 $0xFFFFFFB0  }
0x7a: {  	v2 =	vld [tilespmem:$0x140]  }
0x7b: {  	v3 =	vld [tilespmem:$0x120]  }
0x7c: {  	v55 =	vld [tilespmem:$0x110]  }
0x7d: {  	v56 =	vld [tilespmem:$0x100]  }
0x7e: {  	v57 =	vld [tilespmem:$0x130]  }
0x7f: {  	v2 =	vadd.s32 v0, v2  }
0x80: {  	v3 =	vadd.s32 v0, v3;
	[tilespmem:$0x2C0] =	vst v2  }
0x81: {  	v2 =	vadd.s32 v0, v55;
	[tilespmem:$0x2A0] =	vst v3  }
0x82: {  	v3 =	vadd.s32 v0, v56;
	[tilespmem:$0x290] =	vst v2  }
0x83: {  	[tilespmem:$0x280] =	vst v3;
	v2 =	vadd.s32 v0, v57  }
0x84: {  	s16 =	rddreg [dreg:$0x7];
	[tilespmem:$0x2B0] =	vst v2  }
0x85: {  	[tilespmem:s10], [sflag:$0x3] =	stream.indirect.gather [hbm4b:s5+s24], $0x80, s16, s24, $0xb8;
	[tilespmem:$0x1FC80] =	vst v63  }
0x86: {  	_ =	swait.ge [sflag:s11], $0x2800  }
0x87: {  	[sflag:s11] =	ssyncset.done $0x0  }
0x88: {  	[sflag:s11] =	ssyncadd.s32 $0xFFFFD800  }
0x89: {  	[spmem:s2] =	stream.indirect.scatter.add.f32 [tilespmem:s26], [sflag:$0x7], $0x80, s22, s24, $0xb8;
	[tilespmem:$0x1FC80] =	vst v63  }
0x8a: {  	_ =	swait.ge [sflag:s21], $0x2800  }
0x8b: {  	s20 =	rddreg [dreg:$0x6]  }
0x8c: {  	s7 =	rddreg [dreg:$0x5];
	[sflag:s21] =	ssyncset.done $0x0;
	s16 =	sadd.s32 $0x0, s20  }
0x8d: {  	[sflag:s21] =	ssyncadd.s32 $0xFFFFD800;
	s17 =	sadd.s32 $0x0, s7;
	s18 =	sadd.s32 $0x1E, s16  }
0x8e: {  	[tilespmem:s4], [sflag:$0x4] =	stream.linear.gather [hbm4b:s18+s4], $0x50, $0x38;
	[tilespmem:$0x1FC80] =	vst v63  }
0x8f: {  	s19 =	sadd.s32 $0x1E, s17  }
0x90: {  	[tilespmem:s22], [sflag:$0x4] =	stream.linear.gather [hbm4b:s19+s4], $0x50, $0x38;
	[tilespmem:$0x1FC80] =	vst v63  }
0x91: {  	_ =	swait.ge [sflag:s23], $0x50  }
0x92: {  	[sflag:s23] =	ssyncset.done $0x0  }
0x93: {  	[sflag:s23] =	ssyncadd.s32 $0xFFFFFFB0  }
0x94: {  	_ =	swait.ge [sflag:s23], $0x50  }
0x95: {  	[sflag:s23] =	ssyncset.done $0x0  }
0x96: {  	[sflag:s23] =	ssyncadd.s32 $0xFFFFFFB0  }
0x97: {  	v2 =	vld [tilespmem:$0x40]  }
0x98: {  	v3 =	vld [tilespmem:$0x20]  }
0x99: {  	v58 =	vld [tilespmem:$0x10]  }
0x9a: {  	v59 =	vld [tilespmem:$0x0]  }
0x9b: {  	v60 =	vld [tilespmem:$0x30]  }
0x9c: {  	v2 =	vadd.s32 v0, v2  }
0x9d: {  	[tilespmem:$0x1C0] =	vst v2;
	v2 =	vadd.s32 v0, v3  }
0x9e: {  	v3 =	vadd.s32 v0, v58;
	[tilespmem:$0x1A0] =	vst v2  }
0x9f: {  	v2 =	vadd.s32 v0, v59;
	[tilespmem:$0x190] =	vst v3  }
0xa0: {  	v3 =	vadd.s32 v0, v60;
	[tilespmem:$0x180] =	vst v2  }
0xa1: {  	[tilespmem:$0x1B0] =	vst v3  }
0xa2: {  	[tilespmem:s26], [sflag:$0x1] =	stream.indirect.gather [hbm4b:s5+s24], $0x80, s25, s24, $0xb8;
	[tilespmem:$0x1FC80] =	vst v63  }
0xa3: {  	_ =	swait.ge [sflag:s12], $0x2800  }
0xa4: {  	[sflag:s12] =	ssyncset.done $0x0  }
0xa5: {  	[sflag:s12] =	ssyncadd.s32 $0xFFFFD800  }
0xa6: {  	[spmem:s2] =	stream.indirect.scatter.add.f32 [tilespmem:s0], [sflag:$0x7], $0x80, s29, s24, $0xb8;
	[tilespmem:$0x1FC80] =	vst v63  }
0xa7: {  	_ =	swait.ge [sflag:s21], $0x2800  }
0xa8: {  	[sflag:s21] =	ssyncset.done $0x0  }
0xa9: {  	s16 =	sadd.s32 $0x28, s16;
	[sflag:s21] =	ssyncadd.s32 $0xFFFFD800  }
0xaa: {  	[tilespmem:s28], [sflag:$0x5] =	stream.linear.gather [hbm4b:s16+s4], $0x50, $0x38;
	[tilespmem:$0x1FC80] =	vst v63  }
0xab: {  	s20 =	sadd.s32 $0x28, s17  }
0xac: {  	[tilespmem:s29], [sflag:$0x5] =	stream.linear.gather [hbm4b:s20+s4], $0x50, $0x38;
	[tilespmem:$0x1FC80] =	vst v63  }
0xad: {  	_ =	swait.ge [sflag:s30], $0x50  }
0xae: {  	[sflag:s30] =	ssyncset.done $0x0  }
0xaf: {  	[sflag:s30] =	ssyncadd.s32 $0xFFFFFFB0  }
0xb0: {  	_ =	swait.ge [sflag:s30], $0x50  }
0xb1: {  	[sflag:s30] =	ssyncset.done $0x0  }
0xb2: {  	[sflag:s30] =	ssyncadd.s32 $0xFFFFFFB0  }
0xb3: {  	v2 =	vld [tilespmem:$0xC0]  }
0xb4: {  	v3 =	vld [tilespmem:$0x80]  }
0xb5: {  	v61 =	vld [tilespmem:$0xA0]  }
0xb6: {  	v63 =	vld [tilespmem:$0x90]  }
0xb7: {  	v62 =	vld [tilespmem:$0xB0]  }
0xb8: {  	v2 =	vadd.s32 v0, v2  }
0xb9: {  	v3 =	vadd.s32 v0, v3;
	[tilespmem:$0x240] =	vst v2  }
0xba: {  	[tilespmem:$0x200] =	vst v3;
	v2 =	vadd.s32 v0, v61  }
0xbb: {  	v3 =	vadd.s32 v0, v63;
	[tilespmem:$0x220] =	vst v2  }
0xbc: {  	v2 =	vadd.s32 v0, v62;
	[tilespmem:$0x210] =	vst v3  }
0xbd: {  	s17 =	simm.s32 $0x1E;
	s16 =	smin.u32 s15, $0x77;
	[tilespmem:$0x230] =	vst v2  }
0xbe: {  	[tilespmem:s0], [sflag:$0x2] =	stream.indirect.gather [hbm4b:s5+s24], $0x80, s31, s24, $0xb8;
	[tilespmem:$0x1FC80] =	vst v63  }
.LBB2_4:
0xbf: {  	_ =	swait.ge [sflag:s13], $0x2800  }
0xc0: {  	[sflag:s13] =	ssyncset.done $0x0  }
0xc1: {  	[sflag:s13] =	ssyncadd.s32 $0xFFFFD800  }
0xc2: {  	[spmem:s2] =	stream.indirect.scatter.add.f32 [tilespmem:s10], [sflag:$0x7], $0x80, s8, s24, $0xb8;
	[tilespmem:$0x1FC80] =	vst v63  }
0xc3: {  	s7 =	smul.u32 $0x50, s16;
	_ =	swait.ge [sflag:s21], $0x2800  }
0xc4: {  	s20 =	rddreg [dreg:$0x4]  }
0xc5: {  	s7 =	sadd.s32 s7, s20  }
0xc6: {  	[sflag:s21] =	ssyncset.done $0x0;
	s7 =	sshrl.u32 s7, $0x3  }
0xc7: {  	[sflag:s21] =	ssyncadd.s32 $0xFFFFD800;
	s20 =	sadd.s32 s1, s7  }
0xc8: {  	[tilespmem:s3], [sflag:$0x6] =	stream.linear.gather [hbm4b:s20+s4], $0x50, $0x38;
	[tilespmem:$0x1FC80] =	vst v63  }
0xc9: {  	s7 =	sadd.s32 s6, s7  }
0xca: {  	[tilespmem:s8], [sflag:$0x6] =	stream.linear.gather [hbm4b:s7+s4], $0x50, $0x38;
	[tilespmem:$0x1FC80] =	vst v63  }
0xcb: {  	_ =	swait.ge [sflag:s9], $0x50  }
0xcc: {  	[sflag:s9] =	ssyncset.done $0x0  }
0xcd: {  	[sflag:s9] =	ssyncadd.s32 $0xFFFFFFB0  }
0xce: {  	_ =	swait.ge [sflag:s9], $0x50  }
0xcf: {  	[sflag:s9] =	ssyncset.done $0x0  }
0xd0: {  	[sflag:s9] =	ssyncadd.s32 $0xFFFFFFB0  }
0xd1: {  	v2 =	vld [tilespmem:$0x140]  }
0xd2: {  	v3 =	vld [tilespmem:$0x120]  }
0xd3: {  	v4 =	vld [tilespmem:$0x110]  }
0xd4: {  	v5 =	vld [tilespmem:$0x100]  }
0xd5: {  	v6 =	vld [tilespmem:$0x130]  }
0xd6: {  	v2 =	vadd.s32 v0, v2  }
0xd7: {  	v3 =	vadd.s32 v0, v3;
	[tilespmem:$0x2C0] =	vst v2  }
0xd8: {  	v2 =	vadd.s32 v0, v4;
	[tilespmem:$0x2A0] =	vst v3  }
0xd9: {  	v3 =	vadd.s32 v0, v5;
	[tilespmem:$0x290] =	vst v2  }
0xda: {  	[tilespmem:$0x280] =	vst v3;
	v2 =	vadd.s32 v0, v6  }
0xdb: {  	s20 =	rddreg [dreg:$0x7];
	[tilespmem:$0x2B0] =	vst v2  }
0xdc: {  	[tilespmem:s10], [sflag:$0x3] =	stream.indirect.gather [hbm4b:s5+s24], $0x80, s20, s24, $0xb8;
	[tilespmem:$0x1FC80] =	vst v63  }
0xdd: {  	_ =	swait.ge [sflag:s11], $0x2800  }
0xde: {  	[sflag:s11] =	ssyncset.done $0x0  }
0xdf: {  	s15 =	sadd.s32 $0x3, s15;
	[sflag:s11] =	ssyncadd.s32 $0xFFFFD800  }
0xe0: {  	[spmem:s2] =	stream.indirect.scatter.add.f32 [tilespmem:s26], [sflag:$0x7], $0x80, s22, s24, $0xb8;
	[tilespmem:$0x1FC80] =	vst v63  }
0xe1: {  	s19 =	smin.u32 s15, $0x77;
	_ =	swait.ge [sflag:s21], $0x2800  }
0xe2: {  	s18 =	smov.u32 s17;
	s16 =	smov.u32 s19;
	s19 =	rddreg [dreg:$0x6]  }
0xe3: {  	s20 =	rddreg [dreg:$0x5];
	[sflag:s21] =	ssyncset.done $0x0;
	s19 =	sadd.s32 s18, s19  }
0xe4: {  	[sflag:s21] =	ssyncadd.s32 $0xFFFFD800;
	s18 =	sadd.s32 s18, s20;
	s7 =	sadd.s32 $0x1E, s19  }
0xe5: {  	[tilespmem:s4], [sflag:$0x4] =	stream.linear.gather [hbm4b:s7+s4], $0x50, $0x38;
	[tilespmem:$0x1FC80] =	vst v63  }
0xe6: {  	s20 =	sadd.s32 $0x1E, s18  }
0xe7: {  	[tilespmem:s22], [sflag:$0x4] =	stream.linear.gather [hbm4b:s20+s4], $0x50, $0x38;
	[tilespmem:$0x1FC80] =	vst v63  }
0xe8: {  	_ =	swait.ge [sflag:s23], $0x50  }
0xe9: {  	[sflag:s23] =	ssyncset.done $0x0  }
0xea: {  	[sflag:s23] =	ssyncadd.s32 $0xFFFFFFB0  }
0xeb: {  	_ =	swait.ge [sflag:s23], $0x50  }
0xec: {  	[sflag:s23] =	ssyncset.done $0x0  }
0xed: {  	[sflag:s23] =	ssyncadd.s32 $0xFFFFFFB0  }
0xee: {  	v2 =	vld [tilespmem:$0x40]  }
0xef: {  	v58 =	vld [tilespmem:$0x10]  }
0xf0: {  	v3 =	vld [tilespmem:$0x0]  }
0xf1: {  	v57 =	vld [tilespmem:$0x20]  }
0xf2: {  	v59 =	vld [tilespmem:$0x30]  }
0xf3: {  	v2 =	vadd.s32 v0, v2  }
0xf4: {  	v60 =	vadd.s32 v0, v58;
	[tilespmem:$0x1C0] =	vst v2  }
0xf5: {  	v3 =	vadd.s32 v0, v3;
	[tilespmem:$0x190] =	vst v60  }
0xf6: {  	v2 =	vadd.s32 v0, v57;
	[tilespmem:$0x180] =	vst v3  }
0xf7: {  	[tilespmem:$0x1A0] =	vst v2;
	v2 =	vadd.s32 v0, v59  }
0xf8: {  	[tilespmem:$0x1B0] =	vst v2  }
0xf9: {  	[tilespmem:s26], [sflag:$0x1] =	stream.indirect.gather [hbm4b:s5+s24], $0x80, s25, s24, $0xb8;
	[tilespmem:$0x1FC80] =	vst v63  }
0xfa: {  	_ =	swait.ge [sflag:s12], $0x2800  }
0xfb: {  	[sflag:s12] =	ssyncset.done $0x0  }
0xfc: {  	[sflag:s12] =	ssyncadd.s32 $0xFFFFD800  }
0xfd: {  	[spmem:s2] =	stream.indirect.scatter.add.f32 [tilespmem:s0], [sflag:$0x7], $0x80, s29, s24, $0xb8;
	[tilespmem:$0x1FC80] =	vst v63  }
0xfe: {  	_ =	swait.ge [sflag:s21], $0x2800  }
0xff: {  	[sflag:s21] =	ssyncset.done $0x0  }
0x100: {  	s19 =	sadd.s32 $0x28, s19;
	[sflag:s21] =	ssyncadd.s32 $0xFFFFD800  }
0x101: {  	[tilespmem:s28], [sflag:$0x5] =	stream.linear.gather [hbm4b:s19+s4], $0x50, $0x38;
	[tilespmem:$0x1FC80] =	vst v63  }
0x102: {  	s20 =	sadd.s32 $0x28, s18  }
0x103: {  	[tilespmem:s29], [sflag:$0x5] =	stream.linear.gather [hbm4b:s20+s4], $0x50, $0x38;
	[tilespmem:$0x1FC80] =	vst v63  }
0x104: {  	_ =	swait.ge [sflag:s30], $0x50  }
0x105: {  	[sflag:s30] =	ssyncset.done $0x0  }
0x106: {  	[sflag:s30] =	ssyncadd.s32 $0xFFFFFFB0  }
0x107: {  	_ =	swait.ge [sflag:s30], $0x50  }
0x108: {  	[sflag:s30] =	ssyncset.done $0x0  }
0x109: {  	[sflag:s30] =	ssyncadd.s32 $0xFFFFFFB0  }
0x10a: {  	v2 =	vld [tilespmem:$0xC0]  }
0x10b: {  	v3 =	vld [tilespmem:$0x80]  }
0x10c: {  	v61 =	vld [tilespmem:$0xA0]  }
0x10d: {  	v63 =	vld [tilespmem:$0x90]  }
0x10e: {  	v62 =	vld [tilespmem:$0xB0]  }
0x10f: {  	v2 =	vadd.s32 v0, v2  }
0x110: {  	p0 =	sne.s32 s17, $0x4B0;
	v3 =	vadd.s32 v0, v3;
	[tilespmem:$0x240] =	vst v2  }
.Ltmp1:
0x111: {  	[tilespmem:$0x200] =	vst v3;
	v2 =	vadd.s32 v0, v61;
	(pc) =	sbr.rel @p0 .LBB2_4-.Ltmp1, $4  }
0x112: {  	v3 =	vadd.s32 v0, v63;
	[tilespmem:$0x220] =	vst v2  }
0x113: {  	v2 =	vadd.s32 v0, v62;
	[tilespmem:$0x210] =	vst v3  }
0x114: {  	s17 =	sadd.s32 $0x1E, s17;
	[tilespmem:$0x230] =	vst v2  }
0x115: {  	[tilespmem:s0], [sflag:$0x2] =	stream.indirect.gather [hbm4b:s5+s24], $0x80, s31, s24, $0xb8;
	[tilespmem:$0x1FC80] =	vst v63  }
0x116: {  	_ =	swait.ge [sflag:s13], $0x2800  }
0x117: {  	[sflag:s13] =	ssyncset.done $0x0  }
0x118: {  	[sflag:s13] =	ssyncadd.s32 $0xFFFFD800  }
0x119: {  	[spmem:s2] =	stream.indirect.scatter.add.f32 [tilespmem:s10], [sflag:$0x7], $0x80, s8, s24, $0xb8;
	[tilespmem:$0x1FC80] =	vst v63  }
0x11a: {  	s15 =	smul.u32 $0x50, s16;
	_ =	swait.ge [sflag:s21], $0x2800  }
0x11b: {  	s7 =	rddreg [dreg:$0x4]  }
0x11c: {  	s7 =	sadd.s32 s15, s7  }
0x11d: {  	[sflag:s21] =	ssyncset.done $0x0;
	s7 =	sshrl.u32 s7, $0x3  }
0x11e: {  	[sflag:s21] =	ssyncadd.s32 $0xFFFFD800;
	s16 =	sadd.s32 s1, s7  }
0x11f: {  	[tilespmem:s3], [sflag:$0x6] =	stream.linear.gather [hbm4b:s16+s4], $0x50, $0x38;
	[tilespmem:$0x1FC80] =	vst v63  }
0x120: {  	s7 =	sadd.s32 s6, s7  }
0x121: {  	[tilespmem:s8], [sflag:$0x6] =	stream.linear.gather [hbm4b:s7+s4], $0x50, $0x38;
	[tilespmem:$0x1FC80] =	vst v63  }
0x122: {  	_ =	swait.ge [sflag:s11], $0x2800  }
0x123: {  	[sflag:s11] =	ssyncset.done $0x0  }
0x124: {  	[sflag:s11] =	ssyncadd.s32 $0xFFFFD800  }
0x125: {  	[spmem:s2] =	stream.indirect.scatter.add.f32 [tilespmem:s26], [sflag:$0x7], $0x80, s22, s24, $0xb8;
	[tilespmem:$0x1FC80] =	vst v63  }
0x126: {  	_ =	swait.ge [sflag:s21], $0x2800  }
0x127: {  	[sflag:s21] =	ssyncset.done $0x0  }
0x128: {  	[sflag:s21] =	ssyncadd.s32 $0xFFFFD800  }
0x129: {  	_ =	swait.ge [sflag:s12], $0x2800  }
0x12a: {  	[sflag:s12] =	ssyncset.done $0x0  }
0x12b: {  	[sflag:s12] =	ssyncadd.s32 $0xFFFFD800  }
0x12c: {  	[spmem:s2] =	stream.indirect.scatter.add.f32 [tilespmem:s0], [sflag:$0x7], $0x80, s29, s24, $0xb8;
	[tilespmem:$0x1FC80] =	vst v63  }
0x12d: {  	_ =	swait.ge [sflag:s21], $0x2800  }
0x12e: {  	[sflag:s21] =	ssyncset.done $0x0  }
0x12f: {  	[sflag:s21] =	ssyncadd.s32 $0xFFFFD800  }
0x130: {  	_ =	swait.ge [sflag:s9], $0x50  }
0x131: {  	[sflag:s9] =	ssyncset.done $0x0  }
0x132: {  	[sflag:s9] =	ssyncadd.s32 $0xFFFFFFB0  }
0x133: {  	_ =	swait.ge [sflag:s9], $0x50  }
0x134: {  	[sflag:s9] =	ssyncset.done $0x0  }
0x135: {  	[sflag:s9] =	ssyncadd.s32 $0xFFFFFFB0  }
0x136: {  	s17 =	stileid.u32;
	[bflag:$0x0] =	sbarrier.arrive $0xFFFF  }
0x137: {  	s7 =	sshll.u32 s17, $0x6;
	s17 =	rddreg [dreg:$0x8]  }
0x138: {  	s7 =	sor.u32 $0x1C07, s7;
	s19 =	rddreg [dreg:$0xf];
	s18 =	sshrl.u32 s17, $0x3  }
0x139: {  	[hbm:s19], [sflag:s7] =	dma.local [spmem:s18], $0x2800  }
0x13a: {  	_ =	swait.ge [sflag:s21], $0x2800  }
0x13b: {  	s14 =	sadd.s32 $0x1, s14;
	s20 =	rddreg [dreg:$0x10]  }
0x13c: {  	p0 =	sne.s32 s14, s20  }
.Ltmp2:
0x13d: {  	_ = 	snop;
	(pc) =	sbr.rel @p0 .LBB2_1-.Ltmp2, $3  }
0x13e: {  	_ =	sdelay $0x1  }
0x13f: {  	[sflag:s21] =	ssyncset.done $0x0  }
0x140: {  	[sflag:s21] =	ssyncadd.s32 $0xFFFFD800  }
0x141: {  	_ =	sfence.sel $0x180000  }
0x142: {  	[bflag:$0x0] =	sbarrier.arrive $0xFFFF  }
0x143: {  	_ =	strace $0x9000004A  }
0x144: {  	s0 =	stileid.u32;
	[bflag:$0x2] =	sbarrier.arrive $0xFFFF  }
0x145: {  	p0 =	sne.s32 s0, $0x0;
	s0 =	rddreg [dreg:$0x3]  }
0x146: {  	s0 =	sadd.s32 @!p0 $0x100000, s0  }
0x147: {  	[sflag:s0] =	ssyncadd.tile.s32 @!p0 $0x1;
	_ =	shalt  }
.Lfunc_end2:
_tile_overlayer_lowered:
.L_overlay_start_2:
0x148: {  	(tag) =	ssettag $0x2  }
0x149: {  	s0 =	rddreg [dreg:$0x0];
	s2 =	stileid.u32  }
0x14a: {  	s1 =	rddreg [dreg:$0x1];
	p0 =	sne.s32 s2, $0x0  }
0x14b: {  	s3 =	rddreg [dreg:$0x2];
	[bflag:$0x3] =	sbarrier.arrive $0xFFFF;
	s2 =	simm.s32 @!p0 $0x1C07  }
0x14c: {  	[timem:s3], [sflag:s2] =	dma.local @!p0 [hbm:s0], s1  }
0x14d: {  	s0 =	simm.s32 @!p0 $0x7  }
0x14e: {  	_ =	swait.ge @!p0 [sflag:s0], s1  }
0x14f: {  	s1 =	ssub.s32 @!p0 $0x0, s1;
	[sflag:s0] =	ssyncset.done @!p0 $0x0  }
0x150: {  	[sflag:s0] =	ssyncadd.s32 @!p0 s1  }
0x151: {  	[bflag:$0x3] =	sbarrier.arrive $0xFFFF  }
0x152: {  	_ =	shalt  }

// kernel: kernel.16.cloned.1.call-start
scs
__scs_entry_jumppad:
0x0: {  	(pc) =	sbr.rel $0x88, $3  }
0x1: {  	(tag) =	ssettag $0x0;
	lr =	simm.s32 $0x1  }
0x2: {  	[smem:$0x3F99] =	sst lr;
	_ =	strace $0xD0000000  }
0x3: {  	_ = 	snop  }
0x4: {  	_ = 	snop  }
0x5: {  	_ = 	snop  }
0x6: {  	_ = 	snop  }
0x7: {  	_ = 	snop  }
__scs_overlays_trampoline_lowered:
0x8: {  	[smem:$0x3FA8] =	sst s0  }
0x9: {  	[smem:$0x3FA9] =	sst s1  }
0xa: {  	[smem:$0x3FAA] =	sst s2  }
0xb: {  	[smem:$0x3FAB] =	sst s3  }
0xc: {  	[smem:$0x3FAC] =	sst s4  }
0xd: {  	[smem:$0x3FAD] =	sst s5  }
0xe: {  	[smem:$0x3FAE] =	sst s6  }
0xf: {  	[smem:$0x3FAF] =	sst s7  }
0x10: {  	[smem:$0x3FB0] =	sst s8  }
0x11: {  	[smem:$0x3FB1] =	sst s9;
	s0 =	simm.s32 @!p0 $0x0  }
0x12: {  	s1 =	sld [smem:$0x3F97];
	s0 =	simm.s32 @p0 $0x1  }
0x13: {  	[smem:$0x3FB2] =	sst s0;
	s0 =	simm.s32 @!p1 $0x0  }
0x14: {  	s2 =	sld [smem:$0x3F96];
	s0 =	simm.s32 @p1 $0x1  }
0x15: {  	[smem:$0x3FB3] =	sst s0;
	s0 =	simm.s32 @!p2 $0x0  }
0x16: {  	s3 =	sld [smem:$0x3FDB];
	s0 =	simm.s32 @p2 $0x1  }
0x17: {  	s4 =	simm.s32 $0x1BF5;
	[smem:$0x3FB5] =	sst s0  }
0x18: {  	s0 =	sld [smem:$0x3F98];
	_ =	swait.ge [sflag:s4], $0x0  }
0x19: {  	s7 =	sld [smem:$0x3F99]  }
0x1a: {  	s8 =	sadd.s32 $0xFFFFE003, lr  }
0x1b: {  	s9 =	sadd.s32 $0xFFFFFEF7, lr;
	s5 =	simm.s32 $0xFFFFFFFF;
	p2 =	slt.u32 s8, $0xFFFFF086  }
0x1c: {  	p1 =	slt.u32 s9, $0xF7A;
	s5 =	simm.s32 @!p2 $0x0  }
0x1d: {  	s5 =	simm.s32 @p1 $0x1;
	p0 =	seq.s32 s7, s2  }
0x1e: {  	s7 =	smul.u32 @!p0 $0xF7A, s2;
	p2 =	seq.s32 @!p0 s5, $0x0  }
0x1f: {  	s9 =	smul.u32 $0xF7A, s1;
	s8 =	simm.s32 @!p0 $0x1BF5;
	p2 =	por !p2, p0  }
0x20: {  	[sflag:s8] =	ssyncset.s32 @!p0 $0xFFFFF086;
	s6 =	sadd.s32 @!p0 s3, s7;
	s7 =	simm.s32 @!p0 $0x108  }
0x21: {  	s3 =	sadd.s32 s3, s9;
	s6 =	sadd.s32 @!p0 $0x88, s6;
	s7 =	simm.s32 @p2 $0x1082  }
0x22: {  	[simem:s7], [sflag:s8] =	dma.local @!p0 [hbm:s6], $0xF7A  }
0x23: {  	s9 =	sor.u32 $0xD0000000, s2;
	s6 =	simm.s32 $0x108;
	_ =	swait.ge @!p0 [sflag:s8], $0x0  }
0x24: {  	s3 =	sadd.s32 $0x88, s3;
	s6 =	simm.s32 @!p1 $0x1082;
	[sflag:s4] =	ssyncset.s32 $0xFFFFF086  }
0x25: {  	[simem:s6], [sflag:s4] =	dma.local [hbm:s3], $0xF7A  }
0x26: {  	[smem:$0x3F99] =	sst s1;
	(tag) =	ssettag s2;
	_ =	strace s9  }
0x27: {  	s1 =	sld [smem:$0x3FA9]  }
0x28: {  	s2 =	sld [smem:$0x3FAA]  }
0x29: {  	s4 =	sld [smem:$0x3FAC]  }
0x2a: {  	p0 =	seq.s32 s5, $0x0;
	s5 =	sld [smem:$0x3FAD]  }
0x2b: {  	s6 =	sld [smem:$0x3FAE]  }
0x2c: {  	s7 =	sld [smem:$0x3FAF]  }
0x2d: {  	s3 =	simm.s32 $0x108;
	s8 =	sld [smem:$0x3FB0]  }
0x2e: {  	s3 =	simm.s32 @!p0 $0x1082;
	s9 =	sld [smem:$0x3FB1]  }
0x2f: {  	lr =	sadd.s32 s0, s3;
	s0 =	sld [smem:$0x3FA8]  }
0x30: {  	s3 =	sld [smem:$0x3FAB]  }
0x31: {  	[smem:$0x3FB4] =	sst s10  }
0x32: {  	s10 =	sld [smem:$0x3FB2];
	_ =	sdelay $0x3  }
0x33: {  	p0 =	seq.s32 s10, $0x1;
	s10 =	sld [smem:$0x3FB4];
	_ =	sdelay $0x3  }
0x34: {  	[smem:$0x3FB4] =	sst s10  }
0x35: {  	s10 =	sld [smem:$0x3FB3];
	_ =	sdelay $0x3  }
0x36: {  	p1 =	seq.s32 s10, $0x1;
	s10 =	sld [smem:$0x3FB4];
	_ =	sdelay $0x3  }
0x37: {  	[smem:$0x3FB4] =	sst s10  }
0x38: {  	s10 =	sld [smem:$0x3FB5]  }
0x39: {  	_ = 	snop;
	(pc) =	sbr.ind lr, $3  }
0x3a: {  	_ = 	snop  }
0x3b: {  	_ = 	snop  }
0x3c: {  	p2 =	seq.s32 s10, $0x1;
	s10 =	sld [smem:$0x3FB4]  }
0x3d: {  	_ =	shalt  }
0x3e: {  	_ =	shalt  }
0x3f: {  	_ =	shalt  }
0x40: {  	_ =	shalt  }
0x41: {  	_ =	shalt  }
0x42: {  	_ =	shalt  }
0x43: {  	_ =	shalt  }
0x44: {  	_ =	shalt  }
0x45: {  	_ =	shalt  }
0x46: {  	_ =	shalt  }
0x47: {  	_ =	shalt  }
0x48: {  	_ =	shalt  }
0x49: {  	_ =	shalt  }
0x4a: {  	_ =	shalt  }
0x4b: {  	_ =	shalt  }
0x4c: {  	_ =	shalt  }
0x4d: {  	_ =	shalt  }
0x4e: {  	_ =	shalt  }
0x4f: {  	_ =	shalt  }
0x50: {  	_ =	shalt  }
0x51: {  	_ =	shalt  }
0x52: {  	_ =	shalt  }
0x53: {  	_ =	shalt  }
0x54: {  	_ =	shalt  }
0x55: {  	_ =	shalt  }
0x56: {  	_ =	shalt  }
0x57: {  	_ =	shalt  }
0x58: {  	_ =	shalt  }
0x59: {  	_ =	shalt  }
0x5a: {  	_ =	shalt  }
0x5b: {  	_ =	shalt  }
0x5c: {  	_ =	shalt  }
0x5d: {  	_ =	shalt  }
0x5e: {  	_ =	shalt  }
0x5f: {  	_ =	shalt  }
0x60: {  	_ =	shalt  }
0x61: {  	_ =	shalt  }
0x62: {  	_ =	shalt  }
0x63: {  	_ =	shalt  }
0x64: {  	_ =	shalt  }
0x65: {  	_ =	shalt  }
0x66: {  	_ =	shalt  }
0x67: {  	_ =	shalt  }
0x68: {  	_ =	shalt  }
0x69: {  	_ =	shalt  }
0x6a: {  	_ =	shalt  }
0x6b: {  	_ =	shalt  }
0x6c: {  	_ =	shalt  }
0x6d: {  	_ =	shalt  }
0x6e: {  	_ =	shalt  }
0x6f: {  	_ =	shalt  }
0x70: {  	_ =	shalt  }
0x71: {  	_ =	shalt  }
0x72: {  	_ =	shalt  }
0x73: {  	_ =	shalt  }
0x74: {  	_ =	shalt  }
0x75: {  	_ =	shalt  }
0x76: {  	_ =	shalt  }
0x77: {  	_ =	shalt  }
0x78: {  	_ =	shalt  }
0x79: {  	_ =	shalt  }
0x7a: {  	_ =	shalt  }
0x7b: {  	_ =	shalt  }
0x7c: {  	_ =	shalt  }
0x7d: {  	_ =	shalt  }
0x7e: {  	_ =	shalt  }
0x7f: {  	_ =	shalt  }
0x80: {  	_ =	shalt  }
0x81: {  	_ =	shalt  }
0x82: {  	_ =	shalt  }
0x83: {  	_ =	shalt  }
0x84: {  	_ =	shalt  }
0x85: {  	_ =	shalt  }
0x86: {  	_ =	shalt  }
0x87: {  	_ =	shalt  }
.Lfunc_end0:
.L_simem_size_0:
called_computation.2_lowered:
.L_overlay_start_0:
0x88: {  	s2 =	sld [smem:$0x3FD9]  }
0x89: {  	s3 =	sld [smem:$0x3FFE];
	_ =	sdelay $0x1  }
0x8a: {  	s1 =	srdreg.scid  }
0x8b: {  	s0 =	sand.u32 $0x1, s1  }
0x8c: {  	s17 =	sshll.u32 s0, $0xA;
	s2 =	sadd.s32 s3, s2  }
0x8d: {  	s2 =	sadd.s32 s2, s17  }
0x8e: {  	[smem:$0x3FC0] =	sst s2  }
0x8f: {  	_ = 	snop  }
0x90: {  	s2 =	sld [smem:$0x3FD0];
	(tm) =	ssettm $0x1  }
0x91: {  	s18 =	sld [smem:$0x3FFB];
	_ =	sdelay $0x3  }
0x92: {  	_ =	strace s18  }
0x93: {  	s3 =	sld [smem:$0x3FFC];
	_ =	sdelay $0x3  }
0x94: {  	_ =	strace s3  }
0x95: {  	s3 =	sld [smem:$0x3FFD];
	_ =	sdelay $0x3  }
0x96: {  	_ =	strace s3  }
0x97: {  	_ =	strace $0x8FFFFFFF  }
0x98: {  	s19 =	sld [smem:$0x3FDB];
	_ =	sdelay $0x1  }
0x99: {  	s4 =	simm.s32 $_scs_section_size  }
0x9a: {  	s5 =	simm.s32 $_size__tile_overlayer_lowered;
	s6 =	simm.s32 $_tile_overlayer_lowered  }
0x9b: {  	s22 =	simm.s32 $0x1BFF;
	s21 =	sshll.u32 s6, $0x1;
	s3 =	sadd.s32 s4, s19  }
0x9c: {  	s7 =	simm.s32 $0x0;
	s20 =	sshll.u32 s5, $0x1;
	s5 =	sadd.s32 s21, s3  }
0x9d: {  	[timem:s7], [sflag:s22] =	dma.local [hbm:s5], s20  }
0x9e: {  	_ =	swait.ge [sflag:s22], s20  }
0x9f: {  	s4 =	ssub.s32 $0x0, s20;
	[sflag:s22] =	ssyncset.done $0x0  }
0xa0: {  	[sflag:s22] =	ssyncadd.s32 s4;
	_ =	sdelay $0x1  }
0xa1: {  	s23 =	simm.s32 $0x1B8B  }
0xa2: {  	_ =	swait.ge [sflag:s23], $0x1  }
0xa3: {  	[sflag:s23] =	ssyncset.done $0x0  }
0xa4: {  	s25 =	simm.s32 $0x1B8E;
	s24 =	sld [smem:$0x3FFE];
	[sflag:s23] =	ssyncadd.s32 $0xFFFFFFFF  }
0xa5: {  	s26 =	simm.s32 $execute0_lowered;
	[smem:$0x3FD2] =	sst s25  }
0xa6: {  	s5 =	sshll.u32 s26, $0x1;
	_ =	strace $0x8000004C;
	[dreg:$0x1] =	wrdreg $0xFFFFFFFF  }
0xa7: {  	s28 =	simm.s32 $_size_execute0_lowered;
	s3 =	sadd.s32 s3, s5;
	[dreg:$0x0] =	wrdreg $0x0  }
0xa8: {  	s5 =	sshll.u32 s28, $0x1;
	[dreg:$0x2] =	wrdreg s3  }
0xa9: {  	[dreg:$0x3] =	wrdreg s5  }
0xaa: {  	[dreg:$0x4] =	wrdreg $0xC0  }
0xab: {  	_ =	task [dreg:s7], $0x5FFFF  }
0xac: {  	[dreg:$0x1] =	wrdreg $0xFFFFFFFF  }
0xad: {  	[dreg:$0x0] =	wrdreg $0x60  }
0xae: {  	[dreg:$0x2] =	wrdreg s24  }
0xaf: {  	[dreg:$0x3] =	wrdreg s2  }
0xb0: {  	[dreg:$0x4] =	wrdreg $0xBC800  }
0xb1: {  	[dreg:$0x5] =	wrdreg $0x9  }
0xb2: {  	_ =	task.clear_ibuf [dreg:s7], $0x6FFFF;
	_ =	strace $0x9000004C  }
0xb3: {  	s29 =	simm.s32 $0x9;
	_ =	strace $0x8000004E  }
0xb4: {  	_ =	swait.ge [sflag:s29], $0x1  }
0xb5: {  	[sflag:s29] =	ssyncadd.s32 $0xFFFFFFFF  }
0xb6: {  	_ =	strace $0x9000004E  }
0xb7: {  	_ =	sfence  }
0xb8: {  	s30 =	sld [smem:$0x0];
	_ =	sdelay $0x2  }
0xb9: {  	s31 =	sshll.u32 s1, $0xD;
	s1 =	sshrl.u32 s1, $0x2  }
0xba: {  	s3 =	sand.u32 $0x4000, s31;
	s1 =	sadd.s32 s1, s30  }
0xbb: {  	s0 =	sor.u32 s3, s0;
	s1 =	sshll.u32 s1, $0x11  }
0xbc: {  	s0 =	sor.u32 s1, s0  }
0xbd: {  	s0 =	sadd.s32 $0x8F2B, s0  }
0xbe: {  	[sflag:s0] =	ssyncadd.remote.s32 $0x1  }
0xbf: {  	_ =	sfence.sel $0xFFFF  }
0xc0: {  	[dreg:$0x0] =	wrdreg $0xFFFFFFFF;
	(pc) =	sbr.abs _section_cstart, $3  }
0xc1: {  	[dreg:$0x1] =	wrdreg $0xFFFFFFFF  }
0xc2: {  	_ =	task.clear_ibuf [dreg:s7], $0x2FFFF;
	_ =	strace $0x9FFFFFFF  }
0xc3: {  	(tm) =	ssettm $0x7FFFFFFF  }
tec
execute0_lowered:
.L_overlay_start_1:
0x0: {  	(tag) =	ssettag $0x1  }
0x1: {  	s0 =	rddreg [dreg:$0x0]  }
0x2: {  	s1 =	rddreg [dreg:$0x1]  }
0x3: {  	s2 =	rddreg [dreg:$0x2]  }
0x4: {  	s3 =	srdreg.scid;
	s11 =	stileid.u32  }
0x5: {  	s4 =	simm.s32 $0x0;
	s28 =	simm.s32 $0x80;
	s7 =	smul.u32 $0x14000, s11  }
0x6: {  	s29 =	simm.s32 $0x380;
	s30 =	simm.s32 $0x5;
	s21 =	smul.u32 $0x50000, s11  }
0x7: {  	s31 =	simm.s32 $0x200;
	s3 =	sand.u32 $0x1, s3;
	s10 =	smul.u32 $0x2710, s11  }
0x8: {  	[smem:$0x7FF] =	sst s4;
	s5 =	sadd.s32 $0x7000, s0;
	s18 =	smul.u32 $0x4E2, s11  }
0x9: {  	s11 =	simm.s32 $0x1;
	s6 =	smul.u32 $0x140000, s3;
	s9 =	ssub.s32 $0x2, s3  }
0xa: {  	_ =	strace $0x8000004D;
	s12 =	smul.u32 $0x2710, s3;
	s22 =	sshrl.u32 s9, $0x1  }
0xb: {  	s23 =	sshrl.u32 s10, $0x3;
	s16 =	sadd.s32 $0x190, s10;
	s6 =	sadd.s32 s7, s6  }
0xc: {  	s24 =	sadd.s32 s1, s23;
	s26 =	sadd.s32 $0xA, s23;
	[dreg:$0x4] =	wrdreg s16  }
0xd: {  	s7 =	sshrl.u32 s21, $0x2;
	[dreg:$0x9] =	wrdreg s24;
	s13 =	sadd.s32 s1, s26  }
0xe: {  	s8 =	sshrl.u32 s6, $0x3;
	s24 =	sadd.s32 s18, s1;
	[dreg:$0xb] =	wrdreg s13  }
0xf: {  	s6 =	sadd.s32 $0x2000, s0;
	s17 =	sadd.s32 s7, s2;
	[dreg:$0x6] =	wrdreg s24  }
0x10: {  	s10 =	simm.s32 $0x5480;
	s25 =	sadd.s32 s6, s23;
	[dreg:$0x8] =	wrdreg s17  }
0x11: {  	v0 =	vmov s12;
	s12 =	simm.s32 $0x2;
	s3 =	sadd.s32 s6, s26;
	[dreg:$0xa] =	wrdreg s25  }
0x12: {  	s0 =	sadd.s32 s8, s0;
	s20 =	sadd.s32 $0x4000, s17;
	[dreg:$0xc] =	wrdreg s3  }
0x13: {  	s8 =	ssub.s32 s9, s22;
	s21 =	sadd.s32 $0x8000, s17;
	[dreg:$0x11] =	wrdreg s20  }
0x14: {  	s9 =	sadd.s32 $0x14, s23;
	s23 =	sadd.s32 $0xC000, s17;
	[dreg:$0x12] =	wrdreg s21  }
0x15: {  	s22 =	sadd.s32 s18, s6;
	s26 =	simm.s32 $0x280;
	[dreg:$0x13] =	wrdreg s23  }
0x16: {  	s24 =	simm.s32 $0x50;
	s13 =	simm.s32 $0x3;
	[dreg:$0x5] =	wrdreg s22  }
0x17: {  	s14 =	sadd.s32 s1, s9;
	s15 =	sadd.s32 s6, s9;
	[dreg:$0x7] =	wrdreg s26  }
0x18: {  	s0 =	sadd.s32 $0x55200, s0;
	s19 =	smax.u32 s8, $0x1;
	[dreg:$0xd] =	wrdreg s14  }
0x19: {  	s25 =	sadd.s32 $0x10000, s17;
	s21 =	simm.s32 $0x7;
	[dreg:$0xe] =	wrdreg s15  }
0x1a: {  	s22 =	simm.s32 $0x300;
	s23 =	simm.s32 $0x4;
	[dreg:$0xf] =	wrdreg s0  }
0x1b: {  	s26 =	simm.s32 $0x480;
	s3 =	simm.s32 $0x100;
	[dreg:$0x10] =	wrdreg s19  }
0x1c: {  	s8 =	simm.s32 $0x400;
	s9 =	simm.s32 $0x6;
	[dreg:$0x14] =	wrdreg s25  }
0x1d: {  	v1 =	vimm.f32 $0.0e+00;
	s25 =	simm.s32 $0x180;
	s0 =	simm.s32 $0x2C80;
	s14 =	simm.s32 $0x0  }
.LBB2_1:
0x1e: {  	s15 =	simm.s32 $0x0;
	s16 =	simm.s32 $0x200  }
.LBB2_2:
0x1f: {  	p0 =	sne.s32 s16, $0xFE00;
	[tilespmem:s15+$0x7CF0] =	vst v1  }
0x20: {  	[tilespmem:s15+$0x7C80] =	vst v1  }
0x21: {  	[tilespmem:s15+$0x7C90] =	vst v1  }
.Ltmp0:
0x22: {  	[tilespmem:s15+$0x7CA0] =	vst v1;
	(pc) =	sbr.rel @p0 .LBB2_2-.Ltmp0, $4  }
0x23: {  	[tilespmem:s15+$0x7CB0] =	vst v1  }
0x24: {  	[tilespmem:s15+$0x7CC0] =	vst v1  }
0x25: {  	[tilespmem:s15+$0x7CD0] =	vst v1  }
0x26: {  	[tilespmem:s15+$0x7CE0] =	vst v1;
	s15 =	sshra.s32 s16, $0x2;
	s16 =	sadd.s32 $0x200, s16  }
0x27: {  	[tilespmem:s15+$0x7CF0] =	vst v1  }
0x28: {  	[tilespmem:s15+$0x7C80] =	vst v1  }
0x29: {  	[tilespmem:s15+$0x7C90] =	vst v1  }
0x2a: {  	[tilespmem:s15+$0x7CA0] =	vst v1  }
0x2b: {  	[tilespmem:s15+$0x7CB0] =	vst v1  }
0x2c: {  	[tilespmem:s15+$0x7CC0] =	vst v1  }
0x2d: {  	[tilespmem:s15+$0x7CD0] =	vst v1  }
0x2e: {  	[tilespmem:s15+$0x7CE0] =	vst v1;
	s20 =	simm.s32 $0x7C80  }
0x2f: {  	[spmem:s17] =	stream.linear.scatter [tilespmem:s20], [sflag:$0x7], $0x4000, $0x38;
	[tilespmem:$0x1FC80] =	vst v63  }
0x30: {  	_ =	swait.ge [sflag:s21], $0x4000  }
0x31: {  	[sflag:s21] =	ssyncset.done $0x0  }
0x32: {  	s7 =	rddreg [dreg:$0x11];
	[sflag:s21] =	ssyncadd.s32 $0xFFFFC000  }
0x33: {  	[spmem:s7] =	stream.linear.scatter [tilespmem:s20], [sflag:$0x7], $0x4000, $0x38;
	[tilespmem:$0x1FC80] =	vst v63  }
0x34: {  	_ =	swait.ge [sflag:s21], $0x4000  }
0x35: {  	[sflag:s21] =	ssyncset.done $0x0  }
0x36: {  	s16 =	rddreg [dreg:$0x12];
	[sflag:s21] =	ssyncadd.s32 $0xFFFFC000  }
0x37: {  	[spmem:s16] =	stream.linear.scatter [tilespmem:s20], [sflag:$0x7], $0x4000, $0x38;
	[tilespmem:$0x1FC80] =	vst v63  }
0x38: {  	_ =	swait.ge [sflag:s21], $0x4000  }
0x39: {  	[sflag:s21] =	ssyncset.done $0x0  }
0x3a: {  	s17 =	rddreg [dreg:$0x13];
	[sflag:s21] =	ssyncadd.s32 $0xFFFFC000  }
0x3b: {  	[spmem:s17] =	stream.linear.scatter [tilespmem:s20], [sflag:$0x7], $0x4000, $0x38;
	[tilespmem:$0x1FC80] =	vst v63  }
0x3c: {  	_ =	swait.ge [sflag:s21], $0x4000  }
0x3d: {  	[sflag:s21] =	ssyncset.done $0x0  }
0x3e: {  	s18 =	rddreg [dreg:$0x14];
	[sflag:s21] =	ssyncadd.s32 $0xFFFFC000  }
0x3f: {  	[spmem:s18] =	stream.linear.scatter [tilespmem:s20], [sflag:$0x7], $0x4000, $0x38;
	[tilespmem:$0x1FC80] =	vst v63  }
0x40: {  	_ =	swait.ge [sflag:s21], $0x4000  }
0x41: {  	[sflag:s21] =	ssyncset.done $0x0  }
0x42: {  	[sflag:s21] =	ssyncadd.s32 $0xFFFFC000  }
0x43: {  	[bflag:$0x0] =	sbarrier.arrive $0xFFFF  }
0x44: {  	s15 =	simm.s32 $0x0;
	s19 =	rddreg [dreg:$0x9]  }
0x45: {  	[tilespmem:s15], [sflag:$0x4] =	stream.linear.gather [hbm4b:s19+s15], $0x50, $0x38;
	[tilespmem:$0x1FC80] =	vst v63  }
0x46: {  	s20 =	rddreg [dreg:$0xa]  }
0x47: {  	[tilespmem:s22], [sflag:$0x4] =	stream.linear.gather [hbm4b:s20+s15], $0x50, $0x38;
	[tilespmem:$0x1FC80] =	vst v63  }
0x48: {  	_ =	swait.ge [sflag:s23], $0x50  }
0x49: {  	[sflag:s23] =	ssyncset.done $0x0  }
0x4a: {  	[sflag:s23] =	ssyncadd.s32 $0xFFFFFFB0  }
0x4b: {  	_ =	swait.ge [sflag:s23], $0x50  }
0x4c: {  	[sflag:s23] =	ssyncset.done $0x0  }
0x4d: {  	[sflag:s23] =	ssyncadd.s32 $0xFFFFFFB0  }
0x4e: {  	v2 =	vld [tilespmem:$0x0]  }
0x4f: {  	v3 =	vld [tilespmem:$0x10]  }
0x50: {  	v4 =	vld [tilespmem:$0x20]  }
0x51: {  	v5 =	vld [tilespmem:$0x30]  }
0x52: {  	v6 =	vld [tilespmem:$0x40]  }
0x53: {  	v2 =	vadd.s32 v0, v2  }
0x54: {  	[tilespmem:$0x180] =	vst v2;
	v2 =	vadd.s32 v0, v3  }
0x55: {  	[tilespmem:$0x190] =	vst v2;
	v2 =	vadd.s32 v0, v4  }
0x56: {  	[tilespmem:$0x1A0] =	vst v2;
	v2 =	vadd.s32 v0, v5  }
0x57: {  	[tilespmem:$0x1B0] =	vst v2;
	v2 =	vadd.s32 v0, v6  }
0x58: {  	[tilespmem:$0x1C0] =	vst v2  }
0x59: {  	[tilespmem:s26], [sflag:$0x1] =	stream.indirect.gather [hbm4b:s5+s24], $0x80, s25, s24, $0xb8;
	[tilespmem:$0x1FC80] =	vst v63  }
0x5a: {  	s16 =	rddreg [dreg:$0xb]  }
0x5b: {  	[tilespmem:s28], [sflag:$0x5] =	stream.linear.gather [hbm4b:s16+s15], $0x50, $0x38;
	[tilespmem:$0x1FC80] =	vst v63  }
0x5c: {  	s17 =	rddreg [dreg:$0xc]  }
0x5d: {  	[tilespmem:s29], [sflag:$0x5] =	stream.linear.gather [hbm4b:s17+s15], $0x50, $0x38;
	[tilespmem:$0x1FC80] =	vst v63  }
0x5e: {  	_ =	swait.ge [sflag:s30], $0x50  }
0x5f: {  	[sflag:s30] =	ssyncset.done $0x0  }
0x60: {  	[sflag:s30] =	ssyncadd.s32 $0xFFFFFFB0  }
0x61: {  	_ =	swait.ge [sflag:s30], $0x50  }
0x62: {  	[sflag:s30] =	ssyncset.done $0x0  }
0x63: {  	[sflag:s30] =	ssyncadd.s32 $0xFFFFFFB0  }
0x64: {  	v2 =	vld [tilespmem:$0x80]  }
0x65: {  	v3 =	vld [tilespmem:$0x90]  }
0x66: {  	v52 =	vld [tilespmem:$0xA0]  }
0x67: {  	v53 =	vld [tilespmem:$0xB0]  }
0x68: {  	v54 =	vld [tilespmem:$0xC0]  }
0x69: {  	v2 =	vadd.s32 v0, v2  }
0x6a: {  	[tilespmem:$0x200] =	vst v2;
	v2 =	vadd.s32 v0, v3  }
0x6b: {  	[tilespmem:$0x210] =	vst v2;
	v2 =	vadd.s32 v0, v52  }
0x6c: {  	[tilespmem:$0x220] =	vst v2;
	v2 =	vadd.s32 v0, v53  }
0x6d: {  	[tilespmem:$0x230] =	vst v2;
	v2 =	vadd.s32 v0, v54  }
0x6e: {  	[tilespmem:$0x240] =	vst v2  }
0x6f: {  	[tilespmem:s0], [sflag:$0x2] =	stream.indirect.gather [hbm4b:s5+s24], $0x80, s31, s24, $0xb8;
	[tilespmem:$0x1FC80] =	vst v63  }
0x70: {  	s18 =	rddreg [dreg:$0xd]  }
0x71: {  	[tilespmem:s3], [sflag:$0x6] =	stream.linear.gather [hbm4b:s18+s15], $0x50, $0x38;
	[tilespmem:$0x1FC80] =	vst v63  }
0x72: {  	s19 =	rddreg [dreg:$0xe]  }
0x73: {  	[tilespmem:s8], [sflag:$0x6] =	stream.linear.gather [hbm4b:s19+s15], $0x50, $0x38;
	[tilespmem:$0x1FC80] =	vst v63  }
0x74: {  	_ =	swait.ge [sflag:s9], $0x50  }
0x75: {  	[sflag:s9] =	ssyncset.done $0x0  }
0x76: {  	[sflag:s9] =	ssyncadd.s32 $0xFFFFFFB0  }
0x77: {  	_ =	swait.ge [sflag:s9], $0x50  }
0x78: {  	[sflag:s9] =	ssyncset.done $0x0  }
0x79: {  	[sflag:s9] =	ssyncadd.s32 $0xFFFFFFB0  }
0x7a: {  	v2 =	vld [tilespmem:$0x140]  }
0x7b: {  	v3 =	vld [tilespmem:$0x120]  }
0x7c: {  	v55 =	vld [tilespmem:$0x110]  }
0x7d: {  	v56 =	vld [tilespmem:$0x100]  }
0x7e: {  	v57 =	vld [tilespmem:$0x130]  }
0x7f: {  	v2 =	vadd.s32 v0, v2  }
0x80: {  	v3 =	vadd.s32 v0, v3;
	[tilespmem:$0x2C0] =	vst v2  }
0x81: {  	v2 =	vadd.s32 v0, v55;
	[tilespmem:$0x2A0] =	vst v3  }
0x82: {  	v3 =	vadd.s32 v0, v56;
	[tilespmem:$0x290] =	vst v2  }
0x83: {  	[tilespmem:$0x280] =	vst v3;
	v2 =	vadd.s32 v0, v57  }
0x84: {  	s16 =	rddreg [dreg:$0x7];
	[tilespmem:$0x2B0] =	vst v2  }
0x85: {  	[tilespmem:s10], [sflag:$0x3] =	stream.indirect.gather [hbm4b:s5+s24], $0x80, s16, s24, $0xb8;
	[tilespmem:$0x1FC80] =	vst v63  }
0x86: {  	_ =	swait.ge [sflag:s11], $0x2800  }
0x87: {  	[sflag:s11] =	ssyncset.done $0x0  }
0x88: {  	[sflag:s11] =	ssyncadd.s32 $0xFFFFD800  }
0x89: {  	[spmem:s2] =	stream.indirect.scatter.add.f32 [tilespmem:s26], [sflag:$0x7], $0x80, s22, s24, $0xb8;
	[tilespmem:$0x1FC80] =	vst v63  }
0x8a: {  	_ =	swait.ge [sflag:s21], $0x2800  }
0x8b: {  	s20 =	rddreg [dreg:$0x6]  }
0x8c: {  	s7 =	rddreg [dreg:$0x5];
	[sflag:s21] =	ssyncset.done $0x0;
	s16 =	sadd.s32 $0x0, s20  }
0x8d: {  	[sflag:s21] =	ssyncadd.s32 $0xFFFFD800;
	s17 =	sadd.s32 $0x0, s7;
	s18 =	sadd.s32 $0x1E, s16  }
0x8e: {  	[tilespmem:s4], [sflag:$0x4] =	stream.linear.gather [hbm4b:s18+s4], $0x50, $0x38;
	[tilespmem:$0x1FC80] =	vst v63  }
0x8f: {  	s19 =	sadd.s32 $0x1E, s17  }
0x90: {  	[tilespmem:s22], [sflag:$0x4] =	stream.linear.gather [hbm4b:s19+s4], $0x50, $0x38;
	[tilespmem:$0x1FC80] =	vst v63  }
0x91: {  	_ =	swait.ge [sflag:s23], $0x50  }
0x92: {  	[sflag:s23] =	ssyncset.done $0x0  }
0x93: {  	[sflag:s23] =	ssyncadd.s32 $0xFFFFFFB0  }
0x94: {  	_ =	swait.ge [sflag:s23], $0x50  }
0x95: {  	[sflag:s23] =	ssyncset.done $0x0  }
0x96: {  	[sflag:s23] =	ssyncadd.s32 $0xFFFFFFB0  }
0x97: {  	v2 =	vld [tilespmem:$0x40]  }
0x98: {  	v3 =	vld [tilespmem:$0x20]  }
0x99: {  	v58 =	vld [tilespmem:$0x10]  }
0x9a: {  	v59 =	vld [tilespmem:$0x0]  }
0x9b: {  	v60 =	vld [tilespmem:$0x30]  }
0x9c: {  	v2 =	vadd.s32 v0, v2  }
0x9d: {  	[tilespmem:$0x1C0] =	vst v2;
	v2 =	vadd.s32 v0, v3  }
0x9e: {  	v3 =	vadd.s32 v0, v58;
	[tilespmem:$0x1A0] =	vst v2  }
0x9f: {  	v2 =	vadd.s32 v0, v59;
	[tilespmem:$0x190] =	vst v3  }
0xa0: {  	v3 =	vadd.s32 v0, v60;
	[tilespmem:$0x180] =	vst v2  }
0xa1: {  	[tilespmem:$0x1B0] =	vst v3  }
0xa2: {  	[tilespmem:s26], [sflag:$0x1] =	stream.indirect.gather [hbm4b:s5+s24], $0x80, s25, s24, $0xb8;
	[tilespmem:$0x1FC80] =	vst v63  }
0xa3: {  	_ =	swait.ge [sflag:s12], $0x2800  }
0xa4: {  	[sflag:s12] =	ssyncset.done $0x0  }
0xa5: {  	[sflag:s12] =	ssyncadd.s32 $0xFFFFD800  }
0xa6: {  	[spmem:s2] =	stream.indirect.scatter.add.f32 [tilespmem:s0], [sflag:$0x7], $0x80, s29, s24, $0xb8;
	[tilespmem:$0x1FC80] =	vst v63  }
0xa7: {  	_ =	swait.ge [sflag:s21], $0x2800  }
0xa8: {  	[sflag:s21] =	ssyncset.done $0x0  }
0xa9: {  	s16 =	sadd.s32 $0x28, s16;
	[sflag:s21] =	ssyncadd.s32 $0xFFFFD800  }
0xaa: {  	[tilespmem:s28], [sflag:$0x5] =	stream.linear.gather [hbm4b:s16+s4], $0x50, $0x38;
	[tilespmem:$0x1FC80] =	vst v63  }
0xab: {  	s20 =	sadd.s32 $0x28, s17  }
0xac: {  	[tilespmem:s29], [sflag:$0x5] =	stream.linear.gather [hbm4b:s20+s4], $0x50, $0x38;
	[tilespmem:$0x1FC80] =	vst v63  }
0xad: {  	_ =	swait.ge [sflag:s30], $0x50  }
0xae: {  	[sflag:s30] =	ssyncset.done $0x0  }
0xaf: {  	[sflag:s30] =	ssyncadd.s32 $0xFFFFFFB0  }
0xb0: {  	_ =	swait.ge [sflag:s30], $0x50  }
0xb1: {  	[sflag:s30] =	ssyncset.done $0x0  }
0xb2: {  	[sflag:s30] =	ssyncadd.s32 $0xFFFFFFB0  }
0xb3: {  	v2 =	vld [tilespmem:$0xC0]  }
0xb4: {  	v3 =	vld [tilespmem:$0x80]  }
0xb5: {  	v61 =	vld [tilespmem:$0xA0]  }
0xb6: {  	v63 =	vld [tilespmem:$0x90]  }
0xb7: {  	v62 =	vld [tilespmem:$0xB0]  }
0xb8: {  	v2 =	vadd.s32 v0, v2  }
0xb9: {  	v3 =	vadd.s32 v0, v3;
	[tilespmem:$0x240] =	vst v2  }
0xba: {  	[tilespmem:$0x200] =	vst v3;
	v2 =	vadd.s32 v0, v61  }
0xbb: {  	v3 =	vadd.s32 v0, v63;
	[tilespmem:$0x220] =	vst v2  }
0xbc: {  	v2 =	vadd.s32 v0, v62;
	[tilespmem:$0x210] =	vst v3  }
0xbd: {  	s17 =	simm.s32 $0x1E;
	s16 =	smin.u32 s15, $0x77;
	[tilespmem:$0x230] =	vst v2  }
0xbe: {  	[tilespmem:s0], [sflag:$0x2] =	stream.indirect.gather [hbm4b:s5+s24], $0x80, s31, s24, $0xb8;
	[tilespmem:$0x1FC80] =	vst v63  }
.LBB2_4:
0xbf: {  	_ =	swait.ge [sflag:s13], $0x2800  }
0xc0: {  	[sflag:s13] =	ssyncset.done $0x0  }
0xc1: {  	[sflag:s13] =	ssyncadd.s32 $0xFFFFD800  }
0xc2: {  	[spmem:s2] =	stream.indirect.scatter.add.f32 [tilespmem:s10], [sflag:$0x7], $0x80, s8, s24, $0xb8;
	[tilespmem:$0x1FC80] =	vst v63  }
0xc3: {  	s7 =	smul.u32 $0x50, s16;
	_ =	swait.ge [sflag:s21], $0x2800  }
0xc4: {  	s20 =	rddreg [dreg:$0x4]  }
0xc5: {  	s7 =	sadd.s32 s7, s20  }
0xc6: {  	[sflag:s21] =	ssyncset.done $0x0;
	s7 =	sshrl.u32 s7, $0x3  }
0xc7: {  	[sflag:s21] =	ssyncadd.s32 $0xFFFFD800;
	s20 =	sadd.s32 s1, s7  }
0xc8: {  	[tilespmem:s3], [sflag:$0x6] =	stream.linear.gather [hbm4b:s20+s4], $0x50, $0x38;
	[tilespmem:$0x1FC80] =	vst v63  }
0xc9: {  	s7 =	sadd.s32 s6, s7  }
0xca: {  	[tilespmem:s8], [sflag:$0x6] =	stream.linear.gather [hbm4b:s7+s4], $0x50, $0x38;
	[tilespmem:$0x1FC80] =	vst v63  }
0xcb: {  	_ =	swait.ge [sflag:s9], $0x50  }
0xcc: {  	[sflag:s9] =	ssyncset.done $0x0  }
0xcd: {  	[sflag:s9] =	ssyncadd.s32 $0xFFFFFFB0  }
0xce: {  	_ =	swait.ge [sflag:s9], $0x50  }
0xcf: {  	[sflag:s9] =	ssyncset.done $0x0  }
0xd0: {  	[sflag:s9] =	ssyncadd.s32 $0xFFFFFFB0  }
0xd1: {  	v2 =	vld [tilespmem:$0x140]  }
0xd2: {  	v3 =	vld [tilespmem:$0x120]  }
0xd3: {  	v4 =	vld [tilespmem:$0x110]  }
0xd4: {  	v5 =	vld [tilespmem:$0x100]  }
0xd5: {  	v6 =	vld [tilespmem:$0x130]  }
0xd6: {  	v2 =	vadd.s32 v0, v2  }
0xd7: {  	v3 =	vadd.s32 v0, v3;
	[tilespmem:$0x2C0] =	vst v2  }
0xd8: {  	v2 =	vadd.s32 v0, v4;
	[tilespmem:$0x2A0] =	vst v3  }
0xd9: {  	v3 =	vadd.s32 v0, v5;
	[tilespmem:$0x290] =	vst v2  }
0xda: {  	[tilespmem:$0x280] =	vst v3;
	v2 =	vadd.s32 v0, v6  }
0xdb: {  	s20 =	rddreg [dreg:$0x7];
	[tilespmem:$0x2B0] =	vst v2  }
0xdc: {  	[tilespmem:s10], [sflag:$0x3] =	stream.indirect.gather [hbm4b:s5+s24], $0x80, s20, s24, $0xb8;
	[tilespmem:$0x1FC80] =	vst v63  }
0xdd: {  	_ =	swait.ge [sflag:s11], $0x2800  }
0xde: {  	[sflag:s11] =	ssyncset.done $0x0  }
0xdf: {  	s15 =	sadd.s32 $0x3, s15;
	[sflag:s11] =	ssyncadd.s32 $0xFFFFD800  }
0xe0: {  	[spmem:s2] =	stream.indirect.scatter.add.f32 [tilespmem:s26], [sflag:$0x7], $0x80, s22, s24, $0xb8;
	[tilespmem:$0x1FC80] =	vst v63  }
0xe1: {  	s19 =	smin.u32 s15, $0x77;
	_ =	swait.ge [sflag:s21], $0x2800  }
0xe2: {  	s18 =	smov.u32 s17;
	s16 =	smov.u32 s19;
	s19 =	rddreg [dreg:$0x6]  }
0xe3: {  	s20 =	rddreg [dreg:$0x5];
	[sflag:s21] =	ssyncset.done $0x0;
	s19 =	sadd.s32 s18, s19  }
0xe4: {  	[sflag:s21] =	ssyncadd.s32 $0xFFFFD800;
	s18 =	sadd.s32 s18, s20;
	s7 =	sadd.s32 $0x1E, s19  }
0xe5: {  	[tilespmem:s4], [sflag:$0x4] =	stream.linear.gather [hbm4b:s7+s4], $0x50, $0x38;
	[tilespmem:$0x1FC80] =	vst v63  }
0xe6: {  	s20 =	sadd.s32 $0x1E, s18  }
0xe7: {  	[tilespmem:s22], [sflag:$0x4] =	stream.linear.gather [hbm4b:s20+s4], $0x50, $0x38;
	[tilespmem:$0x1FC80] =	vst v63  }
0xe8: {  	_ =	swait.ge [sflag:s23], $0x50  }
0xe9: {  	[sflag:s23] =	ssyncset.done $0x0  }
0xea: {  	[sflag:s23] =	ssyncadd.s32 $0xFFFFFFB0  }
0xeb: {  	_ =	swait.ge [sflag:s23], $0x50  }
0xec: {  	[sflag:s23] =	ssyncset.done $0x0  }
0xed: {  	[sflag:s23] =	ssyncadd.s32 $0xFFFFFFB0  }
0xee: {  	v2 =	vld [tilespmem:$0x40]  }
0xef: {  	v58 =	vld [tilespmem:$0x10]  }
0xf0: {  	v3 =	vld [tilespmem:$0x0]  }
0xf1: {  	v57 =	vld [tilespmem:$0x20]  }
0xf2: {  	v59 =	vld [tilespmem:$0x30]  }
0xf3: {  	v2 =	vadd.s32 v0, v2  }
0xf4: {  	v60 =	vadd.s32 v0, v58;
	[tilespmem:$0x1C0] =	vst v2  }
0xf5: {  	v3 =	vadd.s32 v0, v3;
	[tilespmem:$0x190] =	vst v60  }
0xf6: {  	v2 =	vadd.s32 v0, v57;
	[tilespmem:$0x180] =	vst v3  }
0xf7: {  	[tilespmem:$0x1A0] =	vst v2;
	v2 =	vadd.s32 v0, v59  }
0xf8: {  	[tilespmem:$0x1B0] =	vst v2  }
0xf9: {  	[tilespmem:s26], [sflag:$0x1] =	stream.indirect.gather [hbm4b:s5+s24], $0x80, s25, s24, $0xb8;
	[tilespmem:$0x1FC80] =	vst v63  }
0xfa: {  	_ =	swait.ge [sflag:s12], $0x2800  }
0xfb: {  	[sflag:s12] =	ssyncset.done $0x0  }
0xfc: {  	[sflag:s12] =	ssyncadd.s32 $0xFFFFD800  }
0xfd: {  	[spmem:s2] =	stream.indirect.scatter.add.f32 [tilespmem:s0], [sflag:$0x7], $0x80, s29, s24, $0xb8;
	[tilespmem:$0x1FC80] =	vst v63  }
0xfe: {  	_ =	swait.ge [sflag:s21], $0x2800  }
0xff: {  	[sflag:s21] =	ssyncset.done $0x0  }
0x100: {  	s19 =	sadd.s32 $0x28, s19;
	[sflag:s21] =	ssyncadd.s32 $0xFFFFD800  }
0x101: {  	[tilespmem:s28], [sflag:$0x5] =	stream.linear.gather [hbm4b:s19+s4], $0x50, $0x38;
	[tilespmem:$0x1FC80] =	vst v63  }
0x102: {  	s20 =	sadd.s32 $0x28, s18  }
0x103: {  	[tilespmem:s29], [sflag:$0x5] =	stream.linear.gather [hbm4b:s20+s4], $0x50, $0x38;
	[tilespmem:$0x1FC80] =	vst v63  }
0x104: {  	_ =	swait.ge [sflag:s30], $0x50  }
0x105: {  	[sflag:s30] =	ssyncset.done $0x0  }
0x106: {  	[sflag:s30] =	ssyncadd.s32 $0xFFFFFFB0  }
0x107: {  	_ =	swait.ge [sflag:s30], $0x50  }
0x108: {  	[sflag:s30] =	ssyncset.done $0x0  }
0x109: {  	[sflag:s30] =	ssyncadd.s32 $0xFFFFFFB0  }
0x10a: {  	v2 =	vld [tilespmem:$0xC0]  }
0x10b: {  	v3 =	vld [tilespmem:$0x80]  }
0x10c: {  	v61 =	vld [tilespmem:$0xA0]  }
0x10d: {  	v63 =	vld [tilespmem:$0x90]  }
0x10e: {  	v62 =	vld [tilespmem:$0xB0]  }
0x10f: {  	v2 =	vadd.s32 v0, v2  }
0x110: {  	p0 =	sne.s32 s17, $0x4B0;
	v3 =	vadd.s32 v0, v3;
	[tilespmem:$0x240] =	vst v2  }
.Ltmp1:
0x111: {  	[tilespmem:$0x200] =	vst v3;
	v2 =	vadd.s32 v0, v61;
	(pc) =	sbr.rel @p0 .LBB2_4-.Ltmp1, $4  }
0x112: {  	v3 =	vadd.s32 v0, v63;
	[tilespmem:$0x220] =	vst v2  }
0x113: {  	v2 =	vadd.s32 v0, v62;
	[tilespmem:$0x210] =	vst v3  }
0x114: {  	s17 =	sadd.s32 $0x1E, s17;
	[tilespmem:$0x230] =	vst v2  }
0x115: {  	[tilespmem:s0], [sflag:$0x2] =	stream.indirect.gather [hbm4b:s5+s24], $0x80, s31, s24, $0xb8;
	[tilespmem:$0x1FC80] =	vst v63  }
0x116: {  	_ =	swait.ge [sflag:s13], $0x2800  }
0x117: {  	[sflag:s13] =	ssyncset.done $0x0  }
0x118: {  	[sflag:s13] =	ssyncadd.s32 $0xFFFFD800  }
0x119: {  	[spmem:s2] =	stream.indirect.scatter.add.f32 [tilespmem:s10], [sflag:$0x7], $0x80, s8, s24, $0xb8;
	[tilespmem:$0x1FC80] =	vst v63  }
0x11a: {  	s15 =	smul.u32 $0x50, s16;
	_ =	swait.ge [sflag:s21], $0x2800  }
0x11b: {  	s7 =	rddreg [dreg:$0x4]  }
0x11c: {  	s7 =	sadd.s32 s15, s7  }
0x11d: {  	[sflag:s21] =	ssyncset.done $0x0;
	s7 =	sshrl.u32 s7, $0x3  }
0x11e: {  	[sflag:s21] =	ssyncadd.s32 $0xFFFFD800;
	s16 =	sadd.s32 s1, s7  }
0x11f: {  	[tilespmem:s3], [sflag:$0x6] =	stream.linear.gather [hbm4b:s16+s4], $0x50, $0x38;
	[tilespmem:$0x1FC80] =	vst v63  }
0x120: {  	s7 =	sadd.s32 s6, s7  }
0x121: {  	[tilespmem:s8], [sflag:$0x6] =	stream.linear.gather [hbm4b:s7+s4], $0x50, $0x38;
	[tilespmem:$0x1FC80] =	vst v63  }
0x122: {  	_ =	swait.ge [sflag:s11], $0x2800  }
0x123: {  	[sflag:s11] =	ssyncset.done $0x0  }
0x124: {  	[sflag:s11] =	ssyncadd.s32 $0xFFFFD800  }
0x125: {  	[spmem:s2] =	stream.indirect.scatter.add.f32 [tilespmem:s26], [sflag:$0x7], $0x80, s22, s24, $0xb8;
	[tilespmem:$0x1FC80] =	vst v63  }
0x126: {  	_ =	swait.ge [sflag:s21], $0x2800  }
0x127: {  	[sflag:s21] =	ssyncset.done $0x0  }
0x128: {  	[sflag:s21] =	ssyncadd.s32 $0xFFFFD800  }
0x129: {  	_ =	swait.ge [sflag:s12], $0x2800  }
0x12a: {  	[sflag:s12] =	ssyncset.done $0x0  }
0x12b: {  	[sflag:s12] =	ssyncadd.s32 $0xFFFFD800  }
0x12c: {  	[spmem:s2] =	stream.indirect.scatter.add.f32 [tilespmem:s0], [sflag:$0x7], $0x80, s29, s24, $0xb8;
	[tilespmem:$0x1FC80] =	vst v63  }
0x12d: {  	_ =	swait.ge [sflag:s21], $0x2800  }
0x12e: {  	[sflag:s21] =	ssyncset.done $0x0  }
0x12f: {  	[sflag:s21] =	ssyncadd.s32 $0xFFFFD800  }
0x130: {  	_ =	swait.ge [sflag:s9], $0x50  }
0x131: {  	[sflag:s9] =	ssyncset.done $0x0  }
0x132: {  	[sflag:s9] =	ssyncadd.s32 $0xFFFFFFB0  }
0x133: {  	_ =	swait.ge [sflag:s9], $0x50  }
0x134: {  	[sflag:s9] =	ssyncset.done $0x0  }
0x135: {  	[sflag:s9] =	ssyncadd.s32 $0xFFFFFFB0  }
0x136: {  	s17 =	stileid.u32;
	[bflag:$0x0] =	sbarrier.arrive $0xFFFF  }
0x137: {  	s7 =	sshll.u32 s17, $0x6;
	s17 =	rddreg [dreg:$0x8]  }
0x138: {  	s7 =	sor.u32 $0x1C07, s7;
	s19 =	rddreg [dreg:$0xf];
	s18 =	sshrl.u32 s17, $0x3  }
0x139: {  	[hbm:s19], [sflag:s7] =	dma.local [spmem:s18], $0x2800  }
0x13a: {  	_ =	swait.ge [sflag:s21], $0x2800  }
0x13b: {  	s14 =	sadd.s32 $0x1, s14;
	s20 =	rddreg [dreg:$0x10]  }
0x13c: {  	p0 =	sne.s32 s14, s20  }
.Ltmp2:
0x13d: {  	_ = 	snop;
	(pc) =	sbr.rel @p0 .LBB2_1-.Ltmp2, $3  }
0x13e: {  	_ =	sdelay $0x1  }
0x13f: {  	[sflag:s21] =	ssyncset.done $0x0  }
0x140: {  	[sflag:s21] =	ssyncadd.s32 $0xFFFFD800  }
0x141: {  	_ =	sfence.sel $0x180000  }
0x142: {  	[bflag:$0x0] =	sbarrier.arrive $0xFFFF  }
0x143: {  	_ =	strace $0x9000004D  }
0x144: {  	s0 =	stileid.u32;
	[bflag:$0x2] =	sbarrier.arrive $0xFFFF  }
0x145: {  	p0 =	sne.s32 s0, $0x0;
	s0 =	rddreg [dreg:$0x3]  }
0x146: {  	s0 =	sadd.s32 @!p0 $0x100000, s0  }
0x147: {  	[sflag:s0] =	ssyncadd.tile.s32 @!p0 $0x1;
	_ =	shalt  }
.Lfunc_end2:
_tile_overlayer_lowered:
.L_overlay_start_2:
0x148: {  	(tag) =	ssettag $0x2  }
0x149: {  	s0 =	rddreg [dreg:$0x0];
	s2 =	stileid.u32  }
0x14a: {  	s1 =	rddreg [dreg:$0x1];
	p0 =	sne.s32 s2, $0x0  }
0x14b: {  	s3 =	rddreg [dreg:$0x2];
	[bflag:$0x3] =	sbarrier.arrive $0xFFFF;
	s2 =	simm.s32 @!p0 $0x1C07  }
0x14c: {  	[timem:s3], [sflag:s2] =	dma.local @!p0 [hbm:s0], s1  }
0x14d: {  	s0 =	simm.s32 @!p0 $0x7  }
0x14e: {  	_ =	swait.ge @!p0 [sflag:s0], s1  }
0x14f: {  	s1 =	ssub.s32 @!p0 $0x0, s1;
	[sflag:s0] =	ssyncset.done @!p0 $0x0  }
0x150: {  	[sflag:s0] =	ssyncadd.s32 @!p0 s1  }
0x151: {  	[bflag:$0x3] =	sbarrier.arrive $0xFFFF  }
0x152: {  	_ =	shalt  }

// kernel: kernel.19.cloned.1.call-start
scs
__scs_entry_jumppad:
0x0: {  	(pc) =	sbr.rel $0x88, $3  }
0x1: {  	(tag) =	ssettag $0x0;
	lr =	simm.s32 $0x1  }
0x2: {  	[smem:$0x3F99] =	sst lr;
	_ =	strace $0xD0000000  }
0x3: {  	_ = 	snop  }
0x4: {  	_ = 	snop  }
0x5: {  	_ = 	snop  }
0x6: {  	_ = 	snop  }
0x7: {  	_ = 	snop  }
__scs_overlays_trampoline_lowered:
0x8: {  	[smem:$0x3FA8] =	sst s0  }
0x9: {  	[smem:$0x3FA9] =	sst s1  }
0xa: {  	[smem:$0x3FAA] =	sst s2  }
0xb: {  	[smem:$0x3FAB] =	sst s3  }
0xc: {  	[smem:$0x3FAC] =	sst s4  }
0xd: {  	[smem:$0x3FAD] =	sst s5  }
0xe: {  	[smem:$0x3FAE] =	sst s6  }
0xf: {  	[smem:$0x3FAF] =	sst s7  }
0x10: {  	[smem:$0x3FB0] =	sst s8  }
0x11: {  	[smem:$0x3FB1] =	sst s9;
	s0 =	simm.s32 @!p0 $0x0  }
0x12: {  	s1 =	sld [smem:$0x3F97];
	s0 =	simm.s32 @p0 $0x1  }
0x13: {  	[smem:$0x3FB2] =	sst s0;
	s0 =	simm.s32 @!p1 $0x0  }
0x14: {  	s2 =	sld [smem:$0x3F96];
	s0 =	simm.s32 @p1 $0x1  }
0x15: {  	[smem:$0x3FB3] =	sst s0;
	s0 =	simm.s32 @!p2 $0x0  }
0x16: {  	s3 =	sld [smem:$0x3FDB];
	s0 =	simm.s32 @p2 $0x1  }
0x17: {  	s4 =	simm.s32 $0x1BF5;
	[smem:$0x3FB5] =	sst s0  }
0x18: {  	s0 =	sld [smem:$0x3F98];
	_ =	swait.ge [sflag:s4], $0x0  }
0x19: {  	s7 =	sld [smem:$0x3F99]  }
0x1a: {  	s8 =	sadd.s32 $0xFFFFE003, lr  }
0x1b: {  	s9 =	sadd.s32 $0xFFFFFEF7, lr;
	s5 =	simm.s32 $0xFFFFFFFF;
	p2 =	slt.u32 s8, $0xFFFFF086  }
0x1c: {  	p1 =	slt.u32 s9, $0xF7A;
	s5 =	simm.s32 @!p2 $0x0  }
0x1d: {  	s5 =	simm.s32 @p1 $0x1;
	p0 =	seq.s32 s7, s2  }
0x1e: {  	s7 =	smul.u32 @!p0 $0xF7A, s2;
	p2 =	seq.s32 @!p0 s5, $0x0  }
0x1f: {  	s9 =	smul.u32 $0xF7A, s1;
	s8 =	simm.s32 @!p0 $0x1BF5;
	p2 =	por !p2, p0  }
0x20: {  	[sflag:s8] =	ssyncset.s32 @!p0 $0xFFFFF086;
	s6 =	sadd.s32 @!p0 s3, s7;
	s7 =	simm.s32 @!p0 $0x108  }
0x21: {  	s3 =	sadd.s32 s3, s9;
	s6 =	sadd.s32 @!p0 $0x88, s6;
	s7 =	simm.s32 @p2 $0x1082  }
0x22: {  	[simem:s7], [sflag:s8] =	dma.local @!p0 [hbm:s6], $0xF7A  }
0x23: {  	s9 =	sor.u32 $0xD0000000, s2;
	s6 =	simm.s32 $0x108;
	_ =	swait.ge @!p0 [sflag:s8], $0x0  }
0x24: {  	s3 =	sadd.s32 $0x88, s3;
	s6 =	simm.s32 @!p1 $0x1082;
	[sflag:s4] =	ssyncset.s32 $0xFFFFF086  }
0x25: {  	[simem:s6], [sflag:s4] =	dma.local [hbm:s3], $0xF7A  }
0x26: {  	[smem:$0x3F99] =	sst s1;
	(tag) =	ssettag s2;
	_ =	strace s9  }
0x27: {  	s1 =	sld [smem:$0x3FA9]  }
0x28: {  	s2 =	sld [smem:$0x3FAA]  }
0x29: {  	s4 =	sld [smem:$0x3FAC]  }
0x2a: {  	p0 =	seq.s32 s5, $0x0;
	s5 =	sld [smem:$0x3FAD]  }
0x2b: {  	s6 =	sld [smem:$0x3FAE]  }
0x2c: {  	s7 =	sld [smem:$0x3FAF]  }
0x2d: {  	s3 =	simm.s32 $0x108;
	s8 =	sld [smem:$0x3FB0]  }
0x2e: {  	s3 =	simm.s32 @!p0 $0x1082;
	s9 =	sld [smem:$0x3FB1]  }
0x2f: {  	lr =	sadd.s32 s0, s3;
	s0 =	sld [smem:$0x3FA8]  }
0x30: {  	s3 =	sld [smem:$0x3FAB]  }
0x31: {  	[smem:$0x3FB4] =	sst s10  }
0x32: {  	s10 =	sld [smem:$0x3FB2];
	_ =	sdelay $0x3  }
0x33: {  	p0 =	seq.s32 s10, $0x1;
	s10 =	sld [smem:$0x3FB4];
	_ =	sdelay $0x3  }
0x34: {  	[smem:$0x3FB4] =	sst s10  }
0x35: {  	s10 =	sld [smem:$0x3FB3];
	_ =	sdelay $0x3  }
0x36: {  	p1 =	seq.s32 s10, $0x1;
	s10 =	sld [smem:$0x3FB4];
	_ =	sdelay $0x3  }
0x37: {  	[smem:$0x3FB4] =	sst s10  }
0x38: {  	s10 =	sld [smem:$0x3FB5]  }
0x39: {  	_ = 	snop;
	(pc) =	sbr.ind lr, $3  }
0x3a: {  	_ = 	snop  }
0x3b: {  	_ = 	snop  }
0x3c: {  	p2 =	seq.s32 s10, $0x1;
	s10 =	sld [smem:$0x3FB4]  }
0x3d: {  	_ =	shalt  }
0x3e: {  	_ =	shalt  }
0x3f: {  	_ =	shalt  }
0x40: {  	_ =	shalt  }
0x41: {  	_ =	shalt  }
0x42: {  	_ =	shalt  }
0x43: {  	_ =	shalt  }
0x44: {  	_ =	shalt  }
0x45: {  	_ =	shalt  }
0x46: {  	_ =	shalt  }
0x47: {  	_ =	shalt  }
0x48: {  	_ =	shalt  }
0x49: {  	_ =	shalt  }
0x4a: {  	_ =	shalt  }
0x4b: {  	_ =	shalt  }
0x4c: {  	_ =	shalt  }
0x4d: {  	_ =	shalt  }
0x4e: {  	_ =	shalt  }
0x4f: {  	_ =	shalt  }
0x50: {  	_ =	shalt  }
0x51: {  	_ =	shalt  }
0x52: {  	_ =	shalt  }
0x53: {  	_ =	shalt  }
0x54: {  	_ =	shalt  }
0x55: {  	_ =	shalt  }
0x56: {  	_ =	shalt  }
0x57: {  	_ =	shalt  }
0x58: {  	_ =	shalt  }
0x59: {  	_ =	shalt  }
0x5a: {  	_ =	shalt  }
0x5b: {  	_ =	shalt  }
0x5c: {  	_ =	shalt  }
0x5d: {  	_ =	shalt  }
0x5e: {  	_ =	shalt  }
0x5f: {  	_ =	shalt  }
0x60: {  	_ =	shalt  }
0x61: {  	_ =	shalt  }
0x62: {  	_ =	shalt  }
0x63: {  	_ =	shalt  }
0x64: {  	_ =	shalt  }
0x65: {  	_ =	shalt  }
0x66: {  	_ =	shalt  }
0x67: {  	_ =	shalt  }
0x68: {  	_ =	shalt  }
0x69: {  	_ =	shalt  }
0x6a: {  	_ =	shalt  }
0x6b: {  	_ =	shalt  }
0x6c: {  	_ =	shalt  }
0x6d: {  	_ =	shalt  }
0x6e: {  	_ =	shalt  }
0x6f: {  	_ =	shalt  }
0x70: {  	_ =	shalt  }
0x71: {  	_ =	shalt  }
0x72: {  	_ =	shalt  }
0x73: {  	_ =	shalt  }
0x74: {  	_ =	shalt  }
0x75: {  	_ =	shalt  }
0x76: {  	_ =	shalt  }
0x77: {  	_ =	shalt  }
0x78: {  	_ =	shalt  }
0x79: {  	_ =	shalt  }
0x7a: {  	_ =	shalt  }
0x7b: {  	_ =	shalt  }
0x7c: {  	_ =	shalt  }
0x7d: {  	_ =	shalt  }
0x7e: {  	_ =	shalt  }
0x7f: {  	_ =	shalt  }
0x80: {  	_ =	shalt  }
0x81: {  	_ =	shalt  }
0x82: {  	_ =	shalt  }
0x83: {  	_ =	shalt  }
0x84: {  	_ =	shalt  }
0x85: {  	_ =	shalt  }
0x86: {  	_ =	shalt  }
0x87: {  	_ =	shalt  }
.Lfunc_end0:
.L_simem_size_0:
called_computation.3_lowered:
.L_overlay_start_0:
0x88: {  	s2 =	sld [smem:$0x3FD9]  }
0x89: {  	s3 =	sld [smem:$0x3FFE];
	_ =	sdelay $0x1  }
0x8a: {  	s1 =	srdreg.scid  }
0x8b: {  	s0 =	sand.u32 $0x1, s1  }
0x8c: {  	s17 =	sshll.u32 s0, $0xA;
	s2 =	sadd.s32 s3, s2  }
0x8d: {  	s2 =	sadd.s32 s2, s17  }
0x8e: {  	[smem:$0x3FC0] =	sst s2  }
0x8f: {  	_ = 	snop  }
0x90: {  	s2 =	sld [smem:$0x3FD0];
	(tm) =	ssettm $0x1  }
0x91: {  	s18 =	sld [smem:$0x3FFB];
	_ =	sdelay $0x3  }
0x92: {  	_ =	strace s18  }
0x93: {  	s3 =	sld [smem:$0x3FFC];
	_ =	sdelay $0x3  }
0x94: {  	_ =	strace s3  }
0x95: {  	s3 =	sld [smem:$0x3FFD];
	_ =	sdelay $0x3  }
0x96: {  	_ =	strace s3  }
0x97: {  	_ =	strace $0x8FFFFFFF  }
0x98: {  	s19 =	sld [smem:$0x3FDB];
	_ =	sdelay $0x1  }
0x99: {  	s4 =	simm.s32 $_scs_section_size  }
0x9a: {  	s5 =	simm.s32 $_size__tile_overlayer_lowered;
	s6 =	simm.s32 $_tile_overlayer_lowered  }
0x9b: {  	s22 =	simm.s32 $0x1BFF;
	s21 =	sshll.u32 s6, $0x1;
	s3 =	sadd.s32 s4, s19  }
0x9c: {  	s7 =	simm.s32 $0x0;
	s20 =	sshll.u32 s5, $0x1;
	s5 =	sadd.s32 s21, s3  }
0x9d: {  	[timem:s7], [sflag:s22] =	dma.local [hbm:s5], s20  }
0x9e: {  	_ =	swait.ge [sflag:s22], s20  }
0x9f: {  	s4 =	ssub.s32 $0x0, s20;
	[sflag:s22] =	ssyncset.done $0x0  }
0xa0: {  	[sflag:s22] =	ssyncadd.s32 s4;
	_ =	sdelay $0x1  }
0xa1: {  	s23 =	simm.s32 $0x1B8B  }
0xa2: {  	_ =	swait.ge [sflag:s23], $0x1  }
0xa3: {  	[sflag:s23] =	ssyncset.done $0x0  }
0xa4: {  	s25 =	simm.s32 $0x1B8E;
	s24 =	sld [smem:$0x3FFE];
	[sflag:s23] =	ssyncadd.s32 $0xFFFFFFFF  }
0xa5: {  	s26 =	simm.s32 $execute0_lowered;
	[smem:$0x3FD2] =	sst s25  }
0xa6: {  	s5 =	sshll.u32 s26, $0x1;
	_ =	strace $0x8000004F;
	[dreg:$0x1] =	wrdreg $0xFFFFFFFF  }
0xa7: {  	s28 =	simm.s32 $_size_execute0_lowered;
	s3 =	sadd.s32 s3, s5;
	[dreg:$0x0] =	wrdreg $0x0  }
0xa8: {  	s5 =	sshll.u32 s28, $0x1;
	[dreg:$0x2] =	wrdreg s3  }
0xa9: {  	[dreg:$0x3] =	wrdreg s5  }
0xaa: {  	[dreg:$0x4] =	wrdreg $0xC0  }
0xab: {  	_ =	task [dreg:s7], $0x5FFFF  }
0xac: {  	[dreg:$0x1] =	wrdreg $0xFFFFFFFF  }
0xad: {  	[dreg:$0x0] =	wrdreg $0x60  }
0xae: {  	[dreg:$0x2] =	wrdreg s24  }
0xaf: {  	[dreg:$0x3] =	wrdreg s2  }
0xb0: {  	[dreg:$0x4] =	wrdreg $0x7F000  }
0xb1: {  	[dreg:$0x5] =	wrdreg $0x9  }
0xb2: {  	_ =	task.clear_ibuf [dreg:s7], $0x6FFFF;
	_ =	strace $0x9000004F  }
0xb3: {  	s29 =	simm.s32 $0x9;
	_ =	strace $0x80000051  }
0xb4: {  	_ =	swait.ge [sflag:s29], $0x1  }
0xb5: {  	[sflag:s29] =	ssyncadd.s32 $0xFFFFFFFF  }
0xb6: {  	_ =	strace $0x90000051  }
0xb7: {  	_ =	sfence  }
0xb8: {  	s30 =	sld [smem:$0x0];
	_ =	sdelay $0x2  }
0xb9: {  	s31 =	sshll.u32 s1, $0xD;
	s1 =	sshrl.u32 s1, $0x2  }
0xba: {  	s3 =	sand.u32 $0x4000, s31;
	s1 =	sadd.s32 s1, s30  }
0xbb: {  	s0 =	sor.u32 s3, s0;
	s1 =	sshll.u32 s1, $0x11  }
0xbc: {  	s0 =	sor.u32 s1, s0  }
0xbd: {  	s0 =	sadd.s32 $0x8F2B, s0  }
0xbe: {  	[sflag:s0] =	ssyncadd.remote.s32 $0x1  }
0xbf: {  	_ =	sfence.sel $0xFFFF  }
0xc0: {  	[dreg:$0x0] =	wrdreg $0xFFFFFFFF;
	(pc) =	sbr.abs _section_cstart, $3  }
0xc1: {  	[dreg:$0x1] =	wrdreg $0xFFFFFFFF  }
0xc2: {  	_ =	task.clear_ibuf [dreg:s7], $0x2FFFF;
	_ =	strace $0x9FFFFFFF  }
0xc3: {  	(tm) =	ssettm $0x7FFFFFFF  }
tec
execute0_lowered:
.L_overlay_start_1:
0x0: {  	(tag) =	ssettag $0x1  }
0x1: {  	s0 =	rddreg [dreg:$0x0]  }
0x2: {  	s1 =	rddreg [dreg:$0x1]  }
0x3: {  	s2 =	rddreg [dreg:$0x2]  }
0x4: {  	s3 =	srdreg.scid;
	s4 =	simm.s32 $0x0;
	s12 =	stileid.u32  }
0x5: {  	s28 =	simm.s32 $0x28;
	s29 =	simm.s32 $0x300;
	s30 =	simm.s32 $0x80  }
0x6: {  	s31 =	simm.s32 $0x200;
	s3 =	sand.u32 $0x1, s3;
	s8 =	smul.u32 $0x14000, s12  }
0x7: {  	[smem:$0x7FF] =	sst s4;
	s5 =	sadd.s32 $0x7000, s0;
	s10 =	smul.u32 $0x50000, s12  }
0x8: {  	s6 =	sadd.s32 $0x2000, s0;
	s22 =	sshll.u32 s12, $0x1;
	s16 =	smul.u32 $0x2710, s12  }
0x9: {  	s12 =	simm.s32 $0x1;
	s7 =	smul.u32 $0x140000, s3;
	s9 =	ssub.s32 $0x2, s3  }
0xa: {  	_ =	strace $0x80000050;
	s11 =	sshrl.u32 s9, $0x1;
	s24 =	sshrl.u32 s10, $0x2  }
0xb: {  	s7 =	sadd.s32 s8, s7;
	s8 =	sor.u32 s3, s22;
	s23 =	ssub.s32 s9, s11  }
0xc: {  	s17 =	sadd.s32 s24, s2;
	s3 =	smul.u32 $0x1388, s3;
	s19 =	smax.u32 s23, $0x1  }
0xd: {  	s11 =	simm.s32 $0x2B00;
	s21 =	sadd.s32 $0x4000, s17;
	[dreg:$0xc] =	wrdreg s19  }
0xe: {  	s7 =	sshrl.u32 s7, $0x3;
	s22 =	sadd.s32 $0x8000, s17;
	[dreg:$0xd] =	wrdreg s21  }
0xf: {  	s8 =	smul.u32 $0x1388, s8;
	s24 =	sadd.s32 $0xC000, s17;
	[dreg:$0xe] =	wrdreg s22  }
0x10: {  	s0 =	sadd.s32 s7, s0;
	s20 =	sadd.s32 s3, s16;
	[dreg:$0xf] =	wrdreg s24  }
0x11: {  	s25 =	sshrl.u32 s8, $0x3;
	s26 =	sadd.s32 $0x28, s8;
	s8 =	sadd.s32 $0xC8, s8  }
0x12: {  	s24 =	simm.s32 $0x7;
	s0 =	sadd.s32 $0x2E200, s0;
	[dreg:$0x4] =	wrdreg s8  }
0x13: {  	s23 =	sadd.s32 $0xA0, s20;
	s13 =	sadd.s32 s1, s25;
	[dreg:$0xb] =	wrdreg s0  }
0x14: {  	s14 =	sadd.s32 s6, s25;
	s10 =	sshrl.u32 s26, $0x3;
	[dreg:$0x5] =	wrdreg s13  }
0x15: {  	s9 =	sadd.s32 $0xA, s25;
	s25 =	sadd.s32 $0x10000, s17;
	[dreg:$0x6] =	wrdreg s14  }
0x16: {  	s3 =	sshrl.u32 s23, $0x3;
	s0 =	sadd.s32 $0x78, s20;
	[dreg:$0x10] =	wrdreg s25  }
0x17: {  	s23 =	simm.s32 $0x3F00;
	s15 =	sadd.s32 s1, s10;
	[dreg:$0x13] =	wrdreg s0  }
0x18: {  	s8 =	simm.s32 $0x100;
	s10 =	sadd.s32 s6, s10;
	[dreg:$0x7] =	wrdreg s15  }
0x19: {  	s18 =	sadd.s32 s1, s9;
	s9 =	sadd.s32 s6, s9;
	[dreg:$0x8] =	wrdreg s10  }
0x1a: {  	s26 =	sadd.s32 s3, s6;
	s3 =	sadd.s32 s3, s1;
	[dreg:$0x9] =	wrdreg s18  }
0x1b: {  	s25 =	simm.s32 $0x180;
	s0 =	simm.s32 $0x5;
	[dreg:$0xa] =	wrdreg s9  }
0x1c: {  	s13 =	simm.s32 $0x2;
	s14 =	simm.s32 $0x3;
	[dreg:$0x11] =	wrdreg s26  }
0x1d: {  	[dreg:$0x12] =	wrdreg s3;
	s26 =	simm.s32 $0x4;
	s3 =	simm.s32 $0x1700  }
0x1e: {  	v0 =	vimm.f32 $0.0e+00;
	s9 =	simm.s32 $0x280;
	s10 =	simm.s32 $0x6;
	s15 =	simm.s32 $0x0  }
.LBB2_1:
0x1f: {  	s7 =	simm.s32 $0x0;
	s16 =	simm.s32 $0x200  }
.LBB2_2:
0x20: {  	p0 =	sne.s32 s16, $0xFE00;
	[tilespmem:s7+$0x3F70] =	vst v0  }
0x21: {  	[tilespmem:s7+$0x3F00] =	vst v0  }
0x22: {  	[tilespmem:s7+$0x3F10] =	vst v0  }
.Ltmp0:
0x23: {  	[tilespmem:s7+$0x3F20] =	vst v0;
	(pc) =	sbr.rel @p0 .LBB2_2-.Ltmp0, $4  }
0x24: {  	[tilespmem:s7+$0x3F30] =	vst v0  }
0x25: {  	[tilespmem:s7+$0x3F40] =	vst v0  }
0x26: {  	[tilespmem:s7+$0x3F50] =	vst v0  }
0x27: {  	[tilespmem:s7+$0x3F60] =	vst v0;
	s7 =	sshra.s32 s16, $0x2;
	s16 =	sadd.s32 $0x200, s16  }
0x28: {  	[tilespmem:s7+$0x3F70] =	vst v0  }
0x29: {  	[tilespmem:s7+$0x3F00] =	vst v0  }
0x2a: {  	[tilespmem:s7+$0x3F10] =	vst v0  }
0x2b: {  	[tilespmem:s7+$0x3F20] =	vst v0  }
0x2c: {  	[tilespmem:s7+$0x3F30] =	vst v0  }
0x2d: {  	[tilespmem:s7+$0x3F40] =	vst v0  }
0x2e: {  	[tilespmem:s7+$0x3F50] =	vst v0  }
0x2f: {  	[tilespmem:s7+$0x3F60] =	vst v0  }
0x30: {  	[spmem:s17] =	stream.linear.scatter [tilespmem:s23], [sflag:$0x7], $0x4000, $0x38;
	[tilespmem:$0x1BF00] =	vst v63  }
0x31: {  	_ =	swait.ge [sflag:s24], $0x4000  }
0x32: {  	[sflag:s24] =	ssyncset.done $0x0  }
0x33: {  	s21 =	rddreg [dreg:$0xd];
	[sflag:s24] =	ssyncadd.s32 $0xFFFFC000  }
0x34: {  	[spmem:s21] =	stream.linear.scatter [tilespmem:s23], [sflag:$0x7], $0x4000, $0x38;
	[tilespmem:$0x1BF00] =	vst v63  }
0x35: {  	_ =	swait.ge [sflag:s24], $0x4000  }
0x36: {  	[sflag:s24] =	ssyncset.done $0x0  }
0x37: {  	s16 =	rddreg [dreg:$0xe];
	[sflag:s24] =	ssyncadd.s32 $0xFFFFC000  }
0x38: {  	[spmem:s16] =	stream.linear.scatter [tilespmem:s23], [sflag:$0x7], $0x4000, $0x38;
	[tilespmem:$0x1BF00] =	vst v63  }
0x39: {  	_ =	swait.ge [sflag:s24], $0x4000  }
0x3a: {  	[sflag:s24] =	ssyncset.done $0x0  }
0x3b: {  	s22 =	smov.u32 s17;
	s17 =	rddreg [dreg:$0xf];
	[sflag:s24] =	ssyncadd.s32 $0xFFFFC000  }
0x3c: {  	[spmem:s17] =	stream.linear.scatter [tilespmem:s23], [sflag:$0x7], $0x4000, $0x38;
	[tilespmem:$0x1BF00] =	vst v63  }
0x3d: {  	_ =	swait.ge [sflag:s24], $0x4000  }
0x3e: {  	[sflag:s24] =	ssyncset.done $0x0  }
0x3f: {  	s18 =	rddreg [dreg:$0x10];
	[sflag:s24] =	ssyncadd.s32 $0xFFFFC000  }
0x40: {  	[spmem:s18] =	stream.linear.scatter [tilespmem:s23], [sflag:$0x7], $0x4000, $0x38;
	[tilespmem:$0x1BF00] =	vst v63  }
0x41: {  	_ =	swait.ge [sflag:s24], $0x4000  }
0x42: {  	[sflag:s24] =	ssyncset.done $0x0  }
0x43: {  	[sflag:s24] =	ssyncadd.s32 $0xFFFFC000  }
0x44: {  	[bflag:$0x0] =	sbarrier.arrive $0xFFFF  }
0x45: {  	s7 =	simm.s32 $0x0;
	s16 =	rddreg [dreg:$0x5]  }
0x46: {  	[tilespmem:s7], [sflag:$0x4] =	stream.linear.gather [hbm4b:s16+s7], $0x28, $0x38;
	[tilespmem:$0x1BF00] =	vst v63  }
0x47: {  	s19 =	rddreg [dreg:$0x6]  }
0x48: {  	[tilespmem:s25], [sflag:$0x4] =	stream.linear.gather [hbm4b:s19+s7], $0x28, $0x38;
	[tilespmem:$0x1BF00] =	vst v63  }
0x49: {  	_ =	swait.ge [sflag:s26], $0x28  }
0x4a: {  	[sflag:s26] =	ssyncset.done $0x0  }
0x4b: {  	[sflag:s26] =	ssyncadd.s32 $0xFFFFFFD8  }
0x4c: {  	_ =	swait.ge [sflag:s26], $0x28  }
0x4d: {  	[sflag:s26] =	ssyncset.done $0x0  }
0x4e: {  	[sflag:s26] =	ssyncadd.s32 $0xFFFFFFD8  }
0x4f: {  	[tilespmem:s29], [sflag:$0x1] =	stream.indirect.gather [hbm4b:s5+s28], $0x80, s7, s28, $0xb8;
	[tilespmem:$0x1BF00] =	vst v63  }
0x50: {  	s20 =	rddreg [dreg:$0x7]  }
0x51: {  	[tilespmem:s30], [sflag:$0x5] =	stream.linear.gather [hbm4b:s20+s7], $0x28, $0x38;
	[tilespmem:$0x1BF00] =	vst v63  }
0x52: {  	s21 =	rddreg [dreg:$0x8]  }
0x53: {  	[tilespmem:s31], [sflag:$0x5] =	stream.linear.gather [hbm4b:s21+s7], $0x28, $0x38;
	[tilespmem:$0x1BF00] =	vst v63  }
0x54: {  	_ =	swait.ge [sflag:s0], $0x28  }
0x55: {  	[sflag:s0] =	ssyncset.done $0x0  }
0x56: {  	[sflag:s0] =	ssyncadd.s32 $0xFFFFFFD8  }
0x57: {  	_ =	swait.ge [sflag:s0], $0x28  }
0x58: {  	[sflag:s0] =	ssyncset.done $0x0  }
0x59: {  	[sflag:s0] =	ssyncadd.s32 $0xFFFFFFD8  }
0x5a: {  	[tilespmem:s3], [sflag:$0x2] =	stream.indirect.gather [hbm4b:s5+s28], $0x80, s30, s28, $0xb8;
	[tilespmem:$0x1BF00] =	vst v63  }
0x5b: {  	s17 =	rddreg [dreg:$0x9]  }
0x5c: {  	[tilespmem:s8], [sflag:$0x6] =	stream.linear.gather [hbm4b:s17+s7], $0x28, $0x38;
	[tilespmem:$0x1BF00] =	vst v63  }
0x5d: {  	s18 =	rddreg [dreg:$0xa]  }
0x5e: {  	[tilespmem:s9], [sflag:$0x6] =	stream.linear.gather [hbm4b:s18+s7], $0x28, $0x38;
	[tilespmem:$0x1BF00] =	vst v63  }
0x5f: {  	_ =	swait.ge [sflag:s10], $0x28  }
0x60: {  	[sflag:s10] =	ssyncset.done $0x0  }
0x61: {  	[sflag:s10] =	ssyncadd.s32 $0xFFFFFFD8  }
0x62: {  	_ =	swait.ge [sflag:s10], $0x28  }
0x63: {  	[sflag:s10] =	ssyncset.done $0x0  }
0x64: {  	[sflag:s10] =	ssyncadd.s32 $0xFFFFFFD8  }
0x65: {  	[tilespmem:s11], [sflag:$0x3] =	stream.indirect.gather [hbm4b:s5+s28], $0x80, s8, s28, $0xb8;
	[tilespmem:$0x1BF00] =	vst v63  }
0x66: {  	_ =	swait.ge [sflag:s12], $0x1400  }
0x67: {  	[sflag:s12] =	ssyncset.done $0x0  }
0x68: {  	[sflag:s12] =	ssyncadd.s32 $0xFFFFEC00  }
0x69: {  	[spmem:s2] =	stream.indirect.scatter.add.f32 [tilespmem:s29], [sflag:$0x7], $0x80, s25, s28, $0xb8;
	[tilespmem:$0x1BF00] =	vst v63  }
0x6a: {  	_ =	swait.ge [sflag:s24], $0x1400  }
0x6b: {  	s20 =	rddreg [dreg:$0x13]  }
0x6c: {  	[sflag:s24] =	ssyncset.done $0x0;
	s19 =	sshrl.u32 s20, $0x3  }
0x6d: {  	[sflag:s24] =	ssyncadd.s32 $0xFFFFEC00;
	s21 =	sadd.s32 s1, s19  }
0x6e: {  	[tilespmem:s4], [sflag:$0x4] =	stream.linear.gather [hbm4b:s21+s4], $0x28, $0x38;
	[tilespmem:$0x1BF00] =	vst v63  }
0x6f: {  	s16 =	sadd.s32 s6, s19  }
0x70: {  	[tilespmem:s25], [sflag:$0x4] =	stream.linear.gather [hbm4b:s16+s4], $0x28, $0x38;
	[tilespmem:$0x1BF00] =	vst v63  }
0x71: {  	_ =	swait.ge [sflag:s26], $0x28  }
0x72: {  	[sflag:s26] =	ssyncset.done $0x0  }
0x73: {  	[sflag:s26] =	ssyncadd.s32 $0xFFFFFFD8  }
0x74: {  	_ =	swait.ge [sflag:s26], $0x28  }
0x75: {  	[sflag:s26] =	ssyncset.done $0x0  }
0x76: {  	[sflag:s26] =	ssyncadd.s32 $0xFFFFFFD8  }
0x77: {  	[tilespmem:s29], [sflag:$0x1] =	stream.indirect.gather [hbm4b:s5+s28], $0x80, s4, s28, $0xb8;
	[tilespmem:$0x1BF00] =	vst v63  }
0x78: {  	_ =	swait.ge [sflag:s13], $0x1400  }
0x79: {  	[sflag:s13] =	ssyncset.done $0x0  }
0x7a: {  	[sflag:s13] =	ssyncadd.s32 $0xFFFFEC00  }
0x7b: {  	[spmem:s2] =	stream.indirect.scatter.add.f32 [tilespmem:s3], [sflag:$0x7], $0x80, s31, s28, $0xb8;
	[tilespmem:$0x1BF00] =	vst v63  }
0x7c: {  	_ =	swait.ge [sflag:s24], $0x1400  }
0x7d: {  	[sflag:s24] =	ssyncset.done $0x0  }
0x7e: {  	s19 =	rddreg [dreg:$0x12];
	[sflag:s24] =	ssyncadd.s32 $0xFFFFEC00  }
0x7f: {  	[tilespmem:s30], [sflag:$0x5] =	stream.linear.gather [hbm4b:s19+s4], $0x28, $0x38;
	[tilespmem:$0x1BF00] =	vst v63  }
0x80: {  	s18 =	rddreg [dreg:$0x11]  }
0x81: {  	[tilespmem:s31], [sflag:$0x5] =	stream.linear.gather [hbm4b:s18+s4], $0x28, $0x38;
	[tilespmem:$0x1BF00] =	vst v63  }
0x82: {  	_ =	swait.ge [sflag:s0], $0x28  }
0x83: {  	[sflag:s0] =	ssyncset.done $0x0  }
0x84: {  	[sflag:s0] =	ssyncadd.s32 $0xFFFFFFD8  }
0x85: {  	_ =	swait.ge [sflag:s0], $0x28  }
0x86: {  	[sflag:s0] =	ssyncset.done $0x0  }
0x87: {  	[sflag:s0] =	ssyncadd.s32 $0xFFFFFFD8  }
0x88: {  	[tilespmem:s3], [sflag:$0x2] =	stream.indirect.gather [hbm4b:s5+s28], $0x80, s30, s28, $0xb8;
	[tilespmem:$0x1BF00] =	vst v63  }
0x89: {  	_ =	swait.ge [sflag:s14], $0x1400  }
0x8a: {  	[sflag:s14] =	ssyncset.done $0x0  }
0x8b: {  	s7 =	smin.u32 s7, $0x77;
	[sflag:s14] =	ssyncadd.s32 $0xFFFFEC00  }
0x8c: {  	[spmem:s2] =	stream.indirect.scatter.add.f32 [tilespmem:s11], [sflag:$0x7], $0x80, s9, s28, $0xb8;
	[tilespmem:$0x1BF00] =	vst v63  }
0x8d: {  	s7 =	smul.u32 $0x28, s7;
	_ =	swait.ge [sflag:s24], $0x1400  }
0x8e: {  	s16 =	simm.s32 $0x3;
	s17 =	rddreg [dreg:$0x4]  }
0x8f: {  	s19 =	sadd.s32 $0xF, s19;
	[sflag:s24] =	ssyncset.done $0x0;
	s7 =	sadd.s32 s7, s17  }
0x90: {  	s18 =	sadd.s32 $0xF, s18;
	[sflag:s24] =	ssyncadd.s32 $0xFFFFEC00;
	s7 =	sshrl.u32 s7, $0x3  }
0x91: {  	s17 =	sadd.s32 $0x78, s20;
	s21 =	sadd.s32 s1, s7;
	s7 =	sadd.s32 s6, s7  }
0x92: {  	[tilespmem:s8], [sflag:$0x6] =	stream.linear.gather [hbm4b:s21+s4], $0x28, $0x38;
	[tilespmem:$0x1BF00] =	vst v63  }
.LBB2_4:
0x93: {  	[tilespmem:s9], [sflag:$0x6] =	stream.linear.gather [hbm4b:s7+s4], $0x28, $0x38;
	[tilespmem:$0x1BF00] =	vst v63  }
0x94: {  	_ =	swait.ge [sflag:s10], $0x28  }
0x95: {  	[sflag:s10] =	ssyncset.done $0x0  }
0x96: {  	[sflag:s10] =	ssyncadd.s32 $0xFFFFFFD8  }
0x97: {  	_ =	swait.ge [sflag:s10], $0x28  }
0x98: {  	[sflag:s10] =	ssyncset.done $0x0  }
0x99: {  	[sflag:s10] =	ssyncadd.s32 $0xFFFFFFD8  }
0x9a: {  	[tilespmem:s11], [sflag:$0x3] =	stream.indirect.gather [hbm4b:s5+s28], $0x80, s8, s28, $0xb8;
	[tilespmem:$0x1BF00] =	vst v63  }
0x9b: {  	_ =	swait.ge [sflag:s12], $0x1400  }
0x9c: {  	[sflag:s12] =	ssyncset.done $0x0  }
0x9d: {  	[sflag:s12] =	ssyncadd.s32 $0xFFFFEC00  }
0x9e: {  	[spmem:s2] =	stream.indirect.scatter.add.f32 [tilespmem:s29], [sflag:$0x7], $0x80, s25, s28, $0xb8;
	[tilespmem:$0x1BF00] =	vst v63  }
0x9f: {  	_ =	swait.ge [sflag:s24], $0x1400  }
0xa0: {  	s20 =	sshrl.u32 s17, $0x3;
	[sflag:s24] =	ssyncset.done $0x0  }
0xa1: {  	s21 =	sadd.s32 s1, s20;
	[sflag:s24] =	ssyncadd.s32 $0xFFFFEC00  }
0xa2: {  	[tilespmem:s4], [sflag:$0x4] =	stream.linear.gather [hbm4b:s21+s4], $0x28, $0x38;
	[tilespmem:$0x1BF00] =	vst v63  }
0xa3: {  	s20 =	sadd.s32 s6, s20  }
0xa4: {  	[tilespmem:s25], [sflag:$0x4] =	stream.linear.gather [hbm4b:s20+s4], $0x28, $0x38;
	[tilespmem:$0x1BF00] =	vst v63  }
0xa5: {  	_ =	swait.ge [sflag:s26], $0x28  }
0xa6: {  	[sflag:s26] =	ssyncset.done $0x0  }
0xa7: {  	[sflag:s26] =	ssyncadd.s32 $0xFFFFFFD8  }
0xa8: {  	_ =	swait.ge [sflag:s26], $0x28  }
0xa9: {  	[sflag:s26] =	ssyncset.done $0x0  }
0xaa: {  	[sflag:s26] =	ssyncadd.s32 $0xFFFFFFD8  }
0xab: {  	[tilespmem:s29], [sflag:$0x1] =	stream.indirect.gather [hbm4b:s5+s28], $0x80, s4, s28, $0xb8;
	[tilespmem:$0x1BF00] =	vst v63  }
0xac: {  	_ =	swait.ge [sflag:s13], $0x1400  }
0xad: {  	[sflag:s13] =	ssyncset.done $0x0  }
0xae: {  	[sflag:s13] =	ssyncadd.s32 $0xFFFFEC00  }
0xaf: {  	[spmem:s2] =	stream.indirect.scatter.add.f32 [tilespmem:s3], [sflag:$0x7], $0x80, s31, s28, $0xb8;
	[tilespmem:$0x1BF00] =	vst v63  }
0xb0: {  	_ =	swait.ge [sflag:s24], $0x1400  }
0xb1: {  	[sflag:s24] =	ssyncset.done $0x0  }
0xb2: {  	[sflag:s24] =	ssyncadd.s32 $0xFFFFEC00  }
0xb3: {  	[tilespmem:s30], [sflag:$0x5] =	stream.linear.gather [hbm4b:s19+s4], $0x28, $0x38;
	[tilespmem:$0x1BF00] =	vst v63  }
0xb4: {  	_ = 	snop  }
0xb5: {  	[tilespmem:s31], [sflag:$0x5] =	stream.linear.gather [hbm4b:s18+s4], $0x28, $0x38;
	[tilespmem:$0x1BF00] =	vst v63  }
0xb6: {  	_ =	swait.ge [sflag:s0], $0x28  }
0xb7: {  	[sflag:s0] =	ssyncset.done $0x0  }
0xb8: {  	[sflag:s0] =	ssyncadd.s32 $0xFFFFFFD8  }
0xb9: {  	_ =	swait.ge [sflag:s0], $0x28  }
0xba: {  	[sflag:s0] =	ssyncset.done $0x0  }
0xbb: {  	[sflag:s0] =	ssyncadd.s32 $0xFFFFFFD8  }
0xbc: {  	[tilespmem:s3], [sflag:$0x2] =	stream.indirect.gather [hbm4b:s5+s28], $0x80, s30, s28, $0xb8;
	[tilespmem:$0x1BF00] =	vst v63  }
0xbd: {  	_ =	swait.ge [sflag:s14], $0x1400  }
0xbe: {  	s7 =	smov.u32 s16;
	[sflag:s14] =	ssyncset.done $0x0  }
0xbf: {  	s7 =	smin.u32 s7, $0x77;
	[sflag:s14] =	ssyncadd.s32 $0xFFFFEC00  }
0xc0: {  	[spmem:s2] =	stream.indirect.scatter.add.f32 [tilespmem:s11], [sflag:$0x7], $0x80, s9, s28, $0xb8;
	[tilespmem:$0x1BF00] =	vst v63  }
0xc1: {  	p0 =	sne.s32 s16, $0x78;
	s7 =	smul.u32 $0x28, s7;
	_ =	swait.ge [sflag:s24], $0x1400  }
.Ltmp1:
0xc2: {  	s16 =	sadd.s32 $0x3, s16;
	s21 =	rddreg [dreg:$0x4];
	(pc) =	sbr.rel @p0 .LBB2_4-.Ltmp1, $4  }
0xc3: {  	s17 =	sadd.s32 $0x78, s17;
	s19 =	sadd.s32 $0xF, s19;
	s7 =	sadd.s32 s7, s21  }
0xc4: {  	s18 =	sadd.s32 $0xF, s18;
	[sflag:s24] =	ssyncset.done $0x0;
	s7 =	sshrl.u32 s7, $0x3  }
0xc5: {  	[sflag:s24] =	ssyncadd.s32 $0xFFFFEC00;
	s21 =	sadd.s32 s1, s7;
	s7 =	sadd.s32 s6, s7  }
0xc6: {  	[tilespmem:s8], [sflag:$0x6] =	stream.linear.gather [hbm4b:s21+s4], $0x28, $0x38;
	[tilespmem:$0x1BF00] =	vst v63  }
0xc7: {  	[tilespmem:s9], [sflag:$0x6] =	stream.linear.gather [hbm4b:s7+s4], $0x28, $0x38;
	[tilespmem:$0x1BF00] =	vst v63  }
0xc8: {  	_ =	swait.ge [sflag:s12], $0x1400  }
0xc9: {  	[sflag:s12] =	ssyncset.done $0x0  }
0xca: {  	[sflag:s12] =	ssyncadd.s32 $0xFFFFEC00  }
0xcb: {  	[spmem:s2] =	stream.indirect.scatter.add.f32 [tilespmem:s29], [sflag:$0x7], $0x80, s25, s28, $0xb8;
	[tilespmem:$0x1BF00] =	vst v63  }
0xcc: {  	_ =	swait.ge [sflag:s24], $0x1400  }
0xcd: {  	[sflag:s24] =	ssyncset.done $0x0  }
0xce: {  	[sflag:s24] =	ssyncadd.s32 $0xFFFFEC00  }
0xcf: {  	_ =	swait.ge [sflag:s13], $0x1400  }
0xd0: {  	[sflag:s13] =	ssyncset.done $0x0  }
0xd1: {  	[sflag:s13] =	ssyncadd.s32 $0xFFFFEC00  }
0xd2: {  	[spmem:s2] =	stream.indirect.scatter.add.f32 [tilespmem:s3], [sflag:$0x7], $0x80, s31, s28, $0xb8;
	[tilespmem:$0x1BF00] =	vst v63  }
0xd3: {  	_ =	swait.ge [sflag:s24], $0x1400  }
0xd4: {  	[sflag:s24] =	ssyncset.done $0x0  }
0xd5: {  	[sflag:s24] =	ssyncadd.s32 $0xFFFFEC00  }
0xd6: {  	_ =	swait.ge [sflag:s10], $0x28  }
0xd7: {  	[sflag:s10] =	ssyncset.done $0x0  }
0xd8: {  	[sflag:s10] =	ssyncadd.s32 $0xFFFFFFD8  }
0xd9: {  	_ =	swait.ge [sflag:s10], $0x28  }
0xda: {  	[sflag:s10] =	ssyncset.done $0x0  }
0xdb: {  	s21 =	stileid.u32;
	[sflag:s10] =	ssyncadd.s32 $0xFFFFFFD8  }
0xdc: {  	s7 =	sshll.u32 s21, $0x6;
	[bflag:$0x0] =	sbarrier.arrive $0xFFFF  }
0xdd: {  	s16 =	sshrl.u32 s22, $0x3;
	s7 =	sor.u32 $0x1C07, s7;
	s18 =	rddreg [dreg:$0xb]  }
0xde: {  	[hbm:s18], [sflag:s7] =	dma.local [spmem:s16], $0x2800  }
0xdf: {  	_ =	swait.ge [sflag:s24], $0x2800  }
0xe0: {  	s17 =	smov.u32 s22;
	s15 =	sadd.s32 $0x1, s15;
	s22 =	rddreg [dreg:$0xc]  }
0xe1: {  	p0 =	sne.s32 s15, s22  }
.Ltmp2:
0xe2: {  	_ = 	snop;
	(pc) =	sbr.rel @p0 .LBB2_1-.Ltmp2, $3  }
0xe3: {  	_ =	sdelay $0x1  }
0xe4: {  	[sflag:s24] =	ssyncset.done $0x0  }
0xe5: {  	[sflag:s24] =	ssyncadd.s32 $0xFFFFD800  }
0xe6: {  	_ =	sfence.sel $0x180000  }
0xe7: {  	[bflag:$0x0] =	sbarrier.arrive $0xFFFF  }
0xe8: {  	_ =	strace $0x90000050  }
0xe9: {  	s0 =	stileid.u32;
	[bflag:$0x2] =	sbarrier.arrive $0xFFFF  }
0xea: {  	p0 =	sne.s32 s0, $0x0;
	s0 =	rddreg [dreg:$0x3]  }
0xeb: {  	s0 =	sadd.s32 @!p0 $0x100000, s0  }
0xec: {  	[sflag:s0] =	ssyncadd.tile.s32 @!p0 $0x1;
	_ =	shalt  }
.Lfunc_end2:
_tile_overlayer_lowered:
.L_overlay_start_2:
0xed: {  	(tag) =	ssettag $0x2  }
0xee: {  	s0 =	rddreg [dreg:$0x0];
	s2 =	stileid.u32  }
0xef: {  	s1 =	rddreg [dreg:$0x1];
	p0 =	sne.s32 s2, $0x0  }
0xf0: {  	s3 =	rddreg [dreg:$0x2];
	[bflag:$0x3] =	sbarrier.arrive $0xFFFF;
	s2 =	simm.s32 @!p0 $0x1C07  }
0xf1: {  	[timem:s3], [sflag:s2] =	dma.local @!p0 [hbm:s0], s1  }
0xf2: {  	s0 =	simm.s32 @!p0 $0x7  }
0xf3: {  	_ =	swait.ge @!p0 [sflag:s0], s1  }
0xf4: {  	s1 =	ssub.s32 @!p0 $0x0, s1;
	[sflag:s0] =	ssyncset.done @!p0 $0x0  }
0xf5: {  	[sflag:s0] =	ssyncadd.s32 @!p0 s1  }
0xf6: {  	[bflag:$0x3] =	sbarrier.arrive $0xFFFF  }
0xf7: {  	_ =	shalt  }

</sc_bundles>
